<compile_context>
chip_gen: v7x
topology: tpu7x:2x2x1
jax: 0.10.2.dev20260603
libtpu: 0.0.44.dev20260713+nightly
codegen_flags: <defaults>
</compile_context>

<pallas_src>
import functools

import jax
import jax.numpy as jnp
from jax import lax
from jax.experimental import pallas as pl
from jax.experimental.pallas import tpu as pltpu
from jax.experimental.pallas import tpu_sc as plsc

NC = 2
NS = 16
NW = NC * NS
UNIT = 128
UPC = 4
CHUNK = UNIT * UPC
NBUF = 2


@functools.cache
def _build(R, S, V, D):
    B = R * S
    T4 = D // 8
    n_units = (R // UNIT) * S
    n_chunks_total = n_units // UPC
    n_chunks = n_chunks_total // NW
    mesh = plsc.VectorSubcoreMesh(
        core_axis_name="c", subcore_axis_name="s",
        num_cores=NC, num_subcores=NS,
    )

    def body(instT_hbm, table_hbm, out_hbm, idx_v, rows_v, pox_v,
             isem, gsem, ssem):
        wid = lax.axis_index("s") * NC + lax.axis_index("c")
        chunk0 = wid * n_chunks

        lane = lax.iota(jnp.int32, 16)

        def issue_idx(i, b):
            pltpu.async_copy(
                instT_hbm.at[pl.ds((chunk0 + i) * CHUNK, CHUNK)],
                idx_v.at[b], isem.at[b])

        def wait_idx(b):
            pltpu.make_async_copy(
                instT_hbm.at[pl.ds(0, CHUNK)], idx_v.at[b], isem.at[b]
            ).wait()

        def issue_gather(b):
            pltpu.async_copy(
                table_hbm.at[idx_v.at[b]], rows_v.at[b], gsem.at[b])

        def wait_gather(b):
            pltpu.make_async_copy(
                table_hbm.at[idx_v.at[b]], rows_v.at[b], gsem.at[b]
            ).wait()

        def transpose_chunk(b):
            rows2 = rows_v.at[b]
            pox1 = pox_v.at[b]

            @plsc.parallel_loop(0, CHUNK * D // 256, unroll=4)
            def _(m):
                j = m >> 4
                l16 = (m >> 1) & 7
                h = m & 1
                rowv = lane + jnp.full((16,), (j << 7) | (l16 << 4),
                                       dtype=jnp.int32)
                colb = h << 4
                dst0 = lane + jnp.full(
                    (16,), (j << 12) | (h << 11) | (l16 << 4),
                    dtype=jnp.int32)
                for k in range(16):
                    dp = (lane + k) & 15
                    vals = plsc.load_gather(rows2, [rowv, dp + colb])
                    plsc.store_scatter(pox1, [dst0 + (dp << 7)], vals)

        def issue_stores(i, b):
            c = chunk0 + i
            d1t = c >> 8
            b0 = (c >> 1) & (UNIT - 1)
            h8 = c & 1
            for j in range(UPC):
                d1 = d1t * 8 + h8 * UPC + j
                blk_base = (d1 * T4 * (R // UNIT) + b0) * (8 * UNIT)
                for t in range(T4):
                    pltpu.async_copy(
                        pox_v.at[b, pl.ds((j * T4 + t) * (8 * UNIT),
                                          8 * UNIT)],
                        out_hbm.at[pl.ds(blk_base + t * (R // UNIT) *
                                         (8 * UNIT), 8 * UNIT)],
                        ssem.at[b])

        def wait_stores(b):
            pltpu.make_async_copy(
                out_hbm.at[pl.ds(0, CHUNK * D)], pox_v.at[b], ssem.at[b]
            ).wait()

        issue_idx(0, 0)
        issue_idx(1, 1)
        wait_idx(0)
        issue_gather(0)

        @pl.loop(0, n_chunks, step=NBUF)
        def _(g):
            for b in range(NBUF):
                i = g + b
                nb = 1 - b

                @pl.when(i + 1 < n_chunks)
                def _():
                    wait_idx(nb)
                    issue_gather(nb)

                wait_gather(b)

                @pl.when(i >= NBUF)
                def _():
                    wait_stores(b)

                transpose_chunk(b)
                issue_stores(i, b)

                @pl.when(i + NBUF < n_chunks)
                def _():
                    issue_idx(i + NBUF, b)

        wait_stores(0)
        wait_stores(1)

    return pl.kernel(
        body,
        out_type=jax.ShapeDtypeStruct((B * D,), jnp.float32),
        mesh=mesh,
        compiler_params=pltpu.CompilerParams(use_tc_tiling_on_sc=False,
                                             needs_layout_passes=False),
        scratch_types=[
            pltpu.VMEM((NBUF, CHUNK), jnp.int32),
            pltpu.VMEM((NBUF, CHUNK, D), jnp.float32),
            pltpu.VMEM((NBUF, CHUNK * D), jnp.float32),
            pltpu.SemaphoreType.DMA((NBUF,)),
            pltpu.SemaphoreType.DMA((NBUF,)),
            pltpu.SemaphoreType.DMA((NBUF,)),
        ],
    )


def kernel(inst, table):
    R, S = inst.shape
    V, D = table.shape
    B = R * S
    instP = (inst.reshape(R // UNIT, UNIT, S // 8, 8)
                 .transpose(2, 0, 3, 1)
                 .reshape(B))
    flat = _build(R, S, V, D)(instP, table)
    out = (flat.reshape(S, D // 8, R // UNIT, 8, UNIT)
               .transpose(2, 4, 0, 1, 3)
               .reshape(R, S, D))
    return out

# --- scband reference (transcript-rebuilt; emitter-appended) ---
"""Pipeline reference for scband-instruction-encoder-1967095022405 (READ-ONLY COPY).

The authoritative reference and input builder live on the scoring server;
editing this copy changes nothing except your own understanding.
"""

import jax, jax.numpy as jnp
import numpy as np

VOCAB = 100000
EMB = 32

def setup_inputs(seed: int = 0) -> dict:
    key = jax.random.key(seed)
    k1, k2 = jax.random.split(key)
    inst = jax.random.randint(k1, (16384, 200), 0, VOCAB, dtype=jnp.int64 if jax.config.jax_enable_x64 else jnp.int32)
    table = jax.random.normal(k2, (VOCAB, EMB), dtype=jnp.float32)
    return {"inst": inst, "table": table}

def reference(inst, table):
    # nn.Embedding lookup: gather rows of the table by index
    return jnp.take(table, inst, axis=0)

if __name__ == "__main__":
    import jax
    _d = setup_inputs()
    print(jax.jit(kernel)(*tuple(_d.values())))

</pallas_src>

<mosaic_0001>
#map = affine_map<(d0, d1) -> (0)>
#map1 = affine_map<(d0, d1) -> (0, 0)>
module attributes {stable_mosaic.version = 14 : i64} {
  func.func @body(%arg0: i32, %arg1: i32, %arg2: memref<3276800xi32, #tpu.memory_space<hbm>>, %arg3: memref<100000x32xf32, #tpu.memory_space<hbm>>, %arg4: memref<104857600xf32, #tpu.memory_space<hbm>>, %arg5: memref<2x512xi32, #tpu.memory_space<vmem>>, %arg6: memref<2x512x32xf32, #tpu.memory_space<vmem>>, %arg7: memref<2x16384xf32, #tpu.memory_space<vmem>>, %arg8: memref<2x!tpu.dma_semaphore, #tpu.memory_space<semaphore_mem>>, %arg9: memref<2x!tpu.dma_semaphore, #tpu.memory_space<semaphore_mem>>, %arg10: memref<2x!tpu.dma_semaphore, #tpu.memory_space<semaphore_mem>>) attributes {dimension_semantics = [#tpu.dimension_semantics<core_parallel>, #tpu.dimension_semantics<subcore_parallel>], iteration_bounds = array<i64: 2, 16>, scalar_prefetch = 0 : i64, scratch_operands = 6 : i64, tpu.core_type = #tpu.core_type<sc_vector_subcore>, window_params = [{transform_indices = #map}, {transform_indices = #map1}, {transform_indices = #map}]} {
    %mul3A = arith.constant 2 : i32
    %mul3A_0 = arith.muli %arg1, %mul3A : i32
    %add3A = arith.addi %mul3A_0, %arg0 : i32
    %mul3A_1 = arith.constant 200 : i32
    %mul3A_2 = arith.muli %add3A, %mul3A_1 : i32
    %iota3A = tpu.iota {dimensions = array<i32: 0>} : vector<16xi32>
    %add3A_3 = arith.constant 0 : i32
    %add3A_4 = arith.addi %mul3A_2, %add3A_3 : i32
    %mul3A_5 = arith.constant 512 : i32
    %mul3A_6 = arith.muli %add3A_4, %mul3A_5 : i32
    %dma_start3A = arith.constant 0 : i32
    %dma_start3A_7 = arith.constant 0 : i32
    %dma_start3A_8 = arith.constant 0 : i32
    %dma_start3A_9 = tpu.memref_slice %arg5[%dma_start3A, %dma_start3A_8] : memref<2x512xi32, #tpu.memory_space<vmem>> -> memref<1x512xi32, #tpu.memory_space<vmem>>
    %dma_start3A_10 = tpu.memref_squeeze %dma_start3A_9 : memref<1x512xi32, #tpu.memory_space<vmem>> -> memref<512xi32, #tpu.memory_space<vmem>>
    %dma_start3A_11 = tpu.memref_slice %arg2[%mul3A_6] : memref<3276800xi32, #tpu.memory_space<hbm>> -> memref<512xi32, #tpu.memory_space<hbm>>
    %dma_start3A_12 = tpu.memref_slice %arg8[%dma_start3A_7] : memref<2x!tpu.dma_semaphore, #tpu.memory_space<semaphore_mem>> -> memref<1x!tpu.dma_semaphore, #tpu.memory_space<semaphore_mem>>
    %dma_start3A_13 = tpu.memref_squeeze %dma_start3A_12 : memref<1x!tpu.dma_semaphore, #tpu.memory_space<semaphore_mem>> -> memref<!tpu.dma_semaphore, #tpu.memory_space<semaphore_mem>>
    %dma_start3A_14 = arith.constant 0 : i32
    %dma_start3A_15 = tpu.memref_slice %arg5[%dma_start3A, %dma_start3A_14] : memref<2x512xi32, #tpu.memory_space<vmem>> -> memref<1x512xi32, #tpu.memory_space<vmem>>
    %dma_start3A_16 = tpu.memref_squeeze %dma_start3A_15 : memref<1x512xi32, #tpu.memory_space<vmem>> -> memref<512xi32, #tpu.memory_space<vmem>>
    %dma_start3A_17 = tpu.memref_slice %arg2[%mul3A_6] : memref<3276800xi32, #tpu.memory_space<hbm>> -> memref<512xi32, #tpu.memory_space<hbm>>
    tpu.enqueue_dma source(%dma_start3A_17 : memref<512xi32, #tpu.memory_space<hbm>>) target(%dma_start3A_16 : memref<512xi32, #tpu.memory_space<vmem>>) target_semaphore(%dma_start3A_13 : memref<!tpu.dma_semaphore, #tpu.memory_space<semaphore_mem>>)
    %add3A_18 = arith.constant 1 : i32
    %add3A_19 = arith.addi %mul3A_2, %add3A_18 : i32
    %mul3A_20 = arith.constant 512 : i32
    %mul3A_21 = arith.muli %add3A_19, %mul3A_20 : i32
    %dma_start3A_22 = arith.constant 1 : i32
    %dma_start3A_23 = arith.constant 1 : i32
    %dma_start3A_24 = arith.constant 0 : i32
    %dma_start3A_25 = tpu.memref_slice %arg5[%dma_start3A_22, %dma_start3A_24] : memref<2x512xi32, #tpu.memory_space<vmem>> -> memref<1x512xi32, #tpu.memory_space<vmem>>
    %dma_start3A_26 = tpu.memref_squeeze %dma_start3A_25 : memref<1x512xi32, #tpu.memory_space<vmem>> -> memref<512xi32, #tpu.memory_space<vmem>>
    %dma_start3A_27 = tpu.memref_slice %arg2[%mul3A_21] : memref<3276800xi32, #tpu.memory_space<hbm>> -> memref<512xi32, #tpu.memory_space<hbm>>
    %dma_start3A_28 = tpu.memref_slice %arg8[%dma_start3A_23] : memref<2x!tpu.dma_semaphore, #tpu.memory_space<semaphore_mem>> -> memref<1x!tpu.dma_semaphore, #tpu.memory_space<semaphore_mem>>
    %dma_start3A_29 = tpu.memref_squeeze %dma_start3A_28 : memref<1x!tpu.dma_semaphore, #tpu.memory_space<semaphore_mem>> -> memref<!tpu.dma_semaphore, #tpu.memory_space<semaphore_mem>>
    %dma_start3A_30 = arith.constant 0 : i32
    %dma_start3A_31 = tpu.memref_slice %arg5[%dma_start3A_22, %dma_start3A_30] : memref<2x512xi32, #tpu.memory_space<vmem>> -> memref<1x512xi32, #tpu.memory_space<vmem>>
    %dma_start3A_32 = tpu.memref_squeeze %dma_start3A_31 : memref<1x512xi32, #tpu.memory_space<vmem>> -> memref<512xi32, #tpu.memory_space<vmem>>
    %dma_start3A_33 = tpu.memref_slice %arg2[%mul3A_21] : memref<3276800xi32, #tpu.memory_space<hbm>> -> memref<512xi32, #tpu.memory_space<hbm>>
    tpu.enqueue_dma source(%dma_start3A_33 : memref<512xi32, #tpu.memory_space<hbm>>) target(%dma_start3A_32 : memref<512xi32, #tpu.memory_space<vmem>>) target_semaphore(%dma_start3A_29 : memref<!tpu.dma_semaphore, #tpu.memory_space<semaphore_mem>>)
    %dma_wait3A = arith.constant 0 : i32
    %dma_wait3A_34 = arith.constant 0 : i32
    %dma_wait3A_35 = arith.constant 0 : i32
    %dma_wait3A_36 = tpu.memref_slice %arg5[%dma_wait3A, %dma_wait3A_35] : memref<2x512xi32, #tpu.memory_space<vmem>> -> memref<1x512xi32, #tpu.memory_space<vmem>>
    %dma_wait3A_37 = tpu.memref_squeeze %dma_wait3A_36 : memref<1x512xi32, #tpu.memory_space<vmem>> -> memref<512xi32, #tpu.memory_space<vmem>>
    %dma_wait3A_38 = arith.constant 0 : i32
    %dma_wait3A_39 = tpu.memref_slice %arg2[%dma_wait3A_38] : memref<3276800xi32, #tpu.memory_space<hbm>> -> memref<512xi32, #tpu.memory_space<hbm>>
    %dma_wait3A_40 = tpu.memref_slice %arg8[%dma_wait3A_34] : memref<2x!tpu.dma_semaphore, #tpu.memory_space<semaphore_mem>> -> memref<1x!tpu.dma_semaphore, #tpu.memory_space<semaphore_mem>>
    %dma_wait3A_41 = tpu.memref_squeeze %dma_wait3A_40 : memref<1x!tpu.dma_semaphore, #tpu.memory_space<semaphore_mem>> -> memref<!tpu.dma_semaphore, #tpu.memory_space<semaphore_mem>>
    %dma_wait3A_42 = arith.constant 0 : i32
    %dma_wait3A_43 = tpu.memref_slice %arg5[%dma_wait3A, %dma_wait3A_42] : memref<2x512xi32, #tpu.memory_space<vmem>> -> memref<1x512xi32, #tpu.memory_space<vmem>>
    %dma_wait3A_44 = tpu.memref_squeeze %dma_wait3A_43 : memref<1x512xi32, #tpu.memory_space<vmem>> -> memref<512xi32, #tpu.memory_space<vmem>>
    %dma_wait3A_45 = arith.constant 0 : i32
    %dma_wait3A_46 = tpu.memref_slice %arg2[%dma_wait3A_45] : memref<3276800xi32, #tpu.memory_space<hbm>> -> memref<512xi32, #tpu.memory_space<hbm>>
    tpu.wait_dma2 semaphore(%dma_wait3A_41 : memref<!tpu.dma_semaphore, #tpu.memory_space<semaphore_mem>>) src(%dma_wait3A_46 : memref<512xi32, #tpu.memory_space<hbm>>) dst(%dma_wait3A_44 : memref<512xi32, #tpu.memory_space<vmem>>)
    %dma_start3A_47 = arith.constant 0 : i32
    %dma_start3A_48 = arith.constant 0 : i32
    %dma_start3A_49 = arith.constant 0 : i32
    %dma_start3A_50 = arith.constant 0 : i32
    %dma_start3A_51 = arith.constant 0 : i32
    %dma_start3A_52 = tpu.memref_slice %arg6[%dma_start3A_48, %dma_start3A_50, %dma_start3A_51] : memref<2x512x32xf32, #tpu.memory_space<vmem>> -> memref<1x512x32xf32, #tpu.memory_space<vmem>>
    %dma_start3A_53 = tpu.memref_squeeze %dma_start3A_52 : memref<1x512x32xf32, #tpu.memory_space<vmem>> -> memref<512x32xf32, #tpu.memory_space<vmem>>
    %dma_start3A_54 = arith.constant 0 : i32
    %dma_start3A_55 = tpu.memref_slice %arg5[%dma_start3A_47, %dma_start3A_54] : memref<2x512xi32, #tpu.memory_space<vmem>> -> memref<1x512xi32, #tpu.memory_space<vmem>>
    %dma_start3A_56 = tpu.memref_squeeze %dma_start3A_55 : memref<1x512xi32, #tpu.memory_space<vmem>> -> memref<512xi32, #tpu.memory_space<vmem>>
    %dma_start3A_57 = arith.constant 0 : i32
    %dma_start3A_58 = arith.constant 0 : i32
    %dma_start3A_59 = tpu.memref_slice %arg3[%dma_start3A_57, %dma_start3A_58] : memref<100000x32xf32, #tpu.memory_space<hbm>> -> memref<100000x32xf32, #tpu.memory_space<hbm>>
    %dma_start3A_60 = tpu.memref_slice %arg9[%dma_start3A_49] : memref<2x!tpu.dma_semaphore, #tpu.memory_space<semaphore_mem>> -> memref<1x!tpu.dma_semaphore, #tpu.memory_space<semaphore_mem>>
    %dma_start3A_61 = tpu.memref_squeeze %dma_start3A_60 : memref<1x!tpu.dma_semaphore, #tpu.memory_space<semaphore_mem>> -> memref<!tpu.dma_semaphore, #tpu.memory_space<semaphore_mem>>
    tpu.enqueue_indirect_dma source(%dma_start3A_59 : memref<100000x32xf32, #tpu.memory_space<hbm>>) target(%dma_start3A_53 : memref<512x32xf32, #tpu.memory_space<vmem>>) offsets(%dma_start3A_56 : memref<512xi32, #tpu.memory_space<vmem>>) semaphore(%dma_start3A_61 : memref<!tpu.dma_semaphore, #tpu.memory_space<semaphore_mem>>)
    %scan3A = arith.constant 0 : i32
    %scan3A_62 = arith.constant 100 : i32
    %scan3A_63 = arith.addi %scan3A, %scan3A_62 : i32
    %scan3A_64 = arith.constant 1 : i32
    scf.for %scan3A_94 = %scan3A to %scan3A_63 step %scan3A_64  : i32 {
      %mul3A_95 = arith.constant 2 : i32
      %mul3A_96 = arith.muli %scan3A_94, %mul3A_95 : i32
      %add3A_97 = arith.constant 0 : i32
      %add3A_98 = arith.addi %add3A_97, %mul3A_96 : i32
      %add3A_99 = arith.constant 0 : i32
      %add3A_100 = arith.addi %add3A_98, %add3A_99 : i32
      %add3A_101 = arith.constant 1 : i32
      %add3A_102 = arith.addi %add3A_100, %add3A_101 : i32
      %lt3A = arith.constant 200 : i32
      %lt3A_103 = arith.cmpi slt, %add3A_102, %lt3A : i32
      %convert_element_type3A = arith.extui %lt3A_103 : i1 to i32
      %cond3A = arith.constant 0 : i32
      %cond3A_104 = arith.cmpi ne, %convert_element_type3A, %cond3A : i32
      scf.if %cond3A_104 {
        %dma_wait3A_752 = arith.constant 1 : i32
        %dma_wait3A_753 = arith.constant 1 : i32
        %dma_wait3A_754 = arith.constant 0 : i32
        %dma_wait3A_755 = tpu.memref_slice %arg5[%dma_wait3A_752, %dma_wait3A_754] : memref<2x512xi32, #tpu.memory_space<vmem>> -> memref<1x512xi32, #tpu.memory_space<vmem>>
        %dma_wait3A_756 = tpu.memref_squeeze %dma_wait3A_755 : memref<1x512xi32, #tpu.memory_space<vmem>> -> memref<512xi32, #tpu.memory_space<vmem>>
        %dma_wait3A_757 = arith.constant 0 : i32
        %dma_wait3A_758 = tpu.memref_slice %arg2[%dma_wait3A_757] : memref<3276800xi32, #tpu.memory_space<hbm>> -> memref<512xi32, #tpu.memory_space<hbm>>
        %dma_wait3A_759 = tpu.memref_slice %arg8[%dma_wait3A_753] : memref<2x!tpu.dma_semaphore, #tpu.memory_space<semaphore_mem>> -> memref<1x!tpu.dma_semaphore, #tpu.memory_space<semaphore_mem>>
        %dma_wait3A_760 = tpu.memref_squeeze %dma_wait3A_759 : memref<1x!tpu.dma_semaphore, #tpu.memory_space<semaphore_mem>> -> memref<!tpu.dma_semaphore, #tpu.memory_space<semaphore_mem>>
        %dma_wait3A_761 = arith.constant 0 : i32
        %dma_wait3A_762 = tpu.memref_slice %arg5[%dma_wait3A_752, %dma_wait3A_761] : memref<2x512xi32, #tpu.memory_space<vmem>> -> memref<1x512xi32, #tpu.memory_space<vmem>>
        %dma_wait3A_763 = tpu.memref_squeeze %dma_wait3A_762 : memref<1x512xi32, #tpu.memory_space<vmem>> -> memref<512xi32, #tpu.memory_space<vmem>>
        %dma_wait3A_764 = arith.constant 0 : i32
        %dma_wait3A_765 = tpu.memref_slice %arg2[%dma_wait3A_764] : memref<3276800xi32, #tpu.memory_space<hbm>> -> memref<512xi32, #tpu.memory_space<hbm>>
        tpu.wait_dma2 semaphore(%dma_wait3A_760 : memref<!tpu.dma_semaphore, #tpu.memory_space<semaphore_mem>>) src(%dma_wait3A_765 : memref<512xi32, #tpu.memory_space<hbm>>) dst(%dma_wait3A_763 : memref<512xi32, #tpu.memory_space<vmem>>)
        %dma_start3A_766 = arith.constant 1 : i32
        %dma_start3A_767 = arith.constant 1 : i32
        %dma_start3A_768 = arith.constant 1 : i32
        %dma_start3A_769 = arith.constant 0 : i32
        %dma_start3A_770 = arith.constant 0 : i32
        %dma_start3A_771 = tpu.memref_slice %arg6[%dma_start3A_767, %dma_start3A_769, %dma_start3A_770] : memref<2x512x32xf32, #tpu.memory_space<vmem>> -> memref<1x512x32xf32, #tpu.memory_space<vmem>>
        %dma_start3A_772 = tpu.memref_squeeze %dma_start3A_771 : memref<1x512x32xf32, #tpu.memory_space<vmem>> -> memref<512x32xf32, #tpu.memory_space<vmem>>
        %dma_start3A_773 = arith.constant 0 : i32
        %dma_start3A_774 = tpu.memref_slice %arg5[%dma_start3A_766, %dma_start3A_773] : memref<2x512xi32, #tpu.memory_space<vmem>> -> memref<1x512xi32, #tpu.memory_space<vmem>>
        %dma_start3A_775 = tpu.memref_squeeze %dma_start3A_774 : memref<1x512xi32, #tpu.memory_space<vmem>> -> memref<512xi32, #tpu.memory_space<vmem>>
        %dma_start3A_776 = arith.constant 0 : i32
        %dma_start3A_777 = arith.constant 0 : i32
        %dma_start3A_778 = tpu.memref_slice %arg3[%dma_start3A_776, %dma_start3A_777] : memref<100000x32xf32, #tpu.memory_space<hbm>> -> memref<100000x32xf32, #tpu.memory_space<hbm>>
        %dma_start3A_779 = tpu.memref_slice %arg9[%dma_start3A_768] : memref<2x!tpu.dma_semaphore, #tpu.memory_space<semaphore_mem>> -> memref<1x!tpu.dma_semaphore, #tpu.memory_space<semaphore_mem>>
        %dma_start3A_780 = tpu.memref_squeeze %dma_start3A_779 : memref<1x!tpu.dma_semaphore, #tpu.memory_space<semaphore_mem>> -> memref<!tpu.dma_semaphore, #tpu.memory_space<semaphore_mem>>
        tpu.enqueue_indirect_dma source(%dma_start3A_778 : memref<100000x32xf32, #tpu.memory_space<hbm>>) target(%dma_start3A_772 : memref<512x32xf32, #tpu.memory_space<vmem>>) offsets(%dma_start3A_775 : memref<512xi32, #tpu.memory_space<vmem>>) semaphore(%dma_start3A_780 : memref<!tpu.dma_semaphore, #tpu.memory_space<semaphore_mem>>)
      } else {
      }
      %dma_wait3A_105 = arith.constant 0 : i32
      %dma_wait3A_106 = arith.constant 0 : i32
      %dma_wait3A_107 = arith.constant 0 : i32
      %dma_wait3A_108 = arith.constant 0 : i32
      %dma_wait3A_109 = arith.constant 0 : i32
      %dma_wait3A_110 = tpu.memref_slice %arg6[%dma_wait3A_106, %dma_wait3A_108, %dma_wait3A_109] : memref<2x512x32xf32, #tpu.memory_space<vmem>> -> memref<1x512x32xf32, #tpu.memory_space<vmem>>
      %dma_wait3A_111 = tpu.memref_squeeze %dma_wait3A_110 : memref<1x512x32xf32, #tpu.memory_space<vmem>> -> memref<512x32xf32, #tpu.memory_space<vmem>>
      %dma_wait3A_112 = arith.constant 0 : i32
      %dma_wait3A_113 = tpu.memref_slice %arg5[%dma_wait3A_105, %dma_wait3A_112] : memref<2x512xi32, #tpu.memory_space<vmem>> -> memref<1x512xi32, #tpu.memory_space<vmem>>
      %dma_wait3A_114 = tpu.memref_squeeze %dma_wait3A_113 : memref<1x512xi32, #tpu.memory_space<vmem>> -> memref<512xi32, #tpu.memory_space<vmem>>
      %dma_wait3A_115 = arith.constant 0 : i32
      %dma_wait3A_116 = arith.constant 0 : i32
      %dma_wait3A_117 = tpu.memref_slice %arg3[%dma_wait3A_115, %dma_wait3A_116] : memref<100000x32xf32, #tpu.memory_space<hbm>> -> memref<100000x32xf32, #tpu.memory_space<hbm>>
      %dma_wait3A_118 = tpu.memref_slice %arg9[%dma_wait3A_107] : memref<2x!tpu.dma_semaphore, #tpu.memory_space<semaphore_mem>> -> memref<1x!tpu.dma_semaphore, #tpu.memory_space<semaphore_mem>>
      %dma_wait3A_119 = tpu.memref_squeeze %dma_wait3A_118 : memref<1x!tpu.dma_semaphore, #tpu.memory_space<semaphore_mem>> -> memref<!tpu.dma_semaphore, #tpu.memory_space<semaphore_mem>>
      tpu.wait_indirect_dma semaphore(%dma_wait3A_119 : memref<!tpu.dma_semaphore, #tpu.memory_space<semaphore_mem>>) src(%dma_wait3A_117 : memref<100000x32xf32, #tpu.memory_space<hbm>>) dst(%dma_wait3A_111 : memref<512x32xf32, #tpu.memory_space<vmem>>)
      %ge3A = arith.constant 2 : i32
      %ge3A_120 = arith.cmpi sge, %add3A_100, %ge3A : i32
      %convert_element_type3A_121 = arith.extui %ge3A_120 : i1 to i32
      %cond3A_122 = arith.constant 0 : i32
      %cond3A_123 = arith.cmpi ne, %convert_element_type3A_121, %cond3A_122 : i32
      scf.if %cond3A_123 {
        %dma_wait3A_752 = arith.constant 0 : i32
        %dma_wait3A_753 = arith.constant 0 : i32
        %dma_wait3A_754 = arith.constant 0 : i32
        %dma_wait3A_755 = tpu.memref_slice %arg7[%dma_wait3A_752, %dma_wait3A_754] : memref<2x16384xf32, #tpu.memory_space<vmem>> -> memref<1x16384xf32, #tpu.memory_space<vmem>>
        %dma_wait3A_756 = tpu.memref_squeeze %dma_wait3A_755 : memref<1x16384xf32, #tpu.memory_space<vmem>> -> memref<16384xf32, #tpu.memory_space<vmem>>
        %dma_wait3A_757 = arith.constant 0 : i32
        %dma_wait3A_758 = tpu.memref_slice %arg4[%dma_wait3A_757] : memref<104857600xf32, #tpu.memory_space<hbm>> -> memref<16384xf32, #tpu.memory_space<hbm>>
        %dma_wait3A_759 = tpu.memref_slice %arg10[%dma_wait3A_753] : memref<2x!tpu.dma_semaphore, #tpu.memory_space<semaphore_mem>> -> memref<1x!tpu.dma_semaphore, #tpu.memory_space<semaphore_mem>>
        %dma_wait3A_760 = tpu.memref_squeeze %dma_wait3A_759 : memref<1x!tpu.dma_semaphore, #tpu.memory_space<semaphore_mem>> -> memref<!tpu.dma_semaphore, #tpu.memory_space<semaphore_mem>>
        %dma_wait3A_761 = arith.constant 0 : i32
        %dma_wait3A_762 = tpu.memref_slice %arg7[%dma_wait3A_752, %dma_wait3A_761] : memref<2x16384xf32, #tpu.memory_space<vmem>> -> memref<1x16384xf32, #tpu.memory_space<vmem>>
        %dma_wait3A_763 = tpu.memref_squeeze %dma_wait3A_762 : memref<1x16384xf32, #tpu.memory_space<vmem>> -> memref<16384xf32, #tpu.memory_space<vmem>>
        %dma_wait3A_764 = arith.constant 0 : i32
        %dma_wait3A_765 = tpu.memref_slice %arg4[%dma_wait3A_764] : memref<104857600xf32, #tpu.memory_space<hbm>> -> memref<16384xf32, #tpu.memory_space<hbm>>
        tpu.wait_dma2 semaphore(%dma_wait3A_760 : memref<!tpu.dma_semaphore, #tpu.memory_space<semaphore_mem>>) src(%dma_wait3A_765 : memref<16384xf32, #tpu.memory_space<hbm>>) dst(%dma_wait3A_763 : memref<16384xf32, #tpu.memory_space<vmem>>)
      } else {
      }
      %parallel_loop3A = arith.constant 0 : i32
      %parallel_loop3A_124 = arith.constant 64 : i32
      %parallel_loop3A_125 = arith.constant 1 : i32
      %parallel_loop3A_126 = arith.constant 0 : i32
      %parallel_loop3A_127 = arith.constant 0 : i32
      scf.for %parallel_loop3A_752 = %parallel_loop3A to %parallel_loop3A_124 step %parallel_loop3A_125  : i32 {
        %parallel_loop3A_753 = arith.constant 4 : i32
        %parallel_loop3A_754 = arith.shrsi %parallel_loop3A_752, %parallel_loop3A_753 : i32
        %parallel_loop3A_755 = arith.constant 1 : i32
        %parallel_loop3A_756 = arith.shrsi %parallel_loop3A_752, %parallel_loop3A_755 : i32
        %parallel_loop3A_757 = arith.constant 7 : i32
        %parallel_loop3A_758 = arith.andi %parallel_loop3A_756, %parallel_loop3A_757 : i32
        %parallel_loop3A_759 = arith.constant 1 : i32
        %parallel_loop3A_760 = arith.andi %parallel_loop3A_752, %parallel_loop3A_759 : i32
        %parallel_loop3A_761 = arith.constant 7 : i32
        %parallel_loop3A_762 = arith.shli %parallel_loop3A_754, %parallel_loop3A_761 : i32
        %parallel_loop3A_763 = arith.constant 4 : i32
        %parallel_loop3A_764 = arith.shli %parallel_loop3A_758, %parallel_loop3A_763 : i32
        %parallel_loop3A_765 = arith.ori %parallel_loop3A_762, %parallel_loop3A_764 : i32
        %parallel_loop3A_766 = vector.broadcast %parallel_loop3A_765 : i32 to vector<16xi32>
        %parallel_loop3A_767 = arith.addi %iota3A, %parallel_loop3A_766 : vector<16xi32>
        %parallel_loop3A_768 = arith.constant 4 : i32
        %parallel_loop3A_769 = arith.shli %parallel_loop3A_760, %parallel_loop3A_768 : i32
        %parallel_loop3A_770 = arith.constant 12 : i32
        %parallel_loop3A_771 = arith.shli %parallel_loop3A_754, %parallel_loop3A_770 : i32
        %parallel_loop3A_772 = arith.constant 11 : i32
        %parallel_loop3A_773 = arith.shli %parallel_loop3A_760, %parallel_loop3A_772 : i32
        %parallel_loop3A_774 = arith.ori %parallel_loop3A_771, %parallel_loop3A_773 : i32
        %parallel_loop3A_775 = arith.constant 4 : i32
        %parallel_loop3A_776 = arith.shli %parallel_loop3A_758, %parallel_loop3A_775 : i32
        %parallel_loop3A_777 = arith.ori %parallel_loop3A_774, %parallel_loop3A_776 : i32
        %parallel_loop3A_778 = vector.broadcast %parallel_loop3A_777 : i32 to vector<16xi32>
        %parallel_loop3A_779 = arith.addi %iota3A, %parallel_loop3A_778 : vector<16xi32>
        %parallel_loop3A_780 = arith.constant 0 : i32
        %parallel_loop3A_781 = vector.broadcast %parallel_loop3A_780 : i32 to vector<16xi32>
        %parallel_loop3A_782 = arith.addi %iota3A, %parallel_loop3A_781 : vector<16xi32>
        %parallel_loop3A_783 = arith.constant 15 : i32
        %parallel_loop3A_784 = vector.broadcast %parallel_loop3A_783 : i32 to vector<16xi32>
        %parallel_loop3A_785 = arith.andi %parallel_loop3A_782, %parallel_loop3A_784 : vector<16xi32>
        %parallel_loop3A_786 = vector.broadcast %parallel_loop3A_769 : i32 to vector<16xi32>
        %parallel_loop3A_787 = arith.addi %parallel_loop3A_785, %parallel_loop3A_786 : vector<16xi32>
        %parallel_loop3A_788 = arith.constant 0 : i32
        %parallel_loop3A_789 = arith.constant 0 : i32
        %parallel_loop3A_790 = tpu.memref_slice %arg6[%parallel_loop3A_126, %parallel_loop3A_788, %parallel_loop3A_789] : memref<2x512x32xf32, #tpu.memory_space<vmem>> -> memref<1x512x32xf32, #tpu.memory_space<vmem>>
        %parallel_loop3A_791 = tpu.memref_squeeze %parallel_loop3A_790 : memref<1x512x32xf32, #tpu.memory_space<vmem>> -> memref<512x32xf32, #tpu.memory_space<vmem>>
        %parallel_loop3A_792 = tpu.vector_load_idx %parallel_loop3A_791[%parallel_loop3A_767, %parallel_loop3A_787] : memref<512x32xf32, #tpu.memory_space<vmem>>[vector<16xi32>, vector<16xi32>], vector<16xf32>,
        %parallel_loop3A_793 = arith.constant 7 : i32
        %parallel_loop3A_794 = vector.broadcast %parallel_loop3A_793 : i32 to vector<16xi32>
        %parallel_loop3A_795 = arith.shli %parallel_loop3A_785, %parallel_loop3A_794 : vector<16xi32>
        %parallel_loop3A_796 = arith.addi %parallel_loop3A_779, %parallel_loop3A_795 : vector<16xi32>
        %parallel_loop3A_797 = arith.constant 0 : i32
        %parallel_loop3A_798 = tpu.memref_slice %arg7[%parallel_loop3A_127, %parallel_loop3A_797] : memref<2x16384xf32, #tpu.memory_space<vmem>> -> memref<1x16384xf32, #tpu.memory_space<vmem>>
        %parallel_loop3A_799 = tpu.memref_squeeze %parallel_loop3A_798 : memref<1x16384xf32, #tpu.memory_space<vmem>> -> memref<16384xf32, #tpu.memory_space<vmem>>
        tpu.vector_store_idx %parallel_loop3A_799[%parallel_loop3A_796], %parallel_loop3A_792 : memref<16384xf32, #tpu.memory_space<vmem>>[vector<16xi32>], vector<16xf32>,
        %parallel_loop3A_800 = arith.constant 1 : i32
        %parallel_loop3A_801 = vector.broadcast %parallel_loop3A_800 : i32 to vector<16xi32>
        %parallel_loop3A_802 = arith.addi %iota3A, %parallel_loop3A_801 : vector<16xi32>
        %parallel_loop3A_803 = arith.constant 15 : i32
        %parallel_loop3A_804 = vector.broadcast %parallel_loop3A_803 : i32 to vector<16xi32>
        %parallel_loop3A_805 = arith.andi %parallel_loop3A_802, %parallel_loop3A_804 : vector<16xi32>
        %parallel_loop3A_806 = vector.broadcast %parallel_loop3A_769 : i32 to vector<16xi32>
        %parallel_loop3A_807 = arith.addi %parallel_loop3A_805, %parallel_loop3A_806 : vector<16xi32>
        %parallel_loop3A_808 = arith.constant 0 : i32
        %parallel_loop3A_809 = arith.constant 0 : i32
        %parallel_loop3A_810 = tpu.memref_slice %arg6[%parallel_loop3A_126, %parallel_loop3A_808, %parallel_loop3A_809] : memref<2x512x32xf32, #tpu.memory_space<vmem>> -> memref<1x512x32xf32, #tpu.memory_space<vmem>>
        %parallel_loop3A_811 = tpu.memref_squeeze %parallel_loop3A_810 : memref<1x512x32xf32, #tpu.memory_space<vmem>> -> memref<512x32xf32, #tpu.memory_space<vmem>>
        %parallel_loop3A_812 = tpu.vector_load_idx %parallel_loop3A_811[%parallel_loop3A_767, %parallel_loop3A_807] : memref<512x32xf32, #tpu.memory_space<vmem>>[vector<16xi32>, vector<16xi32>], vector<16xf32>,
        %parallel_loop3A_813 = arith.constant 7 : i32
        %parallel_loop3A_814 = vector.broadcast %parallel_loop3A_813 : i32 to vector<16xi32>
        %parallel_loop3A_815 = arith.shli %parallel_loop3A_805, %parallel_loop3A_814 : vector<16xi32>
        %parallel_loop3A_816 = arith.addi %parallel_loop3A_779, %parallel_loop3A_815 : vector<16xi32>
        %parallel_loop3A_817 = arith.constant 0 : i32
        %parallel_loop3A_818 = tpu.memref_slice %arg7[%parallel_loop3A_127, %parallel_loop3A_817] : memref<2x16384xf32, #tpu.memory_space<vmem>> -> memref<1x16384xf32, #tpu.memory_space<vmem>>
        %parallel_loop3A_819 = tpu.memref_squeeze %parallel_loop3A_818 : memref<1x16384xf32, #tpu.memory_space<vmem>> -> memref<16384xf32, #tpu.memory_space<vmem>>
        tpu.vector_store_idx %parallel_loop3A_819[%parallel_loop3A_816], %parallel_loop3A_812 : memref<16384xf32, #tpu.memory_space<vmem>>[vector<16xi32>], vector<16xf32>,
        %parallel_loop3A_820 = arith.constant 2 : i32
        %parallel_loop3A_821 = vector.broadcast %parallel_loop3A_820 : i32 to vector<16xi32>
        %parallel_loop3A_822 = arith.addi %iota3A, %parallel_loop3A_821 : vector<16xi32>
        %parallel_loop3A_823 = arith.constant 15 : i32
        %parallel_loop3A_824 = vector.broadcast %parallel_loop3A_823 : i32 to vector<16xi32>
        %parallel_loop3A_825 = arith.andi %parallel_loop3A_822, %parallel_loop3A_824 : vector<16xi32>
        %parallel_loop3A_826 = vector.broadcast %parallel_loop3A_769 : i32 to vector<16xi32>
        %parallel_loop3A_827 = arith.addi %parallel_loop3A_825, %parallel_loop3A_826 : vector<16xi32>
        %parallel_loop3A_828 = arith.constant 0 : i32
        %parallel_loop3A_829 = arith.constant 0 : i32
        %parallel_loop3A_830 = tpu.memref_slice %arg6[%parallel_loop3A_126, %parallel_loop3A_828, %parallel_loop3A_829] : memref<2x512x32xf32, #tpu.memory_space<vmem>> -> memref<1x512x32xf32, #tpu.memory_space<vmem>>
        %parallel_loop3A_831 = tpu.memref_squeeze %parallel_loop3A_830 : memref<1x512x32xf32, #tpu.memory_space<vmem>> -> memref<512x32xf32, #tpu.memory_space<vmem>>
        %parallel_loop3A_832 = tpu.vector_load_idx %parallel_loop3A_831[%parallel_loop3A_767, %parallel_loop3A_827] : memref<512x32xf32, #tpu.memory_space<vmem>>[vector<16xi32>, vector<16xi32>], vector<16xf32>,
        %parallel_loop3A_833 = arith.constant 7 : i32
        %parallel_loop3A_834 = vector.broadcast %parallel_loop3A_833 : i32 to vector<16xi32>
        %parallel_loop3A_835 = arith.shli %parallel_loop3A_825, %parallel_loop3A_834 : vector<16xi32>
        %parallel_loop3A_836 = arith.addi %parallel_loop3A_779, %parallel_loop3A_835 : vector<16xi32>
        %parallel_loop3A_837 = arith.constant 0 : i32
        %parallel_loop3A_838 = tpu.memref_slice %arg7[%parallel_loop3A_127, %parallel_loop3A_837] : memref<2x16384xf32, #tpu.memory_space<vmem>> -> memref<1x16384xf32, #tpu.memory_space<vmem>>
        %parallel_loop3A_839 = tpu.memref_squeeze %parallel_loop3A_838 : memref<1x16384xf32, #tpu.memory_space<vmem>> -> memref<16384xf32, #tpu.memory_space<vmem>>
        tpu.vector_store_idx %parallel_loop3A_839[%parallel_loop3A_836], %parallel_loop3A_832 : memref<16384xf32, #tpu.memory_space<vmem>>[vector<16xi32>], vector<16xf32>,
        %parallel_loop3A_840 = arith.constant 3 : i32
        %parallel_loop3A_841 = vector.broadcast %parallel_loop3A_840 : i32 to vector<16xi32>
        %parallel_loop3A_842 = arith.addi %iota3A, %parallel_loop3A_841 : vector<16xi32>
        %parallel_loop3A_843 = arith.constant 15 : i32
        %parallel_loop3A_844 = vector.broadcast %parallel_loop3A_843 : i32 to vector<16xi32>
        %parallel_loop3A_845 = arith.andi %parallel_loop3A_842, %parallel_loop3A_844 : vector<16xi32>
        %parallel_loop3A_846 = vector.broadcast %parallel_loop3A_769 : i32 to vector<16xi32>
        %parallel_loop3A_847 = arith.addi %parallel_loop3A_845, %parallel_loop3A_846 : vector<16xi32>
        %parallel_loop3A_848 = arith.constant 0 : i32
        %parallel_loop3A_849 = arith.constant 0 : i32
        %parallel_loop3A_850 = tpu.memref_slice %arg6[%parallel_loop3A_126, %parallel_loop3A_848, %parallel_loop3A_849] : memref<2x512x32xf32, #tpu.memory_space<vmem>> -> memref<1x512x32xf32, #tpu.memory_space<vmem>>
        %parallel_loop3A_851 = tpu.memref_squeeze %parallel_loop3A_850 : memref<1x512x32xf32, #tpu.memory_space<vmem>> -> memref<512x32xf32, #tpu.memory_space<vmem>>
        %parallel_loop3A_852 = tpu.vector_load_idx %parallel_loop3A_851[%parallel_loop3A_767, %parallel_loop3A_847] : memref<512x32xf32, #tpu.memory_space<vmem>>[vector<16xi32>, vector<16xi32>], vector<16xf32>,
        %parallel_loop3A_853 = arith.constant 7 : i32
        %parallel_loop3A_854 = vector.broadcast %parallel_loop3A_853 : i32 to vector<16xi32>
        %parallel_loop3A_855 = arith.shli %parallel_loop3A_845, %parallel_loop3A_854 : vector<16xi32>
        %parallel_loop3A_856 = arith.addi %parallel_loop3A_779, %parallel_loop3A_855 : vector<16xi32>
        %parallel_loop3A_857 = arith.constant 0 : i32
        %parallel_loop3A_858 = tpu.memref_slice %arg7[%parallel_loop3A_127, %parallel_loop3A_857] : memref<2x16384xf32, #tpu.memory_space<vmem>> -> memref<1x16384xf32, #tpu.memory_space<vmem>>
        %parallel_loop3A_859 = tpu.memref_squeeze %parallel_loop3A_858 : memref<1x16384xf32, #tpu.memory_space<vmem>> -> memref<16384xf32, #tpu.memory_space<vmem>>
        tpu.vector_store_idx %parallel_loop3A_859[%parallel_loop3A_856], %parallel_loop3A_852 : memref<16384xf32, #tpu.memory_space<vmem>>[vector<16xi32>], vector<16xf32>,
        %parallel_loop3A_860 = arith.constant 4 : i32
        %parallel_loop3A_861 = vector.broadcast %parallel_loop3A_860 : i32 to vector<16xi32>
        %parallel_loop3A_862 = arith.addi %iota3A, %parallel_loop3A_861 : vector<16xi32>
        %parallel_loop3A_863 = arith.constant 15 : i32
        %parallel_loop3A_864 = vector.broadcast %parallel_loop3A_863 : i32 to vector<16xi32>
        %parallel_loop3A_865 = arith.andi %parallel_loop3A_862, %parallel_loop3A_864 : vector<16xi32>
        %parallel_loop3A_866 = vector.broadcast %parallel_loop3A_769 : i32 to vector<16xi32>
        %parallel_loop3A_867 = arith.addi %parallel_loop3A_865, %parallel_loop3A_866 : vector<16xi32>
        %parallel_loop3A_868 = arith.constant 0 : i32
        %parallel_loop3A_869 = arith.constant 0 : i32
        %parallel_loop3A_870 = tpu.memref_slice %arg6[%parallel_loop3A_126, %parallel_loop3A_868, %parallel_loop3A_869] : memref<2x512x32xf32, #tpu.memory_space<vmem>> -> memref<1x512x32xf32, #tpu.memory_space<vmem>>
        %parallel_loop3A_871 = tpu.memref_squeeze %parallel_loop3A_870 : memref<1x512x32xf32, #tpu.memory_space<vmem>> -> memref<512x32xf32, #tpu.memory_space<vmem>>
        %parallel_loop3A_872 = tpu.vector_load_idx %parallel_loop3A_871[%parallel_loop3A_767, %parallel_loop3A_867] : memref<512x32xf32, #tpu.memory_space<vmem>>[vector<16xi32>, vector<16xi32>], vector<16xf32>,
        %parallel_loop3A_873 = arith.constant 7 : i32
        %parallel_loop3A_874 = vector.broadcast %parallel_loop3A_873 : i32 to vector<16xi32>
        %parallel_loop3A_875 = arith.shli %parallel_loop3A_865, %parallel_loop3A_874 : vector<16xi32>
        %parallel_loop3A_876 = arith.addi %parallel_loop3A_779, %parallel_loop3A_875 : vector<16xi32>
        %parallel_loop3A_877 = arith.constant 0 : i32
        %parallel_loop3A_878 = tpu.memref_slice %arg7[%parallel_loop3A_127, %parallel_loop3A_877] : memref<2x16384xf32, #tpu.memory_space<vmem>> -> memref<1x16384xf32, #tpu.memory_space<vmem>>
        %parallel_loop3A_879 = tpu.memref_squeeze %parallel_loop3A_878 : memref<1x16384xf32, #tpu.memory_space<vmem>> -> memref<16384xf32, #tpu.memory_space<vmem>>
        tpu.vector_store_idx %parallel_loop3A_879[%parallel_loop3A_876], %parallel_loop3A_872 : memref<16384xf32, #tpu.memory_space<vmem>>[vector<16xi32>], vector<16xf32>,
        %parallel_loop3A_880 = arith.constant 5 : i32
        %parallel_loop3A_881 = vector.broadcast %parallel_loop3A_880 : i32 to vector<16xi32>
        %parallel_loop3A_882 = arith.addi %iota3A, %parallel_loop3A_881 : vector<16xi32>
        %parallel_loop3A_883 = arith.constant 15 : i32
        %parallel_loop3A_884 = vector.broadcast %parallel_loop3A_883 : i32 to vector<16xi32>
        %parallel_loop3A_885 = arith.andi %parallel_loop3A_882, %parallel_loop3A_884 : vector<16xi32>
        %parallel_loop3A_886 = vector.broadcast %parallel_loop3A_769 : i32 to vector<16xi32>
        %parallel_loop3A_887 = arith.addi %parallel_loop3A_885, %parallel_loop3A_886 : vector<16xi32>
        %parallel_loop3A_888 = arith.constant 0 : i32
        %parallel_loop3A_889 = arith.constant 0 : i32
        %parallel_loop3A_890 = tpu.memref_slice %arg6[%parallel_loop3A_126, %parallel_loop3A_888, %parallel_loop3A_889] : memref<2x512x32xf32, #tpu.memory_space<vmem>> -> memref<1x512x32xf32, #tpu.memory_space<vmem>>
        %parallel_loop3A_891 = tpu.memref_squeeze %parallel_loop3A_890 : memref<1x512x32xf32, #tpu.memory_space<vmem>> -> memref<512x32xf32, #tpu.memory_space<vmem>>
        %parallel_loop3A_892 = tpu.vector_load_idx %parallel_loop3A_891[%parallel_loop3A_767, %parallel_loop3A_887] : memref<512x32xf32, #tpu.memory_space<vmem>>[vector<16xi32>, vector<16xi32>], vector<16xf32>,
        %parallel_loop3A_893 = arith.constant 7 : i32
        %parallel_loop3A_894 = vector.broadcast %parallel_loop3A_893 : i32 to vector<16xi32>
        %parallel_loop3A_895 = arith.shli %parallel_loop3A_885, %parallel_loop3A_894 : vector<16xi32>
        %parallel_loop3A_896 = arith.addi %parallel_loop3A_779, %parallel_loop3A_895 : vector<16xi32>
        %parallel_loop3A_897 = arith.constant 0 : i32
        %parallel_loop3A_898 = tpu.memref_slice %arg7[%parallel_loop3A_127, %parallel_loop3A_897] : memref<2x16384xf32, #tpu.memory_space<vmem>> -> memref<1x16384xf32, #tpu.memory_space<vmem>>
        %parallel_loop3A_899 = tpu.memref_squeeze %parallel_loop3A_898 : memref<1x16384xf32, #tpu.memory_space<vmem>> -> memref<16384xf32, #tpu.memory_space<vmem>>
        tpu.vector_store_idx %parallel_loop3A_899[%parallel_loop3A_896], %parallel_loop3A_892 : memref<16384xf32, #tpu.memory_space<vmem>>[vector<16xi32>], vector<16xf32>,
        %parallel_loop3A_900 = arith.constant 6 : i32
        %parallel_loop3A_901 = vector.broadcast %parallel_loop3A_900 : i32 to vector<16xi32>
        %parallel_loop3A_902 = arith.addi %iota3A, %parallel_loop3A_901 : vector<16xi32>
        %parallel_loop3A_903 = arith.constant 15 : i32
        %parallel_loop3A_904 = vector.broadcast %parallel_loop3A_903 : i32 to vector<16xi32>
        %parallel_loop3A_905 = arith.andi %parallel_loop3A_902, %parallel_loop3A_904 : vector<16xi32>
        %parallel_loop3A_906 = vector.broadcast %parallel_loop3A_769 : i32 to vector<16xi32>
        %parallel_loop3A_907 = arith.addi %parallel_loop3A_905, %parallel_loop3A_906 : vector<16xi32>
        %parallel_loop3A_908 = arith.constant 0 : i32
        %parallel_loop3A_909 = arith.constant 0 : i32
        %parallel_loop3A_910 = tpu.memref_slice %arg6[%parallel_loop3A_126, %parallel_loop3A_908, %parallel_loop3A_909] : memref<2x512x32xf32, #tpu.memory_space<vmem>> -> memref<1x512x32xf32, #tpu.memory_space<vmem>>
        %parallel_loop3A_911 = tpu.memref_squeeze %parallel_loop3A_910 : memref<1x512x32xf32, #tpu.memory_space<vmem>> -> memref<512x32xf32, #tpu.memory_space<vmem>>
        %parallel_loop3A_912 = tpu.vector_load_idx %parallel_loop3A_911[%parallel_loop3A_767, %parallel_loop3A_907] : memref<512x32xf32, #tpu.memory_space<vmem>>[vector<16xi32>, vector<16xi32>], vector<16xf32>,
        %parallel_loop3A_913 = arith.constant 7 : i32
        %parallel_loop3A_914 = vector.broadcast %parallel_loop3A_913 : i32 to vector<16xi32>
        %parallel_loop3A_915 = arith.shli %parallel_loop3A_905, %parallel_loop3A_914 : vector<16xi32>
        %parallel_loop3A_916 = arith.addi %parallel_loop3A_779, %parallel_loop3A_915 : vector<16xi32>
        %parallel_loop3A_917 = arith.constant 0 : i32
        %parallel_loop3A_918 = tpu.memref_slice %arg7[%parallel_loop3A_127, %parallel_loop3A_917] : memref<2x16384xf32, #tpu.memory_space<vmem>> -> memref<1x16384xf32, #tpu.memory_space<vmem>>
        %parallel_loop3A_919 = tpu.memref_squeeze %parallel_loop3A_918 : memref<1x16384xf32, #tpu.memory_space<vmem>> -> memref<16384xf32, #tpu.memory_space<vmem>>
        tpu.vector_store_idx %parallel_loop3A_919[%parallel_loop3A_916], %parallel_loop3A_912 : memref<16384xf32, #tpu.memory_space<vmem>>[vector<16xi32>], vector<16xf32>,
        %parallel_loop3A_920 = arith.constant 7 : i32
        %parallel_loop3A_921 = vector.broadcast %parallel_loop3A_920 : i32 to vector<16xi32>
        %parallel_loop3A_922 = arith.addi %iota3A, %parallel_loop3A_921 : vector<16xi32>
        %parallel_loop3A_923 = arith.constant 15 : i32
        %parallel_loop3A_924 = vector.broadcast %parallel_loop3A_923 : i32 to vector<16xi32>
        %parallel_loop3A_925 = arith.andi %parallel_loop3A_922, %parallel_loop3A_924 : vector<16xi32>
        %parallel_loop3A_926 = vector.broadcast %parallel_loop3A_769 : i32 to vector<16xi32>
        %parallel_loop3A_927 = arith.addi %parallel_loop3A_925, %parallel_loop3A_926 : vector<16xi32>
        %parallel_loop3A_928 = arith.constant 0 : i32
        %parallel_loop3A_929 = arith.constant 0 : i32
        %parallel_loop3A_930 = tpu.memref_slice %arg6[%parallel_loop3A_126, %parallel_loop3A_928, %parallel_loop3A_929] : memref<2x512x32xf32, #tpu.memory_space<vmem>> -> memref<1x512x32xf32, #tpu.memory_space<vmem>>
        %parallel_loop3A_931 = tpu.memref_squeeze %parallel_loop3A_930 : memref<1x512x32xf32, #tpu.memory_space<vmem>> -> memref<512x32xf32, #tpu.memory_space<vmem>>
        %parallel_loop3A_932 = tpu.vector_load_idx %parallel_loop3A_931[%parallel_loop3A_767, %parallel_loop3A_927] : memref<512x32xf32, #tpu.memory_space<vmem>>[vector<16xi32>, vector<16xi32>], vector<16xf32>,
        %parallel_loop3A_933 = arith.constant 7 : i32
        %parallel_loop3A_934 = vector.broadcast %parallel_loop3A_933 : i32 to vector<16xi32>
        %parallel_loop3A_935 = arith.shli %parallel_loop3A_925, %parallel_loop3A_934 : vector<16xi32>
        %parallel_loop3A_936 = arith.addi %parallel_loop3A_779, %parallel_loop3A_935 : vector<16xi32>
        %parallel_loop3A_937 = arith.constant 0 : i32
        %parallel_loop3A_938 = tpu.memref_slice %arg7[%parallel_loop3A_127, %parallel_loop3A_937] : memref<2x16384xf32, #tpu.memory_space<vmem>> -> memref<1x16384xf32, #tpu.memory_space<vmem>>
        %parallel_loop3A_939 = tpu.memref_squeeze %parallel_loop3A_938 : memref<1x16384xf32, #tpu.memory_space<vmem>> -> memref<16384xf32, #tpu.memory_space<vmem>>
        tpu.vector_store_idx %parallel_loop3A_939[%parallel_loop3A_936], %parallel_loop3A_932 : memref<16384xf32, #tpu.memory_space<vmem>>[vector<16xi32>], vector<16xf32>,
        %parallel_loop3A_940 = arith.constant 8 : i32
        %parallel_loop3A_941 = vector.broadcast %parallel_loop3A_940 : i32 to vector<16xi32>
        %parallel_loop3A_942 = arith.addi %iota3A, %parallel_loop3A_941 : vector<16xi32>
        %parallel_loop3A_943 = arith.constant 15 : i32
        %parallel_loop3A_944 = vector.broadcast %parallel_loop3A_943 : i32 to vector<16xi32>
        %parallel_loop3A_945 = arith.andi %parallel_loop3A_942, %parallel_loop3A_944 : vector<16xi32>
        %parallel_loop3A_946 = vector.broadcast %parallel_loop3A_769 : i32 to vector<16xi32>
        %parallel_loop3A_947 = arith.addi %parallel_loop3A_945, %parallel_loop3A_946 : vector<16xi32>
        %parallel_loop3A_948 = arith.constant 0 : i32
        %parallel_loop3A_949 = arith.constant 0 : i32
        %parallel_loop3A_950 = tpu.memref_slice %arg6[%parallel_loop3A_126, %parallel_loop3A_948, %parallel_loop3A_949] : memref<2x512x32xf32, #tpu.memory_space<vmem>> -> memref<1x512x32xf32, #tpu.memory_space<vmem>>
        %parallel_loop3A_951 = tpu.memref_squeeze %parallel_loop3A_950 : memref<1x512x32xf32, #tpu.memory_space<vmem>> -> memref<512x32xf32, #tpu.memory_space<vmem>>
        %parallel_loop3A_952 = tpu.vector_load_idx %parallel_loop3A_951[%parallel_loop3A_767, %parallel_loop3A_947] : memref<512x32xf32, #tpu.memory_space<vmem>>[vector<16xi32>, vector<16xi32>], vector<16xf32>,
        %parallel_loop3A_953 = arith.constant 7 : i32
        %parallel_loop3A_954 = vector.broadcast %parallel_loop3A_953 : i32 to vector<16xi32>
        %parallel_loop3A_955 = arith.shli %parallel_loop3A_945, %parallel_loop3A_954 : vector<16xi32>
        %parallel_loop3A_956 = arith.addi %parallel_loop3A_779, %parallel_loop3A_955 : vector<16xi32>
        %parallel_loop3A_957 = arith.constant 0 : i32
        %parallel_loop3A_958 = tpu.memref_slice %arg7[%parallel_loop3A_127, %parallel_loop3A_957] : memref<2x16384xf32, #tpu.memory_space<vmem>> -> memref<1x16384xf32, #tpu.memory_space<vmem>>
        %parallel_loop3A_959 = tpu.memref_squeeze %parallel_loop3A_958 : memref<1x16384xf32, #tpu.memory_space<vmem>> -> memref<16384xf32, #tpu.memory_space<vmem>>
        tpu.vector_store_idx %parallel_loop3A_959[%parallel_loop3A_956], %parallel_loop3A_952 : memref<16384xf32, #tpu.memory_space<vmem>>[vector<16xi32>], vector<16xf32>,
        %parallel_loop3A_960 = arith.constant 9 : i32
        %parallel_loop3A_961 = vector.broadcast %parallel_loop3A_960 : i32 to vector<16xi32>
        %parallel_loop3A_962 = arith.addi %iota3A, %parallel_loop3A_961 : vector<16xi32>
        %parallel_loop3A_963 = arith.constant 15 : i32
        %parallel_loop3A_964 = vector.broadcast %parallel_loop3A_963 : i32 to vector<16xi32>
        %parallel_loop3A_965 = arith.andi %parallel_loop3A_962, %parallel_loop3A_964 : vector<16xi32>
        %parallel_loop3A_966 = vector.broadcast %parallel_loop3A_769 : i32 to vector<16xi32>
        %parallel_loop3A_967 = arith.addi %parallel_loop3A_965, %parallel_loop3A_966 : vector<16xi32>
        %parallel_loop3A_968 = arith.constant 0 : i32
        %parallel_loop3A_969 = arith.constant 0 : i32
        %parallel_loop3A_970 = tpu.memref_slice %arg6[%parallel_loop3A_126, %parallel_loop3A_968, %parallel_loop3A_969] : memref<2x512x32xf32, #tpu.memory_space<vmem>> -> memref<1x512x32xf32, #tpu.memory_space<vmem>>
        %parallel_loop3A_971 = tpu.memref_squeeze %parallel_loop3A_970 : memref<1x512x32xf32, #tpu.memory_space<vmem>> -> memref<512x32xf32, #tpu.memory_space<vmem>>
        %parallel_loop3A_972 = tpu.vector_load_idx %parallel_loop3A_971[%parallel_loop3A_767, %parallel_loop3A_967] : memref<512x32xf32, #tpu.memory_space<vmem>>[vector<16xi32>, vector<16xi32>], vector<16xf32>,
        %parallel_loop3A_973 = arith.constant 7 : i32
        %parallel_loop3A_974 = vector.broadcast %parallel_loop3A_973 : i32 to vector<16xi32>
        %parallel_loop3A_975 = arith.shli %parallel_loop3A_965, %parallel_loop3A_974 : vector<16xi32>
        %parallel_loop3A_976 = arith.addi %parallel_loop3A_779, %parallel_loop3A_975 : vector<16xi32>
        %parallel_loop3A_977 = arith.constant 0 : i32
        %parallel_loop3A_978 = tpu.memref_slice %arg7[%parallel_loop3A_127, %parallel_loop3A_977] : memref<2x16384xf32, #tpu.memory_space<vmem>> -> memref<1x16384xf32, #tpu.memory_space<vmem>>
        %parallel_loop3A_979 = tpu.memref_squeeze %parallel_loop3A_978 : memref<1x16384xf32, #tpu.memory_space<vmem>> -> memref<16384xf32, #tpu.memory_space<vmem>>
        tpu.vector_store_idx %parallel_loop3A_979[%parallel_loop3A_976], %parallel_loop3A_972 : memref<16384xf32, #tpu.memory_space<vmem>>[vector<16xi32>], vector<16xf32>,
        %parallel_loop3A_980 = arith.constant 10 : i32
        %parallel_loop3A_981 = vector.broadcast %parallel_loop3A_980 : i32 to vector<16xi32>
        %parallel_loop3A_982 = arith.addi %iota3A, %parallel_loop3A_981 : vector<16xi32>
        %parallel_loop3A_983 = arith.constant 15 : i32
        %parallel_loop3A_984 = vector.broadcast %parallel_loop3A_983 : i32 to vector<16xi32>
        %parallel_loop3A_985 = arith.andi %parallel_loop3A_982, %parallel_loop3A_984 : vector<16xi32>
        %parallel_loop3A_986 = vector.broadcast %parallel_loop3A_769 : i32 to vector<16xi32>
        %parallel_loop3A_987 = arith.addi %parallel_loop3A_985, %parallel_loop3A_986 : vector<16xi32>
        %parallel_loop3A_988 = arith.constant 0 : i32
        %parallel_loop3A_989 = arith.constant 0 : i32
        %parallel_loop3A_990 = tpu.memref_slice %arg6[%parallel_loop3A_126, %parallel_loop3A_988, %parallel_loop3A_989] : memref<2x512x32xf32, #tpu.memory_space<vmem>> -> memref<1x512x32xf32, #tpu.memory_space<vmem>>
        %parallel_loop3A_991 = tpu.memref_squeeze %parallel_loop3A_990 : memref<1x512x32xf32, #tpu.memory_space<vmem>> -> memref<512x32xf32, #tpu.memory_space<vmem>>
        %parallel_loop3A_992 = tpu.vector_load_idx %parallel_loop3A_991[%parallel_loop3A_767, %parallel_loop3A_987] : memref<512x32xf32, #tpu.memory_space<vmem>>[vector<16xi32>, vector<16xi32>], vector<16xf32>,
        %parallel_loop3A_993 = arith.constant 7 : i32
        %parallel_loop3A_994 = vector.broadcast %parallel_loop3A_993 : i32 to vector<16xi32>
        %parallel_loop3A_995 = arith.shli %parallel_loop3A_985, %parallel_loop3A_994 : vector<16xi32>
        %parallel_loop3A_996 = arith.addi %parallel_loop3A_779, %parallel_loop3A_995 : vector<16xi32>
        %parallel_loop3A_997 = arith.constant 0 : i32
        %parallel_loop3A_998 = tpu.memref_slice %arg7[%parallel_loop3A_127, %parallel_loop3A_997] : memref<2x16384xf32, #tpu.memory_space<vmem>> -> memref<1x16384xf32, #tpu.memory_space<vmem>>
        %parallel_loop3A_999 = tpu.memref_squeeze %parallel_loop3A_998 : memref<1x16384xf32, #tpu.memory_space<vmem>> -> memref<16384xf32, #tpu.memory_space<vmem>>
        tpu.vector_store_idx %parallel_loop3A_999[%parallel_loop3A_996], %parallel_loop3A_992 : memref<16384xf32, #tpu.memory_space<vmem>>[vector<16xi32>], vector<16xf32>,
        %parallel_loop3A_1000 = arith.constant 11 : i32
        %parallel_loop3A_1001 = vector.broadcast %parallel_loop3A_1000 : i32 to vector<16xi32>
        %parallel_loop3A_1002 = arith.addi %iota3A, %parallel_loop3A_1001 : vector<16xi32>
        %parallel_loop3A_1003 = arith.constant 15 : i32
        %parallel_loop3A_1004 = vector.broadcast %parallel_loop3A_1003 : i32 to vector<16xi32>
        %parallel_loop3A_1005 = arith.andi %parallel_loop3A_1002, %parallel_loop3A_1004 : vector<16xi32>
        %parallel_loop3A_1006 = vector.broadcast %parallel_loop3A_769 : i32 to vector<16xi32>
        %parallel_loop3A_1007 = arith.addi %parallel_loop3A_1005, %parallel_loop3A_1006 : vector<16xi32>
        %parallel_loop3A_1008 = arith.constant 0 : i32
        %parallel_loop3A_1009 = arith.constant 0 : i32
        %parallel_loop3A_1010 = tpu.memref_slice %arg6[%parallel_loop3A_126, %parallel_loop3A_1008, %parallel_loop3A_1009] : memref<2x512x32xf32, #tpu.memory_space<vmem>> -> memref<1x512x32xf32, #tpu.memory_space<vmem>>
        %parallel_loop3A_1011 = tpu.memref_squeeze %parallel_loop3A_1010 : memref<1x512x32xf32, #tpu.memory_space<vmem>> -> memref<512x32xf32, #tpu.memory_space<vmem>>
        %parallel_loop3A_1012 = tpu.vector_load_idx %parallel_loop3A_1011[%parallel_loop3A_767, %parallel_loop3A_1007] : memref<512x32xf32, #tpu.memory_space<vmem>>[vector<16xi32>, vector<16xi32>], vector<16xf32>,
        %parallel_loop3A_1013 = arith.constant 7 : i32
        %parallel_loop3A_1014 = vector.broadcast %parallel_loop3A_1013 : i32 to vector<16xi32>
        %parallel_loop3A_1015 = arith.shli %parallel_loop3A_1005, %parallel_loop3A_1014 : vector<16xi32>
        %parallel_loop3A_1016 = arith.addi %parallel_loop3A_779, %parallel_loop3A_1015 : vector<16xi32>
        %parallel_loop3A_1017 = arith.constant 0 : i32
        %parallel_loop3A_1018 = tpu.memref_slice %arg7[%parallel_loop3A_127, %parallel_loop3A_1017] : memref<2x16384xf32, #tpu.memory_space<vmem>> -> memref<1x16384xf32, #tpu.memory_space<vmem>>
        %parallel_loop3A_1019 = tpu.memref_squeeze %parallel_loop3A_1018 : memref<1x16384xf32, #tpu.memory_space<vmem>> -> memref<16384xf32, #tpu.memory_space<vmem>>
        tpu.vector_store_idx %parallel_loop3A_1019[%parallel_loop3A_1016], %parallel_loop3A_1012 : memref<16384xf32, #tpu.memory_space<vmem>>[vector<16xi32>], vector<16xf32>,
        %parallel_loop3A_1020 = arith.constant 12 : i32
        %parallel_loop3A_1021 = vector.broadcast %parallel_loop3A_1020 : i32 to vector<16xi32>
        %parallel_loop3A_1022 = arith.addi %iota3A, %parallel_loop3A_1021 : vector<16xi32>
        %parallel_loop3A_1023 = arith.constant 15 : i32
        %parallel_loop3A_1024 = vector.broadcast %parallel_loop3A_1023 : i32 to vector<16xi32>
        %parallel_loop3A_1025 = arith.andi %parallel_loop3A_1022, %parallel_loop3A_1024 : vector<16xi32>
        %parallel_loop3A_1026 = vector.broadcast %parallel_loop3A_769 : i32 to vector<16xi32>
        %parallel_loop3A_1027 = arith.addi %parallel_loop3A_1025, %parallel_loop3A_1026 : vector<16xi32>
        %parallel_loop3A_1028 = arith.constant 0 : i32
        %parallel_loop3A_1029 = arith.constant 0 : i32
        %parallel_loop3A_1030 = tpu.memref_slice %arg6[%parallel_loop3A_126, %parallel_loop3A_1028, %parallel_loop3A_1029] : memref<2x512x32xf32, #tpu.memory_space<vmem>> -> memref<1x512x32xf32, #tpu.memory_space<vmem>>
        %parallel_loop3A_1031 = tpu.memref_squeeze %parallel_loop3A_1030 : memref<1x512x32xf32, #tpu.memory_space<vmem>> -> memref<512x32xf32, #tpu.memory_space<vmem>>
        %parallel_loop3A_1032 = tpu.vector_load_idx %parallel_loop3A_1031[%parallel_loop3A_767, %parallel_loop3A_1027] : memref<512x32xf32, #tpu.memory_space<vmem>>[vector<16xi32>, vector<16xi32>], vector<16xf32>,
        %parallel_loop3A_1033 = arith.constant 7 : i32
        %parallel_loop3A_1034 = vector.broadcast %parallel_loop3A_1033 : i32 to vector<16xi32>
        %parallel_loop3A_1035 = arith.shli %parallel_loop3A_1025, %parallel_loop3A_1034 : vector<16xi32>
        %parallel_loop3A_1036 = arith.addi %parallel_loop3A_779, %parallel_loop3A_1035 : vector<16xi32>
        %parallel_loop3A_1037 = arith.constant 0 : i32
        %parallel_loop3A_1038 = tpu.memref_slice %arg7[%parallel_loop3A_127, %parallel_loop3A_1037] : memref<2x16384xf32, #tpu.memory_space<vmem>> -> memref<1x16384xf32, #tpu.memory_space<vmem>>
        %parallel_loop3A_1039 = tpu.memref_squeeze %parallel_loop3A_1038 : memref<1x16384xf32, #tpu.memory_space<vmem>> -> memref<16384xf32, #tpu.memory_space<vmem>>
        tpu.vector_store_idx %parallel_loop3A_1039[%parallel_loop3A_1036], %parallel_loop3A_1032 : memref<16384xf32, #tpu.memory_space<vmem>>[vector<16xi32>], vector<16xf32>,
        %parallel_loop3A_1040 = arith.constant 13 : i32
        %parallel_loop3A_1041 = vector.broadcast %parallel_loop3A_1040 : i32 to vector<16xi32>
        %parallel_loop3A_1042 = arith.addi %iota3A, %parallel_loop3A_1041 : vector<16xi32>
        %parallel_loop3A_1043 = arith.constant 15 : i32
        %parallel_loop3A_1044 = vector.broadcast %parallel_loop3A_1043 : i32 to vector<16xi32>
        %parallel_loop3A_1045 = arith.andi %parallel_loop3A_1042, %parallel_loop3A_1044 : vector<16xi32>
        %parallel_loop3A_1046 = vector.broadcast %parallel_loop3A_769 : i32 to vector<16xi32>
        %parallel_loop3A_1047 = arith.addi %parallel_loop3A_1045, %parallel_loop3A_1046 : vector<16xi32>
        %parallel_loop3A_1048 = arith.constant 0 : i32
        %parallel_loop3A_1049 = arith.constant 0 : i32
        %parallel_loop3A_1050 = tpu.memref_slice %arg6[%parallel_loop3A_126, %parallel_loop3A_1048, %parallel_loop3A_1049] : memref<2x512x32xf32, #tpu.memory_space<vmem>> -> memref<1x512x32xf32, #tpu.memory_space<vmem>>
        %parallel_loop3A_1051 = tpu.memref_squeeze %parallel_loop3A_1050 : memref<1x512x32xf32, #tpu.memory_space<vmem>> -> memref<512x32xf32, #tpu.memory_space<vmem>>
        %parallel_loop3A_1052 = tpu.vector_load_idx %parallel_loop3A_1051[%parallel_loop3A_767, %parallel_loop3A_1047] : memref<512x32xf32, #tpu.memory_space<vmem>>[vector<16xi32>, vector<16xi32>], vector<16xf32>,
        %parallel_loop3A_1053 = arith.constant 7 : i32
        %parallel_loop3A_1054 = vector.broadcast %parallel_loop3A_1053 : i32 to vector<16xi32>
        %parallel_loop3A_1055 = arith.shli %parallel_loop3A_1045, %parallel_loop3A_1054 : vector<16xi32>
        %parallel_loop3A_1056 = arith.addi %parallel_loop3A_779, %parallel_loop3A_1055 : vector<16xi32>
        %parallel_loop3A_1057 = arith.constant 0 : i32
        %parallel_loop3A_1058 = tpu.memref_slice %arg7[%parallel_loop3A_127, %parallel_loop3A_1057] : memref<2x16384xf32, #tpu.memory_space<vmem>> -> memref<1x16384xf32, #tpu.memory_space<vmem>>
        %parallel_loop3A_1059 = tpu.memref_squeeze %parallel_loop3A_1058 : memref<1x16384xf32, #tpu.memory_space<vmem>> -> memref<16384xf32, #tpu.memory_space<vmem>>
        tpu.vector_store_idx %parallel_loop3A_1059[%parallel_loop3A_1056], %parallel_loop3A_1052 : memref<16384xf32, #tpu.memory_space<vmem>>[vector<16xi32>], vector<16xf32>,
        %parallel_loop3A_1060 = arith.constant 14 : i32
        %parallel_loop3A_1061 = vector.broadcast %parallel_loop3A_1060 : i32 to vector<16xi32>
        %parallel_loop3A_1062 = arith.addi %iota3A, %parallel_loop3A_1061 : vector<16xi32>
        %parallel_loop3A_1063 = arith.constant 15 : i32
        %parallel_loop3A_1064 = vector.broadcast %parallel_loop3A_1063 : i32 to vector<16xi32>
        %parallel_loop3A_1065 = arith.andi %parallel_loop3A_1062, %parallel_loop3A_1064 : vector<16xi32>
        %parallel_loop3A_1066 = vector.broadcast %parallel_loop3A_769 : i32 to vector<16xi32>
        %parallel_loop3A_1067 = arith.addi %parallel_loop3A_1065, %parallel_loop3A_1066 : vector<16xi32>
        %parallel_loop3A_1068 = arith.constant 0 : i32
        %parallel_loop3A_1069 = arith.constant 0 : i32
        %parallel_loop3A_1070 = tpu.memref_slice %arg6[%parallel_loop3A_126, %parallel_loop3A_1068, %parallel_loop3A_1069] : memref<2x512x32xf32, #tpu.memory_space<vmem>> -> memref<1x512x32xf32, #tpu.memory_space<vmem>>
        %parallel_loop3A_1071 = tpu.memref_squeeze %parallel_loop3A_1070 : memref<1x512x32xf32, #tpu.memory_space<vmem>> -> memref<512x32xf32, #tpu.memory_space<vmem>>
        %parallel_loop3A_1072 = tpu.vector_load_idx %parallel_loop3A_1071[%parallel_loop3A_767, %parallel_loop3A_1067] : memref<512x32xf32, #tpu.memory_space<vmem>>[vector<16xi32>, vector<16xi32>], vector<16xf32>,
        %parallel_loop3A_1073 = arith.constant 7 : i32
        %parallel_loop3A_1074 = vector.broadcast %parallel_loop3A_1073 : i32 to vector<16xi32>
        %parallel_loop3A_1075 = arith.shli %parallel_loop3A_1065, %parallel_loop3A_1074 : vector<16xi32>
        %parallel_loop3A_1076 = arith.addi %parallel_loop3A_779, %parallel_loop3A_1075 : vector<16xi32>
        %parallel_loop3A_1077 = arith.constant 0 : i32
        %parallel_loop3A_1078 = tpu.memref_slice %arg7[%parallel_loop3A_127, %parallel_loop3A_1077] : memref<2x16384xf32, #tpu.memory_space<vmem>> -> memref<1x16384xf32, #tpu.memory_space<vmem>>
        %parallel_loop3A_1079 = tpu.memref_squeeze %parallel_loop3A_1078 : memref<1x16384xf32, #tpu.memory_space<vmem>> -> memref<16384xf32, #tpu.memory_space<vmem>>
        tpu.vector_store_idx %parallel_loop3A_1079[%parallel_loop3A_1076], %parallel_loop3A_1072 : memref<16384xf32, #tpu.memory_space<vmem>>[vector<16xi32>], vector<16xf32>,
        %parallel_loop3A_1080 = arith.constant 15 : i32
        %parallel_loop3A_1081 = vector.broadcast %parallel_loop3A_1080 : i32 to vector<16xi32>
        %parallel_loop3A_1082 = arith.addi %iota3A, %parallel_loop3A_1081 : vector<16xi32>
        %parallel_loop3A_1083 = arith.constant 15 : i32
        %parallel_loop3A_1084 = vector.broadcast %parallel_loop3A_1083 : i32 to vector<16xi32>
        %parallel_loop3A_1085 = arith.andi %parallel_loop3A_1082, %parallel_loop3A_1084 : vector<16xi32>
        %parallel_loop3A_1086 = vector.broadcast %parallel_loop3A_769 : i32 to vector<16xi32>
        %parallel_loop3A_1087 = arith.addi %parallel_loop3A_1085, %parallel_loop3A_1086 : vector<16xi32>
        %parallel_loop3A_1088 = arith.constant 0 : i32
        %parallel_loop3A_1089 = arith.constant 0 : i32
        %parallel_loop3A_1090 = tpu.memref_slice %arg6[%parallel_loop3A_126, %parallel_loop3A_1088, %parallel_loop3A_1089] : memref<2x512x32xf32, #tpu.memory_space<vmem>> -> memref<1x512x32xf32, #tpu.memory_space<vmem>>
        %parallel_loop3A_1091 = tpu.memref_squeeze %parallel_loop3A_1090 : memref<1x512x32xf32, #tpu.memory_space<vmem>> -> memref<512x32xf32, #tpu.memory_space<vmem>>
        %parallel_loop3A_1092 = tpu.vector_load_idx %parallel_loop3A_1091[%parallel_loop3A_767, %parallel_loop3A_1087] : memref<512x32xf32, #tpu.memory_space<vmem>>[vector<16xi32>, vector<16xi32>], vector<16xf32>,
        %parallel_loop3A_1093 = arith.constant 7 : i32
        %parallel_loop3A_1094 = vector.broadcast %parallel_loop3A_1093 : i32 to vector<16xi32>
        %parallel_loop3A_1095 = arith.shli %parallel_loop3A_1085, %parallel_loop3A_1094 : vector<16xi32>
        %parallel_loop3A_1096 = arith.addi %parallel_loop3A_779, %parallel_loop3A_1095 : vector<16xi32>
        %parallel_loop3A_1097 = arith.constant 0 : i32
        %parallel_loop3A_1098 = tpu.memref_slice %arg7[%parallel_loop3A_127, %parallel_loop3A_1097] : memref<2x16384xf32, #tpu.memory_space<vmem>> -> memref<1x16384xf32, #tpu.memory_space<vmem>>
        %parallel_loop3A_1099 = tpu.memref_squeeze %parallel_loop3A_1098 : memref<1x16384xf32, #tpu.memory_space<vmem>> -> memref<16384xf32, #tpu.memory_space<vmem>>
        tpu.vector_store_idx %parallel_loop3A_1099[%parallel_loop3A_1096], %parallel_loop3A_1092 : memref<16384xf32, #tpu.memory_space<vmem>>[vector<16xi32>], vector<16xf32>,
      } {sc.loop_unroll_factor = 4 : i64, sc.parallel_access}
      %add3A_128 = arith.addi %mul3A_2, %add3A_100 : i32
      %shift_right_arithmetic3A = arith.constant 8 : i32
      %shift_right_arithmetic3A_129 = arith.shrsi %add3A_128, %shift_right_arithmetic3A : i32
      %shift_right_arithmetic3A_130 = arith.constant 1 : i32
      %shift_right_arithmetic3A_131 = arith.shrsi %add3A_128, %shift_right_arithmetic3A_130 : i32
      %and3A = arith.constant 127 : i32
      %and3A_132 = arith.andi %shift_right_arithmetic3A_131, %and3A : i32
      %and3A_133 = arith.constant 1 : i32
      %and3A_134 = arith.andi %add3A_128, %and3A_133 : i32
      %mul3A_135 = arith.constant 8 : i32
      %mul3A_136 = arith.muli %shift_right_arithmetic3A_129, %mul3A_135 : i32
      %mul3A_137 = arith.constant 4 : i32
      %mul3A_138 = arith.muli %and3A_134, %mul3A_137 : i32
      %add3A_139 = arith.addi %mul3A_136, %mul3A_138 : i32
      %add3A_140 = arith.constant 0 : i32
      %add3A_141 = arith.addi %add3A_139, %add3A_140 : i32
      %mul3A_142 = arith.constant 4 : i32
      %mul3A_143 = arith.muli %add3A_141, %mul3A_142 : i32
      %mul3A_144 = arith.constant 128 : i32
      %mul3A_145 = arith.muli %mul3A_143, %mul3A_144 : i32
      %add3A_146 = arith.addi %mul3A_145, %and3A_132 : i32
      %mul3A_147 = arith.constant 1024 : i32
      %mul3A_148 = arith.muli %add3A_146, %mul3A_147 : i32
      %add3A_149 = arith.constant 0 : i32
      %add3A_150 = arith.addi %mul3A_148, %add3A_149 : i32
      %dma_start3A_151 = arith.constant 0 : i32
      %dma_start3A_152 = arith.constant 0 : i32
      %dma_start3A_153 = arith.constant 0 : i32
      %dma_start3A_154 = tpu.memref_slice %arg7[%dma_start3A_151, %dma_start3A_153] : memref<2x16384xf32, #tpu.memory_space<vmem>> -> memref<1x1024xf32, #tpu.memory_space<vmem>>
      %dma_start3A_155 = tpu.memref_squeeze %dma_start3A_154 : memref<1x1024xf32, #tpu.memory_space<vmem>> -> memref<1024xf32, #tpu.memory_space<vmem>>
      %dma_start3A_156 = tpu.memref_slice %arg4[%add3A_150] : memref<104857600xf32, #tpu.memory_space<hbm>> -> memref<1024xf32, #tpu.memory_space<hbm>>
      %dma_start3A_157 = tpu.memref_slice %arg10[%dma_start3A_152] : memref<2x!tpu.dma_semaphore, #tpu.memory_space<semaphore_mem>> -> memref<1x!tpu.dma_semaphore, #tpu.memory_space<semaphore_mem>>
      %dma_start3A_158 = tpu.memref_squeeze %dma_start3A_157 : memref<1x!tpu.dma_semaphore, #tpu.memory_space<semaphore_mem>> -> memref<!tpu.dma_semaphore, #tpu.memory_space<semaphore_mem>>
      %dma_start3A_159 = tpu.memref_slice %arg4[%add3A_150] : memref<104857600xf32, #tpu.memory_space<hbm>> -> memref<1024xf32, #tpu.memory_space<hbm>>
      %dma_start3A_160 = arith.constant 0 : i32
      %dma_start3A_161 = tpu.memref_slice %arg7[%dma_start3A_151, %dma_start3A_160] : memref<2x16384xf32, #tpu.memory_space<vmem>> -> memref<1x1024xf32, #tpu.memory_space<vmem>>
      %dma_start3A_162 = tpu.memref_squeeze %dma_start3A_161 : memref<1x1024xf32, #tpu.memory_space<vmem>> -> memref<1024xf32, #tpu.memory_space<vmem>>
      tpu.enqueue_dma source(%dma_start3A_162 : memref<1024xf32, #tpu.memory_space<vmem>>) target(%dma_start3A_159 : memref<1024xf32, #tpu.memory_space<hbm>>) target_semaphore(%dma_start3A_158 : memref<!tpu.dma_semaphore, #tpu.memory_space<semaphore_mem>>)
      %add3A_163 = arith.constant 131072 : i32
      %add3A_164 = arith.addi %mul3A_148, %add3A_163 : i32
      %dma_start3A_165 = arith.constant 0 : i32
      %dma_start3A_166 = arith.constant 0 : i32
      %dma_start3A_167 = arith.constant 1024 : i32
      %dma_start3A_168 = tpu.memref_slice %arg7[%dma_start3A_165, %dma_start3A_167] : memref<2x16384xf32, #tpu.memory_space<vmem>> -> memref<1x1024xf32, #tpu.memory_space<vmem>>
      %dma_start3A_169 = tpu.memref_squeeze %dma_start3A_168 : memref<1x1024xf32, #tpu.memory_space<vmem>> -> memref<1024xf32, #tpu.memory_space<vmem>>
      %dma_start3A_170 = tpu.memref_slice %arg4[%add3A_164] : memref<104857600xf32, #tpu.memory_space<hbm>> -> memref<1024xf32, #tpu.memory_space<hbm>>
      %dma_start3A_171 = tpu.memref_slice %arg10[%dma_start3A_166] : memref<2x!tpu.dma_semaphore, #tpu.memory_space<semaphore_mem>> -> memref<1x!tpu.dma_semaphore, #tpu.memory_space<semaphore_mem>>
      %dma_start3A_172 = tpu.memref_squeeze %dma_start3A_171 : memref<1x!tpu.dma_semaphore, #tpu.memory_space<semaphore_mem>> -> memref<!tpu.dma_semaphore, #tpu.memory_space<semaphore_mem>>
      %dma_start3A_173 = tpu.memref_slice %arg4[%add3A_164] : memref<104857600xf32, #tpu.memory_space<hbm>> -> memref<1024xf32, #tpu.memory_space<hbm>>
      %dma_start3A_174 = arith.constant 1024 : i32
      %dma_start3A_175 = tpu.memref_slice %arg7[%dma_start3A_165, %dma_start3A_174] : memref<2x16384xf32, #tpu.memory_space<vmem>> -> memref<1x1024xf32, #tpu.memory_space<vmem>>
      %dma_start3A_176 = tpu.memref_squeeze %dma_start3A_175 : memref<1x1024xf32, #tpu.memory_space<vmem>> -> memref<1024xf32, #tpu.memory_space<vmem>>
      tpu.enqueue_dma source(%dma_start3A_176 : memref<1024xf32, #tpu.memory_space<vmem>>) target(%dma_start3A_173 : memref<1024xf32, #tpu.memory_space<hbm>>) target_semaphore(%dma_start3A_172 : memref<!tpu.dma_semaphore, #tpu.memory_space<semaphore_mem>>)
      %add3A_177 = arith.constant 262144 : i32
      %add3A_178 = arith.addi %mul3A_148, %add3A_177 : i32
      %dma_start3A_179 = arith.constant 0 : i32
      %dma_start3A_180 = arith.constant 0 : i32
      %dma_start3A_181 = arith.constant 2048 : i32
      %dma_start3A_182 = tpu.memref_slice %arg7[%dma_start3A_179, %dma_start3A_181] : memref<2x16384xf32, #tpu.memory_space<vmem>> -> memref<1x1024xf32, #tpu.memory_space<vmem>>
      %dma_start3A_183 = tpu.memref_squeeze %dma_start3A_182 : memref<1x1024xf32, #tpu.memory_space<vmem>> -> memref<1024xf32, #tpu.memory_space<vmem>>
      %dma_start3A_184 = tpu.memref_slice %arg4[%add3A_178] : memref<104857600xf32, #tpu.memory_space<hbm>> -> memref<1024xf32, #tpu.memory_space<hbm>>
      %dma_start3A_185 = tpu.memref_slice %arg10[%dma_start3A_180] : memref<2x!tpu.dma_semaphore, #tpu.memory_space<semaphore_mem>> -> memref<1x!tpu.dma_semaphore, #tpu.memory_space<semaphore_mem>>
      %dma_start3A_186 = tpu.memref_squeeze %dma_start3A_185 : memref<1x!tpu.dma_semaphore, #tpu.memory_space<semaphore_mem>> -> memref<!tpu.dma_semaphore, #tpu.memory_space<semaphore_mem>>
      %dma_start3A_187 = tpu.memref_slice %arg4[%add3A_178] : memref<104857600xf32, #tpu.memory_space<hbm>> -> memref<1024xf32, #tpu.memory_space<hbm>>
      %dma_start3A_188 = arith.constant 2048 : i32
      %dma_start3A_189 = tpu.memref_slice %arg7[%dma_start3A_179, %dma_start3A_188] : memref<2x16384xf32, #tpu.memory_space<vmem>> -> memref<1x1024xf32, #tpu.memory_space<vmem>>
      %dma_start3A_190 = tpu.memref_squeeze %dma_start3A_189 : memref<1x1024xf32, #tpu.memory_space<vmem>> -> memref<1024xf32, #tpu.memory_space<vmem>>
      tpu.enqueue_dma source(%dma_start3A_190 : memref<1024xf32, #tpu.memory_space<vmem>>) target(%dma_start3A_187 : memref<1024xf32, #tpu.memory_space<hbm>>) target_semaphore(%dma_start3A_186 : memref<!tpu.dma_semaphore, #tpu.memory_space<semaphore_mem>>)
      %add3A_191 = arith.constant 393216 : i32
      %add3A_192 = arith.addi %mul3A_148, %add3A_191 : i32
      %dma_start3A_193 = arith.constant 0 : i32
      %dma_start3A_194 = arith.constant 0 : i32
      %dma_start3A_195 = arith.constant 3072 : i32
      %dma_start3A_196 = tpu.memref_slice %arg7[%dma_start3A_193, %dma_start3A_195] : memref<2x16384xf32, #tpu.memory_space<vmem>> -> memref<1x1024xf32, #tpu.memory_space<vmem>>
      %dma_start3A_197 = tpu.memref_squeeze %dma_start3A_196 : memref<1x1024xf32, #tpu.memory_space<vmem>> -> memref<1024xf32, #tpu.memory_space<vmem>>
      %dma_start3A_198 = tpu.memref_slice %arg4[%add3A_192] : memref<104857600xf32, #tpu.memory_space<hbm>> -> memref<1024xf32, #tpu.memory_space<hbm>>
      %dma_start3A_199 = tpu.memref_slice %arg10[%dma_start3A_194] : memref<2x!tpu.dma_semaphore, #tpu.memory_space<semaphore_mem>> -> memref<1x!tpu.dma_semaphore, #tpu.memory_space<semaphore_mem>>
      %dma_start3A_200 = tpu.memref_squeeze %dma_start3A_199 : memref<1x!tpu.dma_semaphore, #tpu.memory_space<semaphore_mem>> -> memref<!tpu.dma_semaphore, #tpu.memory_space<semaphore_mem>>
      %dma_start3A_201 = tpu.memref_slice %arg4[%add3A_192] : memref<104857600xf32, #tpu.memory_space<hbm>> -> memref<1024xf32, #tpu.memory_space<hbm>>
      %dma_start3A_202 = arith.constant 3072 : i32
      %dma_start3A_203 = tpu.memref_slice %arg7[%dma_start3A_193, %dma_start3A_202] : memref<2x16384xf32, #tpu.memory_space<vmem>> -> memref<1x1024xf32, #tpu.memory_space<vmem>>
      %dma_start3A_204 = tpu.memref_squeeze %dma_start3A_203 : memref<1x1024xf32, #tpu.memory_space<vmem>> -> memref<1024xf32, #tpu.memory_space<vmem>>
      tpu.enqueue_dma source(%dma_start3A_204 : memref<1024xf32, #tpu.memory_space<vmem>>) target(%dma_start3A_201 : memref<1024xf32, #tpu.memory_space<hbm>>) target_semaphore(%dma_start3A_200 : memref<!tpu.dma_semaphore, #tpu.memory_space<semaphore_mem>>)
      %mul3A_205 = arith.constant 8 : i32
      %mul3A_206 = arith.muli %shift_right_arithmetic3A_129, %mul3A_205 : i32
      %mul3A_207 = arith.constant 4 : i32
      %mul3A_208 = arith.muli %and3A_134, %mul3A_207 : i32
      %add3A_209 = arith.addi %mul3A_206, %mul3A_208 : i32
      %add3A_210 = arith.constant 1 : i32
      %add3A_211 = arith.addi %add3A_209, %add3A_210 : i32
      %mul3A_212 = arith.constant 4 : i32
      %mul3A_213 = arith.muli %add3A_211, %mul3A_212 : i32
      %mul3A_214 = arith.constant 128 : i32
      %mul3A_215 = arith.muli %mul3A_213, %mul3A_214 : i32
      %add3A_216 = arith.addi %mul3A_215, %and3A_132 : i32
      %mul3A_217 = arith.constant 1024 : i32
      %mul3A_218 = arith.muli %add3A_216, %mul3A_217 : i32
      %add3A_219 = arith.constant 0 : i32
      %add3A_220 = arith.addi %mul3A_218, %add3A_219 : i32
      %dma_start3A_221 = arith.constant 0 : i32
      %dma_start3A_222 = arith.constant 0 : i32
      %dma_start3A_223 = arith.constant 4096 : i32
      %dma_start3A_224 = tpu.memref_slice %arg7[%dma_start3A_221, %dma_start3A_223] : memref<2x16384xf32, #tpu.memory_space<vmem>> -> memref<1x1024xf32, #tpu.memory_space<vmem>>
      %dma_start3A_225 = tpu.memref_squeeze %dma_start3A_224 : memref<1x1024xf32, #tpu.memory_space<vmem>> -> memref<1024xf32, #tpu.memory_space<vmem>>
      %dma_start3A_226 = tpu.memref_slice %arg4[%add3A_220] : memref<104857600xf32, #tpu.memory_space<hbm>> -> memref<1024xf32, #tpu.memory_space<hbm>>
      %dma_start3A_227 = tpu.memref_slice %arg10[%dma_start3A_222] : memref<2x!tpu.dma_semaphore, #tpu.memory_space<semaphore_mem>> -> memref<1x!tpu.dma_semaphore, #tpu.memory_space<semaphore_mem>>
      %dma_start3A_228 = tpu.memref_squeeze %dma_start3A_227 : memref<1x!tpu.dma_semaphore, #tpu.memory_space<semaphore_mem>> -> memref<!tpu.dma_semaphore, #tpu.memory_space<semaphore_mem>>
      %dma_start3A_229 = tpu.memref_slice %arg4[%add3A_220] : memref<104857600xf32, #tpu.memory_space<hbm>> -> memref<1024xf32, #tpu.memory_space<hbm>>
      %dma_start3A_230 = arith.constant 4096 : i32
      %dma_start3A_231 = tpu.memref_slice %arg7[%dma_start3A_221, %dma_start3A_230] : memref<2x16384xf32, #tpu.memory_space<vmem>> -> memref<1x1024xf32, #tpu.memory_space<vmem>>
      %dma_start3A_232 = tpu.memref_squeeze %dma_start3A_231 : memref<1x1024xf32, #tpu.memory_space<vmem>> -> memref<1024xf32, #tpu.memory_space<vmem>>
      tpu.enqueue_dma source(%dma_start3A_232 : memref<1024xf32, #tpu.memory_space<vmem>>) target(%dma_start3A_229 : memref<1024xf32, #tpu.memory_space<hbm>>) target_semaphore(%dma_start3A_228 : memref<!tpu.dma_semaphore, #tpu.memory_space<semaphore_mem>>)
      %add3A_233 = arith.constant 131072 : i32
      %add3A_234 = arith.addi %mul3A_218, %add3A_233 : i32
      %dma_start3A_235 = arith.constant 0 : i32
      %dma_start3A_236 = arith.constant 0 : i32
      %dma_start3A_237 = arith.constant 5120 : i32
      %dma_start3A_238 = tpu.memref_slice %arg7[%dma_start3A_235, %dma_start3A_237] : memref<2x16384xf32, #tpu.memory_space<vmem>> -> memref<1x1024xf32, #tpu.memory_space<vmem>>
      %dma_start3A_239 = tpu.memref_squeeze %dma_start3A_238 : memref<1x1024xf32, #tpu.memory_space<vmem>> -> memref<1024xf32, #tpu.memory_space<vmem>>
      %dma_start3A_240 = tpu.memref_slice %arg4[%add3A_234] : memref<104857600xf32, #tpu.memory_space<hbm>> -> memref<1024xf32, #tpu.memory_space<hbm>>
      %dma_start3A_241 = tpu.memref_slice %arg10[%dma_start3A_236] : memref<2x!tpu.dma_semaphore, #tpu.memory_space<semaphore_mem>> -> memref<1x!tpu.dma_semaphore, #tpu.memory_space<semaphore_mem>>
      %dma_start3A_242 = tpu.memref_squeeze %dma_start3A_241 : memref<1x!tpu.dma_semaphore, #tpu.memory_space<semaphore_mem>> -> memref<!tpu.dma_semaphore, #tpu.memory_space<semaphore_mem>>
      %dma_start3A_243 = tpu.memref_slice %arg4[%add3A_234] : memref<104857600xf32, #tpu.memory_space<hbm>> -> memref<1024xf32, #tpu.memory_space<hbm>>
      %dma_start3A_244 = arith.constant 5120 : i32
      %dma_start3A_245 = tpu.memref_slice %arg7[%dma_start3A_235, %dma_start3A_244] : memref<2x16384xf32, #tpu.memory_space<vmem>> -> memref<1x1024xf32, #tpu.memory_space<vmem>>
      %dma_start3A_246 = tpu.memref_squeeze %dma_start3A_245 : memref<1x1024xf32, #tpu.memory_space<vmem>> -> memref<1024xf32, #tpu.memory_space<vmem>>
      tpu.enqueue_dma source(%dma_start3A_246 : memref<1024xf32, #tpu.memory_space<vmem>>) target(%dma_start3A_243 : memref<1024xf32, #tpu.memory_space<hbm>>) target_semaphore(%dma_start3A_242 : memref<!tpu.dma_semaphore, #tpu.memory_space<semaphore_mem>>)
      %add3A_247 = arith.constant 262144 : i32
      %add3A_248 = arith.addi %mul3A_218, %add3A_247 : i32
      %dma_start3A_249 = arith.constant 0 : i32
      %dma_start3A_250 = arith.constant 0 : i32
      %dma_start3A_251 = arith.constant 6144 : i32
      %dma_start3A_252 = tpu.memref_slice %arg7[%dma_start3A_249, %dma_start3A_251] : memref<2x16384xf32, #tpu.memory_space<vmem>> -> memref<1x1024xf32, #tpu.memory_space<vmem>>
      %dma_start3A_253 = tpu.memref_squeeze %dma_start3A_252 : memref<1x1024xf32, #tpu.memory_space<vmem>> -> memref<1024xf32, #tpu.memory_space<vmem>>
      %dma_start3A_254 = tpu.memref_slice %arg4[%add3A_248] : memref<104857600xf32, #tpu.memory_space<hbm>> -> memref<1024xf32, #tpu.memory_space<hbm>>
      %dma_start3A_255 = tpu.memref_slice %arg10[%dma_start3A_250] : memref<2x!tpu.dma_semaphore, #tpu.memory_space<semaphore_mem>> -> memref<1x!tpu.dma_semaphore, #tpu.memory_space<semaphore_mem>>
      %dma_start3A_256 = tpu.memref_squeeze %dma_start3A_255 : memref<1x!tpu.dma_semaphore, #tpu.memory_space<semaphore_mem>> -> memref<!tpu.dma_semaphore, #tpu.memory_space<semaphore_mem>>
      %dma_start3A_257 = tpu.memref_slice %arg4[%add3A_248] : memref<104857600xf32, #tpu.memory_space<hbm>> -> memref<1024xf32, #tpu.memory_space<hbm>>
      %dma_start3A_258 = arith.constant 6144 : i32
      %dma_start3A_259 = tpu.memref_slice %arg7[%dma_start3A_249, %dma_start3A_258] : memref<2x16384xf32, #tpu.memory_space<vmem>> -> memref<1x1024xf32, #tpu.memory_space<vmem>>
      %dma_start3A_260 = tpu.memref_squeeze %dma_start3A_259 : memref<1x1024xf32, #tpu.memory_space<vmem>> -> memref<1024xf32, #tpu.memory_space<vmem>>
      tpu.enqueue_dma source(%dma_start3A_260 : memref<1024xf32, #tpu.memory_space<vmem>>) target(%dma_start3A_257 : memref<1024xf32, #tpu.memory_space<hbm>>) target_semaphore(%dma_start3A_256 : memref<!tpu.dma_semaphore, #tpu.memory_space<semaphore_mem>>)
      %add3A_261 = arith.constant 393216 : i32
      %add3A_262 = arith.addi %mul3A_218, %add3A_261 : i32
      %dma_start3A_263 = arith.constant 0 : i32
      %dma_start3A_264 = arith.constant 0 : i32
      %dma_start3A_265 = arith.constant 7168 : i32
      %dma_start3A_266 = tpu.memref_slice %arg7[%dma_start3A_263, %dma_start3A_265] : memref<2x16384xf32, #tpu.memory_space<vmem>> -> memref<1x1024xf32, #tpu.memory_space<vmem>>
      %dma_start3A_267 = tpu.memref_squeeze %dma_start3A_266 : memref<1x1024xf32, #tpu.memory_space<vmem>> -> memref<1024xf32, #tpu.memory_space<vmem>>
      %dma_start3A_268 = tpu.memref_slice %arg4[%add3A_262] : memref<104857600xf32, #tpu.memory_space<hbm>> -> memref<1024xf32, #tpu.memory_space<hbm>>
      %dma_start3A_269 = tpu.memref_slice %arg10[%dma_start3A_264] : memref<2x!tpu.dma_semaphore, #tpu.memory_space<semaphore_mem>> -> memref<1x!tpu.dma_semaphore, #tpu.memory_space<semaphore_mem>>
      %dma_start3A_270 = tpu.memref_squeeze %dma_start3A_269 : memref<1x!tpu.dma_semaphore, #tpu.memory_space<semaphore_mem>> -> memref<!tpu.dma_semaphore, #tpu.memory_space<semaphore_mem>>
      %dma_start3A_271 = tpu.memref_slice %arg4[%add3A_262] : memref<104857600xf32, #tpu.memory_space<hbm>> -> memref<1024xf32, #tpu.memory_space<hbm>>
      %dma_start3A_272 = arith.constant 7168 : i32
      %dma_start3A_273 = tpu.memref_slice %arg7[%dma_start3A_263, %dma_start3A_272] : memref<2x16384xf32, #tpu.memory_space<vmem>> -> memref<1x1024xf32, #tpu.memory_space<vmem>>
      %dma_start3A_274 = tpu.memref_squeeze %dma_start3A_273 : memref<1x1024xf32, #tpu.memory_space<vmem>> -> memref<1024xf32, #tpu.memory_space<vmem>>
      tpu.enqueue_dma source(%dma_start3A_274 : memref<1024xf32, #tpu.memory_space<vmem>>) target(%dma_start3A_271 : memref<1024xf32, #tpu.memory_space<hbm>>) target_semaphore(%dma_start3A_270 : memref<!tpu.dma_semaphore, #tpu.memory_space<semaphore_mem>>)
      %mul3A_275 = arith.constant 8 : i32
      %mul3A_276 = arith.muli %shift_right_arithmetic3A_129, %mul3A_275 : i32
      %mul3A_277 = arith.constant 4 : i32
      %mul3A_278 = arith.muli %and3A_134, %mul3A_277 : i32
      %add3A_279 = arith.addi %mul3A_276, %mul3A_278 : i32
      %add3A_280 = arith.constant 2 : i32
      %add3A_281 = arith.addi %add3A_279, %add3A_280 : i32
      %mul3A_282 = arith.constant 4 : i32
      %mul3A_283 = arith.muli %add3A_281, %mul3A_282 : i32
      %mul3A_284 = arith.constant 128 : i32
      %mul3A_285 = arith.muli %mul3A_283, %mul3A_284 : i32
      %add3A_286 = arith.addi %mul3A_285, %and3A_132 : i32
      %mul3A_287 = arith.constant 1024 : i32
      %mul3A_288 = arith.muli %add3A_286, %mul3A_287 : i32
      %add3A_289 = arith.constant 0 : i32
      %add3A_290 = arith.addi %mul3A_288, %add3A_289 : i32
      %dma_start3A_291 = arith.constant 0 : i32
      %dma_start3A_292 = arith.constant 0 : i32
      %dma_start3A_293 = arith.constant 8192 : i32
      %dma_start3A_294 = tpu.memref_slice %arg7[%dma_start3A_291, %dma_start3A_293] : memref<2x16384xf32, #tpu.memory_space<vmem>> -> memref<1x1024xf32, #tpu.memory_space<vmem>>
      %dma_start3A_295 = tpu.memref_squeeze %dma_start3A_294 : memref<1x1024xf32, #tpu.memory_space<vmem>> -> memref<1024xf32, #tpu.memory_space<vmem>>
      %dma_start3A_296 = tpu.memref_slice %arg4[%add3A_290] : memref<104857600xf32, #tpu.memory_space<hbm>> -> memref<1024xf32, #tpu.memory_space<hbm>>
      %dma_start3A_297 = tpu.memref_slice %arg10[%dma_start3A_292] : memref<2x!tpu.dma_semaphore, #tpu.memory_space<semaphore_mem>> -> memref<1x!tpu.dma_semaphore, #tpu.memory_space<semaphore_mem>>
      %dma_start3A_298 = tpu.memref_squeeze %dma_start3A_297 : memref<1x!tpu.dma_semaphore, #tpu.memory_space<semaphore_mem>> -> memref<!tpu.dma_semaphore, #tpu.memory_space<semaphore_mem>>
      %dma_start3A_299 = tpu.memref_slice %arg4[%add3A_290] : memref<104857600xf32, #tpu.memory_space<hbm>> -> memref<1024xf32, #tpu.memory_space<hbm>>
      %dma_start3A_300 = arith.constant 8192 : i32
      %dma_start3A_301 = tpu.memref_slice %arg7[%dma_start3A_291, %dma_start3A_300] : memref<2x16384xf32, #tpu.memory_space<vmem>> -> memref<1x1024xf32, #tpu.memory_space<vmem>>
      %dma_start3A_302 = tpu.memref_squeeze %dma_start3A_301 : memref<1x1024xf32, #tpu.memory_space<vmem>> -> memref<1024xf32, #tpu.memory_space<vmem>>
      tpu.enqueue_dma source(%dma_start3A_302 : memref<1024xf32, #tpu.memory_space<vmem>>) target(%dma_start3A_299 : memref<1024xf32, #tpu.memory_space<hbm>>) target_semaphore(%dma_start3A_298 : memref<!tpu.dma_semaphore, #tpu.memory_space<semaphore_mem>>)
      %add3A_303 = arith.constant 131072 : i32
      %add3A_304 = arith.addi %mul3A_288, %add3A_303 : i32
      %dma_start3A_305 = arith.constant 0 : i32
      %dma_start3A_306 = arith.constant 0 : i32
      %dma_start3A_307 = arith.constant 9216 : i32
      %dma_start3A_308 = tpu.memref_slice %arg7[%dma_start3A_305, %dma_start3A_307] : memref<2x16384xf32, #tpu.memory_space<vmem>> -> memref<1x1024xf32, #tpu.memory_space<vmem>>
      %dma_start3A_309 = tpu.memref_squeeze %dma_start3A_308 : memref<1x1024xf32, #tpu.memory_space<vmem>> -> memref<1024xf32, #tpu.memory_space<vmem>>
      %dma_start3A_310 = tpu.memref_slice %arg4[%add3A_304] : memref<104857600xf32, #tpu.memory_space<hbm>> -> memref<1024xf32, #tpu.memory_space<hbm>>
      %dma_start3A_311 = tpu.memref_slice %arg10[%dma_start3A_306] : memref<2x!tpu.dma_semaphore, #tpu.memory_space<semaphore_mem>> -> memref<1x!tpu.dma_semaphore, #tpu.memory_space<semaphore_mem>>
      %dma_start3A_312 = tpu.memref_squeeze %dma_start3A_311 : memref<1x!tpu.dma_semaphore, #tpu.memory_space<semaphore_mem>> -> memref<!tpu.dma_semaphore, #tpu.memory_space<semaphore_mem>>
      %dma_start3A_313 = tpu.memref_slice %arg4[%add3A_304] : memref<104857600xf32, #tpu.memory_space<hbm>> -> memref<1024xf32, #tpu.memory_space<hbm>>
      %dma_start3A_314 = arith.constant 9216 : i32
      %dma_start3A_315 = tpu.memref_slice %arg7[%dma_start3A_305, %dma_start3A_314] : memref<2x16384xf32, #tpu.memory_space<vmem>> -> memref<1x1024xf32, #tpu.memory_space<vmem>>
      %dma_start3A_316 = tpu.memref_squeeze %dma_start3A_315 : memref<1x1024xf32, #tpu.memory_space<vmem>> -> memref<1024xf32, #tpu.memory_space<vmem>>
      tpu.enqueue_dma source(%dma_start3A_316 : memref<1024xf32, #tpu.memory_space<vmem>>) target(%dma_start3A_313 : memref<1024xf32, #tpu.memory_space<hbm>>) target_semaphore(%dma_start3A_312 : memref<!tpu.dma_semaphore, #tpu.memory_space<semaphore_mem>>)
      %add3A_317 = arith.constant 262144 : i32
      %add3A_318 = arith.addi %mul3A_288, %add3A_317 : i32
      %dma_start3A_319 = arith.constant 0 : i32
      %dma_start3A_320 = arith.constant 0 : i32
      %dma_start3A_321 = arith.constant 10240 : i32
      %dma_start3A_322 = tpu.memref_slice %arg7[%dma_start3A_319, %dma_start3A_321] : memref<2x16384xf32, #tpu.memory_space<vmem>> -> memref<1x1024xf32, #tpu.memory_space<vmem>>
      %dma_start3A_323 = tpu.memref_squeeze %dma_start3A_322 : memref<1x1024xf32, #tpu.memory_space<vmem>> -> memref<1024xf32, #tpu.memory_space<vmem>>
      %dma_start3A_324 = tpu.memref_slice %arg4[%add3A_318] : memref<104857600xf32, #tpu.memory_space<hbm>> -> memref<1024xf32, #tpu.memory_space<hbm>>
      %dma_start3A_325 = tpu.memref_slice %arg10[%dma_start3A_320] : memref<2x!tpu.dma_semaphore, #tpu.memory_space<semaphore_mem>> -> memref<1x!tpu.dma_semaphore, #tpu.memory_space<semaphore_mem>>
      %dma_start3A_326 = tpu.memref_squeeze %dma_start3A_325 : memref<1x!tpu.dma_semaphore, #tpu.memory_space<semaphore_mem>> -> memref<!tpu.dma_semaphore, #tpu.memory_space<semaphore_mem>>
      %dma_start3A_327 = tpu.memref_slice %arg4[%add3A_318] : memref<104857600xf32, #tpu.memory_space<hbm>> -> memref<1024xf32, #tpu.memory_space<hbm>>
      %dma_start3A_328 = arith.constant 10240 : i32
      %dma_start3A_329 = tpu.memref_slice %arg7[%dma_start3A_319, %dma_start3A_328] : memref<2x16384xf32, #tpu.memory_space<vmem>> -> memref<1x1024xf32, #tpu.memory_space<vmem>>
      %dma_start3A_330 = tpu.memref_squeeze %dma_start3A_329 : memref<1x1024xf32, #tpu.memory_space<vmem>> -> memref<1024xf32, #tpu.memory_space<vmem>>
      tpu.enqueue_dma source(%dma_start3A_330 : memref<1024xf32, #tpu.memory_space<vmem>>) target(%dma_start3A_327 : memref<1024xf32, #tpu.memory_space<hbm>>) target_semaphore(%dma_start3A_326 : memref<!tpu.dma_semaphore, #tpu.memory_space<semaphore_mem>>)
      %add3A_331 = arith.constant 393216 : i32
      %add3A_332 = arith.addi %mul3A_288, %add3A_331 : i32
      %dma_start3A_333 = arith.constant 0 : i32
      %dma_start3A_334 = arith.constant 0 : i32
      %dma_start3A_335 = arith.constant 11264 : i32
      %dma_start3A_336 = tpu.memref_slice %arg7[%dma_start3A_333, %dma_start3A_335] : memref<2x16384xf32, #tpu.memory_space<vmem>> -> memref<1x1024xf32, #tpu.memory_space<vmem>>
      %dma_start3A_337 = tpu.memref_squeeze %dma_start3A_336 : memref<1x1024xf32, #tpu.memory_space<vmem>> -> memref<1024xf32, #tpu.memory_space<vmem>>
      %dma_start3A_338 = tpu.memref_slice %arg4[%add3A_332] : memref<104857600xf32, #tpu.memory_space<hbm>> -> memref<1024xf32, #tpu.memory_space<hbm>>
      %dma_start3A_339 = tpu.memref_slice %arg10[%dma_start3A_334] : memref<2x!tpu.dma_semaphore, #tpu.memory_space<semaphore_mem>> -> memref<1x!tpu.dma_semaphore, #tpu.memory_space<semaphore_mem>>
      %dma_start3A_340 = tpu.memref_squeeze %dma_start3A_339 : memref<1x!tpu.dma_semaphore, #tpu.memory_space<semaphore_mem>> -> memref<!tpu.dma_semaphore, #tpu.memory_space<semaphore_mem>>
      %dma_start3A_341 = tpu.memref_slice %arg4[%add3A_332] : memref<104857600xf32, #tpu.memory_space<hbm>> -> memref<1024xf32, #tpu.memory_space<hbm>>
      %dma_start3A_342 = arith.constant 11264 : i32
      %dma_start3A_343 = tpu.memref_slice %arg7[%dma_start3A_333, %dma_start3A_342] : memref<2x16384xf32, #tpu.memory_space<vmem>> -> memref<1x1024xf32, #tpu.memory_space<vmem>>
      %dma_start3A_344 = tpu.memref_squeeze %dma_start3A_343 : memref<1x1024xf32, #tpu.memory_space<vmem>> -> memref<1024xf32, #tpu.memory_space<vmem>>
      tpu.enqueue_dma source(%dma_start3A_344 : memref<1024xf32, #tpu.memory_space<vmem>>) target(%dma_start3A_341 : memref<1024xf32, #tpu.memory_space<hbm>>) target_semaphore(%dma_start3A_340 : memref<!tpu.dma_semaphore, #tpu.memory_space<semaphore_mem>>)
      %mul3A_345 = arith.constant 8 : i32
      %mul3A_346 = arith.muli %shift_right_arithmetic3A_129, %mul3A_345 : i32
      %mul3A_347 = arith.constant 4 : i32
      %mul3A_348 = arith.muli %and3A_134, %mul3A_347 : i32
      %add3A_349 = arith.addi %mul3A_346, %mul3A_348 : i32
      %add3A_350 = arith.constant 3 : i32
      %add3A_351 = arith.addi %add3A_349, %add3A_350 : i32
      %mul3A_352 = arith.constant 4 : i32
      %mul3A_353 = arith.muli %add3A_351, %mul3A_352 : i32
      %mul3A_354 = arith.constant 128 : i32
      %mul3A_355 = arith.muli %mul3A_353, %mul3A_354 : i32
      %add3A_356 = arith.addi %mul3A_355, %and3A_132 : i32
      %mul3A_357 = arith.constant 1024 : i32
      %mul3A_358 = arith.muli %add3A_356, %mul3A_357 : i32
      %add3A_359 = arith.constant 0 : i32
      %add3A_360 = arith.addi %mul3A_358, %add3A_359 : i32
      %dma_start3A_361 = arith.constant 0 : i32
      %dma_start3A_362 = arith.constant 0 : i32
      %dma_start3A_363 = arith.constant 12288 : i32
      %dma_start3A_364 = tpu.memref_slice %arg7[%dma_start3A_361, %dma_start3A_363] : memref<2x16384xf32, #tpu.memory_space<vmem>> -> memref<1x1024xf32, #tpu.memory_space<vmem>>
      %dma_start3A_365 = tpu.memref_squeeze %dma_start3A_364 : memref<1x1024xf32, #tpu.memory_space<vmem>> -> memref<1024xf32, #tpu.memory_space<vmem>>
      %dma_start3A_366 = tpu.memref_slice %arg4[%add3A_360] : memref<104857600xf32, #tpu.memory_space<hbm>> -> memref<1024xf32, #tpu.memory_space<hbm>>
      %dma_start3A_367 = tpu.memref_slice %arg10[%dma_start3A_362] : memref<2x!tpu.dma_semaphore, #tpu.memory_space<semaphore_mem>> -> memref<1x!tpu.dma_semaphore, #tpu.memory_space<semaphore_mem>>
      %dma_start3A_368 = tpu.memref_squeeze %dma_start3A_367 : memref<1x!tpu.dma_semaphore, #tpu.memory_space<semaphore_mem>> -> memref<!tpu.dma_semaphore, #tpu.memory_space<semaphore_mem>>
      %dma_start3A_369 = tpu.memref_slice %arg4[%add3A_360] : memref<104857600xf32, #tpu.memory_space<hbm>> -> memref<1024xf32, #tpu.memory_space<hbm>>
      %dma_start3A_370 = arith.constant 12288 : i32
      %dma_start3A_371 = tpu.memref_slice %arg7[%dma_start3A_361, %dma_start3A_370] : memref<2x16384xf32, #tpu.memory_space<vmem>> -> memref<1x1024xf32, #tpu.memory_space<vmem>>
      %dma_start3A_372 = tpu.memref_squeeze %dma_start3A_371 : memref<1x1024xf32, #tpu.memory_space<vmem>> -> memref<1024xf32, #tpu.memory_space<vmem>>
      tpu.enqueue_dma source(%dma_start3A_372 : memref<1024xf32, #tpu.memory_space<vmem>>) target(%dma_start3A_369 : memref<1024xf32, #tpu.memory_space<hbm>>) target_semaphore(%dma_start3A_368 : memref<!tpu.dma_semaphore, #tpu.memory_space<semaphore_mem>>)
      %add3A_373 = arith.constant 131072 : i32
      %add3A_374 = arith.addi %mul3A_358, %add3A_373 : i32
      %dma_start3A_375 = arith.constant 0 : i32
      %dma_start3A_376 = arith.constant 0 : i32
      %dma_start3A_377 = arith.constant 13312 : i32
      %dma_start3A_378 = tpu.memref_slice %arg7[%dma_start3A_375, %dma_start3A_377] : memref<2x16384xf32, #tpu.memory_space<vmem>> -> memref<1x1024xf32, #tpu.memory_space<vmem>>
      %dma_start3A_379 = tpu.memref_squeeze %dma_start3A_378 : memref<1x1024xf32, #tpu.memory_space<vmem>> -> memref<1024xf32, #tpu.memory_space<vmem>>
      %dma_start3A_380 = tpu.memref_slice %arg4[%add3A_374] : memref<104857600xf32, #tpu.memory_space<hbm>> -> memref<1024xf32, #tpu.memory_space<hbm>>
      %dma_start3A_381 = tpu.memref_slice %arg10[%dma_start3A_376] : memref<2x!tpu.dma_semaphore, #tpu.memory_space<semaphore_mem>> -> memref<1x!tpu.dma_semaphore, #tpu.memory_space<semaphore_mem>>
      %dma_start3A_382 = tpu.memref_squeeze %dma_start3A_381 : memref<1x!tpu.dma_semaphore, #tpu.memory_space<semaphore_mem>> -> memref<!tpu.dma_semaphore, #tpu.memory_space<semaphore_mem>>
      %dma_start3A_383 = tpu.memref_slice %arg4[%add3A_374] : memref<104857600xf32, #tpu.memory_space<hbm>> -> memref<1024xf32, #tpu.memory_space<hbm>>
      %dma_start3A_384 = arith.constant 13312 : i32
      %dma_start3A_385 = tpu.memref_slice %arg7[%dma_start3A_375, %dma_start3A_384] : memref<2x16384xf32, #tpu.memory_space<vmem>> -> memref<1x1024xf32, #tpu.memory_space<vmem>>
      %dma_start3A_386 = tpu.memref_squeeze %dma_start3A_385 : memref<1x1024xf32, #tpu.memory_space<vmem>> -> memref<1024xf32, #tpu.memory_space<vmem>>
      tpu.enqueue_dma source(%dma_start3A_386 : memref<1024xf32, #tpu.memory_space<vmem>>) target(%dma_start3A_383 : memref<1024xf32, #tpu.memory_space<hbm>>) target_semaphore(%dma_start3A_382 : memref<!tpu.dma_semaphore, #tpu.memory_space<semaphore_mem>>)
      %add3A_387 = arith.constant 262144 : i32
      %add3A_388 = arith.addi %mul3A_358, %add3A_387 : i32
      %dma_start3A_389 = arith.constant 0 : i32
      %dma_start3A_390 = arith.constant 0 : i32
      %dma_start3A_391 = arith.constant 14336 : i32
      %dma_start3A_392 = tpu.memref_slice %arg7[%dma_start3A_389, %dma_start3A_391] : memref<2x16384xf32, #tpu.memory_space<vmem>> -> memref<1x1024xf32, #tpu.memory_space<vmem>>
      %dma_start3A_393 = tpu.memref_squeeze %dma_start3A_392 : memref<1x1024xf32, #tpu.memory_space<vmem>> -> memref<1024xf32, #tpu.memory_space<vmem>>
      %dma_start3A_394 = tpu.memref_slice %arg4[%add3A_388] : memref<104857600xf32, #tpu.memory_space<hbm>> -> memref<1024xf32, #tpu.memory_space<hbm>>
      %dma_start3A_395 = tpu.memref_slice %arg10[%dma_start3A_390] : memref<2x!tpu.dma_semaphore, #tpu.memory_space<semaphore_mem>> -> memref<1x!tpu.dma_semaphore, #tpu.memory_space<semaphore_mem>>
      %dma_start3A_396 = tpu.memref_squeeze %dma_start3A_395 : memref<1x!tpu.dma_semaphore, #tpu.memory_space<semaphore_mem>> -> memref<!tpu.dma_semaphore, #tpu.memory_space<semaphore_mem>>
      %dma_start3A_397 = tpu.memref_slice %arg4[%add3A_388] : memref<104857600xf32, #tpu.memory_space<hbm>> -> memref<1024xf32, #tpu.memory_space<hbm>>
      %dma_start3A_398 = arith.constant 14336 : i32
      %dma_start3A_399 = tpu.memref_slice %arg7[%dma_start3A_389, %dma_start3A_398] : memref<2x16384xf32, #tpu.memory_space<vmem>> -> memref<1x1024xf32, #tpu.memory_space<vmem>>
      %dma_start3A_400 = tpu.memref_squeeze %dma_start3A_399 : memref<1x1024xf32, #tpu.memory_space<vmem>> -> memref<1024xf32, #tpu.memory_space<vmem>>
      tpu.enqueue_dma source(%dma_start3A_400 : memref<1024xf32, #tpu.memory_space<vmem>>) target(%dma_start3A_397 : memref<1024xf32, #tpu.memory_space<hbm>>) target_semaphore(%dma_start3A_396 : memref<!tpu.dma_semaphore, #tpu.memory_space<semaphore_mem>>)
      %add3A_401 = arith.constant 393216 : i32
      %add3A_402 = arith.addi %mul3A_358, %add3A_401 : i32
      %dma_start3A_403 = arith.constant 0 : i32
      %dma_start3A_404 = arith.constant 0 : i32
      %dma_start3A_405 = arith.constant 15360 : i32
      %dma_start3A_406 = tpu.memref_slice %arg7[%dma_start3A_403, %dma_start3A_405] : memref<2x16384xf32, #tpu.memory_space<vmem>> -> memref<1x1024xf32, #tpu.memory_space<vmem>>
      %dma_start3A_407 = tpu.memref_squeeze %dma_start3A_406 : memref<1x1024xf32, #tpu.memory_space<vmem>> -> memref<1024xf32, #tpu.memory_space<vmem>>
      %dma_start3A_408 = tpu.memref_slice %arg4[%add3A_402] : memref<104857600xf32, #tpu.memory_space<hbm>> -> memref<1024xf32, #tpu.memory_space<hbm>>
      %dma_start3A_409 = tpu.memref_slice %arg10[%dma_start3A_404] : memref<2x!tpu.dma_semaphore, #tpu.memory_space<semaphore_mem>> -> memref<1x!tpu.dma_semaphore, #tpu.memory_space<semaphore_mem>>
      %dma_start3A_410 = tpu.memref_squeeze %dma_start3A_409 : memref<1x!tpu.dma_semaphore, #tpu.memory_space<semaphore_mem>> -> memref<!tpu.dma_semaphore, #tpu.memory_space<semaphore_mem>>
      %dma_start3A_411 = tpu.memref_slice %arg4[%add3A_402] : memref<104857600xf32, #tpu.memory_space<hbm>> -> memref<1024xf32, #tpu.memory_space<hbm>>
      %dma_start3A_412 = arith.constant 15360 : i32
      %dma_start3A_413 = tpu.memref_slice %arg7[%dma_start3A_403, %dma_start3A_412] : memref<2x16384xf32, #tpu.memory_space<vmem>> -> memref<1x1024xf32, #tpu.memory_space<vmem>>
      %dma_start3A_414 = tpu.memref_squeeze %dma_start3A_413 : memref<1x1024xf32, #tpu.memory_space<vmem>> -> memref<1024xf32, #tpu.memory_space<vmem>>
      tpu.enqueue_dma source(%dma_start3A_414 : memref<1024xf32, #tpu.memory_space<vmem>>) target(%dma_start3A_411 : memref<1024xf32, #tpu.memory_space<hbm>>) target_semaphore(%dma_start3A_410 : memref<!tpu.dma_semaphore, #tpu.memory_space<semaphore_mem>>)
      %add3A_415 = arith.constant 2 : i32
      %add3A_416 = arith.addi %add3A_100, %add3A_415 : i32
      %lt3A_417 = arith.constant 200 : i32
      %lt3A_418 = arith.cmpi slt, %add3A_416, %lt3A_417 : i32
      %convert_element_type3A_419 = arith.extui %lt3A_418 : i1 to i32
      %cond3A_420 = arith.constant 0 : i32
      %cond3A_421 = arith.cmpi ne, %convert_element_type3A_419, %cond3A_420 : i32
      scf.if %cond3A_421 {
        %add3A_752 = arith.constant 2 : i32
        %add3A_753 = arith.addi %add3A_100, %add3A_752 : i32
        %add3A_754 = arith.addi %mul3A_2, %add3A_753 : i32
        %mul3A_755 = arith.constant 512 : i32
        %mul3A_756 = arith.muli %add3A_754, %mul3A_755 : i32
        %dma_start3A_757 = arith.constant 0 : i32
        %dma_start3A_758 = arith.constant 0 : i32
        %dma_start3A_759 = arith.constant 0 : i32
        %dma_start3A_760 = tpu.memref_slice %arg5[%dma_start3A_757, %dma_start3A_759] : memref<2x512xi32, #tpu.memory_space<vmem>> -> memref<1x512xi32, #tpu.memory_space<vmem>>
        %dma_start3A_761 = tpu.memref_squeeze %dma_start3A_760 : memref<1x512xi32, #tpu.memory_space<vmem>> -> memref<512xi32, #tpu.memory_space<vmem>>
        %dma_start3A_762 = tpu.memref_slice %arg2[%mul3A_756] : memref<3276800xi32, #tpu.memory_space<hbm>> -> memref<512xi32, #tpu.memory_space<hbm>>
        %dma_start3A_763 = tpu.memref_slice %arg8[%dma_start3A_758] : memref<2x!tpu.dma_semaphore, #tpu.memory_space<semaphore_mem>> -> memref<1x!tpu.dma_semaphore, #tpu.memory_space<semaphore_mem>>
        %dma_start3A_764 = tpu.memref_squeeze %dma_start3A_763 : memref<1x!tpu.dma_semaphore, #tpu.memory_space<semaphore_mem>> -> memref<!tpu.dma_semaphore, #tpu.memory_space<semaphore_mem>>
        %dma_start3A_765 = arith.constant 0 : i32
        %dma_start3A_766 = tpu.memref_slice %arg5[%dma_start3A_757, %dma_start3A_765] : memref<2x512xi32, #tpu.memory_space<vmem>> -> memref<1x512xi32, #tpu.memory_space<vmem>>
        %dma_start3A_767 = tpu.memref_squeeze %dma_start3A_766 : memref<1x512xi32, #tpu.memory_space<vmem>> -> memref<512xi32, #tpu.memory_space<vmem>>
        %dma_start3A_768 = tpu.memref_slice %arg2[%mul3A_756] : memref<3276800xi32, #tpu.memory_space<hbm>> -> memref<512xi32, #tpu.memory_space<hbm>>
        tpu.enqueue_dma source(%dma_start3A_768 : memref<512xi32, #tpu.memory_space<hbm>>) target(%dma_start3A_767 : memref<512xi32, #tpu.memory_space<vmem>>) target_semaphore(%dma_start3A_764 : memref<!tpu.dma_semaphore, #tpu.memory_space<semaphore_mem>>)
      } else {
      }
      %add3A_422 = arith.constant 1 : i32
      %add3A_423 = arith.addi %add3A_98, %add3A_422 : i32
      %add3A_424 = arith.constant 1 : i32
      %add3A_425 = arith.addi %add3A_423, %add3A_424 : i32
      %lt3A_426 = arith.constant 200 : i32
      %lt3A_427 = arith.cmpi slt, %add3A_425, %lt3A_426 : i32
      %convert_element_type3A_428 = arith.extui %lt3A_427 : i1 to i32
      %cond3A_429 = arith.constant 0 : i32
      %cond3A_430 = arith.cmpi ne, %convert_element_type3A_428, %cond3A_429 : i32
      scf.if %cond3A_430 {
        %dma_wait3A_752 = arith.constant 0 : i32
        %dma_wait3A_753 = arith.constant 0 : i32
        %dma_wait3A_754 = arith.constant 0 : i32
        %dma_wait3A_755 = tpu.memref_slice %arg5[%dma_wait3A_752, %dma_wait3A_754] : memref<2x512xi32, #tpu.memory_space<vmem>> -> memref<1x512xi32, #tpu.memory_space<vmem>>
        %dma_wait3A_756 = tpu.memref_squeeze %dma_wait3A_755 : memref<1x512xi32, #tpu.memory_space<vmem>> -> memref<512xi32, #tpu.memory_space<vmem>>
        %dma_wait3A_757 = arith.constant 0 : i32
        %dma_wait3A_758 = tpu.memref_slice %arg2[%dma_wait3A_757] : memref<3276800xi32, #tpu.memory_space<hbm>> -> memref<512xi32, #tpu.memory_space<hbm>>
        %dma_wait3A_759 = tpu.memref_slice %arg8[%dma_wait3A_753] : memref<2x!tpu.dma_semaphore, #tpu.memory_space<semaphore_mem>> -> memref<1x!tpu.dma_semaphore, #tpu.memory_space<semaphore_mem>>
        %dma_wait3A_760 = tpu.memref_squeeze %dma_wait3A_759 : memref<1x!tpu.dma_semaphore, #tpu.memory_space<semaphore_mem>> -> memref<!tpu.dma_semaphore, #tpu.memory_space<semaphore_mem>>
        %dma_wait3A_761 = arith.constant 0 : i32
        %dma_wait3A_762 = tpu.memref_slice %arg5[%dma_wait3A_752, %dma_wait3A_761] : memref<2x512xi32, #tpu.memory_space<vmem>> -> memref<1x512xi32, #tpu.memory_space<vmem>>
        %dma_wait3A_763 = tpu.memref_squeeze %dma_wait3A_762 : memref<1x512xi32, #tpu.memory_space<vmem>> -> memref<512xi32, #tpu.memory_space<vmem>>
        %dma_wait3A_764 = arith.constant 0 : i32
        %dma_wait3A_765 = tpu.memref_slice %arg2[%dma_wait3A_764] : memref<3276800xi32, #tpu.memory_space<hbm>> -> memref<512xi32, #tpu.memory_space<hbm>>
        tpu.wait_dma2 semaphore(%dma_wait3A_760 : memref<!tpu.dma_semaphore, #tpu.memory_space<semaphore_mem>>) src(%dma_wait3A_765 : memref<512xi32, #tpu.memory_space<hbm>>) dst(%dma_wait3A_763 : memref<512xi32, #tpu.memory_space<vmem>>)
        %dma_start3A_766 = arith.constant 0 : i32
        %dma_start3A_767 = arith.constant 0 : i32
        %dma_start3A_768 = arith.constant 0 : i32
        %dma_start3A_769 = arith.constant 0 : i32
        %dma_start3A_770 = arith.constant 0 : i32
        %dma_start3A_771 = tpu.memref_slice %arg6[%dma_start3A_767, %dma_start3A_769, %dma_start3A_770] : memref<2x512x32xf32, #tpu.memory_space<vmem>> -> memref<1x512x32xf32, #tpu.memory_space<vmem>>
        %dma_start3A_772 = tpu.memref_squeeze %dma_start3A_771 : memref<1x512x32xf32, #tpu.memory_space<vmem>> -> memref<512x32xf32, #tpu.memory_space<vmem>>
        %dma_start3A_773 = arith.constant 0 : i32
        %dma_start3A_774 = tpu.memref_slice %arg5[%dma_start3A_766, %dma_start3A_773] : memref<2x512xi32, #tpu.memory_space<vmem>> -> memref<1x512xi32, #tpu.memory_space<vmem>>
        %dma_start3A_775 = tpu.memref_squeeze %dma_start3A_774 : memref<1x512xi32, #tpu.memory_space<vmem>> -> memref<512xi32, #tpu.memory_space<vmem>>
        %dma_start3A_776 = arith.constant 0 : i32
        %dma_start3A_777 = arith.constant 0 : i32
        %dma_start3A_778 = tpu.memref_slice %arg3[%dma_start3A_776, %dma_start3A_777] : memref<100000x32xf32, #tpu.memory_space<hbm>> -> memref<100000x32xf32, #tpu.memory_space<hbm>>
        %dma_start3A_779 = tpu.memref_slice %arg9[%dma_start3A_768] : memref<2x!tpu.dma_semaphore, #tpu.memory_space<semaphore_mem>> -> memref<1x!tpu.dma_semaphore, #tpu.memory_space<semaphore_mem>>
        %dma_start3A_780 = tpu.memref_squeeze %dma_start3A_779 : memref<1x!tpu.dma_semaphore, #tpu.memory_space<semaphore_mem>> -> memref<!tpu.dma_semaphore, #tpu.memory_space<semaphore_mem>>
        tpu.enqueue_indirect_dma source(%dma_start3A_778 : memref<100000x32xf32, #tpu.memory_space<hbm>>) target(%dma_start3A_772 : memref<512x32xf32, #tpu.memory_space<vmem>>) offsets(%dma_start3A_775 : memref<512xi32, #tpu.memory_space<vmem>>) semaphore(%dma_start3A_780 : memref<!tpu.dma_semaphore, #tpu.memory_space<semaphore_mem>>)
      } else {
      }
      %dma_wait3A_431 = arith.constant 1 : i32
      %dma_wait3A_432 = arith.constant 1 : i32
      %dma_wait3A_433 = arith.constant 1 : i32
      %dma_wait3A_434 = arith.constant 0 : i32
      %dma_wait3A_435 = arith.constant 0 : i32
      %dma_wait3A_436 = tpu.memref_slice %arg6[%dma_wait3A_432, %dma_wait3A_434, %dma_wait3A_435] : memref<2x512x32xf32, #tpu.memory_space<vmem>> -> memref<1x512x32xf32, #tpu.memory_space<vmem>>
      %dma_wait3A_437 = tpu.memref_squeeze %dma_wait3A_436 : memref<1x512x32xf32, #tpu.memory_space<vmem>> -> memref<512x32xf32, #tpu.memory_space<vmem>>
      %dma_wait3A_438 = arith.constant 0 : i32
      %dma_wait3A_439 = tpu.memref_slice %arg5[%dma_wait3A_431, %dma_wait3A_438] : memref<2x512xi32, #tpu.memory_space<vmem>> -> memref<1x512xi32, #tpu.memory_space<vmem>>
      %dma_wait3A_440 = tpu.memref_squeeze %dma_wait3A_439 : memref<1x512xi32, #tpu.memory_space<vmem>> -> memref<512xi32, #tpu.memory_space<vmem>>
      %dma_wait3A_441 = arith.constant 0 : i32
      %dma_wait3A_442 = arith.constant 0 : i32
      %dma_wait3A_443 = tpu.memref_slice %arg3[%dma_wait3A_441, %dma_wait3A_442] : memref<100000x32xf32, #tpu.memory_space<hbm>> -> memref<100000x32xf32, #tpu.memory_space<hbm>>
      %dma_wait3A_444 = tpu.memref_slice %arg9[%dma_wait3A_433] : memref<2x!tpu.dma_semaphore, #tpu.memory_space<semaphore_mem>> -> memref<1x!tpu.dma_semaphore, #tpu.memory_space<semaphore_mem>>
      %dma_wait3A_445 = tpu.memref_squeeze %dma_wait3A_444 : memref<1x!tpu.dma_semaphore, #tpu.memory_space<semaphore_mem>> -> memref<!tpu.dma_semaphore, #tpu.memory_space<semaphore_mem>>
      tpu.wait_indirect_dma semaphore(%dma_wait3A_445 : memref<!tpu.dma_semaphore, #tpu.memory_space<semaphore_mem>>) src(%dma_wait3A_443 : memref<100000x32xf32, #tpu.memory_space<hbm>>) dst(%dma_wait3A_437 : memref<512x32xf32, #tpu.memory_space<vmem>>)
      %ge3A_446 = arith.constant 2 : i32
      %ge3A_447 = arith.cmpi sge, %add3A_423, %ge3A_446 : i32
      %convert_element_type3A_448 = arith.extui %ge3A_447 : i1 to i32
      %cond3A_449 = arith.constant 0 : i32
      %cond3A_450 = arith.cmpi ne, %convert_element_type3A_448, %cond3A_449 : i32
      scf.if %cond3A_450 {
        %dma_wait3A_752 = arith.constant 1 : i32
        %dma_wait3A_753 = arith.constant 1 : i32
        %dma_wait3A_754 = arith.constant 0 : i32
        %dma_wait3A_755 = tpu.memref_slice %arg7[%dma_wait3A_752, %dma_wait3A_754] : memref<2x16384xf32, #tpu.memory_space<vmem>> -> memref<1x16384xf32, #tpu.memory_space<vmem>>
        %dma_wait3A_756 = tpu.memref_squeeze %dma_wait3A_755 : memref<1x16384xf32, #tpu.memory_space<vmem>> -> memref<16384xf32, #tpu.memory_space<vmem>>
        %dma_wait3A_757 = arith.constant 0 : i32
        %dma_wait3A_758 = tpu.memref_slice %arg4[%dma_wait3A_757] : memref<104857600xf32, #tpu.memory_space<hbm>> -> memref<16384xf32, #tpu.memory_space<hbm>>
        %dma_wait3A_759 = tpu.memref_slice %arg10[%dma_wait3A_753] : memref<2x!tpu.dma_semaphore, #tpu.memory_space<semaphore_mem>> -> memref<1x!tpu.dma_semaphore, #tpu.memory_space<semaphore_mem>>
        %dma_wait3A_760 = tpu.memref_squeeze %dma_wait3A_759 : memref<1x!tpu.dma_semaphore, #tpu.memory_space<semaphore_mem>> -> memref<!tpu.dma_semaphore, #tpu.memory_space<semaphore_mem>>
        %dma_wait3A_761 = arith.constant 0 : i32
        %dma_wait3A_762 = tpu.memref_slice %arg7[%dma_wait3A_752, %dma_wait3A_761] : memref<2x16384xf32, #tpu.memory_space<vmem>> -> memref<1x16384xf32, #tpu.memory_space<vmem>>
        %dma_wait3A_763 = tpu.memref_squeeze %dma_wait3A_762 : memref<1x16384xf32, #tpu.memory_space<vmem>> -> memref<16384xf32, #tpu.memory_space<vmem>>
        %dma_wait3A_764 = arith.constant 0 : i32
        %dma_wait3A_765 = tpu.memref_slice %arg4[%dma_wait3A_764] : memref<104857600xf32, #tpu.memory_space<hbm>> -> memref<16384xf32, #tpu.memory_space<hbm>>
        tpu.wait_dma2 semaphore(%dma_wait3A_760 : memref<!tpu.dma_semaphore, #tpu.memory_space<semaphore_mem>>) src(%dma_wait3A_765 : memref<16384xf32, #tpu.memory_space<hbm>>) dst(%dma_wait3A_763 : memref<16384xf32, #tpu.memory_space<vmem>>)
      } else {
      }
      %parallel_loop3A_451 = arith.constant 0 : i32
      %parallel_loop3A_452 = arith.constant 64 : i32
      %parallel_loop3A_453 = arith.constant 1 : i32
      %parallel_loop3A_454 = arith.constant 1 : i32
      %parallel_loop3A_455 = arith.constant 1 : i32
      scf.for %parallel_loop3A_752 = %parallel_loop3A_451 to %parallel_loop3A_452 step %parallel_loop3A_453  : i32 {
        %parallel_loop3A_753 = arith.constant 4 : i32
        %parallel_loop3A_754 = arith.shrsi %parallel_loop3A_752, %parallel_loop3A_753 : i32
        %parallel_loop3A_755 = arith.constant 1 : i32
        %parallel_loop3A_756 = arith.shrsi %parallel_loop3A_752, %parallel_loop3A_755 : i32
        %parallel_loop3A_757 = arith.constant 7 : i32
        %parallel_loop3A_758 = arith.andi %parallel_loop3A_756, %parallel_loop3A_757 : i32
        %parallel_loop3A_759 = arith.constant 1 : i32
        %parallel_loop3A_760 = arith.andi %parallel_loop3A_752, %parallel_loop3A_759 : i32
        %parallel_loop3A_761 = arith.constant 7 : i32
        %parallel_loop3A_762 = arith.shli %parallel_loop3A_754, %parallel_loop3A_761 : i32
        %parallel_loop3A_763 = arith.constant 4 : i32
        %parallel_loop3A_764 = arith.shli %parallel_loop3A_758, %parallel_loop3A_763 : i32
        %parallel_loop3A_765 = arith.ori %parallel_loop3A_762, %parallel_loop3A_764 : i32
        %parallel_loop3A_766 = vector.broadcast %parallel_loop3A_765 : i32 to vector<16xi32>
        %parallel_loop3A_767 = arith.addi %iota3A, %parallel_loop3A_766 : vector<16xi32>
        %parallel_loop3A_768 = arith.constant 4 : i32
        %parallel_loop3A_769 = arith.shli %parallel_loop3A_760, %parallel_loop3A_768 : i32
        %parallel_loop3A_770 = arith.constant 12 : i32
        %parallel_loop3A_771 = arith.shli %parallel_loop3A_754, %parallel_loop3A_770 : i32
        %parallel_loop3A_772 = arith.constant 11 : i32
        %parallel_loop3A_773 = arith.shli %parallel_loop3A_760, %parallel_loop3A_772 : i32
        %parallel_loop3A_774 = arith.ori %parallel_loop3A_771, %parallel_loop3A_773 : i32
        %parallel_loop3A_775 = arith.constant 4 : i32
        %parallel_loop3A_776 = arith.shli %parallel_loop3A_758, %parallel_loop3A_775 : i32
        %parallel_loop3A_777 = arith.ori %parallel_loop3A_774, %parallel_loop3A_776 : i32
        %parallel_loop3A_778 = vector.broadcast %parallel_loop3A_777 : i32 to vector<16xi32>
        %parallel_loop3A_779 = arith.addi %iota3A, %parallel_loop3A_778 : vector<16xi32>
        %parallel_loop3A_780 = arith.constant 0 : i32
        %parallel_loop3A_781 = vector.broadcast %parallel_loop3A_780 : i32 to vector<16xi32>
        %parallel_loop3A_782 = arith.addi %iota3A, %parallel_loop3A_781 : vector<16xi32>
        %parallel_loop3A_783 = arith.constant 15 : i32
        %parallel_loop3A_784 = vector.broadcast %parallel_loop3A_783 : i32 to vector<16xi32>
        %parallel_loop3A_785 = arith.andi %parallel_loop3A_782, %parallel_loop3A_784 : vector<16xi32>
        %parallel_loop3A_786 = vector.broadcast %parallel_loop3A_769 : i32 to vector<16xi32>
        %parallel_loop3A_787 = arith.addi %parallel_loop3A_785, %parallel_loop3A_786 : vector<16xi32>
        %parallel_loop3A_788 = arith.constant 0 : i32
        %parallel_loop3A_789 = arith.constant 0 : i32
        %parallel_loop3A_790 = tpu.memref_slice %arg6[%parallel_loop3A_454, %parallel_loop3A_788, %parallel_loop3A_789] : memref<2x512x32xf32, #tpu.memory_space<vmem>> -> memref<1x512x32xf32, #tpu.memory_space<vmem>>
        %parallel_loop3A_791 = tpu.memref_squeeze %parallel_loop3A_790 : memref<1x512x32xf32, #tpu.memory_space<vmem>> -> memref<512x32xf32, #tpu.memory_space<vmem>>
        %parallel_loop3A_792 = tpu.vector_load_idx %parallel_loop3A_791[%parallel_loop3A_767, %parallel_loop3A_787] : memref<512x32xf32, #tpu.memory_space<vmem>>[vector<16xi32>, vector<16xi32>], vector<16xf32>,
        %parallel_loop3A_793 = arith.constant 7 : i32
        %parallel_loop3A_794 = vector.broadcast %parallel_loop3A_793 : i32 to vector<16xi32>
        %parallel_loop3A_795 = arith.shli %parallel_loop3A_785, %parallel_loop3A_794 : vector<16xi32>
        %parallel_loop3A_796 = arith.addi %parallel_loop3A_779, %parallel_loop3A_795 : vector<16xi32>
        %parallel_loop3A_797 = arith.constant 0 : i32
        %parallel_loop3A_798 = tpu.memref_slice %arg7[%parallel_loop3A_455, %parallel_loop3A_797] : memref<2x16384xf32, #tpu.memory_space<vmem>> -> memref<1x16384xf32, #tpu.memory_space<vmem>>
        %parallel_loop3A_799 = tpu.memref_squeeze %parallel_loop3A_798 : memref<1x16384xf32, #tpu.memory_space<vmem>> -> memref<16384xf32, #tpu.memory_space<vmem>>
        tpu.vector_store_idx %parallel_loop3A_799[%parallel_loop3A_796], %parallel_loop3A_792 : memref<16384xf32, #tpu.memory_space<vmem>>[vector<16xi32>], vector<16xf32>,
        %parallel_loop3A_800 = arith.constant 1 : i32
        %parallel_loop3A_801 = vector.broadcast %parallel_loop3A_800 : i32 to vector<16xi32>
        %parallel_loop3A_802 = arith.addi %iota3A, %parallel_loop3A_801 : vector<16xi32>
        %parallel_loop3A_803 = arith.constant 15 : i32
        %parallel_loop3A_804 = vector.broadcast %parallel_loop3A_803 : i32 to vector<16xi32>
        %parallel_loop3A_805 = arith.andi %parallel_loop3A_802, %parallel_loop3A_804 : vector<16xi32>
        %parallel_loop3A_806 = vector.broadcast %parallel_loop3A_769 : i32 to vector<16xi32>
        %parallel_loop3A_807 = arith.addi %parallel_loop3A_805, %parallel_loop3A_806 : vector<16xi32>
        %parallel_loop3A_808 = arith.constant 0 : i32
        %parallel_loop3A_809 = arith.constant 0 : i32
        %parallel_loop3A_810 = tpu.memref_slice %arg6[%parallel_loop3A_454, %parallel_loop3A_808, %parallel_loop3A_809] : memref<2x512x32xf32, #tpu.memory_space<vmem>> -> memref<1x512x32xf32, #tpu.memory_space<vmem>>
        %parallel_loop3A_811 = tpu.memref_squeeze %parallel_loop3A_810 : memref<1x512x32xf32, #tpu.memory_space<vmem>> -> memref<512x32xf32, #tpu.memory_space<vmem>>
        %parallel_loop3A_812 = tpu.vector_load_idx %parallel_loop3A_811[%parallel_loop3A_767, %parallel_loop3A_807] : memref<512x32xf32, #tpu.memory_space<vmem>>[vector<16xi32>, vector<16xi32>], vector<16xf32>,
        %parallel_loop3A_813 = arith.constant 7 : i32
        %parallel_loop3A_814 = vector.broadcast %parallel_loop3A_813 : i32 to vector<16xi32>
        %parallel_loop3A_815 = arith.shli %parallel_loop3A_805, %parallel_loop3A_814 : vector<16xi32>
        %parallel_loop3A_816 = arith.addi %parallel_loop3A_779, %parallel_loop3A_815 : vector<16xi32>
        %parallel_loop3A_817 = arith.constant 0 : i32
        %parallel_loop3A_818 = tpu.memref_slice %arg7[%parallel_loop3A_455, %parallel_loop3A_817] : memref<2x16384xf32, #tpu.memory_space<vmem>> -> memref<1x16384xf32, #tpu.memory_space<vmem>>
        %parallel_loop3A_819 = tpu.memref_squeeze %parallel_loop3A_818 : memref<1x16384xf32, #tpu.memory_space<vmem>> -> memref<16384xf32, #tpu.memory_space<vmem>>
        tpu.vector_store_idx %parallel_loop3A_819[%parallel_loop3A_816], %parallel_loop3A_812 : memref<16384xf32, #tpu.memory_space<vmem>>[vector<16xi32>], vector<16xf32>,
        %parallel_loop3A_820 = arith.constant 2 : i32
        %parallel_loop3A_821 = vector.broadcast %parallel_loop3A_820 : i32 to vector<16xi32>
        %parallel_loop3A_822 = arith.addi %iota3A, %parallel_loop3A_821 : vector<16xi32>
        %parallel_loop3A_823 = arith.constant 15 : i32
        %parallel_loop3A_824 = vector.broadcast %parallel_loop3A_823 : i32 to vector<16xi32>
        %parallel_loop3A_825 = arith.andi %parallel_loop3A_822, %parallel_loop3A_824 : vector<16xi32>
        %parallel_loop3A_826 = vector.broadcast %parallel_loop3A_769 : i32 to vector<16xi32>
        %parallel_loop3A_827 = arith.addi %parallel_loop3A_825, %parallel_loop3A_826 : vector<16xi32>
        %parallel_loop3A_828 = arith.constant 0 : i32
        %parallel_loop3A_829 = arith.constant 0 : i32
        %parallel_loop3A_830 = tpu.memref_slice %arg6[%parallel_loop3A_454, %parallel_loop3A_828, %parallel_loop3A_829] : memref<2x512x32xf32, #tpu.memory_space<vmem>> -> memref<1x512x32xf32, #tpu.memory_space<vmem>>
        %parallel_loop3A_831 = tpu.memref_squeeze %parallel_loop3A_830 : memref<1x512x32xf32, #tpu.memory_space<vmem>> -> memref<512x32xf32, #tpu.memory_space<vmem>>
        %parallel_loop3A_832 = tpu.vector_load_idx %parallel_loop3A_831[%parallel_loop3A_767, %parallel_loop3A_827] : memref<512x32xf32, #tpu.memory_space<vmem>>[vector<16xi32>, vector<16xi32>], vector<16xf32>,
        %parallel_loop3A_833 = arith.constant 7 : i32
        %parallel_loop3A_834 = vector.broadcast %parallel_loop3A_833 : i32 to vector<16xi32>
        %parallel_loop3A_835 = arith.shli %parallel_loop3A_825, %parallel_loop3A_834 : vector<16xi32>
        %parallel_loop3A_836 = arith.addi %parallel_loop3A_779, %parallel_loop3A_835 : vector<16xi32>
        %parallel_loop3A_837 = arith.constant 0 : i32
        %parallel_loop3A_838 = tpu.memref_slice %arg7[%parallel_loop3A_455, %parallel_loop3A_837] : memref<2x16384xf32, #tpu.memory_space<vmem>> -> memref<1x16384xf32, #tpu.memory_space<vmem>>
        %parallel_loop3A_839 = tpu.memref_squeeze %parallel_loop3A_838 : memref<1x16384xf32, #tpu.memory_space<vmem>> -> memref<16384xf32, #tpu.memory_space<vmem>>
        tpu.vector_store_idx %parallel_loop3A_839[%parallel_loop3A_836], %parallel_loop3A_832 : memref<16384xf32, #tpu.memory_space<vmem>>[vector<16xi32>], vector<16xf32>,
        %parallel_loop3A_840 = arith.constant 3 : i32
        %parallel_loop3A_841 = vector.broadcast %parallel_loop3A_840 : i32 to vector<16xi32>
        %parallel_loop3A_842 = arith.addi %iota3A, %parallel_loop3A_841 : vector<16xi32>
        %parallel_loop3A_843 = arith.constant 15 : i32
        %parallel_loop3A_844 = vector.broadcast %parallel_loop3A_843 : i32 to vector<16xi32>
        %parallel_loop3A_845 = arith.andi %parallel_loop3A_842, %parallel_loop3A_844 : vector<16xi32>
        %parallel_loop3A_846 = vector.broadcast %parallel_loop3A_769 : i32 to vector<16xi32>
        %parallel_loop3A_847 = arith.addi %parallel_loop3A_845, %parallel_loop3A_846 : vector<16xi32>
        %parallel_loop3A_848 = arith.constant 0 : i32
        %parallel_loop3A_849 = arith.constant 0 : i32
        %parallel_loop3A_850 = tpu.memref_slice %arg6[%parallel_loop3A_454, %parallel_loop3A_848, %parallel_loop3A_849] : memref<2x512x32xf32, #tpu.memory_space<vmem>> -> memref<1x512x32xf32, #tpu.memory_space<vmem>>
        %parallel_loop3A_851 = tpu.memref_squeeze %parallel_loop3A_850 : memref<1x512x32xf32, #tpu.memory_space<vmem>> -> memref<512x32xf32, #tpu.memory_space<vmem>>
        %parallel_loop3A_852 = tpu.vector_load_idx %parallel_loop3A_851[%parallel_loop3A_767, %parallel_loop3A_847] : memref<512x32xf32, #tpu.memory_space<vmem>>[vector<16xi32>, vector<16xi32>], vector<16xf32>,
        %parallel_loop3A_853 = arith.constant 7 : i32
        %parallel_loop3A_854 = vector.broadcast %parallel_loop3A_853 : i32 to vector<16xi32>
        %parallel_loop3A_855 = arith.shli %parallel_loop3A_845, %parallel_loop3A_854 : vector<16xi32>
        %parallel_loop3A_856 = arith.addi %parallel_loop3A_779, %parallel_loop3A_855 : vector<16xi32>
        %parallel_loop3A_857 = arith.constant 0 : i32
        %parallel_loop3A_858 = tpu.memref_slice %arg7[%parallel_loop3A_455, %parallel_loop3A_857] : memref<2x16384xf32, #tpu.memory_space<vmem>> -> memref<1x16384xf32, #tpu.memory_space<vmem>>
        %parallel_loop3A_859 = tpu.memref_squeeze %parallel_loop3A_858 : memref<1x16384xf32, #tpu.memory_space<vmem>> -> memref<16384xf32, #tpu.memory_space<vmem>>
        tpu.vector_store_idx %parallel_loop3A_859[%parallel_loop3A_856], %parallel_loop3A_852 : memref<16384xf32, #tpu.memory_space<vmem>>[vector<16xi32>], vector<16xf32>,
        %parallel_loop3A_860 = arith.constant 4 : i32
        %parallel_loop3A_861 = vector.broadcast %parallel_loop3A_860 : i32 to vector<16xi32>
        %parallel_loop3A_862 = arith.addi %iota3A, %parallel_loop3A_861 : vector<16xi32>
        %parallel_loop3A_863 = arith.constant 15 : i32
        %parallel_loop3A_864 = vector.broadcast %parallel_loop3A_863 : i32 to vector<16xi32>
        %parallel_loop3A_865 = arith.andi %parallel_loop3A_862, %parallel_loop3A_864 : vector<16xi32>
        %parallel_loop3A_866 = vector.broadcast %parallel_loop3A_769 : i32 to vector<16xi32>
        %parallel_loop3A_867 = arith.addi %parallel_loop3A_865, %parallel_loop3A_866 : vector<16xi32>
        %parallel_loop3A_868 = arith.constant 0 : i32
        %parallel_loop3A_869 = arith.constant 0 : i32
        %parallel_loop3A_870 = tpu.memref_slice %arg6[%parallel_loop3A_454, %parallel_loop3A_868, %parallel_loop3A_869] : memref<2x512x32xf32, #tpu.memory_space<vmem>> -> memref<1x512x32xf32, #tpu.memory_space<vmem>>
        %parallel_loop3A_871 = tpu.memref_squeeze %parallel_loop3A_870 : memref<1x512x32xf32, #tpu.memory_space<vmem>> -> memref<512x32xf32, #tpu.memory_space<vmem>>
        %parallel_loop3A_872 = tpu.vector_load_idx %parallel_loop3A_871[%parallel_loop3A_767, %parallel_loop3A_867] : memref<512x32xf32, #tpu.memory_space<vmem>>[vector<16xi32>, vector<16xi32>], vector<16xf32>,
        %parallel_loop3A_873 = arith.constant 7 : i32
        %parallel_loop3A_874 = vector.broadcast %parallel_loop3A_873 : i32 to vector<16xi32>
        %parallel_loop3A_875 = arith.shli %parallel_loop3A_865, %parallel_loop3A_874 : vector<16xi32>
        %parallel_loop3A_876 = arith.addi %parallel_loop3A_779, %parallel_loop3A_875 : vector<16xi32>
        %parallel_loop3A_877 = arith.constant 0 : i32
        %parallel_loop3A_878 = tpu.memref_slice %arg7[%parallel_loop3A_455, %parallel_loop3A_877] : memref<2x16384xf32, #tpu.memory_space<vmem>> -> memref<1x16384xf32, #tpu.memory_space<vmem>>
        %parallel_loop3A_879 = tpu.memref_squeeze %parallel_loop3A_878 : memref<1x16384xf32, #tpu.memory_space<vmem>> -> memref<16384xf32, #tpu.memory_space<vmem>>
        tpu.vector_store_idx %parallel_loop3A_879[%parallel_loop3A_876], %parallel_loop3A_872 : memref<16384xf32, #tpu.memory_space<vmem>>[vector<16xi32>], vector<16xf32>,
        %parallel_loop3A_880 = arith.constant 5 : i32
        %parallel_loop3A_881 = vector.broadcast %parallel_loop3A_880 : i32 to vector<16xi32>
        %parallel_loop3A_882 = arith.addi %iota3A, %parallel_loop3A_881 : vector<16xi32>
        %parallel_loop3A_883 = arith.constant 15 : i32
        %parallel_loop3A_884 = vector.broadcast %parallel_loop3A_883 : i32 to vector<16xi32>
        %parallel_loop3A_885 = arith.andi %parallel_loop3A_882, %parallel_loop3A_884 : vector<16xi32>
        %parallel_loop3A_886 = vector.broadcast %parallel_loop3A_769 : i32 to vector<16xi32>
        %parallel_loop3A_887 = arith.addi %parallel_loop3A_885, %parallel_loop3A_886 : vector<16xi32>
        %parallel_loop3A_888 = arith.constant 0 : i32
        %parallel_loop3A_889 = arith.constant 0 : i32
        %parallel_loop3A_890 = tpu.memref_slice %arg6[%parallel_loop3A_454, %parallel_loop3A_888, %parallel_loop3A_889] : memref<2x512x32xf32, #tpu.memory_space<vmem>> -> memref<1x512x32xf32, #tpu.memory_space<vmem>>
        %parallel_loop3A_891 = tpu.memref_squeeze %parallel_loop3A_890 : memref<1x512x32xf32, #tpu.memory_space<vmem>> -> memref<512x32xf32, #tpu.memory_space<vmem>>
        %parallel_loop3A_892 = tpu.vector_load_idx %parallel_loop3A_891[%parallel_loop3A_767, %parallel_loop3A_887] : memref<512x32xf32, #tpu.memory_space<vmem>>[vector<16xi32>, vector<16xi32>], vector<16xf32>,
        %parallel_loop3A_893 = arith.constant 7 : i32
        %parallel_loop3A_894 = vector.broadcast %parallel_loop3A_893 : i32 to vector<16xi32>
        %parallel_loop3A_895 = arith.shli %parallel_loop3A_885, %parallel_loop3A_894 : vector<16xi32>
        %parallel_loop3A_896 = arith.addi %parallel_loop3A_779, %parallel_loop3A_895 : vector<16xi32>
        %parallel_loop3A_897 = arith.constant 0 : i32
        %parallel_loop3A_898 = tpu.memref_slice %arg7[%parallel_loop3A_455, %parallel_loop3A_897] : memref<2x16384xf32, #tpu.memory_space<vmem>> -> memref<1x16384xf32, #tpu.memory_space<vmem>>
        %parallel_loop3A_899 = tpu.memref_squeeze %parallel_loop3A_898 : memref<1x16384xf32, #tpu.memory_space<vmem>> -> memref<16384xf32, #tpu.memory_space<vmem>>
        tpu.vector_store_idx %parallel_loop3A_899[%parallel_loop3A_896], %parallel_loop3A_892 : memref<16384xf32, #tpu.memory_space<vmem>>[vector<16xi32>], vector<16xf32>,
        %parallel_loop3A_900 = arith.constant 6 : i32
        %parallel_loop3A_901 = vector.broadcast %parallel_loop3A_900 : i32 to vector<16xi32>
        %parallel_loop3A_902 = arith.addi %iota3A, %parallel_loop3A_901 : vector<16xi32>
        %parallel_loop3A_903 = arith.constant 15 : i32
        %parallel_loop3A_904 = vector.broadcast %parallel_loop3A_903 : i32 to vector<16xi32>
        %parallel_loop3A_905 = arith.andi %parallel_loop3A_902, %parallel_loop3A_904 : vector<16xi32>
        %parallel_loop3A_906 = vector.broadcast %parallel_loop3A_769 : i32 to vector<16xi32>
        %parallel_loop3A_907 = arith.addi %parallel_loop3A_905, %parallel_loop3A_906 : vector<16xi32>
        %parallel_loop3A_908 = arith.constant 0 : i32
        %parallel_loop3A_909 = arith.constant 0 : i32
        %parallel_loop3A_910 = tpu.memref_slice %arg6[%parallel_loop3A_454, %parallel_loop3A_908, %parallel_loop3A_909] : memref<2x512x32xf32, #tpu.memory_space<vmem>> -> memref<1x512x32xf32, #tpu.memory_space<vmem>>
        %parallel_loop3A_911 = tpu.memref_squeeze %parallel_loop3A_910 : memref<1x512x32xf32, #tpu.memory_space<vmem>> -> memref<512x32xf32, #tpu.memory_space<vmem>>
        %parallel_loop3A_912 = tpu.vector_load_idx %parallel_loop3A_911[%parallel_loop3A_767, %parallel_loop3A_907] : memref<512x32xf32, #tpu.memory_space<vmem>>[vector<16xi32>, vector<16xi32>], vector<16xf32>,
        %parallel_loop3A_913 = arith.constant 7 : i32
        %parallel_loop3A_914 = vector.broadcast %parallel_loop3A_913 : i32 to vector<16xi32>
        %parallel_loop3A_915 = arith.shli %parallel_loop3A_905, %parallel_loop3A_914 : vector<16xi32>
        %parallel_loop3A_916 = arith.addi %parallel_loop3A_779, %parallel_loop3A_915 : vector<16xi32>
        %parallel_loop3A_917 = arith.constant 0 : i32
        %parallel_loop3A_918 = tpu.memref_slice %arg7[%parallel_loop3A_455, %parallel_loop3A_917] : memref<2x16384xf32, #tpu.memory_space<vmem>> -> memref<1x16384xf32, #tpu.memory_space<vmem>>
        %parallel_loop3A_919 = tpu.memref_squeeze %parallel_loop3A_918 : memref<1x16384xf32, #tpu.memory_space<vmem>> -> memref<16384xf32, #tpu.memory_space<vmem>>
        tpu.vector_store_idx %parallel_loop3A_919[%parallel_loop3A_916], %parallel_loop3A_912 : memref<16384xf32, #tpu.memory_space<vmem>>[vector<16xi32>], vector<16xf32>,
        %parallel_loop3A_920 = arith.constant 7 : i32
        %parallel_loop3A_921 = vector.broadcast %parallel_loop3A_920 : i32 to vector<16xi32>
        %parallel_loop3A_922 = arith.addi %iota3A, %parallel_loop3A_921 : vector<16xi32>
        %parallel_loop3A_923 = arith.constant 15 : i32
        %parallel_loop3A_924 = vector.broadcast %parallel_loop3A_923 : i32 to vector<16xi32>
        %parallel_loop3A_925 = arith.andi %parallel_loop3A_922, %parallel_loop3A_924 : vector<16xi32>
        %parallel_loop3A_926 = vector.broadcast %parallel_loop3A_769 : i32 to vector<16xi32>
        %parallel_loop3A_927 = arith.addi %parallel_loop3A_925, %parallel_loop3A_926 : vector<16xi32>
        %parallel_loop3A_928 = arith.constant 0 : i32
        %parallel_loop3A_929 = arith.constant 0 : i32
        %parallel_loop3A_930 = tpu.memref_slice %arg6[%parallel_loop3A_454, %parallel_loop3A_928, %parallel_loop3A_929] : memref<2x512x32xf32, #tpu.memory_space<vmem>> -> memref<1x512x32xf32, #tpu.memory_space<vmem>>
        %parallel_loop3A_931 = tpu.memref_squeeze %parallel_loop3A_930 : memref<1x512x32xf32, #tpu.memory_space<vmem>> -> memref<512x32xf32, #tpu.memory_space<vmem>>
        %parallel_loop3A_932 = tpu.vector_load_idx %parallel_loop3A_931[%parallel_loop3A_767, %parallel_loop3A_927] : memref<512x32xf32, #tpu.memory_space<vmem>>[vector<16xi32>, vector<16xi32>], vector<16xf32>,
        %parallel_loop3A_933 = arith.constant 7 : i32
        %parallel_loop3A_934 = vector.broadcast %parallel_loop3A_933 : i32 to vector<16xi32>
        %parallel_loop3A_935 = arith.shli %parallel_loop3A_925, %parallel_loop3A_934 : vector<16xi32>
        %parallel_loop3A_936 = arith.addi %parallel_loop3A_779, %parallel_loop3A_935 : vector<16xi32>
        %parallel_loop3A_937 = arith.constant 0 : i32
        %parallel_loop3A_938 = tpu.memref_slice %arg7[%parallel_loop3A_455, %parallel_loop3A_937] : memref<2x16384xf32, #tpu.memory_space<vmem>> -> memref<1x16384xf32, #tpu.memory_space<vmem>>
        %parallel_loop3A_939 = tpu.memref_squeeze %parallel_loop3A_938 : memref<1x16384xf32, #tpu.memory_space<vmem>> -> memref<16384xf32, #tpu.memory_space<vmem>>
        tpu.vector_store_idx %parallel_loop3A_939[%parallel_loop3A_936], %parallel_loop3A_932 : memref<16384xf32, #tpu.memory_space<vmem>>[vector<16xi32>], vector<16xf32>,
        %parallel_loop3A_940 = arith.constant 8 : i32
        %parallel_loop3A_941 = vector.broadcast %parallel_loop3A_940 : i32 to vector<16xi32>
        %parallel_loop3A_942 = arith.addi %iota3A, %parallel_loop3A_941 : vector<16xi32>
        %parallel_loop3A_943 = arith.constant 15 : i32
        %parallel_loop3A_944 = vector.broadcast %parallel_loop3A_943 : i32 to vector<16xi32>
        %parallel_loop3A_945 = arith.andi %parallel_loop3A_942, %parallel_loop3A_944 : vector<16xi32>
        %parallel_loop3A_946 = vector.broadcast %parallel_loop3A_769 : i32 to vector<16xi32>
        %parallel_loop3A_947 = arith.addi %parallel_loop3A_945, %parallel_loop3A_946 : vector<16xi32>
        %parallel_loop3A_948 = arith.constant 0 : i32
        %parallel_loop3A_949 = arith.constant 0 : i32
        %parallel_loop3A_950 = tpu.memref_slice %arg6[%parallel_loop3A_454, %parallel_loop3A_948, %parallel_loop3A_949] : memref<2x512x32xf32, #tpu.memory_space<vmem>> -> memref<1x512x32xf32, #tpu.memory_space<vmem>>
        %parallel_loop3A_951 = tpu.memref_squeeze %parallel_loop3A_950 : memref<1x512x32xf32, #tpu.memory_space<vmem>> -> memref<512x32xf32, #tpu.memory_space<vmem>>
        %parallel_loop3A_952 = tpu.vector_load_idx %parallel_loop3A_951[%parallel_loop3A_767, %parallel_loop3A_947] : memref<512x32xf32, #tpu.memory_space<vmem>>[vector<16xi32>, vector<16xi32>], vector<16xf32>,
        %parallel_loop3A_953 = arith.constant 7 : i32
        %parallel_loop3A_954 = vector.broadcast %parallel_loop3A_953 : i32 to vector<16xi32>
        %parallel_loop3A_955 = arith.shli %parallel_loop3A_945, %parallel_loop3A_954 : vector<16xi32>
        %parallel_loop3A_956 = arith.addi %parallel_loop3A_779, %parallel_loop3A_955 : vector<16xi32>
        %parallel_loop3A_957 = arith.constant 0 : i32
        %parallel_loop3A_958 = tpu.memref_slice %arg7[%parallel_loop3A_455, %parallel_loop3A_957] : memref<2x16384xf32, #tpu.memory_space<vmem>> -> memref<1x16384xf32, #tpu.memory_space<vmem>>
        %parallel_loop3A_959 = tpu.memref_squeeze %parallel_loop3A_958 : memref<1x16384xf32, #tpu.memory_space<vmem>> -> memref<16384xf32, #tpu.memory_space<vmem>>
        tpu.vector_store_idx %parallel_loop3A_959[%parallel_loop3A_956], %parallel_loop3A_952 : memref<16384xf32, #tpu.memory_space<vmem>>[vector<16xi32>], vector<16xf32>,
        %parallel_loop3A_960 = arith.constant 9 : i32
        %parallel_loop3A_961 = vector.broadcast %parallel_loop3A_960 : i32 to vector<16xi32>
        %parallel_loop3A_962 = arith.addi %iota3A, %parallel_loop3A_961 : vector<16xi32>
        %parallel_loop3A_963 = arith.constant 15 : i32
        %parallel_loop3A_964 = vector.broadcast %parallel_loop3A_963 : i32 to vector<16xi32>
        %parallel_loop3A_965 = arith.andi %parallel_loop3A_962, %parallel_loop3A_964 : vector<16xi32>
        %parallel_loop3A_966 = vector.broadcast %parallel_loop3A_769 : i32 to vector<16xi32>
        %parallel_loop3A_967 = arith.addi %parallel_loop3A_965, %parallel_loop3A_966 : vector<16xi32>
        %parallel_loop3A_968 = arith.constant 0 : i32
        %parallel_loop3A_969 = arith.constant 0 : i32
        %parallel_loop3A_970 = tpu.memref_slice %arg6[%parallel_loop3A_454, %parallel_loop3A_968, %parallel_loop3A_969] : memref<2x512x32xf32, #tpu.memory_space<vmem>> -> memref<1x512x32xf32, #tpu.memory_space<vmem>>
        %parallel_loop3A_971 = tpu.memref_squeeze %parallel_loop3A_970 : memref<1x512x32xf32, #tpu.memory_space<vmem>> -> memref<512x32xf32, #tpu.memory_space<vmem>>
        %parallel_loop3A_972 = tpu.vector_load_idx %parallel_loop3A_971[%parallel_loop3A_767, %parallel_loop3A_967] : memref<512x32xf32, #tpu.memory_space<vmem>>[vector<16xi32>, vector<16xi32>], vector<16xf32>,
        %parallel_loop3A_973 = arith.constant 7 : i32
        %parallel_loop3A_974 = vector.broadcast %parallel_loop3A_973 : i32 to vector<16xi32>
        %parallel_loop3A_975 = arith.shli %parallel_loop3A_965, %parallel_loop3A_974 : vector<16xi32>
        %parallel_loop3A_976 = arith.addi %parallel_loop3A_779, %parallel_loop3A_975 : vector<16xi32>
        %parallel_loop3A_977 = arith.constant 0 : i32
        %parallel_loop3A_978 = tpu.memref_slice %arg7[%parallel_loop3A_455, %parallel_loop3A_977] : memref<2x16384xf32, #tpu.memory_space<vmem>> -> memref<1x16384xf32, #tpu.memory_space<vmem>>
        %parallel_loop3A_979 = tpu.memref_squeeze %parallel_loop3A_978 : memref<1x16384xf32, #tpu.memory_space<vmem>> -> memref<16384xf32, #tpu.memory_space<vmem>>
        tpu.vector_store_idx %parallel_loop3A_979[%parallel_loop3A_976], %parallel_loop3A_972 : memref<16384xf32, #tpu.memory_space<vmem>>[vector<16xi32>], vector<16xf32>,
        %parallel_loop3A_980 = arith.constant 10 : i32
        %parallel_loop3A_981 = vector.broadcast %parallel_loop3A_980 : i32 to vector<16xi32>
        %parallel_loop3A_982 = arith.addi %iota3A, %parallel_loop3A_981 : vector<16xi32>
        %parallel_loop3A_983 = arith.constant 15 : i32
        %parallel_loop3A_984 = vector.broadcast %parallel_loop3A_983 : i32 to vector<16xi32>
        %parallel_loop3A_985 = arith.andi %parallel_loop3A_982, %parallel_loop3A_984 : vector<16xi32>
        %parallel_loop3A_986 = vector.broadcast %parallel_loop3A_769 : i32 to vector<16xi32>
        %parallel_loop3A_987 = arith.addi %parallel_loop3A_985, %parallel_loop3A_986 : vector<16xi32>
        %parallel_loop3A_988 = arith.constant 0 : i32
        %parallel_loop3A_989 = arith.constant 0 : i32
        %parallel_loop3A_990 = tpu.memref_slice %arg6[%parallel_loop3A_454, %parallel_loop3A_988, %parallel_loop3A_989] : memref<2x512x32xf32, #tpu.memory_space<vmem>> -> memref<1x512x32xf32, #tpu.memory_space<vmem>>
        %parallel_loop3A_991 = tpu.memref_squeeze %parallel_loop3A_990 : memref<1x512x32xf32, #tpu.memory_space<vmem>> -> memref<512x32xf32, #tpu.memory_space<vmem>>
        %parallel_loop3A_992 = tpu.vector_load_idx %parallel_loop3A_991[%parallel_loop3A_767, %parallel_loop3A_987] : memref<512x32xf32, #tpu.memory_space<vmem>>[vector<16xi32>, vector<16xi32>], vector<16xf32>,
        %parallel_loop3A_993 = arith.constant 7 : i32
        %parallel_loop3A_994 = vector.broadcast %parallel_loop3A_993 : i32 to vector<16xi32>
        %parallel_loop3A_995 = arith.shli %parallel_loop3A_985, %parallel_loop3A_994 : vector<16xi32>
        %parallel_loop3A_996 = arith.addi %parallel_loop3A_779, %parallel_loop3A_995 : vector<16xi32>
        %parallel_loop3A_997 = arith.constant 0 : i32
        %parallel_loop3A_998 = tpu.memref_slice %arg7[%parallel_loop3A_455, %parallel_loop3A_997] : memref<2x16384xf32, #tpu.memory_space<vmem>> -> memref<1x16384xf32, #tpu.memory_space<vmem>>
        %parallel_loop3A_999 = tpu.memref_squeeze %parallel_loop3A_998 : memref<1x16384xf32, #tpu.memory_space<vmem>> -> memref<16384xf32, #tpu.memory_space<vmem>>
        tpu.vector_store_idx %parallel_loop3A_999[%parallel_loop3A_996], %parallel_loop3A_992 : memref<16384xf32, #tpu.memory_space<vmem>>[vector<16xi32>], vector<16xf32>,
        %parallel_loop3A_1000 = arith.constant 11 : i32
        %parallel_loop3A_1001 = vector.broadcast %parallel_loop3A_1000 : i32 to vector<16xi32>
        %parallel_loop3A_1002 = arith.addi %iota3A, %parallel_loop3A_1001 : vector<16xi32>
        %parallel_loop3A_1003 = arith.constant 15 : i32
        %parallel_loop3A_1004 = vector.broadcast %parallel_loop3A_1003 : i32 to vector<16xi32>
        %parallel_loop3A_1005 = arith.andi %parallel_loop3A_1002, %parallel_loop3A_1004 : vector<16xi32>
        %parallel_loop3A_1006 = vector.broadcast %parallel_loop3A_769 : i32 to vector<16xi32>
        %parallel_loop3A_1007 = arith.addi %parallel_loop3A_1005, %parallel_loop3A_1006 : vector<16xi32>
        %parallel_loop3A_1008 = arith.constant 0 : i32
        %parallel_loop3A_1009 = arith.constant 0 : i32
        %parallel_loop3A_1010 = tpu.memref_slice %arg6[%parallel_loop3A_454, %parallel_loop3A_1008, %parallel_loop3A_1009] : memref<2x512x32xf32, #tpu.memory_space<vmem>> -> memref<1x512x32xf32, #tpu.memory_space<vmem>>
        %parallel_loop3A_1011 = tpu.memref_squeeze %parallel_loop3A_1010 : memref<1x512x32xf32, #tpu.memory_space<vmem>> -> memref<512x32xf32, #tpu.memory_space<vmem>>
        %parallel_loop3A_1012 = tpu.vector_load_idx %parallel_loop3A_1011[%parallel_loop3A_767, %parallel_loop3A_1007] : memref<512x32xf32, #tpu.memory_space<vmem>>[vector<16xi32>, vector<16xi32>], vector<16xf32>,
        %parallel_loop3A_1013 = arith.constant 7 : i32
        %parallel_loop3A_1014 = vector.broadcast %parallel_loop3A_1013 : i32 to vector<16xi32>
        %parallel_loop3A_1015 = arith.shli %parallel_loop3A_1005, %parallel_loop3A_1014 : vector<16xi32>
        %parallel_loop3A_1016 = arith.addi %parallel_loop3A_779, %parallel_loop3A_1015 : vector<16xi32>
        %parallel_loop3A_1017 = arith.constant 0 : i32
        %parallel_loop3A_1018 = tpu.memref_slice %arg7[%parallel_loop3A_455, %parallel_loop3A_1017] : memref<2x16384xf32, #tpu.memory_space<vmem>> -> memref<1x16384xf32, #tpu.memory_space<vmem>>
        %parallel_loop3A_1019 = tpu.memref_squeeze %parallel_loop3A_1018 : memref<1x16384xf32, #tpu.memory_space<vmem>> -> memref<16384xf32, #tpu.memory_space<vmem>>
        tpu.vector_store_idx %parallel_loop3A_1019[%parallel_loop3A_1016], %parallel_loop3A_1012 : memref<16384xf32, #tpu.memory_space<vmem>>[vector<16xi32>], vector<16xf32>,
        %parallel_loop3A_1020 = arith.constant 12 : i32
        %parallel_loop3A_1021 = vector.broadcast %parallel_loop3A_1020 : i32 to vector<16xi32>
        %parallel_loop3A_1022 = arith.addi %iota3A, %parallel_loop3A_1021 : vector<16xi32>
        %parallel_loop3A_1023 = arith.constant 15 : i32
        %parallel_loop3A_1024 = vector.broadcast %parallel_loop3A_1023 : i32 to vector<16xi32>
        %parallel_loop3A_1025 = arith.andi %parallel_loop3A_1022, %parallel_loop3A_1024 : vector<16xi32>
        %parallel_loop3A_1026 = vector.broadcast %parallel_loop3A_769 : i32 to vector<16xi32>
        %parallel_loop3A_1027 = arith.addi %parallel_loop3A_1025, %parallel_loop3A_1026 : vector<16xi32>
        %parallel_loop3A_1028 = arith.constant 0 : i32
        %parallel_loop3A_1029 = arith.constant 0 : i32
        %parallel_loop3A_1030 = tpu.memref_slice %arg6[%parallel_loop3A_454, %parallel_loop3A_1028, %parallel_loop3A_1029] : memref<2x512x32xf32, #tpu.memory_space<vmem>> -> memref<1x512x32xf32, #tpu.memory_space<vmem>>
        %parallel_loop3A_1031 = tpu.memref_squeeze %parallel_loop3A_1030 : memref<1x512x32xf32, #tpu.memory_space<vmem>> -> memref<512x32xf32, #tpu.memory_space<vmem>>
        %parallel_loop3A_1032 = tpu.vector_load_idx %parallel_loop3A_1031[%parallel_loop3A_767, %parallel_loop3A_1027] : memref<512x32xf32, #tpu.memory_space<vmem>>[vector<16xi32>, vector<16xi32>], vector<16xf32>,
        %parallel_loop3A_1033 = arith.constant 7 : i32
        %parallel_loop3A_1034 = vector.broadcast %parallel_loop3A_1033 : i32 to vector<16xi32>
        %parallel_loop3A_1035 = arith.shli %parallel_loop3A_1025, %parallel_loop3A_1034 : vector<16xi32>
        %parallel_loop3A_1036 = arith.addi %parallel_loop3A_779, %parallel_loop3A_1035 : vector<16xi32>
        %parallel_loop3A_1037 = arith.constant 0 : i32
        %parallel_loop3A_1038 = tpu.memref_slice %arg7[%parallel_loop3A_455, %parallel_loop3A_1037] : memref<2x16384xf32, #tpu.memory_space<vmem>> -> memref<1x16384xf32, #tpu.memory_space<vmem>>
        %parallel_loop3A_1039 = tpu.memref_squeeze %parallel_loop3A_1038 : memref<1x16384xf32, #tpu.memory_space<vmem>> -> memref<16384xf32, #tpu.memory_space<vmem>>
        tpu.vector_store_idx %parallel_loop3A_1039[%parallel_loop3A_1036], %parallel_loop3A_1032 : memref<16384xf32, #tpu.memory_space<vmem>>[vector<16xi32>], vector<16xf32>,
        %parallel_loop3A_1040 = arith.constant 13 : i32
        %parallel_loop3A_1041 = vector.broadcast %parallel_loop3A_1040 : i32 to vector<16xi32>
        %parallel_loop3A_1042 = arith.addi %iota3A, %parallel_loop3A_1041 : vector<16xi32>
        %parallel_loop3A_1043 = arith.constant 15 : i32
        %parallel_loop3A_1044 = vector.broadcast %parallel_loop3A_1043 : i32 to vector<16xi32>
        %parallel_loop3A_1045 = arith.andi %parallel_loop3A_1042, %parallel_loop3A_1044 : vector<16xi32>
        %parallel_loop3A_1046 = vector.broadcast %parallel_loop3A_769 : i32 to vector<16xi32>
        %parallel_loop3A_1047 = arith.addi %parallel_loop3A_1045, %parallel_loop3A_1046 : vector<16xi32>
        %parallel_loop3A_1048 = arith.constant 0 : i32
        %parallel_loop3A_1049 = arith.constant 0 : i32
        %parallel_loop3A_1050 = tpu.memref_slice %arg6[%parallel_loop3A_454, %parallel_loop3A_1048, %parallel_loop3A_1049] : memref<2x512x32xf32, #tpu.memory_space<vmem>> -> memref<1x512x32xf32, #tpu.memory_space<vmem>>
        %parallel_loop3A_1051 = tpu.memref_squeeze %parallel_loop3A_1050 : memref<1x512x32xf32, #tpu.memory_space<vmem>> -> memref<512x32xf32, #tpu.memory_space<vmem>>
        %parallel_loop3A_1052 = tpu.vector_load_idx %parallel_loop3A_1051[%parallel_loop3A_767, %parallel_loop3A_1047] : memref<512x32xf32, #tpu.memory_space<vmem>>[vector<16xi32>, vector<16xi32>], vector<16xf32>,
        %parallel_loop3A_1053 = arith.constant 7 : i32
        %parallel_loop3A_1054 = vector.broadcast %parallel_loop3A_1053 : i32 to vector<16xi32>
        %parallel_loop3A_1055 = arith.shli %parallel_loop3A_1045, %parallel_loop3A_1054 : vector<16xi32>
        %parallel_loop3A_1056 = arith.addi %parallel_loop3A_779, %parallel_loop3A_1055 : vector<16xi32>
        %parallel_loop3A_1057 = arith.constant 0 : i32
        %parallel_loop3A_1058 = tpu.memref_slice %arg7[%parallel_loop3A_455, %parallel_loop3A_1057] : memref<2x16384xf32, #tpu.memory_space<vmem>> -> memref<1x16384xf32, #tpu.memory_space<vmem>>
        %parallel_loop3A_1059 = tpu.memref_squeeze %parallel_loop3A_1058 : memref<1x16384xf32, #tpu.memory_space<vmem>> -> memref<16384xf32, #tpu.memory_space<vmem>>
        tpu.vector_store_idx %parallel_loop3A_1059[%parallel_loop3A_1056], %parallel_loop3A_1052 : memref<16384xf32, #tpu.memory_space<vmem>>[vector<16xi32>], vector<16xf32>,
        %parallel_loop3A_1060 = arith.constant 14 : i32
        %parallel_loop3A_1061 = vector.broadcast %parallel_loop3A_1060 : i32 to vector<16xi32>
        %parallel_loop3A_1062 = arith.addi %iota3A, %parallel_loop3A_1061 : vector<16xi32>
        %parallel_loop3A_1063 = arith.constant 15 : i32
        %parallel_loop3A_1064 = vector.broadcast %parallel_loop3A_1063 : i32 to vector<16xi32>
        %parallel_loop3A_1065 = arith.andi %parallel_loop3A_1062, %parallel_loop3A_1064 : vector<16xi32>
        %parallel_loop3A_1066 = vector.broadcast %parallel_loop3A_769 : i32 to vector<16xi32>
        %parallel_loop3A_1067 = arith.addi %parallel_loop3A_1065, %parallel_loop3A_1066 : vector<16xi32>
        %parallel_loop3A_1068 = arith.constant 0 : i32
        %parallel_loop3A_1069 = arith.constant 0 : i32
        %parallel_loop3A_1070 = tpu.memref_slice %arg6[%parallel_loop3A_454, %parallel_loop3A_1068, %parallel_loop3A_1069] : memref<2x512x32xf32, #tpu.memory_space<vmem>> -> memref<1x512x32xf32, #tpu.memory_space<vmem>>
        %parallel_loop3A_1071 = tpu.memref_squeeze %parallel_loop3A_1070 : memref<1x512x32xf32, #tpu.memory_space<vmem>> -> memref<512x32xf32, #tpu.memory_space<vmem>>
        %parallel_loop3A_1072 = tpu.vector_load_idx %parallel_loop3A_1071[%parallel_loop3A_767, %parallel_loop3A_1067] : memref<512x32xf32, #tpu.memory_space<vmem>>[vector<16xi32>, vector<16xi32>], vector<16xf32>,
        %parallel_loop3A_1073 = arith.constant 7 : i32
        %parallel_loop3A_1074 = vector.broadcast %parallel_loop3A_1073 : i32 to vector<16xi32>
        %parallel_loop3A_1075 = arith.shli %parallel_loop3A_1065, %parallel_loop3A_1074 : vector<16xi32>
        %parallel_loop3A_1076 = arith.addi %parallel_loop3A_779, %parallel_loop3A_1075 : vector<16xi32>
        %parallel_loop3A_1077 = arith.constant 0 : i32
        %parallel_loop3A_1078 = tpu.memref_slice %arg7[%parallel_loop3A_455, %parallel_loop3A_1077] : memref<2x16384xf32, #tpu.memory_space<vmem>> -> memref<1x16384xf32, #tpu.memory_space<vmem>>
        %parallel_loop3A_1079 = tpu.memref_squeeze %parallel_loop3A_1078 : memref<1x16384xf32, #tpu.memory_space<vmem>> -> memref<16384xf32, #tpu.memory_space<vmem>>
        tpu.vector_store_idx %parallel_loop3A_1079[%parallel_loop3A_1076], %parallel_loop3A_1072 : memref<16384xf32, #tpu.memory_space<vmem>>[vector<16xi32>], vector<16xf32>,
        %parallel_loop3A_1080 = arith.constant 15 : i32
        %parallel_loop3A_1081 = vector.broadcast %parallel_loop3A_1080 : i32 to vector<16xi32>
        %parallel_loop3A_1082 = arith.addi %iota3A, %parallel_loop3A_1081 : vector<16xi32>
        %parallel_loop3A_1083 = arith.constant 15 : i32
        %parallel_loop3A_1084 = vector.broadcast %parallel_loop3A_1083 : i32 to vector<16xi32>
        %parallel_loop3A_1085 = arith.andi %parallel_loop3A_1082, %parallel_loop3A_1084 : vector<16xi32>
        %parallel_loop3A_1086 = vector.broadcast %parallel_loop3A_769 : i32 to vector<16xi32>
        %parallel_loop3A_1087 = arith.addi %parallel_loop3A_1085, %parallel_loop3A_1086 : vector<16xi32>
        %parallel_loop3A_1088 = arith.constant 0 : i32
        %parallel_loop3A_1089 = arith.constant 0 : i32
        %parallel_loop3A_1090 = tpu.memref_slice %arg6[%parallel_loop3A_454, %parallel_loop3A_1088, %parallel_loop3A_1089] : memref<2x512x32xf32, #tpu.memory_space<vmem>> -> memref<1x512x32xf32, #tpu.memory_space<vmem>>
        %parallel_loop3A_1091 = tpu.memref_squeeze %parallel_loop3A_1090 : memref<1x512x32xf32, #tpu.memory_space<vmem>> -> memref<512x32xf32, #tpu.memory_space<vmem>>
        %parallel_loop3A_1092 = tpu.vector_load_idx %parallel_loop3A_1091[%parallel_loop3A_767, %parallel_loop3A_1087] : memref<512x32xf32, #tpu.memory_space<vmem>>[vector<16xi32>, vector<16xi32>], vector<16xf32>,
        %parallel_loop3A_1093 = arith.constant 7 : i32
        %parallel_loop3A_1094 = vector.broadcast %parallel_loop3A_1093 : i32 to vector<16xi32>
        %parallel_loop3A_1095 = arith.shli %parallel_loop3A_1085, %parallel_loop3A_1094 : vector<16xi32>
        %parallel_loop3A_1096 = arith.addi %parallel_loop3A_779, %parallel_loop3A_1095 : vector<16xi32>
        %parallel_loop3A_1097 = arith.constant 0 : i32
        %parallel_loop3A_1098 = tpu.memref_slice %arg7[%parallel_loop3A_455, %parallel_loop3A_1097] : memref<2x16384xf32, #tpu.memory_space<vmem>> -> memref<1x16384xf32, #tpu.memory_space<vmem>>
        %parallel_loop3A_1099 = tpu.memref_squeeze %parallel_loop3A_1098 : memref<1x16384xf32, #tpu.memory_space<vmem>> -> memref<16384xf32, #tpu.memory_space<vmem>>
        tpu.vector_store_idx %parallel_loop3A_1099[%parallel_loop3A_1096], %parallel_loop3A_1092 : memref<16384xf32, #tpu.memory_space<vmem>>[vector<16xi32>], vector<16xf32>,
      } {sc.loop_unroll_factor = 4 : i64, sc.parallel_access}
      %add3A_456 = arith.addi %mul3A_2, %add3A_423 : i32
      %shift_right_arithmetic3A_457 = arith.constant 8 : i32
      %shift_right_arithmetic3A_458 = arith.shrsi %add3A_456, %shift_right_arithmetic3A_457 : i32
      %shift_right_arithmetic3A_459 = arith.constant 1 : i32
      %shift_right_arithmetic3A_460 = arith.shrsi %add3A_456, %shift_right_arithmetic3A_459 : i32
      %and3A_461 = arith.constant 127 : i32
      %and3A_462 = arith.andi %shift_right_arithmetic3A_460, %and3A_461 : i32
      %and3A_463 = arith.constant 1 : i32
      %and3A_464 = arith.andi %add3A_456, %and3A_463 : i32
      %mul3A_465 = arith.constant 8 : i32
      %mul3A_466 = arith.muli %shift_right_arithmetic3A_458, %mul3A_465 : i32
      %mul3A_467 = arith.constant 4 : i32
      %mul3A_468 = arith.muli %and3A_464, %mul3A_467 : i32
      %add3A_469 = arith.addi %mul3A_466, %mul3A_468 : i32
      %add3A_470 = arith.constant 0 : i32
      %add3A_471 = arith.addi %add3A_469, %add3A_470 : i32
      %mul3A_472 = arith.constant 4 : i32
      %mul3A_473 = arith.muli %add3A_471, %mul3A_472 : i32
      %mul3A_474 = arith.constant 128 : i32
      %mul3A_475 = arith.muli %mul3A_473, %mul3A_474 : i32
      %add3A_476 = arith.addi %mul3A_475, %and3A_462 : i32
      %mul3A_477 = arith.constant 1024 : i32
      %mul3A_478 = arith.muli %add3A_476, %mul3A_477 : i32
      %add3A_479 = arith.constant 0 : i32
      %add3A_480 = arith.addi %mul3A_478, %add3A_479 : i32
      %dma_start3A_481 = arith.constant 1 : i32
      %dma_start3A_482 = arith.constant 1 : i32
      %dma_start3A_483 = arith.constant 0 : i32
      %dma_start3A_484 = tpu.memref_slice %arg7[%dma_start3A_481, %dma_start3A_483] : memref<2x16384xf32, #tpu.memory_space<vmem>> -> memref<1x1024xf32, #tpu.memory_space<vmem>>
      %dma_start3A_485 = tpu.memref_squeeze %dma_start3A_484 : memref<1x1024xf32, #tpu.memory_space<vmem>> -> memref<1024xf32, #tpu.memory_space<vmem>>
      %dma_start3A_486 = tpu.memref_slice %arg4[%add3A_480] : memref<104857600xf32, #tpu.memory_space<hbm>> -> memref<1024xf32, #tpu.memory_space<hbm>>
      %dma_start3A_487 = tpu.memref_slice %arg10[%dma_start3A_482] : memref<2x!tpu.dma_semaphore, #tpu.memory_space<semaphore_mem>> -> memref<1x!tpu.dma_semaphore, #tpu.memory_space<semaphore_mem>>
      %dma_start3A_488 = tpu.memref_squeeze %dma_start3A_487 : memref<1x!tpu.dma_semaphore, #tpu.memory_space<semaphore_mem>> -> memref<!tpu.dma_semaphore, #tpu.memory_space<semaphore_mem>>
      %dma_start3A_489 = tpu.memref_slice %arg4[%add3A_480] : memref<104857600xf32, #tpu.memory_space<hbm>> -> memref<1024xf32, #tpu.memory_space<hbm>>
      %dma_start3A_490 = arith.constant 0 : i32
      %dma_start3A_491 = tpu.memref_slice %arg7[%dma_start3A_481, %dma_start3A_490] : memref<2x16384xf32, #tpu.memory_space<vmem>> -> memref<1x1024xf32, #tpu.memory_space<vmem>>
      %dma_start3A_492 = tpu.memref_squeeze %dma_start3A_491 : memref<1x1024xf32, #tpu.memory_space<vmem>> -> memref<1024xf32, #tpu.memory_space<vmem>>
      tpu.enqueue_dma source(%dma_start3A_492 : memref<1024xf32, #tpu.memory_space<vmem>>) target(%dma_start3A_489 : memref<1024xf32, #tpu.memory_space<hbm>>) target_semaphore(%dma_start3A_488 : memref<!tpu.dma_semaphore, #tpu.memory_space<semaphore_mem>>)
      %add3A_493 = arith.constant 131072 : i32
      %add3A_494 = arith.addi %mul3A_478, %add3A_493 : i32
      %dma_start3A_495 = arith.constant 1 : i32
      %dma_start3A_496 = arith.constant 1 : i32
      %dma_start3A_497 = arith.constant 1024 : i32
      %dma_start3A_498 = tpu.memref_slice %arg7[%dma_start3A_495, %dma_start3A_497] : memref<2x16384xf32, #tpu.memory_space<vmem>> -> memref<1x1024xf32, #tpu.memory_space<vmem>>
      %dma_start3A_499 = tpu.memref_squeeze %dma_start3A_498 : memref<1x1024xf32, #tpu.memory_space<vmem>> -> memref<1024xf32, #tpu.memory_space<vmem>>
      %dma_start3A_500 = tpu.memref_slice %arg4[%add3A_494] : memref<104857600xf32, #tpu.memory_space<hbm>> -> memref<1024xf32, #tpu.memory_space<hbm>>
      %dma_start3A_501 = tpu.memref_slice %arg10[%dma_start3A_496] : memref<2x!tpu.dma_semaphore, #tpu.memory_space<semaphore_mem>> -> memref<1x!tpu.dma_semaphore, #tpu.memory_space<semaphore_mem>>
      %dma_start3A_502 = tpu.memref_squeeze %dma_start3A_501 : memref<1x!tpu.dma_semaphore, #tpu.memory_space<semaphore_mem>> -> memref<!tpu.dma_semaphore, #tpu.memory_space<semaphore_mem>>
      %dma_start3A_503 = tpu.memref_slice %arg4[%add3A_494] : memref<104857600xf32, #tpu.memory_space<hbm>> -> memref<1024xf32, #tpu.memory_space<hbm>>
      %dma_start3A_504 = arith.constant 1024 : i32
      %dma_start3A_505 = tpu.memref_slice %arg7[%dma_start3A_495, %dma_start3A_504] : memref<2x16384xf32, #tpu.memory_space<vmem>> -> memref<1x1024xf32, #tpu.memory_space<vmem>>
      %dma_start3A_506 = tpu.memref_squeeze %dma_start3A_505 : memref<1x1024xf32, #tpu.memory_space<vmem>> -> memref<1024xf32, #tpu.memory_space<vmem>>
      tpu.enqueue_dma source(%dma_start3A_506 : memref<1024xf32, #tpu.memory_space<vmem>>) target(%dma_start3A_503 : memref<1024xf32, #tpu.memory_space<hbm>>) target_semaphore(%dma_start3A_502 : memref<!tpu.dma_semaphore, #tpu.memory_space<semaphore_mem>>)
      %add3A_507 = arith.constant 262144 : i32
      %add3A_508 = arith.addi %mul3A_478, %add3A_507 : i32
      %dma_start3A_509 = arith.constant 1 : i32
      %dma_start3A_510 = arith.constant 1 : i32
      %dma_start3A_511 = arith.constant 2048 : i32
      %dma_start3A_512 = tpu.memref_slice %arg7[%dma_start3A_509, %dma_start3A_511] : memref<2x16384xf32, #tpu.memory_space<vmem>> -> memref<1x1024xf32, #tpu.memory_space<vmem>>
      %dma_start3A_513 = tpu.memref_squeeze %dma_start3A_512 : memref<1x1024xf32, #tpu.memory_space<vmem>> -> memref<1024xf32, #tpu.memory_space<vmem>>
      %dma_start3A_514 = tpu.memref_slice %arg4[%add3A_508] : memref<104857600xf32, #tpu.memory_space<hbm>> -> memref<1024xf32, #tpu.memory_space<hbm>>
      %dma_start3A_515 = tpu.memref_slice %arg10[%dma_start3A_510] : memref<2x!tpu.dma_semaphore, #tpu.memory_space<semaphore_mem>> -> memref<1x!tpu.dma_semaphore, #tpu.memory_space<semaphore_mem>>
      %dma_start3A_516 = tpu.memref_squeeze %dma_start3A_515 : memref<1x!tpu.dma_semaphore, #tpu.memory_space<semaphore_mem>> -> memref<!tpu.dma_semaphore, #tpu.memory_space<semaphore_mem>>
      %dma_start3A_517 = tpu.memref_slice %arg4[%add3A_508] : memref<104857600xf32, #tpu.memory_space<hbm>> -> memref<1024xf32, #tpu.memory_space<hbm>>
      %dma_start3A_518 = arith.constant 2048 : i32
      %dma_start3A_519 = tpu.memref_slice %arg7[%dma_start3A_509, %dma_start3A_518] : memref<2x16384xf32, #tpu.memory_space<vmem>> -> memref<1x1024xf32, #tpu.memory_space<vmem>>
      %dma_start3A_520 = tpu.memref_squeeze %dma_start3A_519 : memref<1x1024xf32, #tpu.memory_space<vmem>> -> memref<1024xf32, #tpu.memory_space<vmem>>
      tpu.enqueue_dma source(%dma_start3A_520 : memref<1024xf32, #tpu.memory_space<vmem>>) target(%dma_start3A_517 : memref<1024xf32, #tpu.memory_space<hbm>>) target_semaphore(%dma_start3A_516 : memref<!tpu.dma_semaphore, #tpu.memory_space<semaphore_mem>>)
      %add3A_521 = arith.constant 393216 : i32
      %add3A_522 = arith.addi %mul3A_478, %add3A_521 : i32
      %dma_start3A_523 = arith.constant 1 : i32
      %dma_start3A_524 = arith.constant 1 : i32
      %dma_start3A_525 = arith.constant 3072 : i32
      %dma_start3A_526 = tpu.memref_slice %arg7[%dma_start3A_523, %dma_start3A_525] : memref<2x16384xf32, #tpu.memory_space<vmem>> -> memref<1x1024xf32, #tpu.memory_space<vmem>>
      %dma_start3A_527 = tpu.memref_squeeze %dma_start3A_526 : memref<1x1024xf32, #tpu.memory_space<vmem>> -> memref<1024xf32, #tpu.memory_space<vmem>>
      %dma_start3A_528 = tpu.memref_slice %arg4[%add3A_522] : memref<104857600xf32, #tpu.memory_space<hbm>> -> memref<1024xf32, #tpu.memory_space<hbm>>
      %dma_start3A_529 = tpu.memref_slice %arg10[%dma_start3A_524] : memref<2x!tpu.dma_semaphore, #tpu.memory_space<semaphore_mem>> -> memref<1x!tpu.dma_semaphore, #tpu.memory_space<semaphore_mem>>
      %dma_start3A_530 = tpu.memref_squeeze %dma_start3A_529 : memref<1x!tpu.dma_semaphore, #tpu.memory_space<semaphore_mem>> -> memref<!tpu.dma_semaphore, #tpu.memory_space<semaphore_mem>>
      %dma_start3A_531 = tpu.memref_slice %arg4[%add3A_522] : memref<104857600xf32, #tpu.memory_space<hbm>> -> memref<1024xf32, #tpu.memory_space<hbm>>
      %dma_start3A_532 = arith.constant 3072 : i32
      %dma_start3A_533 = tpu.memref_slice %arg7[%dma_start3A_523, %dma_start3A_532] : memref<2x16384xf32, #tpu.memory_space<vmem>> -> memref<1x1024xf32, #tpu.memory_space<vmem>>
      %dma_start3A_534 = tpu.memref_squeeze %dma_start3A_533 : memref<1x1024xf32, #tpu.memory_space<vmem>> -> memref<1024xf32, #tpu.memory_space<vmem>>
      tpu.enqueue_dma source(%dma_start3A_534 : memref<1024xf32, #tpu.memory_space<vmem>>) target(%dma_start3A_531 : memref<1024xf32, #tpu.memory_space<hbm>>) target_semaphore(%dma_start3A_530 : memref<!tpu.dma_semaphore, #tpu.memory_space<semaphore_mem>>)
      %mul3A_535 = arith.constant 8 : i32
      %mul3A_536 = arith.muli %shift_right_arithmetic3A_458, %mul3A_535 : i32
      %mul3A_537 = arith.constant 4 : i32
      %mul3A_538 = arith.muli %and3A_464, %mul3A_537 : i32
      %add3A_539 = arith.addi %mul3A_536, %mul3A_538 : i32
      %add3A_540 = arith.constant 1 : i32
      %add3A_541 = arith.addi %add3A_539, %add3A_540 : i32
      %mul3A_542 = arith.constant 4 : i32
      %mul3A_543 = arith.muli %add3A_541, %mul3A_542 : i32
      %mul3A_544 = arith.constant 128 : i32
      %mul3A_545 = arith.muli %mul3A_543, %mul3A_544 : i32
      %add3A_546 = arith.addi %mul3A_545, %and3A_462 : i32
      %mul3A_547 = arith.constant 1024 : i32
      %mul3A_548 = arith.muli %add3A_546, %mul3A_547 : i32
      %add3A_549 = arith.constant 0 : i32
      %add3A_550 = arith.addi %mul3A_548, %add3A_549 : i32
      %dma_start3A_551 = arith.constant 1 : i32
      %dma_start3A_552 = arith.constant 1 : i32
      %dma_start3A_553 = arith.constant 4096 : i32
      %dma_start3A_554 = tpu.memref_slice %arg7[%dma_start3A_551, %dma_start3A_553] : memref<2x16384xf32, #tpu.memory_space<vmem>> -> memref<1x1024xf32, #tpu.memory_space<vmem>>
      %dma_start3A_555 = tpu.memref_squeeze %dma_start3A_554 : memref<1x1024xf32, #tpu.memory_space<vmem>> -> memref<1024xf32, #tpu.memory_space<vmem>>
      %dma_start3A_556 = tpu.memref_slice %arg4[%add3A_550] : memref<104857600xf32, #tpu.memory_space<hbm>> -> memref<1024xf32, #tpu.memory_space<hbm>>
      %dma_start3A_557 = tpu.memref_slice %arg10[%dma_start3A_552] : memref<2x!tpu.dma_semaphore, #tpu.memory_space<semaphore_mem>> -> memref<1x!tpu.dma_semaphore, #tpu.memory_space<semaphore_mem>>
      %dma_start3A_558 = tpu.memref_squeeze %dma_start3A_557 : memref<1x!tpu.dma_semaphore, #tpu.memory_space<semaphore_mem>> -> memref<!tpu.dma_semaphore, #tpu.memory_space<semaphore_mem>>
      %dma_start3A_559 = tpu.memref_slice %arg4[%add3A_550] : memref<104857600xf32, #tpu.memory_space<hbm>> -> memref<1024xf32, #tpu.memory_space<hbm>>
      %dma_start3A_560 = arith.constant 4096 : i32
      %dma_start3A_561 = tpu.memref_slice %arg7[%dma_start3A_551, %dma_start3A_560] : memref<2x16384xf32, #tpu.memory_space<vmem>> -> memref<1x1024xf32, #tpu.memory_space<vmem>>
      %dma_start3A_562 = tpu.memref_squeeze %dma_start3A_561 : memref<1x1024xf32, #tpu.memory_space<vmem>> -> memref<1024xf32, #tpu.memory_space<vmem>>
      tpu.enqueue_dma source(%dma_start3A_562 : memref<1024xf32, #tpu.memory_space<vmem>>) target(%dma_start3A_559 : memref<1024xf32, #tpu.memory_space<hbm>>) target_semaphore(%dma_start3A_558 : memref<!tpu.dma_semaphore, #tpu.memory_space<semaphore_mem>>)
      %add3A_563 = arith.constant 131072 : i32
      %add3A_564 = arith.addi %mul3A_548, %add3A_563 : i32
      %dma_start3A_565 = arith.constant 1 : i32
      %dma_start3A_566 = arith.constant 1 : i32
      %dma_start3A_567 = arith.constant 5120 : i32
      %dma_start3A_568 = tpu.memref_slice %arg7[%dma_start3A_565, %dma_start3A_567] : memref<2x16384xf32, #tpu.memory_space<vmem>> -> memref<1x1024xf32, #tpu.memory_space<vmem>>
      %dma_start3A_569 = tpu.memref_squeeze %dma_start3A_568 : memref<1x1024xf32, #tpu.memory_space<vmem>> -> memref<1024xf32, #tpu.memory_space<vmem>>
      %dma_start3A_570 = tpu.memref_slice %arg4[%add3A_564] : memref<104857600xf32, #tpu.memory_space<hbm>> -> memref<1024xf32, #tpu.memory_space<hbm>>
      %dma_start3A_571 = tpu.memref_slice %arg10[%dma_start3A_566] : memref<2x!tpu.dma_semaphore, #tpu.memory_space<semaphore_mem>> -> memref<1x!tpu.dma_semaphore, #tpu.memory_space<semaphore_mem>>
      %dma_start3A_572 = tpu.memref_squeeze %dma_start3A_571 : memref<1x!tpu.dma_semaphore, #tpu.memory_space<semaphore_mem>> -> memref<!tpu.dma_semaphore, #tpu.memory_space<semaphore_mem>>
      %dma_start3A_573 = tpu.memref_slice %arg4[%add3A_564] : memref<104857600xf32, #tpu.memory_space<hbm>> -> memref<1024xf32, #tpu.memory_space<hbm>>
      %dma_start3A_574 = arith.constant 5120 : i32
      %dma_start3A_575 = tpu.memref_slice %arg7[%dma_start3A_565, %dma_start3A_574] : memref<2x16384xf32, #tpu.memory_space<vmem>> -> memref<1x1024xf32, #tpu.memory_space<vmem>>
      %dma_start3A_576 = tpu.memref_squeeze %dma_start3A_575 : memref<1x1024xf32, #tpu.memory_space<vmem>> -> memref<1024xf32, #tpu.memory_space<vmem>>
      tpu.enqueue_dma source(%dma_start3A_576 : memref<1024xf32, #tpu.memory_space<vmem>>) target(%dma_start3A_573 : memref<1024xf32, #tpu.memory_space<hbm>>) target_semaphore(%dma_start3A_572 : memref<!tpu.dma_semaphore, #tpu.memory_space<semaphore_mem>>)
      %add3A_577 = arith.constant 262144 : i32
      %add3A_578 = arith.addi %mul3A_548, %add3A_577 : i32
      %dma_start3A_579 = arith.constant 1 : i32
      %dma_start3A_580 = arith.constant 1 : i32
      %dma_start3A_581 = arith.constant 6144 : i32
      %dma_start3A_582 = tpu.memref_slice %arg7[%dma_start3A_579, %dma_start3A_581] : memref<2x16384xf32, #tpu.memory_space<vmem>> -> memref<1x1024xf32, #tpu.memory_space<vmem>>
      %dma_start3A_583 = tpu.memref_squeeze %dma_start3A_582 : memref<1x1024xf32, #tpu.memory_space<vmem>> -> memref<1024xf32, #tpu.memory_space<vmem>>
      %dma_start3A_584 = tpu.memref_slice %arg4[%add3A_578] : memref<104857600xf32, #tpu.memory_space<hbm>> -> memref<1024xf32, #tpu.memory_space<hbm>>
      %dma_start3A_585 = tpu.memref_slice %arg10[%dma_start3A_580] : memref<2x!tpu.dma_semaphore, #tpu.memory_space<semaphore_mem>> -> memref<1x!tpu.dma_semaphore, #tpu.memory_space<semaphore_mem>>
      %dma_start3A_586 = tpu.memref_squeeze %dma_start3A_585 : memref<1x!tpu.dma_semaphore, #tpu.memory_space<semaphore_mem>> -> memref<!tpu.dma_semaphore, #tpu.memory_space<semaphore_mem>>
      %dma_start3A_587 = tpu.memref_slice %arg4[%add3A_578] : memref<104857600xf32, #tpu.memory_space<hbm>> -> memref<1024xf32, #tpu.memory_space<hbm>>
      %dma_start3A_588 = arith.constant 6144 : i32
      %dma_start3A_589 = tpu.memref_slice %arg7[%dma_start3A_579, %dma_start3A_588] : memref<2x16384xf32, #tpu.memory_space<vmem>> -> memref<1x1024xf32, #tpu.memory_space<vmem>>
      %dma_start3A_590 = tpu.memref_squeeze %dma_start3A_589 : memref<1x1024xf32, #tpu.memory_space<vmem>> -> memref<1024xf32, #tpu.memory_space<vmem>>
      tpu.enqueue_dma source(%dma_start3A_590 : memref<1024xf32, #tpu.memory_space<vmem>>) target(%dma_start3A_587 : memref<1024xf32, #tpu.memory_space<hbm>>) target_semaphore(%dma_start3A_586 : memref<!tpu.dma_semaphore, #tpu.memory_space<semaphore_mem>>)
      %add3A_591 = arith.constant 393216 : i32
      %add3A_592 = arith.addi %mul3A_548, %add3A_591 : i32
      %dma_start3A_593 = arith.constant 1 : i32
      %dma_start3A_594 = arith.constant 1 : i32
      %dma_start3A_595 = arith.constant 7168 : i32
      %dma_start3A_596 = tpu.memref_slice %arg7[%dma_start3A_593, %dma_start3A_595] : memref<2x16384xf32, #tpu.memory_space<vmem>> -> memref<1x1024xf32, #tpu.memory_space<vmem>>
      %dma_start3A_597 = tpu.memref_squeeze %dma_start3A_596 : memref<1x1024xf32, #tpu.memory_space<vmem>> -> memref<1024xf32, #tpu.memory_space<vmem>>
      %dma_start3A_598 = tpu.memref_slice %arg4[%add3A_592] : memref<104857600xf32, #tpu.memory_space<hbm>> -> memref<1024xf32, #tpu.memory_space<hbm>>
      %dma_start3A_599 = tpu.memref_slice %arg10[%dma_start3A_594] : memref<2x!tpu.dma_semaphore, #tpu.memory_space<semaphore_mem>> -> memref<1x!tpu.dma_semaphore, #tpu.memory_space<semaphore_mem>>
      %dma_start3A_600 = tpu.memref_squeeze %dma_start3A_599 : memref<1x!tpu.dma_semaphore, #tpu.memory_space<semaphore_mem>> -> memref<!tpu.dma_semaphore, #tpu.memory_space<semaphore_mem>>
      %dma_start3A_601 = tpu.memref_slice %arg4[%add3A_592] : memref<104857600xf32, #tpu.memory_space<hbm>> -> memref<1024xf32, #tpu.memory_space<hbm>>
      %dma_start3A_602 = arith.constant 7168 : i32
      %dma_start3A_603 = tpu.memref_slice %arg7[%dma_start3A_593, %dma_start3A_602] : memref<2x16384xf32, #tpu.memory_space<vmem>> -> memref<1x1024xf32, #tpu.memory_space<vmem>>
      %dma_start3A_604 = tpu.memref_squeeze %dma_start3A_603 : memref<1x1024xf32, #tpu.memory_space<vmem>> -> memref<1024xf32, #tpu.memory_space<vmem>>
      tpu.enqueue_dma source(%dma_start3A_604 : memref<1024xf32, #tpu.memory_space<vmem>>) target(%dma_start3A_601 : memref<1024xf32, #tpu.memory_space<hbm>>) target_semaphore(%dma_start3A_600 : memref<!tpu.dma_semaphore, #tpu.memory_space<semaphore_mem>>)
      %mul3A_605 = arith.constant 8 : i32
      %mul3A_606 = arith.muli %shift_right_arithmetic3A_458, %mul3A_605 : i32
      %mul3A_607 = arith.constant 4 : i32
      %mul3A_608 = arith.muli %and3A_464, %mul3A_607 : i32
      %add3A_609 = arith.addi %mul3A_606, %mul3A_608 : i32
      %add3A_610 = arith.constant 2 : i32
      %add3A_611 = arith.addi %add3A_609, %add3A_610 : i32
      %mul3A_612 = arith.constant 4 : i32
      %mul3A_613 = arith.muli %add3A_611, %mul3A_612 : i32
      %mul3A_614 = arith.constant 128 : i32
      %mul3A_615 = arith.muli %mul3A_613, %mul3A_614 : i32
      %add3A_616 = arith.addi %mul3A_615, %and3A_462 : i32
      %mul3A_617 = arith.constant 1024 : i32
      %mul3A_618 = arith.muli %add3A_616, %mul3A_617 : i32
      %add3A_619 = arith.constant 0 : i32
      %add3A_620 = arith.addi %mul3A_618, %add3A_619 : i32
      %dma_start3A_621 = arith.constant 1 : i32
      %dma_start3A_622 = arith.constant 1 : i32
      %dma_start3A_623 = arith.constant 8192 : i32
      %dma_start3A_624 = tpu.memref_slice %arg7[%dma_start3A_621, %dma_start3A_623] : memref<2x16384xf32, #tpu.memory_space<vmem>> -> memref<1x1024xf32, #tpu.memory_space<vmem>>
      %dma_start3A_625 = tpu.memref_squeeze %dma_start3A_624 : memref<1x1024xf32, #tpu.memory_space<vmem>> -> memref<1024xf32, #tpu.memory_space<vmem>>
      %dma_start3A_626 = tpu.memref_slice %arg4[%add3A_620] : memref<104857600xf32, #tpu.memory_space<hbm>> -> memref<1024xf32, #tpu.memory_space<hbm>>
      %dma_start3A_627 = tpu.memref_slice %arg10[%dma_start3A_622] : memref<2x!tpu.dma_semaphore, #tpu.memory_space<semaphore_mem>> -> memref<1x!tpu.dma_semaphore, #tpu.memory_space<semaphore_mem>>
      %dma_start3A_628 = tpu.memref_squeeze %dma_start3A_627 : memref<1x!tpu.dma_semaphore, #tpu.memory_space<semaphore_mem>> -> memref<!tpu.dma_semaphore, #tpu.memory_space<semaphore_mem>>
      %dma_start3A_629 = tpu.memref_slice %arg4[%add3A_620] : memref<104857600xf32, #tpu.memory_space<hbm>> -> memref<1024xf32, #tpu.memory_space<hbm>>
      %dma_start3A_630 = arith.constant 8192 : i32
      %dma_start3A_631 = tpu.memref_slice %arg7[%dma_start3A_621, %dma_start3A_630] : memref<2x16384xf32, #tpu.memory_space<vmem>> -> memref<1x1024xf32, #tpu.memory_space<vmem>>
      %dma_start3A_632 = tpu.memref_squeeze %dma_start3A_631 : memref<1x1024xf32, #tpu.memory_space<vmem>> -> memref<1024xf32, #tpu.memory_space<vmem>>
      tpu.enqueue_dma source(%dma_start3A_632 : memref<1024xf32, #tpu.memory_space<vmem>>) target(%dma_start3A_629 : memref<1024xf32, #tpu.memory_space<hbm>>) target_semaphore(%dma_start3A_628 : memref<!tpu.dma_semaphore, #tpu.memory_space<semaphore_mem>>)
      %add3A_633 = arith.constant 131072 : i32
      %add3A_634 = arith.addi %mul3A_618, %add3A_633 : i32
      %dma_start3A_635 = arith.constant 1 : i32
      %dma_start3A_636 = arith.constant 1 : i32
      %dma_start3A_637 = arith.constant 9216 : i32
      %dma_start3A_638 = tpu.memref_slice %arg7[%dma_start3A_635, %dma_start3A_637] : memref<2x16384xf32, #tpu.memory_space<vmem>> -> memref<1x1024xf32, #tpu.memory_space<vmem>>
      %dma_start3A_639 = tpu.memref_squeeze %dma_start3A_638 : memref<1x1024xf32, #tpu.memory_space<vmem>> -> memref<1024xf32, #tpu.memory_space<vmem>>
      %dma_start3A_640 = tpu.memref_slice %arg4[%add3A_634] : memref<104857600xf32, #tpu.memory_space<hbm>> -> memref<1024xf32, #tpu.memory_space<hbm>>
      %dma_start3A_641 = tpu.memref_slice %arg10[%dma_start3A_636] : memref<2x!tpu.dma_semaphore, #tpu.memory_space<semaphore_mem>> -> memref<1x!tpu.dma_semaphore, #tpu.memory_space<semaphore_mem>>
      %dma_start3A_642 = tpu.memref_squeeze %dma_start3A_641 : memref<1x!tpu.dma_semaphore, #tpu.memory_space<semaphore_mem>> -> memref<!tpu.dma_semaphore, #tpu.memory_space<semaphore_mem>>
      %dma_start3A_643 = tpu.memref_slice %arg4[%add3A_634] : memref<104857600xf32, #tpu.memory_space<hbm>> -> memref<1024xf32, #tpu.memory_space<hbm>>
      %dma_start3A_644 = arith.constant 9216 : i32
      %dma_start3A_645 = tpu.memref_slice %arg7[%dma_start3A_635, %dma_start3A_644] : memref<2x16384xf32, #tpu.memory_space<vmem>> -> memref<1x1024xf32, #tpu.memory_space<vmem>>
      %dma_start3A_646 = tpu.memref_squeeze %dma_start3A_645 : memref<1x1024xf32, #tpu.memory_space<vmem>> -> memref<1024xf32, #tpu.memory_space<vmem>>
      tpu.enqueue_dma source(%dma_start3A_646 : memref<1024xf32, #tpu.memory_space<vmem>>) target(%dma_start3A_643 : memref<1024xf32, #tpu.memory_space<hbm>>) target_semaphore(%dma_start3A_642 : memref<!tpu.dma_semaphore, #tpu.memory_space<semaphore_mem>>)
      %add3A_647 = arith.constant 262144 : i32
      %add3A_648 = arith.addi %mul3A_618, %add3A_647 : i32
      %dma_start3A_649 = arith.constant 1 : i32
      %dma_start3A_650 = arith.constant 1 : i32
      %dma_start3A_651 = arith.constant 10240 : i32
      %dma_start3A_652 = tpu.memref_slice %arg7[%dma_start3A_649, %dma_start3A_651] : memref<2x16384xf32, #tpu.memory_space<vmem>> -> memref<1x1024xf32, #tpu.memory_space<vmem>>
      %dma_start3A_653 = tpu.memref_squeeze %dma_start3A_652 : memref<1x1024xf32, #tpu.memory_space<vmem>> -> memref<1024xf32, #tpu.memory_space<vmem>>
      %dma_start3A_654 = tpu.memref_slice %arg4[%add3A_648] : memref<104857600xf32, #tpu.memory_space<hbm>> -> memref<1024xf32, #tpu.memory_space<hbm>>
      %dma_start3A_655 = tpu.memref_slice %arg10[%dma_start3A_650] : memref<2x!tpu.dma_semaphore, #tpu.memory_space<semaphore_mem>> -> memref<1x!tpu.dma_semaphore, #tpu.memory_space<semaphore_mem>>
      %dma_start3A_656 = tpu.memref_squeeze %dma_start3A_655 : memref<1x!tpu.dma_semaphore, #tpu.memory_space<semaphore_mem>> -> memref<!tpu.dma_semaphore, #tpu.memory_space<semaphore_mem>>
      %dma_start3A_657 = tpu.memref_slice %arg4[%add3A_648] : memref<104857600xf32, #tpu.memory_space<hbm>> -> memref<1024xf32, #tpu.memory_space<hbm>>
      %dma_start3A_658 = arith.constant 10240 : i32
      %dma_start3A_659 = tpu.memref_slice %arg7[%dma_start3A_649, %dma_start3A_658] : memref<2x16384xf32, #tpu.memory_space<vmem>> -> memref<1x1024xf32, #tpu.memory_space<vmem>>
      %dma_start3A_660 = tpu.memref_squeeze %dma_start3A_659 : memref<1x1024xf32, #tpu.memory_space<vmem>> -> memref<1024xf32, #tpu.memory_space<vmem>>
      tpu.enqueue_dma source(%dma_start3A_660 : memref<1024xf32, #tpu.memory_space<vmem>>) target(%dma_start3A_657 : memref<1024xf32, #tpu.memory_space<hbm>>) target_semaphore(%dma_start3A_656 : memref<!tpu.dma_semaphore, #tpu.memory_space<semaphore_mem>>)
      %add3A_661 = arith.constant 393216 : i32
      %add3A_662 = arith.addi %mul3A_618, %add3A_661 : i32
      %dma_start3A_663 = arith.constant 1 : i32
      %dma_start3A_664 = arith.constant 1 : i32
      %dma_start3A_665 = arith.constant 11264 : i32
      %dma_start3A_666 = tpu.memref_slice %arg7[%dma_start3A_663, %dma_start3A_665] : memref<2x16384xf32, #tpu.memory_space<vmem>> -> memref<1x1024xf32, #tpu.memory_space<vmem>>
      %dma_start3A_667 = tpu.memref_squeeze %dma_start3A_666 : memref<1x1024xf32, #tpu.memory_space<vmem>> -> memref<1024xf32, #tpu.memory_space<vmem>>
      %dma_start3A_668 = tpu.memref_slice %arg4[%add3A_662] : memref<104857600xf32, #tpu.memory_space<hbm>> -> memref<1024xf32, #tpu.memory_space<hbm>>
      %dma_start3A_669 = tpu.memref_slice %arg10[%dma_start3A_664] : memref<2x!tpu.dma_semaphore, #tpu.memory_space<semaphore_mem>> -> memref<1x!tpu.dma_semaphore, #tpu.memory_space<semaphore_mem>>
      %dma_start3A_670 = tpu.memref_squeeze %dma_start3A_669 : memref<1x!tpu.dma_semaphore, #tpu.memory_space<semaphore_mem>> -> memref<!tpu.dma_semaphore, #tpu.memory_space<semaphore_mem>>
      %dma_start3A_671 = tpu.memref_slice %arg4[%add3A_662] : memref<104857600xf32, #tpu.memory_space<hbm>> -> memref<1024xf32, #tpu.memory_space<hbm>>
      %dma_start3A_672 = arith.constant 11264 : i32
      %dma_start3A_673 = tpu.memref_slice %arg7[%dma_start3A_663, %dma_start3A_672] : memref<2x16384xf32, #tpu.memory_space<vmem>> -> memref<1x1024xf32, #tpu.memory_space<vmem>>
      %dma_start3A_674 = tpu.memref_squeeze %dma_start3A_673 : memref<1x1024xf32, #tpu.memory_space<vmem>> -> memref<1024xf32, #tpu.memory_space<vmem>>
      tpu.enqueue_dma source(%dma_start3A_674 : memref<1024xf32, #tpu.memory_space<vmem>>) target(%dma_start3A_671 : memref<1024xf32, #tpu.memory_space<hbm>>) target_semaphore(%dma_start3A_670 : memref<!tpu.dma_semaphore, #tpu.memory_space<semaphore_mem>>)
      %mul3A_675 = arith.constant 8 : i32
      %mul3A_676 = arith.muli %shift_right_arithmetic3A_458, %mul3A_675 : i32
      %mul3A_677 = arith.constant 4 : i32
      %mul3A_678 = arith.muli %and3A_464, %mul3A_677 : i32
      %add3A_679 = arith.addi %mul3A_676, %mul3A_678 : i32
      %add3A_680 = arith.constant 3 : i32
      %add3A_681 = arith.addi %add3A_679, %add3A_680 : i32
      %mul3A_682 = arith.constant 4 : i32
      %mul3A_683 = arith.muli %add3A_681, %mul3A_682 : i32
      %mul3A_684 = arith.constant 128 : i32
      %mul3A_685 = arith.muli %mul3A_683, %mul3A_684 : i32
      %add3A_686 = arith.addi %mul3A_685, %and3A_462 : i32
      %mul3A_687 = arith.constant 1024 : i32
      %mul3A_688 = arith.muli %add3A_686, %mul3A_687 : i32
      %add3A_689 = arith.constant 0 : i32
      %add3A_690 = arith.addi %mul3A_688, %add3A_689 : i32
      %dma_start3A_691 = arith.constant 1 : i32
      %dma_start3A_692 = arith.constant 1 : i32
      %dma_start3A_693 = arith.constant 12288 : i32
      %dma_start3A_694 = tpu.memref_slice %arg7[%dma_start3A_691, %dma_start3A_693] : memref<2x16384xf32, #tpu.memory_space<vmem>> -> memref<1x1024xf32, #tpu.memory_space<vmem>>
      %dma_start3A_695 = tpu.memref_squeeze %dma_start3A_694 : memref<1x1024xf32, #tpu.memory_space<vmem>> -> memref<1024xf32, #tpu.memory_space<vmem>>
      %dma_start3A_696 = tpu.memref_slice %arg4[%add3A_690] : memref<104857600xf32, #tpu.memory_space<hbm>> -> memref<1024xf32, #tpu.memory_space<hbm>>
      %dma_start3A_697 = tpu.memref_slice %arg10[%dma_start3A_692] : memref<2x!tpu.dma_semaphore, #tpu.memory_space<semaphore_mem>> -> memref<1x!tpu.dma_semaphore, #tpu.memory_space<semaphore_mem>>
      %dma_start3A_698 = tpu.memref_squeeze %dma_start3A_697 : memref<1x!tpu.dma_semaphore, #tpu.memory_space<semaphore_mem>> -> memref<!tpu.dma_semaphore, #tpu.memory_space<semaphore_mem>>
      %dma_start3A_699 = tpu.memref_slice %arg4[%add3A_690] : memref<104857600xf32, #tpu.memory_space<hbm>> -> memref<1024xf32, #tpu.memory_space<hbm>>
      %dma_start3A_700 = arith.constant 12288 : i32
      %dma_start3A_701 = tpu.memref_slice %arg7[%dma_start3A_691, %dma_start3A_700] : memref<2x16384xf32, #tpu.memory_space<vmem>> -> memref<1x1024xf32, #tpu.memory_space<vmem>>
      %dma_start3A_702 = tpu.memref_squeeze %dma_start3A_701 : memref<1x1024xf32, #tpu.memory_space<vmem>> -> memref<1024xf32, #tpu.memory_space<vmem>>
      tpu.enqueue_dma source(%dma_start3A_702 : memref<1024xf32, #tpu.memory_space<vmem>>) target(%dma_start3A_699 : memref<1024xf32, #tpu.memory_space<hbm>>) target_semaphore(%dma_start3A_698 : memref<!tpu.dma_semaphore, #tpu.memory_space<semaphore_mem>>)
      %add3A_703 = arith.constant 131072 : i32
      %add3A_704 = arith.addi %mul3A_688, %add3A_703 : i32
      %dma_start3A_705 = arith.constant 1 : i32
      %dma_start3A_706 = arith.constant 1 : i32
      %dma_start3A_707 = arith.constant 13312 : i32
      %dma_start3A_708 = tpu.memref_slice %arg7[%dma_start3A_705, %dma_start3A_707] : memref<2x16384xf32, #tpu.memory_space<vmem>> -> memref<1x1024xf32, #tpu.memory_space<vmem>>
      %dma_start3A_709 = tpu.memref_squeeze %dma_start3A_708 : memref<1x1024xf32, #tpu.memory_space<vmem>> -> memref<1024xf32, #tpu.memory_space<vmem>>
      %dma_start3A_710 = tpu.memref_slice %arg4[%add3A_704] : memref<104857600xf32, #tpu.memory_space<hbm>> -> memref<1024xf32, #tpu.memory_space<hbm>>
      %dma_start3A_711 = tpu.memref_slice %arg10[%dma_start3A_706] : memref<2x!tpu.dma_semaphore, #tpu.memory_space<semaphore_mem>> -> memref<1x!tpu.dma_semaphore, #tpu.memory_space<semaphore_mem>>
      %dma_start3A_712 = tpu.memref_squeeze %dma_start3A_711 : memref<1x!tpu.dma_semaphore, #tpu.memory_space<semaphore_mem>> -> memref<!tpu.dma_semaphore, #tpu.memory_space<semaphore_mem>>
      %dma_start3A_713 = tpu.memref_slice %arg4[%add3A_704] : memref<104857600xf32, #tpu.memory_space<hbm>> -> memref<1024xf32, #tpu.memory_space<hbm>>
      %dma_start3A_714 = arith.constant 13312 : i32
      %dma_start3A_715 = tpu.memref_slice %arg7[%dma_start3A_705, %dma_start3A_714] : memref<2x16384xf32, #tpu.memory_space<vmem>> -> memref<1x1024xf32, #tpu.memory_space<vmem>>
      %dma_start3A_716 = tpu.memref_squeeze %dma_start3A_715 : memref<1x1024xf32, #tpu.memory_space<vmem>> -> memref<1024xf32, #tpu.memory_space<vmem>>
      tpu.enqueue_dma source(%dma_start3A_716 : memref<1024xf32, #tpu.memory_space<vmem>>) target(%dma_start3A_713 : memref<1024xf32, #tpu.memory_space<hbm>>) target_semaphore(%dma_start3A_712 : memref<!tpu.dma_semaphore, #tpu.memory_space<semaphore_mem>>)
      %add3A_717 = arith.constant 262144 : i32
      %add3A_718 = arith.addi %mul3A_688, %add3A_717 : i32
      %dma_start3A_719 = arith.constant 1 : i32
      %dma_start3A_720 = arith.constant 1 : i32
      %dma_start3A_721 = arith.constant 14336 : i32
      %dma_start3A_722 = tpu.memref_slice %arg7[%dma_start3A_719, %dma_start3A_721] : memref<2x16384xf32, #tpu.memory_space<vmem>> -> memref<1x1024xf32, #tpu.memory_space<vmem>>
      %dma_start3A_723 = tpu.memref_squeeze %dma_start3A_722 : memref<1x1024xf32, #tpu.memory_space<vmem>> -> memref<1024xf32, #tpu.memory_space<vmem>>
      %dma_start3A_724 = tpu.memref_slice %arg4[%add3A_718] : memref<104857600xf32, #tpu.memory_space<hbm>> -> memref<1024xf32, #tpu.memory_space<hbm>>
      %dma_start3A_725 = tpu.memref_slice %arg10[%dma_start3A_720] : memref<2x!tpu.dma_semaphore, #tpu.memory_space<semaphore_mem>> -> memref<1x!tpu.dma_semaphore, #tpu.memory_space<semaphore_mem>>
      %dma_start3A_726 = tpu.memref_squeeze %dma_start3A_725 : memref<1x!tpu.dma_semaphore, #tpu.memory_space<semaphore_mem>> -> memref<!tpu.dma_semaphore, #tpu.memory_space<semaphore_mem>>
      %dma_start3A_727 = tpu.memref_slice %arg4[%add3A_718] : memref<104857600xf32, #tpu.memory_space<hbm>> -> memref<1024xf32, #tpu.memory_space<hbm>>
      %dma_start3A_728 = arith.constant 14336 : i32
      %dma_start3A_729 = tpu.memref_slice %arg7[%dma_start3A_719, %dma_start3A_728] : memref<2x16384xf32, #tpu.memory_space<vmem>> -> memref<1x1024xf32, #tpu.memory_space<vmem>>
      %dma_start3A_730 = tpu.memref_squeeze %dma_start3A_729 : memref<1x1024xf32, #tpu.memory_space<vmem>> -> memref<1024xf32, #tpu.memory_space<vmem>>
      tpu.enqueue_dma source(%dma_start3A_730 : memref<1024xf32, #tpu.memory_space<vmem>>) target(%dma_start3A_727 : memref<1024xf32, #tpu.memory_space<hbm>>) target_semaphore(%dma_start3A_726 : memref<!tpu.dma_semaphore, #tpu.memory_space<semaphore_mem>>)
      %add3A_731 = arith.constant 393216 : i32
      %add3A_732 = arith.addi %mul3A_688, %add3A_731 : i32
      %dma_start3A_733 = arith.constant 1 : i32
      %dma_start3A_734 = arith.constant 1 : i32
      %dma_start3A_735 = arith.constant 15360 : i32
      %dma_start3A_736 = tpu.memref_slice %arg7[%dma_start3A_733, %dma_start3A_735] : memref<2x16384xf32, #tpu.memory_space<vmem>> -> memref<1x1024xf32, #tpu.memory_space<vmem>>
      %dma_start3A_737 = tpu.memref_squeeze %dma_start3A_736 : memref<1x1024xf32, #tpu.memory_space<vmem>> -> memref<1024xf32, #tpu.memory_space<vmem>>
      %dma_start3A_738 = tpu.memref_slice %arg4[%add3A_732] : memref<104857600xf32, #tpu.memory_space<hbm>> -> memref<1024xf32, #tpu.memory_space<hbm>>
      %dma_start3A_739 = tpu.memref_slice %arg10[%dma_start3A_734] : memref<2x!tpu.dma_semaphore, #tpu.memory_space<semaphore_mem>> -> memref<1x!tpu.dma_semaphore, #tpu.memory_space<semaphore_mem>>
      %dma_start3A_740 = tpu.memref_squeeze %dma_start3A_739 : memref<1x!tpu.dma_semaphore, #tpu.memory_space<semaphore_mem>> -> memref<!tpu.dma_semaphore, #tpu.memory_space<semaphore_mem>>
      %dma_start3A_741 = tpu.memref_slice %arg4[%add3A_732] : memref<104857600xf32, #tpu.memory_space<hbm>> -> memref<1024xf32, #tpu.memory_space<hbm>>
      %dma_start3A_742 = arith.constant 15360 : i32
      %dma_start3A_743 = tpu.memref_slice %arg7[%dma_start3A_733, %dma_start3A_742] : memref<2x16384xf32, #tpu.memory_space<vmem>> -> memref<1x1024xf32, #tpu.memory_space<vmem>>
      %dma_start3A_744 = tpu.memref_squeeze %dma_start3A_743 : memref<1x1024xf32, #tpu.memory_space<vmem>> -> memref<1024xf32, #tpu.memory_space<vmem>>
      tpu.enqueue_dma source(%dma_start3A_744 : memref<1024xf32, #tpu.memory_space<vmem>>) target(%dma_start3A_741 : memref<1024xf32, #tpu.memory_space<hbm>>) target_semaphore(%dma_start3A_740 : memref<!tpu.dma_semaphore, #tpu.memory_space<semaphore_mem>>)
      %add3A_745 = arith.constant 2 : i32
      %add3A_746 = arith.addi %add3A_423, %add3A_745 : i32
      %lt3A_747 = arith.constant 200 : i32
      %lt3A_748 = arith.cmpi slt, %add3A_746, %lt3A_747 : i32
      %convert_element_type3A_749 = arith.extui %lt3A_748 : i1 to i32
      %cond3A_750 = arith.constant 0 : i32
      %cond3A_751 = arith.cmpi ne, %convert_element_type3A_749, %cond3A_750 : i32
      scf.if %cond3A_751 {
        %add3A_752 = arith.constant 2 : i32
        %add3A_753 = arith.addi %add3A_423, %add3A_752 : i32
        %add3A_754 = arith.addi %mul3A_2, %add3A_753 : i32
        %mul3A_755 = arith.constant 512 : i32
        %mul3A_756 = arith.muli %add3A_754, %mul3A_755 : i32
        %dma_start3A_757 = arith.constant 1 : i32
        %dma_start3A_758 = arith.constant 1 : i32
        %dma_start3A_759 = arith.constant 0 : i32
        %dma_start3A_760 = tpu.memref_slice %arg5[%dma_start3A_757, %dma_start3A_759] : memref<2x512xi32, #tpu.memory_space<vmem>> -> memref<1x512xi32, #tpu.memory_space<vmem>>
        %dma_start3A_761 = tpu.memref_squeeze %dma_start3A_760 : memref<1x512xi32, #tpu.memory_space<vmem>> -> memref<512xi32, #tpu.memory_space<vmem>>
        %dma_start3A_762 = tpu.memref_slice %arg2[%mul3A_756] : memref<3276800xi32, #tpu.memory_space<hbm>> -> memref<512xi32, #tpu.memory_space<hbm>>
        %dma_start3A_763 = tpu.memref_slice %arg8[%dma_start3A_758] : memref<2x!tpu.dma_semaphore, #tpu.memory_space<semaphore_mem>> -> memref<1x!tpu.dma_semaphore, #tpu.memory_space<semaphore_mem>>
        %dma_start3A_764 = tpu.memref_squeeze %dma_start3A_763 : memref<1x!tpu.dma_semaphore, #tpu.memory_space<semaphore_mem>> -> memref<!tpu.dma_semaphore, #tpu.memory_space<semaphore_mem>>
        %dma_start3A_765 = arith.constant 0 : i32
        %dma_start3A_766 = tpu.memref_slice %arg5[%dma_start3A_757, %dma_start3A_765] : memref<2x512xi32, #tpu.memory_space<vmem>> -> memref<1x512xi32, #tpu.memory_space<vmem>>
        %dma_start3A_767 = tpu.memref_squeeze %dma_start3A_766 : memref<1x512xi32, #tpu.memory_space<vmem>> -> memref<512xi32, #tpu.memory_space<vmem>>
        %dma_start3A_768 = tpu.memref_slice %arg2[%mul3A_756] : memref<3276800xi32, #tpu.memory_space<hbm>> -> memref<512xi32, #tpu.memory_space<hbm>>
        tpu.enqueue_dma source(%dma_start3A_768 : memref<512xi32, #tpu.memory_space<hbm>>) target(%dma_start3A_767 : memref<512xi32, #tpu.memory_space<vmem>>) target_semaphore(%dma_start3A_764 : memref<!tpu.dma_semaphore, #tpu.memory_space<semaphore_mem>>)
      } else {
      }
    }
    %scan3A_65 = arith.constant 100 : i32
    %dma_wait3A_66 = arith.constant 0 : i32
    %dma_wait3A_67 = arith.constant 0 : i32
    %dma_wait3A_68 = arith.constant 0 : i32
    %dma_wait3A_69 = tpu.memref_slice %arg7[%dma_wait3A_66, %dma_wait3A_68] : memref<2x16384xf32, #tpu.memory_space<vmem>> -> memref<1x16384xf32, #tpu.memory_space<vmem>>
    %dma_wait3A_70 = tpu.memref_squeeze %dma_wait3A_69 : memref<1x16384xf32, #tpu.memory_space<vmem>> -> memref<16384xf32, #tpu.memory_space<vmem>>
    %dma_wait3A_71 = arith.constant 0 : i32
    %dma_wait3A_72 = tpu.memref_slice %arg4[%dma_wait3A_71] : memref<104857600xf32, #tpu.memory_space<hbm>> -> memref<16384xf32, #tpu.memory_space<hbm>>
    %dma_wait3A_73 = tpu.memref_slice %arg10[%dma_wait3A_67] : memref<2x!tpu.dma_semaphore, #tpu.memory_space<semaphore_mem>> -> memref<1x!tpu.dma_semaphore, #tpu.memory_space<semaphore_mem>>
    %dma_wait3A_74 = tpu.memref_squeeze %dma_wait3A_73 : memref<1x!tpu.dma_semaphore, #tpu.memory_space<semaphore_mem>> -> memref<!tpu.dma_semaphore, #tpu.memory_space<semaphore_mem>>
    %dma_wait3A_75 = arith.constant 0 : i32
    %dma_wait3A_76 = tpu.memref_slice %arg7[%dma_wait3A_66, %dma_wait3A_75] : memref<2x16384xf32, #tpu.memory_space<vmem>> -> memref<1x16384xf32, #tpu.memory_space<vmem>>
    %dma_wait3A_77 = tpu.memref_squeeze %dma_wait3A_76 : memref<1x16384xf32, #tpu.memory_space<vmem>> -> memref<16384xf32, #tpu.memory_space<vmem>>
    %dma_wait3A_78 = arith.constant 0 : i32
    %dma_wait3A_79 = tpu.memref_slice %arg4[%dma_wait3A_78] : memref<104857600xf32, #tpu.memory_space<hbm>> -> memref<16384xf32, #tpu.memory_space<hbm>>
    tpu.wait_dma2 semaphore(%dma_wait3A_74 : memref<!tpu.dma_semaphore, #tpu.memory_space<semaphore_mem>>) src(%dma_wait3A_79 : memref<16384xf32, #tpu.memory_space<hbm>>) dst(%dma_wait3A_77 : memref<16384xf32, #tpu.memory_space<vmem>>)
    %dma_wait3A_80 = arith.constant 1 : i32
    %dma_wait3A_81 = arith.constant 1 : i32
    %dma_wait3A_82 = arith.constant 0 : i32
    %dma_wait3A_83 = tpu.memref_slice %arg7[%dma_wait3A_80, %dma_wait3A_82] : memref<2x16384xf32, #tpu.memory_space<vmem>> -> memref<1x16384xf32, #tpu.memory_space<vmem>>
    %dma_wait3A_84 = tpu.memref_squeeze %dma_wait3A_83 : memref<1x16384xf32, #tpu.memory_space<vmem>> -> memref<16384xf32, #tpu.memory_space<vmem>>
    %dma_wait3A_85 = arith.constant 0 : i32
    %dma_wait3A_86 = tpu.memref_slice %arg4[%dma_wait3A_85] : memref<104857600xf32, #tpu.memory_space<hbm>> -> memref<16384xf32, #tpu.memory_space<hbm>>
    %dma_wait3A_87 = tpu.memref_slice %arg10[%dma_wait3A_81] : memref<2x!tpu.dma_semaphore, #tpu.memory_space<semaphore_mem>> -> memref<1x!tpu.dma_semaphore, #tpu.memory_space<semaphore_mem>>
    %dma_wait3A_88 = tpu.memref_squeeze %dma_wait3A_87 : memref<1x!tpu.dma_semaphore, #tpu.memory_space<semaphore_mem>> -> memref<!tpu.dma_semaphore, #tpu.memory_space<semaphore_mem>>
    %dma_wait3A_89 = arith.constant 0 : i32
    %dma_wait3A_90 = tpu.memref_slice %arg7[%dma_wait3A_80, %dma_wait3A_89] : memref<2x16384xf32, #tpu.memory_space<vmem>> -> memref<1x16384xf32, #tpu.memory_space<vmem>>
    %dma_wait3A_91 = tpu.memref_squeeze %dma_wait3A_90 : memref<1x16384xf32, #tpu.memory_space<vmem>> -> memref<16384xf32, #tpu.memory_space<vmem>>
    %dma_wait3A_92 = arith.constant 0 : i32
    %dma_wait3A_93 = tpu.memref_slice %arg4[%dma_wait3A_92] : memref<104857600xf32, #tpu.memory_space<hbm>> -> memref<16384xf32, #tpu.memory_space<hbm>>
    tpu.wait_dma2 semaphore(%dma_wait3A_88 : memref<!tpu.dma_semaphore, #tpu.memory_space<semaphore_mem>>) src(%dma_wait3A_93 : memref<16384xf32, #tpu.memory_space<hbm>>) dst(%dma_wait3A_91 : memref<16384xf32, #tpu.memory_space<vmem>>)
    return
  }
}

</mosaic_0001>

<sc_bundles>
// kernel: kernel.3.cloned.1.call-start
scs
__scs_entry_jumppad:
0x0: {  	(pc) =	sbr.rel $0x88, $3  }
0x1: {  	(tag) =	ssettag $0x0;
	lr =	simm.s32 $0x1  }
0x2: {  	[smem:$0x3F9F] =	sst lr;
	_ =	strace $0xD0000000  }
0x3: {  	_ = 	snop  }
0x4: {  	_ = 	snop  }
0x5: {  	_ = 	snop  }
0x6: {  	_ = 	snop  }
0x7: {  	_ = 	snop  }
__scs_overlays_trampoline_lowered:
0x8: {  	[smem:$0x3FAE] =	sst s0  }
0x9: {  	[smem:$0x3FAF] =	sst s1  }
0xa: {  	[smem:$0x3FB0] =	sst s2  }
0xb: {  	[smem:$0x3FB1] =	sst s3  }
0xc: {  	[smem:$0x3FB2] =	sst s4  }
0xd: {  	[smem:$0x3FB3] =	sst s5  }
0xe: {  	[smem:$0x3FB4] =	sst s6  }
0xf: {  	[smem:$0x3FB5] =	sst s7  }
0x10: {  	[smem:$0x3FB6] =	sst s8  }
0x11: {  	[smem:$0x3FB7] =	sst s9;
	s0 =	simm.s32 @!p0 $0x0  }
0x12: {  	s1 =	sld [smem:$0x3F9D];
	s0 =	simm.s32 @p0 $0x1  }
0x13: {  	[smem:$0x3FB8] =	sst s0;
	s0 =	simm.s32 @!p1 $0x0  }
0x14: {  	s2 =	sld [smem:$0x3F9C];
	s0 =	simm.s32 @p1 $0x1  }
0x15: {  	[smem:$0x3FB9] =	sst s0;
	s0 =	simm.s32 @!p2 $0x0  }
0x16: {  	s3 =	sld [smem:$0x3FDB];
	s0 =	simm.s32 @p2 $0x1  }
0x17: {  	s4 =	simm.s32 $0x1BF5;
	[smem:$0x3FBB] =	sst s0  }
0x18: {  	s0 =	sld [smem:$0x3F9E];
	_ =	swait.ge [sflag:s4], $0x0  }
0x19: {  	s7 =	sld [smem:$0x3F9F]  }
0x1a: {  	s8 =	sadd.s32 $0xFFFFE003, lr  }
0x1b: {  	s9 =	sadd.s32 $0xFFFFFEF7, lr;
	s5 =	simm.s32 $0xFFFFFFFF;
	p2 =	slt.u32 s8, $0xFFFFF086  }
0x1c: {  	p1 =	slt.u32 s9, $0xF7A;
	s5 =	simm.s32 @!p2 $0x0  }
0x1d: {  	s5 =	simm.s32 @p1 $0x1;
	p0 =	seq.s32 s7, s2  }
0x1e: {  	s7 =	smul.u32 @!p0 $0xF7A, s2;
	p2 =	seq.s32 @!p0 s5, $0x0  }
0x1f: {  	s9 =	smul.u32 $0xF7A, s1;
	s8 =	simm.s32 @!p0 $0x1BF5;
	p2 =	por !p2, p0  }
0x20: {  	[sflag:s8] =	ssyncset.s32 @!p0 $0xFFFFF086;
	s6 =	sadd.s32 @!p0 s3, s7;
	s7 =	simm.s32 @!p0 $0x108  }
0x21: {  	s3 =	sadd.s32 s3, s9;
	s6 =	sadd.s32 @!p0 $0x88, s6;
	s7 =	simm.s32 @p2 $0x1082  }
0x22: {  	[simem:s7], [sflag:s8] =	dma.local @!p0 [hbm:s6], $0xF7A  }
0x23: {  	s9 =	sor.u32 $0xD0000000, s2;
	s6 =	simm.s32 $0x108;
	_ =	swait.ge @!p0 [sflag:s8], $0x0  }
0x24: {  	s3 =	sadd.s32 $0x88, s3;
	s6 =	simm.s32 @!p1 $0x1082;
	[sflag:s4] =	ssyncset.s32 $0xFFFFF086  }
0x25: {  	[simem:s6], [sflag:s4] =	dma.local [hbm:s3], $0xF7A  }
0x26: {  	[smem:$0x3F9F] =	sst s1;
	(tag) =	ssettag s2;
	_ =	strace s9  }
0x27: {  	s1 =	sld [smem:$0x3FAF]  }
0x28: {  	s2 =	sld [smem:$0x3FB0]  }
0x29: {  	s4 =	sld [smem:$0x3FB2]  }
0x2a: {  	p0 =	seq.s32 s5, $0x0;
	s5 =	sld [smem:$0x3FB3]  }
0x2b: {  	s6 =	sld [smem:$0x3FB4]  }
0x2c: {  	s7 =	sld [smem:$0x3FB5]  }
0x2d: {  	s3 =	simm.s32 $0x108;
	s8 =	sld [smem:$0x3FB6]  }
0x2e: {  	s3 =	simm.s32 @!p0 $0x1082;
	s9 =	sld [smem:$0x3FB7]  }
0x2f: {  	lr =	sadd.s32 s0, s3;
	s0 =	sld [smem:$0x3FAE]  }
0x30: {  	s3 =	sld [smem:$0x3FB1]  }
0x31: {  	[smem:$0x3FBA] =	sst s10  }
0x32: {  	s10 =	sld [smem:$0x3FB8];
	_ =	sdelay $0x3  }
0x33: {  	p0 =	seq.s32 s10, $0x1;
	s10 =	sld [smem:$0x3FBA];
	_ =	sdelay $0x3  }
0x34: {  	[smem:$0x3FBA] =	sst s10  }
0x35: {  	s10 =	sld [smem:$0x3FB9];
	_ =	sdelay $0x3  }
0x36: {  	p1 =	seq.s32 s10, $0x1;
	s10 =	sld [smem:$0x3FBA];
	_ =	sdelay $0x3  }
0x37: {  	[smem:$0x3FBA] =	sst s10  }
0x38: {  	s10 =	sld [smem:$0x3FBB]  }
0x39: {  	_ = 	snop;
	(pc) =	sbr.ind lr, $3  }
0x3a: {  	_ = 	snop  }
0x3b: {  	_ = 	snop  }
0x3c: {  	p2 =	seq.s32 s10, $0x1;
	s10 =	sld [smem:$0x3FBA]  }
0x3d: {  	_ =	shalt  }
0x3e: {  	_ =	shalt  }
0x3f: {  	_ =	shalt  }
0x40: {  	_ =	shalt  }
0x41: {  	_ =	shalt  }
0x42: {  	_ =	shalt  }
0x43: {  	_ =	shalt  }
0x44: {  	_ =	shalt  }
0x45: {  	_ =	shalt  }
0x46: {  	_ =	shalt  }
0x47: {  	_ =	shalt  }
0x48: {  	_ =	shalt  }
0x49: {  	_ =	shalt  }
0x4a: {  	_ =	shalt  }
0x4b: {  	_ =	shalt  }
0x4c: {  	_ =	shalt  }
0x4d: {  	_ =	shalt  }
0x4e: {  	_ =	shalt  }
0x4f: {  	_ =	shalt  }
0x50: {  	_ =	shalt  }
0x51: {  	_ =	shalt  }
0x52: {  	_ =	shalt  }
0x53: {  	_ =	shalt  }
0x54: {  	_ =	shalt  }
0x55: {  	_ =	shalt  }
0x56: {  	_ =	shalt  }
0x57: {  	_ =	shalt  }
0x58: {  	_ =	shalt  }
0x59: {  	_ =	shalt  }
0x5a: {  	_ =	shalt  }
0x5b: {  	_ =	shalt  }
0x5c: {  	_ =	shalt  }
0x5d: {  	_ =	shalt  }
0x5e: {  	_ =	shalt  }
0x5f: {  	_ =	shalt  }
0x60: {  	_ =	shalt  }
0x61: {  	_ =	shalt  }
0x62: {  	_ =	shalt  }
0x63: {  	_ =	shalt  }
0x64: {  	_ =	shalt  }
0x65: {  	_ =	shalt  }
0x66: {  	_ =	shalt  }
0x67: {  	_ =	shalt  }
0x68: {  	_ =	shalt  }
0x69: {  	_ =	shalt  }
0x6a: {  	_ =	shalt  }
0x6b: {  	_ =	shalt  }
0x6c: {  	_ =	shalt  }
0x6d: {  	_ =	shalt  }
0x6e: {  	_ =	shalt  }
0x6f: {  	_ =	shalt  }
0x70: {  	_ =	shalt  }
0x71: {  	_ =	shalt  }
0x72: {  	_ =	shalt  }
0x73: {  	_ =	shalt  }
0x74: {  	_ =	shalt  }
0x75: {  	_ =	shalt  }
0x76: {  	_ =	shalt  }
0x77: {  	_ =	shalt  }
0x78: {  	_ =	shalt  }
0x79: {  	_ =	shalt  }
0x7a: {  	_ =	shalt  }
0x7b: {  	_ =	shalt  }
0x7c: {  	_ =	shalt  }
0x7d: {  	_ =	shalt  }
0x7e: {  	_ =	shalt  }
0x7f: {  	_ =	shalt  }
0x80: {  	_ =	shalt  }
0x81: {  	_ =	shalt  }
0x82: {  	_ =	shalt  }
0x83: {  	_ =	shalt  }
0x84: {  	_ =	shalt  }
0x85: {  	_ =	shalt  }
0x86: {  	_ =	shalt  }
0x87: {  	_ =	shalt  }
.Lfunc_end0:
.L_simem_size_0:
called_computation_lowered:
.L_overlay_start_0:
0x88: {  	s2 =	sld [smem:$0x3FD9]  }
0x89: {  	s3 =	sld [smem:$0x3FFE];
	_ =	sdelay $0x1  }
0x8a: {  	s1 =	srdreg.scid  }
0x8b: {  	s0 =	sand.u32 $0x1, s1  }
0x8c: {  	s17 =	sshll.u32 s0, $0xA;
	s2 =	sadd.s32 s3, s2  }
0x8d: {  	s2 =	sadd.s32 s2, s17  }
0x8e: {  	[smem:$0x3FC6] =	sst s2  }
0x8f: {  	_ = 	snop  }
0x90: {  	s2 =	sld [smem:$0x3FC9]  }
0x91: {  	s18 =	sld [smem:$0x3FD0];
	(tm) =	ssettm $0x1  }
0x92: {  	s4 =	sld [smem:$0x3FFB];
	_ =	sdelay $0x3  }
0x93: {  	_ =	strace s4  }
0x94: {  	s4 =	sld [smem:$0x3FFC];
	_ =	sdelay $0x3  }
0x95: {  	_ =	strace s4  }
0x96: {  	s4 =	sld [smem:$0x3FFD];
	_ =	sdelay $0x3  }
0x97: {  	_ =	strace s4  }
0x98: {  	_ =	strace $0x8FFFFFFF  }
0x99: {  	s19 =	sld [smem:$0x3FDB];
	_ =	sdelay $0x1  }
0x9a: {  	s5 =	simm.s32 $_scs_section_size  }
0x9b: {  	s6 =	simm.s32 $_size__tile_overlayer_lowered;
	s7 =	simm.s32 $_tile_overlayer_lowered  }
0x9c: {  	s22 =	simm.s32 $0x1BFF;
	s21 =	sshll.u32 s7, $0x1;
	s4 =	sadd.s32 s5, s19  }
0x9d: {  	s8 =	simm.s32 $0x0;
	s20 =	sshll.u32 s6, $0x1;
	s6 =	sadd.s32 s21, s4  }
0x9e: {  	[timem:s8], [sflag:s22] =	dma.local [hbm:s6], s20  }
0x9f: {  	_ =	swait.ge [sflag:s22], s20  }
0xa0: {  	s5 =	ssub.s32 $0x0, s20;
	[sflag:s22] =	ssyncset.done $0x0  }
0xa1: {  	[sflag:s22] =	ssyncadd.s32 s5;
	_ =	sdelay $0x1  }
0xa2: {  	s23 =	simm.s32 $0x1B8B  }
0xa3: {  	_ =	swait.ge [sflag:s23], $0x1  }
0xa4: {  	[sflag:s23] =	ssyncset.done $0x0  }
0xa5: {  	s25 =	simm.s32 $0x1B8E;
	s24 =	sld [smem:$0x3FFE];
	[sflag:s23] =	ssyncadd.s32 $0xFFFFFFFF  }
0xa6: {  	s26 =	simm.s32 $execute0_lowered;
	[smem:$0x3FD2] =	sst s25  }
0xa7: {  	s6 =	sshll.u32 s26, $0x1;
	_ =	strace $0x80000046;
	[dreg:$0x1] =	wrdreg $0xFFFFFFFF  }
0xa8: {  	s28 =	simm.s32 $_size_execute0_lowered;
	s4 =	sadd.s32 s4, s6;
	[dreg:$0x0] =	wrdreg $0x0  }
0xa9: {  	s6 =	sshll.u32 s28, $0x1;
	[dreg:$0x2] =	wrdreg s4  }
0xaa: {  	[dreg:$0x3] =	wrdreg s6  }
0xab: {  	[dreg:$0x4] =	wrdreg $0xC0  }
0xac: {  	_ =	task [dreg:s8], $0x5FFFF  }
0xad: {  	[dreg:$0x1] =	wrdreg $0xFFFFFFFF  }
0xae: {  	[dreg:$0x0] =	wrdreg $0x60  }
0xaf: {  	[dreg:$0x2] =	wrdreg s2  }
0xb0: {  	[dreg:$0x3] =	wrdreg s24  }
0xb1: {  	[dreg:$0x4] =	wrdreg s18  }
0xb2: {  	[dreg:$0x5] =	wrdreg $0x9  }
0xb3: {  	_ =	task.clear_ibuf [dreg:s8], $0x6FFFF;
	_ =	strace $0x90000046  }
0xb4: {  	s29 =	simm.s32 $0x9;
	_ =	strace $0x80000048  }
0xb5: {  	_ =	swait.ge [sflag:s29], $0x1  }
0xb6: {  	[sflag:s29] =	ssyncadd.s32 $0xFFFFFFFF  }
0xb7: {  	_ =	strace $0x90000048  }
0xb8: {  	_ =	sfence  }
0xb9: {  	s30 =	sld [smem:$0x0];
	_ =	sdelay $0x2  }
0xba: {  	s31 =	sshll.u32 s1, $0xD;
	s1 =	sshrl.u32 s1, $0x2  }
0xbb: {  	s3 =	sand.u32 $0x4000, s31;
	s1 =	sadd.s32 s1, s30  }
0xbc: {  	s0 =	sor.u32 s3, s0;
	s1 =	sshll.u32 s1, $0x11  }
0xbd: {  	s0 =	sor.u32 s1, s0  }
0xbe: {  	s0 =	sadd.s32 $0x8F2B, s0  }
0xbf: {  	[sflag:s0] =	ssyncadd.remote.s32 $0x1  }
0xc0: {  	_ =	sfence.sel $0xFFFF  }
0xc1: {  	[dreg:$0x0] =	wrdreg $0xFFFFFFFF;
	(pc) =	sbr.abs _section_cstart, $3  }
0xc2: {  	[dreg:$0x1] =	wrdreg $0xFFFFFFFF  }
0xc3: {  	_ =	task.clear_ibuf [dreg:s8], $0x2FFFF;
	_ =	strace $0x9FFFFFFF  }
0xc4: {  	(tm) =	ssettm $0x7FFFFFFF  }
0xc5: {  	_ =	shalt  }
tec
execute0_lowered:
.L_overlay_start_1:
0x0: {  	(tag) =	ssettag $0x1  }
0x1: {  	v0 =	vimm.s32 $0xFEDCBA9;
	v26 =	vlaneseq.u32;
	v1 =	vimm.s32 $0x87654321  }
0x2: {  	vm14 =	vcmask $0x300;
	v2 =	vimm.s32 $0xF;
	vm13 =	vcmask $0x704  }
0x3: {  	vm12 =	vcmask $0xB08;
	vm11 =	vcmask $0xF0C;
	vm10 =	vcmask $0x1310  }
0x4: {  	vm9 =	vcmask $0x1714;
	v0 =	vunpack.c.l.s4.s8 v0;
	v1 =	vunpack.c.l.s4.s8 v1  }
0x5: {  	vm8 =	vcmask $0x1B18;
	v2 =	vsel vm14, $0x80, v2;
	v3 =	vmul.u32 $0x20, v26  }
0x6: {  	v2 =	vsel vm13, $0x101, v2;
	v0 =	vunpack.c.0.s8.s32 v0;
	v1 =	vunpack.c.0.s8.s32 v1  }
0x7: {  	vm7 =	vcmask $0x1F1C;
	vm6 =	vcmask $0x2320;
	v2 =	vsel vm12, $0x182, v2  }
0x8: {  	vm5 =	vcmask $0x2724;
	[tilespmem:$0x1FCE0] =	vst v3;
	v4 =	vsel vm11, $0x203, v2;
	v3 =	vcombine.low v1, v0  }
0x9: {  	vm4 =	vcmask $0x2B28;
	vm3 =	vcmask $0x2F2C;
	v4 =	vsel vm10, $0x284, v4  }
0xa: {  	vm2 =	vcmask $0x3330;
	v2 =	vand.u32 $0xF, v3;
	v3 =	vsel vm9, $0x305, v4  }
0xb: {  	v6 =	vimm.s32 $0x98765432;
	v4 =	vimm.s32 $0x8F;
	v3 =	vsel vm8, $0x386, v3  }
0xc: {  	v6 =	vunpack.c.l.s4.s8 v6;
	v4 =	vsel vm14, $0x100, v4;
	v3 =	vsel vm7, $0x407, v3  }
0xd: {  	vm0 =	vcmask $0x3734;
	v4 =	vsel vm13, $0x181, v4;
	v3 =	vsel vm6, $0x488, v3  }
0xe: {  	v20 =	vunpack.c.0.s8.s32 v6;
	v4 =	vsel vm12, $0x202, v4;
	v3 =	vsel vm5, $0x509, v3  }
0xf: {  	v6 =	vimm.s32 $0x210FEDCB;
	v4 =	vsel vm11, $0x283, v4;
	v3 =	vsel vm4, $0x58A, v3  }
0x10: {  	v6 =	vunpack.c.l.s4.s8 v6;
	v4 =	vsel vm10, $0x304, v4;
	v3 =	vsel vm3, $0x60B, v3  }
0x11: {  	vm1 =	vcmask $0x3B38;
	v4 =	vsel vm9, $0x385, v4;
	v3 =	vsel vm2, $0x68C, v3  }
0x12: {  	v11 =	vunpack.c.0.s8.s32 v6;
	v5 =	vsel vm8, $0x406, v4;
	v3 =	vsel vm0, $0x70D, v3  }
0x13: {  	v5 =	vsel vm7, $0x487, v5;
	v4 =	vsel vm1, $0x78E, v3;
	v3 =	vimm.s32 $0x10FEDCBA  }
0x14: {  	v6 =	vimm.s32 $0xBA987654;
	v5 =	vsel vm6, $0x508, v5;
	v3 =	vunpack.c.l.s4.s8 v3  }
0x15: {  	v7 =	vimm.s32 $0x10F;
	v6 =	vunpack.c.l.s4.s8 v6;
	v5 =	vsel vm5, $0x589, v5  }
0x16: {  	v19 =	vunpack.c.0.s8.s32 v3;
	v3 =	vsel vm4, $0x60A, v5;
	v5 =	vsel vm14, $0x180, v7  }
0x17: {  	v7 =	vimm.s32 $0xA9876543;
	v5 =	vsel vm13, $0x201, v5  }
0x18: {  	v25 =	vunpack.c.0.s8.s32 v6;
	v7 =	vunpack.c.l.s4.s8 v7;
	v5 =	vsel vm12, $0x282, v5  }
0x19: {  	v3 =	vsel vm3, $0x68B, v3;
	v8 =	vcombine.low v20, v19;
	v5 =	vsel vm11, $0x303, v5  }
0x1a: {  	v3 =	vsel vm2, $0x70C, v3;
	v23 =	vunpack.c.0.s8.s32 v7;
	v5 =	vsel vm10, $0x384, v5  }
0x1b: {  	v6 =	vimm.s32 $0x28F;
	v3 =	vsel vm0, $0x78D, v3;
	v5 =	vsel vm9, $0x405, v5  }
0x1c: {  	[tilespmem:$0x1FCF0] =	vst v2;
	v2 =	vand.u32 $0xF, v8;
	v7 =	vcombine.low v23, v11;
	v5 =	vsel vm8, $0x486, v5  }
0x1d: {  	v3 =	vsel vm1, $0xE, v3;
	[tilespmem:$0x1FD00] =	vst v2;
	v2 =	vimm.s32 $0x18F;
	v5 =	vsel vm7, $0x507, v5  }
0x1e: {  	[tilespmem:$0x1FD10] =	vst v3;
	v3 =	vsel vm6, $0x588, v5;
	v5 =	vsel vm14, $0x200, v2;
	v2 =	vand.u32 $0xF, v7  }
0x1f: {  	v7 =	vimm.s32 $0x3210FEDC;
	v3 =	vsel vm5, $0x609, v3;
	v5 =	vsel vm13, $0x281, v5  }
0x20: {  	v7 =	vunpack.c.l.s4.s8 v7;
	v3 =	vsel vm4, $0x68A, v3;
	v5 =	vsel vm12, $0x302, v5  }
0x21: {  	v6 =	vsel vm14, $0x300, v6;
	v5 =	vsel vm11, $0x383, v5;
	v3 =	vsel vm3, $0x70B, v3  }
0x22: {  	v24 =	vunpack.c.0.s8.s32 v7;
	v7 =	vimm.s32 $0x20F;
	v5 =	vsel vm10, $0x404, v5  }
0x23: {  	v3 =	vsel vm2, $0x78C, v3;
	v7 =	vsel vm14, $0x280, v7;
	v5 =	vsel vm9, $0x485, v5  }
0x24: {  	v3 =	vsel vm0, $0xD, v3;
	v9 =	vcombine.low v25, v24;
	v5 =	vsel vm8, $0x506, v5  }
0x25: {  	v7 =	vsel vm13, $0x301, v7;
	v21 =	vsel vm1, $0x8E, v3;
	v5 =	vsel vm7, $0x587, v5  }
0x26: {  	v10 =	vand.u32 $0xF, v9;
	v9 =	vimm.s32 $0xCBA98765;
	v5 =	vsel vm6, $0x608, v5  }
0x27: {  	v9 =	vunpack.c.l.s4.s8 v9;
	v3 =	vsel vm5, $0x689, v5;
	v5 =	vsel vm12, $0x382, v7  }
0x28: {  	v7 =	vimm.s32 $0x43210FED;
	v3 =	vsel vm4, $0x70A, v3;
	v5 =	vsel vm11, $0x403, v5  }
0x29: {  	v7 =	vunpack.c.l.s4.s8 v7;
	v3 =	vsel vm3, $0x78B, v3;
	v5 =	vsel vm10, $0x484, v5  }
0x2a: {  	v15 =	vunpack.c.0.s8.s32 v9;
	v3 =	vsel vm2, $0xC, v3;
	v5 =	vsel vm9, $0x505, v5  }
0x2b: {  	v13 =	vunpack.c.0.s8.s32 v7;
	v7 =	vsel vm13, $0x381, v6;
	v5 =	vsel vm8, $0x586, v5  }
0x2c: {  	v7 =	vsel vm12, $0x402, v7;
	v3 =	vsel vm0, $0x8D, v3;
	v5 =	vsel vm7, $0x607, v5  }
0x2d: {  	v7 =	vsel vm11, $0x483, v7;
	v9 =	vcombine.low v15, v13;
	v5 =	vsel vm6, $0x688, v5  }
0x2e: {  	v3 =	vsel vm1, $0x10E, v3;
	v7 =	vsel vm10, $0x504, v7;
	v5 =	vsel vm5, $0x709, v5  }
0x2f: {  	v6 =	vand.u32 $0xF, v9;
	v9 =	vimm.s32 $0x30F;
	v5 =	vsel vm4, $0x78A, v5  }
0x30: {  	[tilespmem:$0x1FD30] =	vst v6;
	v9 =	vsel vm14, $0x380, v9;
	v6 =	vimm.s32 $0xEDCBA987;
	v5 =	vsel vm3, $0xB, v5  }
0x31: {  	[tilespmem:$0x1FD20] =	vst v3;
	v9 =	vsel vm13, $0x401, v9;
	v3 =	vsel vm2, $0x8C, v5;
	v5 =	vsel vm9, $0x585, v7  }
0x32: {  	v6 =	vunpack.c.l.s4.s8 v6;
	v3 =	vsel vm0, $0x10D, v3;
	v5 =	vsel vm8, $0x606, v5  }
0x33: {  	v27 =	vsel vm1, $0x18E, v3;
	v3 =	vimm.s32 $0x543210FE;
	v5 =	vsel vm7, $0x687, v5  }
0x34: {  	v7 =	vimm.s32 $0xDCBA9876;
	v3 =	vunpack.c.l.s4.s8 v3;
	v5 =	vsel vm6, $0x708, v5  }
0x35: {  	v9 =	vsel vm12, $0x482, v9;
	v7 =	vunpack.c.l.s4.s8 v7;
	v5 =	vsel vm5, $0x789, v5  }
0x36: {  	v9 =	vsel vm11, $0x503, v9;
	v3 =	vunpack.c.0.s8.s32 v3;
	v14 =	vsel vm4, $0xA, v5  }
0x37: {  	v5 =	vunpack.c.0.s8.s32 v7;
	v7 =	vsel vm3, $0x8B, v14;
	v14 =	vimm.s32 $0x6543210F  }
0x38: {  	v22 =	vsel vm10, $0x584, v9;
	v14 =	vunpack.c.l.s4.s8 v14  }
0x39: {  	v9 =	vunpack.c.0.s8.s32 v6;
	v17 =	vcombine.low v5, v3;
	v18 =	vsel vm2, $0x10C, v7  }
0x3a: {  	v6 =	vsel vm0, $0x18D, v18;
	v7 =	vunpack.c.0.s8.s32 v14;
	v14 =	vsel vm9, $0x605, v22  }
0x3b: {  	v51 =	vand.u32 $0xF, v17;
	v22 =	vimm.s32 $0x38F;
	v14 =	vsel vm8, $0x686, v14  }
0x3c: {  	v6 =	vsel vm1, $0x20E, v6;
	v17 =	vcombine.low v9, v7;
	v18 =	vsel vm7, $0x707, v14  }
0x3d: {  	v11 =	vcombine.low v11, v23;
	[tilespmem:$0x1FD40] =	vst v6;
	v6 =	vsel vm6, $0x788, v18;
	v18 =	vsel vm14, $0x400, v22  }
0x3e: {  	v16 =	vand.u32 $0xF, v17;
	v17 =	vsel vm13, $0x481, v18;
	v18 =	vimm.s32 $0x40F  }
0x3f: {  	v33 =	vand.u32 $0xF, v11;
	v11 =	vcombine.low v24, v25;
	v18 =	vsel vm14, $0x480, v18  }
0x40: {  	v18 =	vsel vm13, $0x501, v18  }
0x41: {  	v55 =	vand.u32 $0xF, v11;
	v11 =	vimm.s32 $0x70F;
	v18 =	vsel vm12, $0x582, v18  }
0x42: {  	v11 =	vsel vm14, $0x780, v11;
	v18 =	vsel vm11, $0x603, v18  }
0x43: {  	v0 =	vcombine.low v0, v1;
	v11 =	vsel vm13, $0x1, v11;
	v18 =	vsel vm10, $0x684, v18  }
0x44: {  	v11 =	vsel vm12, $0x82, v11;
	v18 =	vsel vm9, $0x705, v18  }
0x45: {  	v0 =	vand.u32 $0xF, v0;
	v11 =	vsel vm11, $0x103, v11;
	v18 =	vsel vm8, $0x786, v18  }
0x46: {  	v11 =	vsel vm10, $0x184, v11;
	v13 =	vcombine.low v13, v15;
	v18 =	vsel vm7, $0x7, v18  }
0x47: {  	v3 =	vcombine.low v3, v5;
	v5 =	vcombine.low v7, v9;
	v18 =	vsel vm6, $0x88, v18  }
0x48: {  	v7 =	vimm.s32 $0x18171615;
	v6 =	vsel vm5, $0x9, v6;
	v18 =	vsel vm5, $0x109, v18  }
0x49: {  	v12 =	vand.u32 $0xF, v5;
	v5 =	vimm.s32 $0x14131211;
	v18 =	vsel vm4, $0x18A, v18  }
0x4a: {  	v6 =	vsel vm4, $0x8A, v6;
	v1 =	vsel vm3, $0x20B, v18;
	v18 =	vimm.s32 $0x48F  }
0x4b: {  	v5 =	vunpack.c.0.s8.s32 v5;
	v1 =	vsel vm2, $0x28C, v1;
	v18 =	vsel vm14, $0x500, v18  }
0x4c: {  	[tilespmem:$0x1FD50] =	vst v0;
	v6 =	vsel vm3, $0x10B, v6;
	v0 =	vsel vm0, $0x30D, v1;
	v1 =	vsel vm13, $0x581, v18  }
0x4d: {  	v18 =	vcombine.low v19, v20;
	v20 =	vimm.s32 $0x50F;
	v1 =	vsel vm12, $0x602, v1  }
0x4e: {  	v8 =	vsel vm1, $0x38E, v0;
	v0 =	vsel vm11, $0x683, v1;
	v1 =	vsel vm14, $0x580, v20  }
0x4f: {  	v6 =	vsel vm2, $0x18C, v6;
	v50 =	vand.u32 $0xF, v18;
	v1 =	vsel vm13, $0x601, v1  }
0x50: {  	v18 =	vimm.s32 $0x58F;
	v0 =	vsel vm10, $0x704, v0;
	v1 =	vsel vm12, $0x682, v1  }
0x51: {  	v18 =	vsel vm14, $0x600, v18;
	v0 =	vsel vm9, $0x785, v0;
	v1 =	vsel vm11, $0x703, v1  }
0x52: {  	v18 =	vsel vm13, $0x681, v18;
	v0 =	vsel vm8, $0x6, v0;
	v1 =	vsel vm10, $0x784, v1  }
0x53: {  	v18 =	vsel vm12, $0x702, v18;
	v0 =	vsel vm7, $0x87, v0;
	v1 =	vsel vm9, $0x5, v1  }
0x54: {  	v18 =	vsel vm11, $0x783, v18;
	v0 =	vsel vm6, $0x108, v0;
	v1 =	vsel vm8, $0x86, v1  }
0x55: {  	v18 =	vsel vm10, $0x4, v18;
	v0 =	vsel vm5, $0x189, v0;
	v1 =	vsel vm7, $0x107, v1  }
0x56: {  	v18 =	vsel vm9, $0x85, v18;
	v0 =	vsel vm4, $0x20A, v0;
	v1 =	vsel vm6, $0x188, v1  }
0x57: {  	v18 =	vsel vm8, $0x106, v18;
	v0 =	vsel vm3, $0x28B, v0;
	v1 =	vsel vm5, $0x209, v1  }
0x58: {  	v18 =	vsel vm7, $0x187, v18;
	v0 =	vsel vm2, $0x30C, v0;
	v1 =	vsel vm4, $0x28A, v1  }
0x59: {  	v18 =	vsel vm6, $0x208, v18;
	v0 =	vsel vm0, $0x38D, v0;
	v1 =	vsel vm3, $0x30B, v1  }
0x5a: {  	v62 =	vsel vm1, $0x40E, v0;
	v0 =	vsel vm2, $0x38C, v1;
	v1 =	vsel vm5, $0x289, v18  }
0x5b: {  	v6 =	vsel vm0, $0x20D, v6;
	v0 =	vsel vm0, $0x40D, v0;
	v1 =	vsel vm4, $0x30A, v1  }
0x5c: {  	v23 =	vsel vm1, $0x48E, v0;
	v0 =	vsel vm3, $0x38B, v1;
	v1 =	vimm.s32 $0x60F  }
0x5d: {  	v14 =	vsel vm1, $0x28E, v6;
	v0 =	vsel vm2, $0x40C, v0;
	v1 =	vsel vm14, $0x680, v1  }
0x5e: {  	s7 =	rddreg [dreg:$0x0];
	v6 =	vimm.s32 $0xFEDCBA98;
	v0 =	vsel vm0, $0x48D, v0;
	v1 =	vsel vm13, $0x701, v1  }
0x5f: {  	s0 =	rddreg [dreg:$0x1];
	s4 =	simm.s32 $0x0;
	v29 =	vsel vm1, $0x50E, v0;
	v0 =	vsel vm12, $0x782, v1;
	v1 =	vand.u32 $0xF, v13  }
0x60: {  	[smem:$0x7FF] =	sst s4;
	v22 =	vimm.s32 $0x76543210;
	v7 =	vunpack.c.0.s8.s32 v7;
	v6 =	vunpack.c.l.s4.s8 v6;
	[tilespmem:$0x1FD60] =	vst v1  }
0x61: {  	s3 =	rddreg [dreg:$0x2];
	v11 =	vsel vm9, $0x205, v11;
	v22 =	vunpack.c.l.s4.s8 v22;
	_ =	strace $0x80000047;
	[tilespmem:$0x1FDB0] =	vst v5  }
0x62: {  	v46 =	vor.u32 $0x10, v26;
	v11 =	vsel vm8, $0x286, v11;
	v6 =	vunpack.c.0.s8.s32 v6;
	[tilespmem:$0x1FDC0] =	vst v7  }
0x63: {  	v34 =	vand.u32 $0xF, v3;
	v31 =	vunpack.c.0.s8.s32 v22;
	v0 =	vsel vm11, $0x3, v0;
	[tilespmem:$0x1FED0] =	vst v12  }
0x64: {  	s1 =	srdreg.scid;
	s2 =	stileid.u32;
	v32 =	vand.u32 $0xF, v6;
	v1 =	vimm.s32 $0x68F;
	v0 =	vsel vm10, $0x84, v0;
	[tilespmem:$0x1FEF0] =	vst v33  }
0x65: {  	s1 =	sand.u32 $0x1, s1;
	s2 =	sshll.u32 s2, $0x1;
	v43 =	vcombine.low v32, v31;
	v1 =	vsel vm14, $0x700, v1;
	[tilespmem:$0x1FF00] =	vst v29;
	v0 =	vsel vm9, $0x105, v0  }
0x66: {  	s2 =	sor.u32 s1, s2;
	v11 =	vsel vm7, $0x307, v11;
	[tilespmem:$0x1FF10] =	vst v34;
	v1 =	vsel vm13, $0x781, v1;
	v0 =	vsel vm8, $0x186, v0  }
0x67: {  	s6 =	smul.u32 $0x3200, s2;
	v11 =	vsel vm6, $0x388, v11;
	[tilespmem:$0x1FF20] =	vst v43;
	v1 =	vsel vm12, $0x2, v1;
	v0 =	vsel vm7, $0x207, v0  }
0x68: {  	v17 =	vsel vm12, $0x502, v17;
	[tilespmem:$0x1FF30] =	vst v46;
	v1 =	vsel vm11, $0x83, v1;
	v0 =	vsel vm6, $0x288, v0  }
0x69: {  	s6 =	sadd.s32 s7, s6;
	v17 =	vsel vm11, $0x583, v17;
	[tilespmem:$0x1FF60] =	vst v14;
	v1 =	vsel vm10, $0x104, v1;
	v0 =	vsel vm5, $0x309, v0  }
0x6a: {  	s28 =	sadd.s32 $0x40, s6;
	v17 =	vsel vm10, $0x604, v17;
	[dreg:$0x4] =	wrdreg s6;
	[tilespmem:$0x1FF70] =	vst v27;
	v1 =	vsel vm9, $0x185, v1;
	v0 =	vsel vm4, $0x38A, v0  }
0x6b: {  	s29 =	sadd.s32 $0x4000, s3;
	v17 =	vsel vm9, $0x685, v17;
	[dreg:$0x5] =	wrdreg s28;
	[tilespmem:$0x1FF80] =	vst v55;
	v1 =	vsel vm8, $0x206, v1;
	v0 =	vsel vm3, $0x40B, v0  }
0x6c: {  	s30 =	sadd.s32 $0x8000, s3;
	v17 =	vsel vm8, $0x706, v17;
	[dreg:$0x6] =	wrdreg s29;
	[tilespmem:$0x1FF90] =	vst v23;
	v1 =	vsel vm7, $0x287, v1;
	v0 =	vsel vm2, $0x48C, v0  }
0x6d: {  	s31 =	sadd.s32 $0xC000, s3;
	v17 =	vsel vm7, $0x787, v17;
	[dreg:$0x7] =	wrdreg s30;
	[tilespmem:$0x1FFA0] =	vst v62;
	v1 =	vsel vm6, $0x308, v1;
	v0 =	vsel vm0, $0x50D, v0  }
0x6e: {  	s7 =	sadd.s32 $0x14000, s3;
	v17 =	vsel vm6, $0x8, v17;
	[dreg:$0x8] =	wrdreg s31;
	[tilespmem:$0x1FFB0] =	vst v50;
	v1 =	vsel vm5, $0x389, v1;
	v0 =	vsel vm1, $0x58E, v0  }
0x6f: {  	s8 =	sadd.s32 $0x18000, s3;
	v3 =	vimm.s32 $0x101F1E1D;
	v17 =	vsel vm5, $0x89, v17;
	[dreg:$0xa] =	wrdreg s7;
	[tilespmem:$0x1FD70] =	vst v0;
	v0 =	vsel vm4, $0x40A, v1  }
0x70: {  	s9 =	sadd.s32 $0x1C000, s3;
	v17 =	vsel vm4, $0x10A, v17;
	[dreg:$0xb] =	wrdreg s8;
	[tilespmem:$0x1FFC0] =	vst v10;
	v1 =	vsel vm5, $0x409, v11;
	v0 =	vsel vm3, $0x48B, v0  }
0x71: {  	s10 =	sadd.s32 $0x20000, s3;
	v17 =	vsel vm3, $0x18B, v17;
	[dreg:$0xc] =	wrdreg s9;
	[tilespmem:$0x1FFD0] =	vst v2;
	v1 =	vsel vm4, $0x48A, v1;
	v0 =	vsel vm2, $0x50C, v0  }
0x72: {  	s11 =	sadd.s32 $0x24000, s3;
	v17 =	vsel vm2, $0x20C, v17;
	[dreg:$0xd] =	wrdreg s10;
	[tilespmem:$0x1FFE0] =	vst v51;
	v1 =	vsel vm3, $0x50B, v1;
	v0 =	vsel vm0, $0x58D, v0  }
0x73: {  	s5 =	sadd.s32 $0x400, s0;
	s12 =	sadd.s32 $0x28000, s3;
	[dreg:$0xe] =	wrdreg s11;
	[tilespmem:$0x1FFF0] =	vst v16;
	v11 =	vunpack.c.0.s8.s32 v3;
	v1 =	vsel vm2, $0x58C, v1;
	v0 =	vsel vm1, $0x60E, v0  }
0x74: {  	s13 =	sadd.s32 $0x2C000, s3;
	s14 =	sadd.s32 $0x30000, s3;
	v17 =	vsel vm0, $0x28D, v17;
	[dreg:$0xf] =	wrdreg s12;
	[tilespmem:$0x1FD80] =	vst v0;
	v0 =	vsel vm0, $0x60D, v1;
	vm0 =	vcmask $0x1F10  }
0x75: {  	s15 =	sadd.s32 $0x34000, s3;
	s1 =	ssub.s32 $0x2, s1;
	[dreg:$0x10] =	wrdreg s13;
	[tilespmem:$0x1FDA0] =	vst v11;
	v1 =	vimm.s32 $0x1C1B1A19;
	v5 =	vsel vm0, v7, v5  }
0x76: {  	s16 =	sadd.s32 $0x38000, s3;
	s26 =	sshrl.u32 s1, $0x1;
	[dreg:$0x11] =	wrdreg s14;
	v9 =	vunpack.c.0.s8.s32 v1;
	v56 =	vsel vm1, $0x68E, v0;
	[tilespmem:$0x1FDE0] =	vst v5  }
0x77: {  	s0 =	ssub.s32 s1, s26;
	s1 =	smul.u32 $0xC8, s2;
	[dreg:$0x12] =	wrdreg s15;
	v1 =	vimm.s32 $0x1D1C1B1A;
	[tilespmem:$0x1FEE0] =	vst v56  }
0x78: {  	s17 =	sadd.s32 $0x3C000, s3;
	[dreg:$0x13] =	wrdreg s16;
	v0 =	vimm.s32 $0x15141312;
	v7 =	vunpack.c.0.s8.s32 v1;
	[tilespmem:$0x1FD90] =	vst v9;
	v9 =	vsel vm0, v11, v9  }
0x79: {  	s18 =	sor.u32 $0x2, s1;
	[dreg:$0x14] =	wrdreg s17;
	v3 =	vimm.s32 $0x11101F1E;
	v13 =	vunpack.c.0.s8.s32 v0;
	[tilespmem:$0x1FDD0] =	vst v9  }
0x7a: {  	s0 =	smax.u32 s0, $0x1;
	[dreg:$0x15] =	wrdreg s18;
	v1 =	vimm.s32 $0x19181716;
	v11 =	vunpack.c.0.s8.s32 v3;
	[tilespmem:$0x1FDF0] =	vst v7  }
0x7b: {  	s19 =	sadd.s32 $0x40000, s3;
	[dreg:$0x16] =	wrdreg s0;
	v0 =	vimm.s32 $0x1E1D1C1B;
	v15 =	vunpack.c.0.s8.s32 v1;
	[tilespmem:$0x1FE10] =	vst v13  }
0x7c: {  	s20 =	sadd.s32 $0x44000, s3;
	[dreg:$0x17] =	wrdreg s19;
	v0 =	vunpack.c.0.s8.s32 v0;
	[tilespmem:$0x1FE00] =	vst v11  }
0x7d: {  	s21 =	sadd.s32 $0x48000, s3;
	[dreg:$0x18] =	wrdreg s20;
	[tilespmem:$0x1FE20] =	vst v15  }
0x7e: {  	s22 =	sadd.s32 $0x4C000, s3;
	[dreg:$0x19] =	wrdreg s21;
	v1 =	vimm.s32 $0x1211101F;
	v18 =	vcombine.low v5, v9;
	v9 =	vsel vm0, v11, v7;
	[tilespmem:$0x1FE50] =	vst v0  }
0x7f: {  	s23 =	sadd.s32 $0x50000, s3;
	s24 =	sadd.s32 $0x54000, s3;
	[dreg:$0x1a] =	wrdreg s22;
	v1 =	vunpack.c.0.s8.s32 v1;
	v11 =	vsel vm0, v15, v13;
	[tilespmem:$0x1FE30] =	vst v9  }
0x80: {  	s25 =	sadd.s32 $0x58000, s3;
	s26 =	sadd.s32 $0x5C000, s3;
	[dreg:$0x1b] =	wrdreg s23;
	v3 =	vimm.s32 $0x16151413;
	[tilespmem:$0x1FE40] =	vst v11  }
0x81: {  	s2 =	simm.s32 $0x0;
	s6 =	sadd.s32 $0x10000, s3;
	[dreg:$0x1c] =	wrdreg s24;
	v5 =	vimm.s32 $0x1A191817;
	[tilespmem:$0x1FE60] =	vst v1;
	v1 =	vunpack.c.0.s8.s32 v3  }
0x82: {  	[dreg:$0x1d] =	wrdreg s25;
	s28 =	sadd.s32 $0x60000, s3;
	s29 =	sadd.s32 $0x64000, s3;
	v0 =	vimm.s32 $0x13121110;
	v3 =	vunpack.c.0.s8.s32 v5;
	[tilespmem:$0x1FF40] =	vst v18  }
0x83: {  	[dreg:$0x1e] =	wrdreg s26;
	s30 =	sadd.s32 $0x68000, s3;
	s31 =	sadd.s32 $0x6C000, s3;
	v7 =	vimm.s32 $0x1F1E1D1C;
	v0 =	vunpack.c.0.s8.s32 v0;
	[tilespmem:$0x1FE70] =	vst v1  }
0x84: {  	s0 =	smov.u32 s1;
	s1 =	sor.u32 $0x3, s1;
	[dreg:$0x9] =	wrdreg s6;
	v1 =	vimm.s32 $0x17161514;
	[tilespmem:$0x1FE80] =	vst v3;
	v3 =	vunpack.c.0.s8.s32 v7  }
.Ltmp0:
0x85: {  	s7 =	simm.s32 $0x200;
	[dreg:$0x1f] =	wrdreg s28;
	[tilespmem:$0x1FEA0] =	vst v0;
	v0 =	vunpack.c.0.s8.s32 v1;
	(pc) =	sbr.rel .LBB2_1-.Ltmp0, $4  }
0x86: {  	s9 =	simm.s32 $0x400;
	s10 =	simm.s32 $0x2;
	[smem:$0x7FA] =	sst s29;
	v36 =	vcombine.low v11, v9;
	[tilespmem:$0x1FE90] =	vst v3;
	v3 =	vimm.s32 $0x1B1A1918  }
0x87: {  	s11 =	simm.s32 $0x4400;
	s12 =	simm.s32 $0x3;
	[smem:$0x7FB] =	sst s30;
	[tilespmem:$0x1FEB0] =	vst v0;
	v0 =	vunpack.c.0.s8.s32 v3  }
0x88: {  	s13 =	simm.s32 $0x8400;
	s14 =	simm.s32 $0x4;
	[smem:$0x7FC] =	sst s31;
	[tilespmem:$0x1FF50] =	vst v36  }
0x89: {  	v57 =	vmul.u32 $0x81, v26;
	v58 =	vsel vm1, $0x30E, v17;
	s15 =	simm.s32 $0x6;
	s16 =	simm.s32 $0xC400;
	[smem:$0x7FD] =	sst s1;
	[tilespmem:$0x1FEC0] =	vst v0  }
.LBB2_12:
0x8a: {  	s1 =	simm.s32 $0x5  }
0x8b: {  	_ =	swait.ge [sflag:s1], $0x4000  }
0x8c: {  	[sflag:s1] =	ssyncset.done $0x0  }
0x8d: {  	[sflag:s1] =	ssyncadd.s32 $0xFFFFC000  }
0x8e: {  	_ =	swait.ge [sflag:s15], $0x4000  }
0x8f: {  	s2 =	sld [smem:$0x7F9];
	_ =	sdelay $0x2  }
0x90: {  	s31 =	rddreg [dreg:$0x16];
	s2 =	sadd.s32 $0x1, s2  }
0x91: {  	p0 =	sne.s32 s2, s31  }
.Ltmp1:
0x92: {  	_ = 	snop;
	(pc) =	sbr.rel @!p0 .LBB2_13-.Ltmp1, $4  }
0x93: {  	_ = 	snop  }
0x94: {  	v46 =	vld [tilespmem:$0x1FF30]  }
0x95: {  	[sflag:s15] =	ssyncset.done $0x0;
	v18 =	vld [tilespmem:$0x1FF40]  }
0x96: {  	v27 =	vmov v6;
	v36 =	vld [tilespmem:$0x1FF50];
	[sflag:s15] =	ssyncadd.s32 $0xFFFFC000  }
.LBB2_1:
0x97: {  	[smem:$0x7F9] =	sst s2  }
0x98: {  	s1 =	rddreg [dreg:$0x4]  }
0x99: {  	[tilespmem:s4], [sflag:$0x1] =	stream.linear.gather [hbm4b:s1+s4], $0x200, $0x38;
	[tilespmem:$0x10400] =	vst v63  }
0x9a: {  	s30 =	rddreg [dreg:$0x5];
	s31 =	simm.s32 $0x1  }
0x9b: {  	[tilespmem:s7], [sflag:$0x2] =	stream.linear.gather [hbm4b:s30+s4], $0x200, $0x38;
	[tilespmem:$0x10400] =	vst v63  }
0x9c: {  	_ =	swait.ge [sflag:s31], $0x200  }
0x9d: {  	[sflag:s31] =	ssyncset.done $0x0  }
0x9e: {  	s17 =	simm.s32 $0x0;
	[sflag:s31] =	ssyncadd.s32 $0xFFFFFE00  }
0x9f: {  	v17 =	vmov v8;
	v42 =	vmov v14;
	v23 =	vmov v18;
	[tilespmem:s9], [sflag:$0x3] =	stream.indirect.gather [hbm4b:s5+s7], $0x20, s4, s7, $0xb8;
	[tilespmem:$0x10400] =	vst v63  }
.LBB2_2:
0xa0: {  	_ =	swait.ge [sflag:s10], $0x200  }
0xa1: {  	[sflag:s10] =	ssyncset.done $0x0  }
0xa2: {  	[sflag:s10] =	ssyncadd.s32 $0xFFFFFE00  }
0xa3: {  	[tilespmem:s11], [sflag:$0x4] =	stream.indirect.gather [hbm4b:s5+s7], $0x20, s7, s7, $0xb8;
	[tilespmem:$0x10400] =	vst v63  }
0xa4: {  	_ =	swait.ge [sflag:s12], $0x4000  }
0xa5: {  	s1 =	simm.s32 $0x0;
	v45 =	vld [tilespmem:$0x1FCE0]  }
0xa6: {  	s2 =	simm.s32 $0x0;
	s1 =	sand.u32 $0x60, s1  }
0xa7: {  	s8 =	sor.u32 s1, s2  }
0xa8: {  	s24 =	sor.u32 $0x10, s1;
	v0 =	vmov s8  }
0xa9: {  	p0 =	seq.s32 s17, $0x0;
	s2 =	sor.u32 s2, s24;
	v0 =	vshll.u32 v0, $0x5;
	[sflag:s12] =	ssyncset.done $0x0  }
0xaa: {  	v44 =	vlaneseq.u32;
	[sflag:s12] =	ssyncadd.s32 $0xFFFFC000;
	v49 =	vor.u32 v45, v0;
	v0 =	vmov s2;
	s2 =	simm.s32 @!p0 $0x5  }
0xab: {  	v1 =	vor.u32 v44, v49;
	_ =	swait.ge @!p0 [sflag:s2], $0x4000  }
0xac: {  	v3 =	vor.u32 v46, v49;
	v60 =	vld [tilespmem:$0x1FCF0]  }
0xad: {  	v0 =	vshll.u32 v0, $0x5  }
0xae: {  	s19 =	simm.s32 $0x0;
	v0 =	vor.u32 v45, v0;
	[sflag:s2] =	ssyncset.done @!p0 $0x0  }
0xaf: {  	s18 =	sor.u32 s1, s19;
	v5 =	vor.u32 v44, v0;
	[sflag:s2] =	ssyncadd.s32 @!p0 $0xFFFFC000  }
0xb0: {  	v9 =	vor.u32 s18, v57;
	s28 =	sor.u32 $0x800, s18;
	v7 =	vor.u32 v46, v0;
	v1 =	vld.idx.msk [tilespmem:v1+s9+$0x0], $0xffff  }
0xb1: {  	v13 =	vor.u32 s28, v57;
	v3 =	vld.idx.msk [tilespmem:v3+s9+$0x0], $0xffff;
	v11 =	vor.u32 v60, v49;
	_ =	sdelay $0x1  }
0xb2: {  	s25 =	sor.u32 s19, s24  }
0xb3: {  	v18 =	vor.u32 s25, v57;
	s19 =	sor.u32 $0x800, s25;
	v5 =	vld.idx.msk [tilespmem:v5+s9+$0x0], $0xffff  }
0xb4: {  	v22 =	vor.u32 s19, v57;
	v15 =	vor.u32 v23, v49;
	v7 =	vld.idx.msk [tilespmem:v7+s9+$0x0], $0xffff;
	[tilespmem:v9+s13+$0x0] =	vst.idx.msk $0xffff, v1  }
0xb5: {  	v20 =	vor.u32 v60, v0;
	[tilespmem:v13+s13+$0x0] =	vst.idx.msk $0xffff, v3;
	v9 =	vld.idx.msk [tilespmem:v11+s9+$0x0], $0xffff;
	v11 =	vor.u32 s18, v4  }
0xb6: {  	v61 =	vld [tilespmem:$0x1FD00]  }
0xb7: {  	v1 =	vor.u32 v23, v0  }
0xb8: {  	[tilespmem:v18+s13+$0x0] =	vst.idx.msk $0xffff, v5  }
0xb9: {  	v13 =	vld.idx.msk [tilespmem:v15+s9+$0x0], $0xffff;
	[tilespmem:v22+s13+$0x0] =	vst.idx.msk $0xffff, v7  }
0xba: {  	v15 =	vld.idx.msk [tilespmem:v20+s9+$0x0], $0xffff;
	[tilespmem:v11+s13+$0x0] =	vst.idx.msk $0xffff, v9  }
0xbb: {  	v3 =	vor.u32 v61, v49;
	v6 =	vld [tilespmem:$0x1FD10]  }
0xbc: {  	v5 =	vor.u32 s28, v4;
	v1 =	vld.idx.msk [tilespmem:v1+s9+$0x0], $0xffff  }
0xbd: {  	v33 =	vld [tilespmem:$0x1FE50]  }
0xbe: {  	v18 =	vor.u32 v36, v49;
	v20 =	vor.u32 s25, v4;
	v34 =	vld [tilespmem:$0x1FE60]  }
0xbf: {  	v22 =	vor.u32 s19, v4;
	v7 =	vor.u32 v61, v0;
	v35 =	vld [tilespmem:$0x1FE70]  }
0xc0: {  	v24 =	vor.u32 v36, v0;
	v3 =	vld.idx.msk [tilespmem:v3+s9+$0x0], $0xffff;
	v9 =	vor.u32 s18, v6  }
0xc1: {  	v37 =	vld [tilespmem:$0x1FE80];
	[tilespmem:v5+s13+$0x0] =	vst.idx.msk $0xffff, v13;
	v5 =	vor.u32 v2, v49;
	_ =	sdelay $0x1  }
0xc2: {  	v11 =	vld.idx.msk [tilespmem:v18+s9+$0x0], $0xffff;
	[tilespmem:v20+s13+$0x0] =	vst.idx.msk $0xffff, v15  }
0xc3: {  	[tilespmem:v22+s13+$0x0] =	vst.idx.msk $0xffff, v1;
	v7 =	vld.idx.msk [tilespmem:v7+s9+$0x0], $0xffff  }
0xc4: {  	v20 =	vld.idx.msk [tilespmem:v24+s9+$0x0], $0xffff;
	v13 =	vor.u32 s28, v6;
	[tilespmem:v9+s13+$0x0] =	vst.idx.msk $0xffff, v3  }
0xc5: {  	v3 =	vld.idx.msk [tilespmem:v5+s9+$0x0], $0xffff  }
0xc6: {  	v38 =	vld [tilespmem:$0x1FE90]  }
0xc7: {  	v18 =	vor.u32 s25, v6;
	v39 =	vld [tilespmem:$0x1FEA0]  }
0xc8: {  	v26 =	vor.u32 s18, v21;
	v40 =	vld [tilespmem:$0x1FEB0]  }
0xc9: {  	v24 =	vor.u32 s19, v6;
	v41 =	vld [tilespmem:$0x1FEC0];
	[tilespmem:v13+s13+$0x0] =	vst.idx.msk $0xffff, v11;
	v11 =	vor.u32 v10, v49;
	_ =	sdelay $0x2  }
0xca: {  	[tilespmem:v18+s13+$0x0] =	vst.idx.msk $0xffff, v7  }
0xcb: {  	[tilespmem:v26+s13+$0x0] =	vst.idx.msk $0xffff, v3  }
0xcc: {  	[tilespmem:v24+s13+$0x0] =	vst.idx.msk $0xffff, v20;
	v3 =	vld.idx.msk [tilespmem:v11+s9+$0x0], $0xffff  }
0xcd: {  	v54 =	vsel vm0, v34, v33;
	v56 =	vsel vm0, v37, v35;
	v11 =	vld [tilespmem:$0x1FDA0]  }
0xce: {  	v25 =	vcombine.low v56, v54;
	v26 =	vld [tilespmem:$0x1FDB0];
	_ =	sdelay $0x1  }
0xcf: {  	v15 =	vor.u32 v25, v49;
	_ =	sdelay $0x1  }
0xd0: {  	v1 =	vor.u32 v2, v0;
	v29 =	vld [tilespmem:$0x1FDC0]  }
0xd1: {  	v22 =	vor.u32 v25, v0;
	v11 =	vsel vm0, v26, v11;
	v26 =	vld [tilespmem:$0x1FD90]  }
0xd2: {  	v14 =	vld [tilespmem:$0x1FD20]  }
0xd3: {  	v7 =	vor.u32 s28, v21;
	v13 =	vld.idx.msk [tilespmem:v15+s9+$0x0], $0xffff;
	_ =	sdelay $0x1  }
0xd4: {  	v18 =	vor.u32 s25, v21;
	v1 =	vld.idx.msk [tilespmem:v1+s9+$0x0], $0xffff  }
0xd5: {  	v28 =	vor.u32 s19, v21;
	v22 =	vld.idx.msk [tilespmem:v22+s9+$0x0], $0xffff;
	v5 =	vsel vm0, v39, v38;
	v26 =	vsel vm0, v26, v29  }
0xd6: {  	v55 =	vmovc v2;
	v9 =	vsel vm0, v41, v40;
	v30 =	vor.u32 s18, v14;
	v2 =	vcombine.low v26, v11  }
0xd7: {  	v52 =	vcombine.low v9, v5;
	[tilespmem:v7+s13+$0x0] =	vst.idx.msk $0xffff, v13  }
0xd8: {  	[tilespmem:$0x1FC30] =	vst v2  }
0xd9: {  	v15 =	vor.u32 v52, v49;
	v63 =	vld [tilespmem:$0x1FD30];
	[tilespmem:v18+s13+$0x0] =	vst.idx.msk $0xffff, v1  }
0xda: {  	v20 =	vor.u32 v10, v0;
	[tilespmem:v28+s13+$0x0] =	vst.idx.msk $0xffff, v22  }
0xdb: {  	v24 =	vor.u32 v52, v0;
	[tilespmem:v30+s13+$0x0] =	vst.idx.msk $0xffff, v3  }
0xdc: {  	v29 =	vld [tilespmem:$0x1FE00]  }
0xdd: {  	v30 =	vld [tilespmem:$0x1FE10]  }
0xde: {  	v7 =	vor.u32 v63, v49;
	v13 =	vld.idx.msk [tilespmem:v15+s9+$0x0], $0xffff  }
0xdf: {  	v15 =	vld.idx.msk [tilespmem:v20+s9+$0x0], $0xffff  }
0xe0: {  	v1 =	vor.u32 s28, v14;
	v24 =	vld.idx.msk [tilespmem:v24+s9+$0x0], $0xffff  }
0xe1: {  	v20 =	vor.u32 s25, v14;
	v31 =	vld [tilespmem:$0x1FE20]  }
0xe2: {  	v28 =	vor.u32 s19, v14;
	v30 =	vsel vm0, v30, v29;
	v29 =	vld [tilespmem:$0x1FDF0]  }
0xe3: {  	v32 =	vor.u32 s18, v27;
	v18 =	vor.u32 v2, v49;
	v7 =	vld.idx.msk [tilespmem:v7+s9+$0x0], $0xffff;
	_ =	sdelay $0x1  }
0xe4: {  	v22 =	vor.u32 v63, v0;
	[tilespmem:v1+s13+$0x0] =	vst.idx.msk $0xffff, v13  }
0xe5: {  	[tilespmem:v20+s13+$0x0] =	vst.idx.msk $0xffff, v15  }
0xe6: {  	v3 =	vor.u32 v2, v0;
	[tilespmem:v28+s13+$0x0] =	vst.idx.msk $0xffff, v24;
	v31 =	vsel vm0, v29, v31  }
0xe7: {  	v13 =	vld.idx.msk [tilespmem:v18+s9+$0x0], $0xffff;
	[tilespmem:v32+s13+$0x0] =	vst.idx.msk $0xffff, v7;
	v53 =	vcombine.low v31, v30  }
0xe8: {  	v8 =	vmov v21;
	v1 =	vor.u32 v51, v49;
	v15 =	vor.u32 s28, v27;
	v21 =	vld [tilespmem:$0x1FD40]  }
0xe9: {  	v18 =	vld.idx.msk [tilespmem:v22+s9+$0x0], $0xffff;
	v22 =	vor.u32 s25, v27;
	v20 =	vor.u32 v53, v49  }
0xea: {  	v24 =	vor.u32 v51, v0  }
0xeb: {  	v34 =	vsel vm0, v35, v34;
	v28 =	vor.u32 s19, v27;
	v3 =	vld.idx.msk [tilespmem:v3+s9+$0x0], $0xffff  }
0xec: {  	v47 =	vsel vm0, v33, v37;
	v2 =	vcombine.low v5, v9;
	v7 =	vor.u32 v53, v0  }
0xed: {  	v1 =	vld.idx.msk [tilespmem:v1+s9+$0x0], $0xffff;
	v29 =	vcombine.low v47, v34;
	[tilespmem:v15+s13+$0x0] =	vst.idx.msk $0xffff, v13;
	v48 =	vor.u32 s18, v21  }
0xee: {  	v9 =	vor.u32 v16, v49;
	[tilespmem:v22+s13+$0x0] =	vst.idx.msk $0xffff, v18;
	v13 =	vor.u32 s28, v21;
	v5 =	vld.idx.msk [tilespmem:v20+s9+$0x0], $0xffff  }
0xef: {  	v15 =	vld.idx.msk [tilespmem:v24+s9+$0x0], $0xffff;
	v18 =	vor.u32 v29, v49;
	v20 =	vor.u32 s25, v21  }
0xf0: {  	[tilespmem:v28+s13+$0x0] =	vst.idx.msk $0xffff, v3  }
0xf1: {  	v12 =	vmovc v27;
	v27 =	vcombine.low v11, v26;
	v3 =	vor.u32 v16, v0;
	v22 =	vor.u32 s19, v21;
	v11 =	vld.idx.msk [tilespmem:v7+s9+$0x0], $0xffff  }
0xf2: {  	[tilespmem:v48+s13+$0x0] =	vst.idx.msk $0xffff, v1  }
0xf3: {  	v9 =	vld.idx.msk [tilespmem:v9+s9+$0x0], $0xffff;
	[tilespmem:v13+s13+$0x0] =	vst.idx.msk $0xffff, v5;
	v13 =	vor.u32 s18, v42  }
0xf4: {  	[tilespmem:v20+s13+$0x0] =	vst.idx.msk $0xffff, v15;
	v20 =	vor.u32 s28, v42;
	v18 =	vld.idx.msk [tilespmem:v18+s9+$0x0], $0xffff  }
0xf5: {  	v28 =	vor.u32 s25, v42;
	v24 =	vsel vm0, v38, v41;
	v7 =	vsel vm0, v40, v39  }
0xf6: {  	v62 =	vcombine.low v24, v7;
	[tilespmem:v22+s13+$0x0] =	vst.idx.msk $0xffff, v11;
	v24 =	vld.idx.msk [tilespmem:v3+s9+$0x0], $0xffff;
	v3 =	vor.u32 v27, v0  }
0xf7: {  	[tilespmem:$0x1FC60] =	vst v3  }
0xf8: {  	v1 =	vor.u32 v29, v0;
	[tilespmem:v13+s13+$0x0] =	vst.idx.msk $0xffff, v9  }
0xf9: {  	[tilespmem:v20+s13+$0x0] =	vst.idx.msk $0xffff, v18  }
0xfa: {  	v15 =	vor.u32 v43, v49;
	v18 =	vld [tilespmem:$0x1FDD0]  }
0xfb: {  	s26 =	simm.s32 $0x20;
	v22 =	vor.u32 v43, v0;
	v20 =	vld [tilespmem:$0x1FDE0];
	[tilespmem:v28+s13+$0x0] =	vst.idx.msk $0xffff, v24  }
0xfc: {  	s29 =	sand.u32 $0x60, s26;
	v26 =	vor.u32 v62, v49;
	v3 =	vld [tilespmem:$0x1FD50]  }
0xfd: {  	v19 =	vmov v10;
	s30 =	simm.s32 $0x0;
	s22 =	sor.u32 $0x10, s29;
	v10 =	vcombine.low v30, v31;
	v30 =	vor.u32 s19, v42;
	v1 =	vld.idx.msk [tilespmem:v1+s9+$0x0], $0xffff  }
0xfe: {  	s8 =	sor.u32 s30, s22  }
0xff: {  	v59 =	vmovc v51;
	v51 =	vmov s8;
	v47 =	vcombine.low v34, v47;
	v13 =	vld.idx.msk [tilespmem:v15+s9+$0x0], $0xffff;
	v15 =	vor.u32 s18, v58  }
0x100: {  	s20 =	sor.u32 s29, s30;
	v9 =	vor.u32 v62, v0;
	v28 =	vor.u32 s25, v58;
	v22 =	vld.idx.msk [tilespmem:v22+s9+$0x0], $0xffff;
	v33 =	vcombine.low v18, v20  }
0x101: {  	v32 =	vmovc v16;
	v24 =	vmov s20;
	v18 =	vld.idx.msk [tilespmem:v26+s9+$0x0], $0xffff;
	v20 =	vor.u32 s28, v58;
	v26 =	vor.u32 v3, v49  }
0x102: {  	v24 =	vshll.u32 v24, $0x5;
	[tilespmem:v30+s13+$0x0] =	vst.idx.msk $0xffff, v1;
	v1 =	vor.u32 v10, v0;
	v31 =	vor.u32 v33, v49  }
0x103: {  	v16 =	vmovc v42;
	v30 =	vshll.u32 v51, $0x5;
	v41 =	vor.u32 v45, v24;
	[tilespmem:$0x1FCC0] =	vst v1;
	v24 =	vor.u32 v3, v0  }
0x104: {  	v48 =	vor.u32 s19, v58;
	v42 =	vor.u32 v45, v30;
	v34 =	vor.u32 v44, v41;
	[tilespmem:v15+s13+$0x0] =	vst.idx.msk $0xffff, v13  }
0x105: {  	v51 =	vor.u32 v46, v41;
	v1 =	vor.u32 v47, v49;
	v35 =	vld.idx.msk [tilespmem:v9+s9+$0x0], $0xffff;
	[tilespmem:v28+s13+$0x0] =	vst.idx.msk $0xffff, v22  }
0x106: {  	v13 =	vor.u32 v44, v42;
	[tilespmem:v20+s13+$0x0] =	vst.idx.msk $0xffff, v18;
	v18 =	vor.u32 s18, v17;
	v15 =	vld.idx.msk [tilespmem:v26+s9+$0x0], $0xffff  }
0x107: {  	s31 =	simm.s32 $0x0;
	v26 =	vld.idx.msk [tilespmem:v31+s9+$0x0], $0xffff;
	[tilespmem:$0x1FC70] =	vst v1  }
0x108: {  	s20 =	sor.u32 s29, s31;
	v28 =	vor.u32 s25, v17;
	v22 =	vld.idx.msk [tilespmem:v24+s9+$0x0], $0xffff;
	[tilespmem:$0x1FBC0] =	vst v33  }
0x109: {  	v38 =	vor.u32 s20, v57;
	v20 =	vor.u32 v46, v42;
	v31 =	vld.idx.msk [tilespmem:v34+s9+$0x0], $0xffff  }
0x10a: {  	v30 =	vor.u32 v33, v0;
	[tilespmem:v48+s13+$0x0] =	vst.idx.msk $0xffff, v35;
	v33 =	vld.idx.msk [tilespmem:v51+s9+$0x0], $0xffff  }
0x10b: {  	v24 =	vor.u32 v50, v49;
	v13 =	vld.idx.msk [tilespmem:v13+s9+$0x0], $0xffff;
	[tilespmem:v18+s13+$0x0] =	vst.idx.msk $0xffff, v15  }
0x10c: {  	s21 =	sor.u32 $0x800, s20;
	v44 =	vor.u32 v50, v0;
	v1 =	vld [tilespmem:$0x1FE30]  }
0x10d: {  	s22 =	sor.u32 s31, s22;
	v34 =	vor.u32 v60, v41;
	v35 =	vor.u32 s21, v57;
	v9 =	vld [tilespmem:$0x1FE40];
	[tilespmem:v28+s13+$0x0] =	vst.idx.msk $0xffff, v22  }
0x10e: {  	s23 =	sor.u32 $0x800, s22;
	v48 =	vor.u32 s22, v57;
	v18 =	vld.idx.msk [tilespmem:v20+s9+$0x0], $0xffff;
	[tilespmem:v38+s13+$0x0] =	vst.idx.msk $0xffff, v31  }
0x10f: {  	v46 =	vor.u32 v23, v41;
	v51 =	vor.u32 v23, v42;
	v20 =	vor.u32 s23, v57;
	v23 =	vld [tilespmem:$0x1FFA0]  }
0x110: {  	v50 =	vor.u32 s28, v17;
	v15 =	vor.u32 v60, v42;
	v24 =	vld.idx.msk [tilespmem:v24+s9+$0x0], $0xffff  }
0x111: {  	v22 =	vld.idx.msk [tilespmem:v44+s9+$0x0], $0xffff  }
0x112: {  	v38 =	vld.idx.msk [tilespmem:v34+s9+$0x0], $0xffff;
	[tilespmem:v35+s13+$0x0] =	vst.idx.msk $0xffff, v33  }
0x113: {  	v39 =	vor.u32 s20, v4;
	v34 =	vld [tilespmem:$0x1FEF0];
	[tilespmem:v48+s13+$0x0] =	vst.idx.msk $0xffff, v13  }
0x114: {  	v33 =	vld.idx.msk [tilespmem:v46+s9+$0x0], $0xffff;
	[tilespmem:v20+s13+$0x0] =	vst.idx.msk $0xffff, v18;
	v28 =	vor.u32 s25, v23  }
0x115: {  	[tilespmem:v50+s13+$0x0] =	vst.idx.msk $0xffff, v26;
	v15 =	vld.idx.msk [tilespmem:v15+s9+$0x0], $0xffff  }
0x116: {  	v26 =	vld.idx.msk [tilespmem:v51+s9+$0x0], $0xffff;
	[tilespmem:$0x1FBD0] =	vst v54  }
0x117: {  	v35 =	vor.u32 s21, v4;
	v9 =	vcombine.low v1, v9;
	[tilespmem:$0x1FBE0] =	vst v56  }
0x118: {  	[tilespmem:v39+s13+$0x0] =	vst.idx.msk $0xffff, v38  }
0x119: {  	v31 =	vor.u32 v9, v49;
	[tilespmem:v28+s13+$0x0] =	vst.idx.msk $0xffff, v22  }
0x11a: {  	v1 =	vcombine.low v54, v56;
	v60 =	vor.u32 v34, v0;
	v56 =	vld [tilespmem:$0x1FF90]  }
0x11b: {  	v13 =	vor.u32 v61, v41;
	v48 =	vor.u32 s22, v4  }
0x11c: {  	v46 =	vor.u32 v36, v41;
	v18 =	vor.u32 s18, v23;
	[tilespmem:v35+s13+$0x0] =	vst.idx.msk $0xffff, v33  }
0x11d: {  	v50 =	vor.u32 s23, v4;
	v33 =	vld [tilespmem:$0x1FF80]  }
0x11e: {  	v20 =	vor.u32 v61, v42;
	v31 =	vld.idx.msk [tilespmem:v31+s9+$0x0], $0xffff;
	v28 =	vor.u32 s28, v23  }
0x11f: {  	v22 =	vor.u32 v36, v42;
	v38 =	vld.idx.msk [tilespmem:v60+s9+$0x0], $0xffff;
	v39 =	vor.u32 s25, v56  }
0x120: {  	v13 =	vld.idx.msk [tilespmem:v13+s9+$0x0], $0xffff;
	v60 =	vor.u32 v1, v49;
	[tilespmem:v48+s13+$0x0] =	vst.idx.msk $0xffff, v15  }
0x121: {  	v46 =	vld.idx.msk [tilespmem:v46+s9+$0x0], $0xffff;
	[tilespmem:v18+s13+$0x0] =	vst.idx.msk $0xffff, v24  }
0x122: {  	v54 =	vor.u32 s20, v6;
	[tilespmem:v50+s13+$0x0] =	vst.idx.msk $0xffff, v26;
	v26 =	vld.idx.msk [tilespmem:v30+s9+$0x0], $0xffff;
	v35 =	vor.u32 v33, v0  }
0x123: {  	v20 =	vld.idx.msk [tilespmem:v20+s9+$0x0], $0xffff;
	[tilespmem:v28+s13+$0x0] =	vst.idx.msk $0xffff, v31  }
0x124: {  	v22 =	vld.idx.msk [tilespmem:v22+s9+$0x0], $0xffff;
	[tilespmem:v39+s13+$0x0] =	vst.idx.msk $0xffff, v38  }
0x125: {  	v31 =	vld.idx.msk [tilespmem:v60+s9+$0x0], $0xffff;
	[tilespmem:$0x1FBF0] =	vst v9  }
0x126: {  	[tilespmem:$0x1FC00] =	vst v25  }
0x127: {  	v15 =	vor.u32 v55, v41;
	v18 =	vor.u32 s21, v6;
	[tilespmem:v54+s13+$0x0] =	vst.idx.msk $0xffff, v13;
	v13 =	vld.idx.msk [tilespmem:v35+s9+$0x0], $0xffff  }
0x128: {  	v61 =	vor.u32 s22, v6;
	v35 =	vld [tilespmem:$0x1FF00]  }
0x129: {  	v24 =	vor.u32 v25, v41;
	v30 =	vor.u32 s19, v17  }
0x12a: {  	v50 =	vor.u32 v55, v42;
	v28 =	vor.u32 s23, v6  }
0x12b: {  	v60 =	vor.u32 s28, v56;
	v38 =	vor.u32 v9, v0;
	v54 =	vld [tilespmem:$0x1FED0]  }
0x12c: {  	v25 =	vor.u32 v25, v42;
	v15 =	vld.idx.msk [tilespmem:v15+s9+$0x0], $0xffff;
	[tilespmem:v18+s13+$0x0] =	vst.idx.msk $0xffff, v46  }
0x12d: {  	v9 =	vld [tilespmem:$0x1FD60];
	[tilespmem:v61+s13+$0x0] =	vst.idx.msk $0xffff, v20;
	v44 =	vor.u32 s25, v35  }
0x12e: {  	v37 =	vor.u32 v2, v49;
	v24 =	vld.idx.msk [tilespmem:v24+s9+$0x0], $0xffff;
	[tilespmem:v30+s13+$0x0] =	vst.idx.msk $0xffff, v26  }
0x12f: {  	v55 =	vor.u32 s20, v8;
	[tilespmem:v28+s13+$0x0] =	vst.idx.msk $0xffff, v22;
	v50 =	vld.idx.msk [tilespmem:v50+s9+$0x0], $0xffff  }
0x130: {  	[tilespmem:v60+s13+$0x0] =	vst.idx.msk $0xffff, v31;
	v22 =	vld.idx.msk [tilespmem:v38+s9+$0x0], $0xffff  }
0x131: {  	v25 =	vld.idx.msk [tilespmem:v25+s9+$0x0], $0xffff;
	[tilespmem:$0x1FC10] =	vst v1  }
0x132: {  	[tilespmem:v44+s13+$0x0] =	vst.idx.msk $0xffff, v13  }
0x133: {  	v37 =	vld.idx.msk [tilespmem:v37+s9+$0x0], $0xffff;
	v18 =	vor.u32 v9, v0;
	[tilespmem:$0x1FC20] =	vst v52  }
0x134: {  	v20 =	vor.u32 v19, v41;
	v61 =	vor.u32 s21, v8;
	[tilespmem:v55+s13+$0x0] =	vst.idx.msk $0xffff, v15  }
0x135: {  	v30 =	vor.u32 s22, v8;
	v38 =	vor.u32 v19, v42;
	v19 =	vmov v36;
	v36 =	vld [tilespmem:$0x1FD70]  }
0x136: {  	v28 =	vor.u32 s19, v23  }
0x137: {  	v60 =	vor.u32 s23, v8  }
0x138: {  	v15 =	vor.u32 s28, v35;
	v18 =	vld.idx.msk [tilespmem:v18+s9+$0x0], $0xffff  }
0x139: {  	v26 =	vor.u32 v52, v41;
	v20 =	vld.idx.msk [tilespmem:v20+s9+$0x0], $0xffff;
	[tilespmem:v61+s13+$0x0] =	vst.idx.msk $0xffff, v24;
	v61 =	vor.u32 s20, v14  }
0x13a: {  	v31 =	vor.u32 v1, v0;
	v1 =	vld [tilespmem:$0x1FF10];
	[tilespmem:v30+s13+$0x0] =	vst.idx.msk $0xffff, v50;
	v51 =	vor.u32 s25, v36  }
0x13b: {  	[tilespmem:v28+s13+$0x0] =	vst.idx.msk $0xffff, v22  }
0x13c: {  	v44 =	vld [tilespmem:$0x1FC30];
	[tilespmem:v60+s13+$0x0] =	vst.idx.msk $0xffff, v25  }
0x13d: {  	v13 =	vor.u32 v52, v42;
	[tilespmem:v15+s13+$0x0] =	vst.idx.msk $0xffff, v37  }
0x13e: {  	v11 =	vor.u32 v27, v49;
	v26 =	vld.idx.msk [tilespmem:v26+s9+$0x0], $0xffff;
	[tilespmem:v61+s13+$0x0] =	vst.idx.msk $0xffff, v20  }
0x13f: {  	v55 =	vor.u32 s21, v14;
	v30 =	vor.u32 v63, v41;
	v38 =	vld.idx.msk [tilespmem:v38+s9+$0x0], $0xffff;
	[tilespmem:v51+s13+$0x0] =	vst.idx.msk $0xffff, v18  }
0x140: {  	v39 =	vmov v29;
	v28 =	vor.u32 s22, v14;
	v24 =	vor.u32 v1, v0;
	v29 =	vld [tilespmem:$0x1FD80]  }
0x141: {  	v31 =	vld.idx.msk [tilespmem:v31+s9+$0x0], $0xffff;
	v25 =	vor.u32 s19, v56;
	v22 =	vor.u32 v44, v41  }
0x142: {  	v60 =	vor.u32 v63, v42;
	v13 =	vld.idx.msk [tilespmem:v13+s9+$0x0], $0xffff;
	v15 =	vor.u32 s23, v14  }
0x143: {  	v7 =	vor.u32 v2, v0;
	v11 =	vld.idx.msk [tilespmem:v11+s9+$0x0], $0xffff;
	v18 =	vor.u32 s28, v36  }
0x144: {  	v30 =	vld.idx.msk [tilespmem:v30+s9+$0x0], $0xffff;
	v20 =	vor.u32 v44, v42;
	[tilespmem:v55+s13+$0x0] =	vst.idx.msk $0xffff, v26;
	v26 =	vor.u32 s20, v12  }
0x145: {  	v5 =	vor.u32 v10, v49;
	v24 =	vld.idx.msk [tilespmem:v24+s9+$0x0], $0xffff;
	[tilespmem:v28+s13+$0x0] =	vst.idx.msk $0xffff, v38;
	v61 =	vor.u32 s25, v29  }
0x146: {  	v40 =	vor.u32 v47, v0;
	[tilespmem:v25+s13+$0x0] =	vst.idx.msk $0xffff, v31;
	v22 =	vld.idx.msk [tilespmem:v22+s9+$0x0], $0xffff  }
0x147: {  	v3 =	vmov v43;
	v63 =	vor.u32 s21, v12;
	v0 =	vor.u32 v54, v0;
	[tilespmem:v15+s13+$0x0] =	vst.idx.msk $0xffff, v13;
	v43 =	vld.idx.msk [tilespmem:v60+s9+$0x0], $0xffff  }
0x148: {  	v28 =	vor.u32 v59, v41;
	v7 =	vld.idx.msk [tilespmem:v7+s9+$0x0], $0xffff;
	[tilespmem:v18+s13+$0x0] =	vst.idx.msk $0xffff, v11  }
0x149: {  	v46 =	vor.u32 v1, v49;
	v1 =	vor.u32 s22, v12;
	v20 =	vld.idx.msk [tilespmem:v20+s9+$0x0], $0xffff;
	[tilespmem:v26+s13+$0x0] =	vst.idx.msk $0xffff, v30  }
0x14a: {  	v13 =	vor.u32 s19, v35;
	v5 =	vld.idx.msk [tilespmem:v5+s9+$0x0], $0xffff;
	[tilespmem:v61+s13+$0x0] =	vst.idx.msk $0xffff, v24  }
0x14b: {  	v55 =	vor.u32 v33, v49;
	v11 =	vor.u32 s23, v12;
	[tilespmem:$0x1FC40] =	vst v53;
	v33 =	vld [tilespmem:$0x1FEE0]  }
0x14c: {  	v18 =	vor.u32 s28, v29;
	v0 =	vld.idx.msk [tilespmem:v0+s9+$0x0], $0xffff;
	[tilespmem:v63+s13+$0x0] =	vst.idx.msk $0xffff, v22  }
0x14d: {  	v37 =	vld.idx.msk [tilespmem:v28+s9+$0x0], $0xffff;
	[tilespmem:$0x1FC50] =	vst v2  }
0x14e: {  	[tilespmem:v1+s13+$0x0] =	vst.idx.msk $0xffff, v43  }
0x14f: {  	v45 =	vor.u32 v54, v49;
	[tilespmem:v13+s13+$0x0] =	vst.idx.msk $0xffff, v7  }
0x150: {  	v48 =	vor.u32 v9, v49;
	v52 =	vor.u32 v34, v49;
	[tilespmem:v11+s13+$0x0] =	vst.idx.msk $0xffff, v20  }
0x151: {  	v31 =	vor.u32 v53, v41;
	v15 =	vor.u32 v59, v42;
	v1 =	vld [tilespmem:$0x1FC60];
	[tilespmem:v18+s13+$0x0] =	vst.idx.msk $0xffff, v5  }
0x152: {  	v49 =	vor.u32 v2, v41;
	v24 =	vor.u32 v53, v42;
	v53 =	vor.u32 v2, v42;
	v2 =	vld [tilespmem:$0x1FC70]  }
0x153: {  	v22 =	vor.u32 s20, v21  }
0x154: {  	v26 =	vor.u32 s25, v33;
	_ =	sdelay $0x1  }
0x155: {  	v50 =	vld.idx.msk [tilespmem:v31+s9+$0x0], $0xffff  }
0x156: {  	v60 =	vor.u32 s21, v21;
	v59 =	vld.idx.msk [tilespmem:v15+s9+$0x0], $0xffff  }
0x157: {  	v31 =	vor.u32 v32, v41;
	v61 =	vld.idx.msk [tilespmem:v24+s9+$0x0], $0xffff;
	[tilespmem:v22+s13+$0x0] =	vst.idx.msk $0xffff, v37  }
0x158: {  	v28 =	vor.u32 s22, v21;
	[tilespmem:v26+s13+$0x0] =	vst.idx.msk $0xffff, v0;
	v11 =	vld.idx.msk [tilespmem:v1+s9+$0x0], $0xffff  }
0x159: {  	v9 =	vor.u32 s19, v36;
	v13 =	vor.u32 v39, v41;
	v63 =	vld.idx.msk [tilespmem:v2+s9+$0x0], $0xffff;
	[tilespmem:$0x1FC80] =	vst v39  }
0x15a: {  	v30 =	vor.u32 v32, v42;
	v5 =	vld.idx.msk [tilespmem:v52+s9+$0x0], $0xffff;
	[tilespmem:$0x1FC90] =	vst v27  }
0x15b: {  	v1 =	vor.u32 s23, v21;
	[tilespmem:v60+s13+$0x0] =	vst.idx.msk $0xffff, v50  }
0x15c: {  	v18 =	vld.idx.msk [tilespmem:v31+s9+$0x0], $0xffff;
	[tilespmem:$0x1FCA0] =	vst v10  }
0x15d: {  	[tilespmem:v28+s13+$0x0] =	vst.idx.msk $0xffff, v59  }
0x15e: {  	v22 =	vld.idx.msk [tilespmem:v13+s9+$0x0], $0xffff;
	[tilespmem:v9+s13+$0x0] =	vst.idx.msk $0xffff, v11  }
0x15f: {  	v24 =	vld.idx.msk [tilespmem:v30+s9+$0x0], $0xffff;
	[tilespmem:$0x1FCB0] =	vst v62  }
0x160: {  	[tilespmem:v1+s13+$0x0] =	vst.idx.msk $0xffff, v61  }
0x161: {  	v1 =	vld [tilespmem:$0x1FCC0]  }
0x162: {  	v54 =	vor.u32 s23, v16  }
0x163: {  	v51 =	vor.u32 v27, v41;
	v25 =	vmovc v3;
	v26 =	vor.u32 s28, v33;
	v2 =	vor.u32 v39, v42  }
0x164: {  	v3 =	vor.u32 s18, v35;
	v38 =	vor.u32 s18, v36;
	v44 =	vor.u32 v25, v42  }
0x165: {  	v7 =	vor.u32 s18, v56;
	v20 =	vor.u32 v25, v41;
	v43 =	vor.u32 s22, v16  }
0x166: {  	v25 =	vmovc v56;
	v15 =	vor.u32 v10, v42;
	v37 =	vor.u32 s18, v29;
	v0 =	vor.u32 s18, v33  }
0x167: {  	v52 =	vor.u32 v27, v42;
	v27 =	vmovc v19;
	v50 =	vor.u32 v10, v41;
	v31 =	vor.u32 s21, v16;
	v10 =	vmovc v14  }
0x168: {  	v14 =	vmovc v21;
	v21 =	vmov v23;
	v28 =	vor.u32 s20, v16;
	v13 =	vor.u32 s19, v29;
	[tilespmem:v26+s13+$0x0] =	vst.idx.msk $0xffff, v63;
	v26 =	vld.idx.msk [tilespmem:v2+s9+$0x0], $0xffff  }
0x169: {  	s18 =	sshll.u32 s17, $0x1;
	s28 =	simm.s32 $0x4;
	v9 =	vor.u32 v47, v42;
	v30 =	vor.u32 v62, v41;
	v2 =	vmov v57;
	v11 =	vld.idx.msk [tilespmem:v1+s9+$0x0], $0xffff;
	[tilespmem:$0x1FCD0] =	vst v47  }
.LBB2_3:
0x16a: {  	v63 =	vld [tilespmem:$0x1FCD0]  }
0x16b: {  	v23 =	vld [tilespmem:$0x1FED0]  }
0x16c: {  	v61 =	vld [tilespmem:$0x1FCB0]  }
0x16d: {  	v19 =	vld [tilespmem:$0x1FD50]  }
0x16e: {  	v39 =	vld [tilespmem:$0x1FBC0]  }
0x16f: {  	v60 =	vld [tilespmem:$0x1FCE0];
	[tilespmem:v7+s13+$0x0] =	vst.idx.msk $0xffff, v5  }
0x170: {  	s28 =	sadd.s32 $0x4, s28;
	v62 =	vld [tilespmem:$0x1FF30];
	[tilespmem:v31+s13+$0x0] =	vst.idx.msk $0xffff, v22  }
0x171: {  	s26 =	sadd.s32 $0x20, s26;
	s1 =	sshrl.u32 s28, $0x4;
	v5 =	vmov v15;
	[tilespmem:v43+s13+$0x0] =	vst.idx.msk $0xffff, v24;
	v30 =	vld.idx.msk [tilespmem:v30+s9+$0x0], $0xffff  }
0x172: {  	s2 =	sand.u32 $0x60, s26;
	s8 =	sshll.u32 s1, $0x7;
	[tilespmem:$0x1FBB0] =	vst v5;
	v44 =	vld.idx.msk [tilespmem:v44+s9+$0x0], $0xffff  }
0x173: {  	s30 =	sor.u32 $0x10, s2;
	s31 =	sor.u32 s2, s8;
	v22 =	vor.u32 s22, v58;
	v32 =	vmov v34;
	[tilespmem:v28+s13+$0x0] =	vst.idx.msk $0xffff, v18;
	v5 =	vor.u32 v34, v41;
	v34 =	vld [tilespmem:$0x1FBD0]  }
0x174: {  	s8 =	sor.u32 s8, s30;
	v31 =	vor.u32 s20, v58;
	v24 =	vmov s31;
	[tilespmem:v13+s13+$0x0] =	vst.idx.msk $0xffff, v11;
	v18 =	vld.idx.msk [tilespmem:v55+s9+$0x0], $0xffff  }
0x175: {  	v35 =	vmov s8;
	v15 =	vor.u32 v61, v42;
	v11 =	vshll.u32 v24, $0x5;
	[tilespmem:v54+s13+$0x0] =	vst.idx.msk $0xffff, v26;
	v20 =	vld.idx.msk [tilespmem:v20+s9+$0x0], $0xffff  }
0x176: {  	v28 =	vor.u32 s19, v33;
	v26 =	vld.idx.msk [tilespmem:v40+s9+$0x0], $0xffff;
	v13 =	vor.u32 v60, v11;
	v11 =	vor.u32 v19, v42  }
0x177: {  	v47 =	vor.u32 v19, v41;
	s19 =	smov.u32 s23;
	v24 =	vshll.u32 v35, $0x5;
	v55 =	vor.u32 s21, v58;
	v40 =	vld [tilespmem:$0x1FF10]  }
0x178: {  	v43 =	vor.u32 v39, v41;
	v57 =	vor.u32 s19, v58;
	v19 =	vmovc v58;
	v58 =	vor.u32 v39, v42;
	v39 =	vld [tilespmem:$0x1FF80]  }
0x179: {  	v35 =	vmov v9;
	v9 =	vor.u32 v60, v24;
	v60 =	vld [tilespmem:$0x1FFB0]  }
0x17a: {  	v59 =	vlaneseq.u32;
	v15 =	vld.idx.msk [tilespmem:v15+s9+$0x0], $0xffff;
	[tilespmem:v22+s13+$0x0] =	vst.idx.msk $0xffff, v44  }
0x17b: {  	v56 =	vor.u32 v59, v13;
	[tilespmem:v3+s13+$0x0] =	vst.idx.msk $0xffff, v18;
	v44 =	vld.idx.msk [tilespmem:v11+s9+$0x0], $0xffff  }
0x17c: {  	v3 =	vor.u32 v62, v13;
	[tilespmem:v55+s13+$0x0] =	vst.idx.msk $0xffff, v30;
	v30 =	vor.u32 v62, v9;
	v62 =	vld [tilespmem:$0x1FF40]  }
0x17d: {  	[tilespmem:v31+s13+$0x0] =	vst.idx.msk $0xffff, v20;
	v43 =	vld.idx.msk [tilespmem:v43+s9+$0x0], $0xffff  }
0x17e: {  	v18 =	vld.idx.msk [tilespmem:v48+s9+$0x0], $0xffff  }
0x17f: {  	v22 =	vor.u32 s21, v17;
	v24 =	vld.idx.msk [tilespmem:v47+s9+$0x0], $0xffff  }
0x180: {  	[tilespmem:v28+s13+$0x0] =	vst.idx.msk $0xffff, v26;
	v20 =	vor.u32 v59, v9;
	v26 =	vld.idx.msk [tilespmem:v56+s9+$0x0], $0xffff  }
0x181: {  	v28 =	vor.u32 v60, v41;
	v47 =	vor.u32 s20, v17;
	v56 =	vor.u32 v60, v42;
	v60 =	vld [tilespmem:$0x1FCF0]  }
0x182: {  	v7 =	vor.u32 v23, v41;
	v11 =	vor.u32 v23, v42;
	v23 =	vld [tilespmem:$0x1FD60]  }
0x183: {  	s1 =	sshll.u32 s1, $0xC;
	[tilespmem:v57+s13+$0x0] =	vst.idx.msk $0xffff, v15;
	v3 =	vld.idx.msk [tilespmem:v3+s9+$0x0], $0xffff  }
0x184: {  	s29 =	sor.u32 s2, s1;
	v55 =	vor.u32 s22, v17;
	v30 =	vld.idx.msk [tilespmem:v30+s9+$0x0], $0xffff;
	[tilespmem:v22+s13+$0x0] =	vst.idx.msk $0xffff, v43  }
0x185: {  	s2 =	sor.u32 $0x800, s29;
	v15 =	vor.u32 s29, v2;
	v20 =	vld.idx.msk [tilespmem:v20+s9+$0x0], $0xffff;
	v22 =	vor.u32 v62, v9;
	[tilespmem:v38+s13+$0x0] =	vst.idx.msk $0xffff, v18  }
0x186: {  	v59 =	vor.u32 s2, v2;
	v57 =	vor.u32 v60, v13;
	v18 =	vor.u32 v62, v13;
	v62 =	vld [tilespmem:$0x1FBF0];
	[tilespmem:v47+s13+$0x0] =	vst.idx.msk $0xffff, v24  }
0x187: {  	s30 =	sor.u32 s1, s30;
	v24 =	vld.idx.msk [tilespmem:v46+s9+$0x0], $0xffff  }
0x188: {  	v31 =	vor.u32 v40, v41;
	v38 =	vor.u32 s30, v2;
	v28 =	vld.idx.msk [tilespmem:v28+s9+$0x0], $0xffff  }
0x189: {  	[tilespmem:v55+s13+$0x0] =	vst.idx.msk $0xffff, v44;
	v46 =	vmov v31;
	v31 =	vor.u32 v60, v9;
	v60 =	vld [tilespmem:$0x1FBE0]  }
0x18a: {  	s23 =	sor.u32 $0x800, s30;
	[tilespmem:v15+s13+$0x0] =	vst.idx.msk $0xffff, v26;
	v26 =	vld.idx.msk [tilespmem:v56+s9+$0x0], $0xffff  }
0x18b: {  	v47 =	vor.u32 s23, v2;
	[tilespmem:v59+s13+$0x0] =	vst.idx.msk $0xffff, v3;
	v44 =	vld.idx.msk [tilespmem:v57+s9+$0x0], $0xffff  }
0x18c: {  	v15 =	vor.u32 s20, v21;
	v3 =	vor.u32 v62, v41;
	v18 =	vld.idx.msk [tilespmem:v18+s9+$0x0], $0xffff  }
0x18d: {  	[tilespmem:v38+s13+$0x0] =	vst.idx.msk $0xffff, v20;
	v20 =	vor.u32 v32, v42;
	v32 =	vld [tilespmem:$0x1FC00]  }
0x18e: {  	v56 =	vcombine.low v34, v60;
	v60 =	vld [tilespmem:$0x1FD00]  }
0x18f: {  	v1 =	vor.u32 v63, v41;
	v43 =	vor.u32 s22, v21;
	v31 =	vld.idx.msk [tilespmem:v31+s9+$0x0], $0xffff;
	[tilespmem:v37+s13+$0x0] =	vst.idx.msk $0xffff, v24  }
0x190: {  	v48 =	vor.u32 v23, v41;
	v59 =	vor.u32 s2, v4;
	[tilespmem:v47+s13+$0x0] =	vst.idx.msk $0xffff, v30;
	v30 =	vld.idx.msk [tilespmem:v45+s9+$0x0], $0xffff  }
0x191: {  	v24 =	vor.u32 v27, v13;
	[tilespmem:v15+s13+$0x0] =	vst.idx.msk $0xffff, v28;
	v28 =	vor.u32 s21, v21;
	v3 =	vld.idx.msk [tilespmem:v3+s9+$0x0], $0xffff  }
0x192: {  	v55 =	vor.u32 v39, v41;
	v57 =	vor.u32 s29, v4;
	v22 =	vld.idx.msk [tilespmem:v22+s9+$0x0], $0xffff;
	v41 =	vor.u32 v56, v41  }
0x193: {  	v37 =	vor.u32 s30, v4;
	v34 =	vld [tilespmem:$0x1FFD0];
	v38 =	vor.u32 v60, v13  }
0x194: {  	[tilespmem:v43+s13+$0x0] =	vst.idx.msk $0xffff, v26;
	v43 =	vor.u32 v39, v42;
	v39 =	vld [tilespmem:$0x1FF00];
	v47 =	vor.u32 v60, v9  }
0x195: {  	v26 =	vor.u32 s22, v25;
	v20 =	vld.idx.msk [tilespmem:v20+s9+$0x0], $0xffff;
	[tilespmem:v59+s13+$0x0] =	vst.idx.msk $0xffff, v18  }
0x196: {  	v24 =	vld.idx.msk [tilespmem:v24+s9+$0x0], $0xffff;
	[tilespmem:v28+s13+$0x0] =	vst.idx.msk $0xffff, v3  }
0x197: {  	[tilespmem:v57+s13+$0x0] =	vst.idx.msk $0xffff, v44;
	v60 =	vor.u32 s23, v4;
	v28 =	vld.idx.msk [tilespmem:v41+s9+$0x0], $0xffff  }
0x198: {  	[tilespmem:v37+s13+$0x0] =	vst.idx.msk $0xffff, v31;
	v38 =	vld.idx.msk [tilespmem:v38+s9+$0x0], $0xffff  }
0x199: {  	v15 =	vor.u32 v27, v9;
	v44 =	vld.idx.msk [tilespmem:v47+s9+$0x0], $0xffff  }
0x19a: {  	v37 =	vor.u32 s2, v6;
	[tilespmem:v26+s13+$0x0] =	vst.idx.msk $0xffff, v20;
	v26 =	vor.u32 v23, v42;
	v23 =	vld [tilespmem:$0x1FC20]  }
0x19b: {  	v18 =	vor.u32 s29, v6;
	[tilespmem:v0+s13+$0x0] =	vst.idx.msk $0xffff, v30;
	v20 =	vor.u32 v62, v42;
	v62 =	vld [tilespmem:$0x1FD30]  }
0x19c: {  	v59 =	vor.u32 v32, v9;
	v0 =	vor.u32 v32, v13;
	[tilespmem:v60+s13+$0x0] =	vst.idx.msk $0xffff, v22;
	v32 =	vld [tilespmem:$0x1FC40]  }
0x19d: {  	v22 =	vld.idx.msk [tilespmem:v58+s9+$0x0], $0xffff  }
0x19e: {  	v60 =	vor.u32 s21, v25;
	v15 =	vld.idx.msk [tilespmem:v15+s9+$0x0], $0xffff  }
0x19f: {  	v31 =	vor.u32 v34, v13;
	v30 =	vor.u32 s30, v6;
	[tilespmem:v37+s13+$0x0] =	vst.idx.msk $0xffff, v24;
	v58 =	vor.u32 v34, v9;
	v34 =	vld [tilespmem:$0x1FEF0]  }
0x1a0: {  	v57 =	vor.u32 s19, v17;
	[tilespmem:v18+s13+$0x0] =	vst.idx.msk $0xffff, v38;
	v18 =	vld.idx.msk [tilespmem:v43+s9+$0x0], $0xffff  }
0x1a1: {  	v3 =	vor.u32 s23, v6;
	v0 =	vld.idx.msk [tilespmem:v0+s9+$0x0], $0xffff  }
0x1a2: {  	v43 =	vor.u32 v56, v42;
	v56 =	vld [tilespmem:$0x1FFC0]  }
0x1a3: {  	v47 =	vor.u32 s22, v39;
	[tilespmem:v60+s13+$0x0] =	vst.idx.msk $0xffff, v28;
	v60 =	vld [tilespmem:$0x1FC30]  }
0x1a4: {  	[tilespmem:v30+s13+$0x0] =	vst.idx.msk $0xffff, v44;
	v30 =	vor.u32 s2, v8;
	v31 =	vld.idx.msk [tilespmem:v31+s9+$0x0], $0xffff  }
0x1a5: {  	v41 =	vmov v13;
	v24 =	vor.u32 s29, v8;
	v37 =	vld.idx.msk [tilespmem:v58+s9+$0x0], $0xffff;
	[tilespmem:v57+s13+$0x0] =	vst.idx.msk $0xffff, v22  }
0x1a6: {  	v38 =	vor.u32 s30, v8;
	v22 =	vor.u32 v23, v41;
	v58 =	vld.idx.msk [tilespmem:v49+s9+$0x0], $0xffff;
	[tilespmem:v3+s13+$0x0] =	vst.idx.msk $0xffff, v15  }
0x1a7: {  	v15 =	vld.idx.msk [tilespmem:v20+s9+$0x0], $0xffff;
	v20 =	vor.u32 s19, v21;
	v13 =	vor.u32 v56, v41  }
0x1a8: {  	v28 =	vor.u32 s23, v8;
	v44 =	vor.u32 v56, v9;
	v56 =	vld.idx.msk [tilespmem:v59+s9+$0x0], $0xffff;
	[tilespmem:v47+s13+$0x0] =	vst.idx.msk $0xffff, v18  }
0x1a9: {  	v57 =	vor.u32 v23, v9;
	v23 =	vld [tilespmem:$0x1FC50];
	[tilespmem:v30+s13+$0x0] =	vst.idx.msk $0xffff, v0  }
0x1aa: {  	v18 =	vor.u32 s21, v39;
	[tilespmem:v24+s13+$0x0] =	vst.idx.msk $0xffff, v31;
	v24 =	vld.idx.msk [tilespmem:v26+s9+$0x0], $0xffff  }
0x1ab: {  	v26 =	vor.u32 s22, v36;
	v22 =	vld.idx.msk [tilespmem:v22+s9+$0x0], $0xffff;
	[tilespmem:v38+s13+$0x0] =	vst.idx.msk $0xffff, v37  }
0x1ac: {  	v31 =	vor.u32 v40, v42;
	v37 =	vor.u32 s2, v10;
	[tilespmem:v20+s13+$0x0] =	vst.idx.msk $0xffff, v15;
	v13 =	vld.idx.msk [tilespmem:v13+s9+$0x0], $0xffff  }
0x1ad: {  	v15 =	vor.u32 v60, v41;
	v42 =	vld.idx.msk [tilespmem:v44+s9+$0x0], $0xffff;
	[tilespmem:v28+s13+$0x0] =	vst.idx.msk $0xffff, v56  }
0x1ae: {  	v0 =	vor.u32 s29, v10;
	v28 =	vld.idx.msk [tilespmem:v43+s9+$0x0], $0xffff  }
0x1af: {  	v20 =	vor.u32 s30, v10;
	[tilespmem:v18+s13+$0x0] =	vst.idx.msk $0xffff, v58;
	v56 =	vld.idx.msk [tilespmem:v57+s9+$0x0], $0xffff  }
0x1b0: {  	v30 =	vor.u32 v62, v41;
	v43 =	vor.u32 s19, v25;
	v57 =	vld.idx.msk [tilespmem:v51+s9+$0x0], $0xffff;
	[tilespmem:v26+s13+$0x0] =	vst.idx.msk $0xffff, v24  }
0x1b1: {  	v62 =	vor.u32 v62, v9;
	v58 =	vor.u32 s21, v36;
	[tilespmem:v37+s13+$0x0] =	vst.idx.msk $0xffff, v22;
	v24 =	vld.idx.msk [tilespmem:v31+s9+$0x0], $0xffff  }
0x1b2: {  	v18 =	vor.u32 s23, v10;
	v15 =	vld.idx.msk [tilespmem:v15+s9+$0x0], $0xffff  }
0x1b3: {  	v44 =	vor.u32 s22, v29;
	[tilespmem:v0+s13+$0x0] =	vst.idx.msk $0xffff, v13;
	v0 =	vor.u32 v60, v9;
	v60 =	vld [tilespmem:$0x1FFE0]  }
0x1b4: {  	v49 =	vor.u32 v23, v41;
	v13 =	vor.u32 v23, v9;
	[tilespmem:v20+s13+$0x0] =	vst.idx.msk $0xffff, v42;
	v23 =	vld [tilespmem:$0x1FC90]  }
0x1b5: {  	v47 =	vor.u32 s22, v33;
	s22 =	smov.u32 s30;
	v22 =	vor.u32 s29, v12;
	v26 =	vld.idx.msk [tilespmem:v30+s9+$0x0], $0xffff;
	[tilespmem:v43+s13+$0x0] =	vst.idx.msk $0xffff, v28  }
0x1b6: {  	v31 =	vld.idx.msk [tilespmem:v62+s9+$0x0], $0xffff;
	v62 =	vor.u32 s22, v12;
	[tilespmem:v58+s13+$0x0] =	vst.idx.msk $0xffff, v57  }
0x1b7: {  	v30 =	vor.u32 s2, v12;
	[tilespmem:v18+s13+$0x0] =	vst.idx.msk $0xffff, v56;
	v58 =	vld.idx.msk [tilespmem:v50+s9+$0x0], $0xffff  }
0x1b8: {  	v28 =	vor.u32 v32, v41;
	[tilespmem:v44+s13+$0x0] =	vst.idx.msk $0xffff, v24;
	v18 =	vld.idx.msk [tilespmem:v53+s9+$0x0], $0xffff  }
0x1b9: {  	v43 =	vor.u32 s19, v39;
	v11 =	vld.idx.msk [tilespmem:v11+s9+$0x0], $0xffff  }
0x1ba: {  	v20 =	vor.u32 v60, v41;
	v56 =	vld.idx.msk [tilespmem:v0+s9+$0x0], $0xffff;
	[tilespmem:v22+s13+$0x0] =	vst.idx.msk $0xffff, v26  }
0x1bb: {  	v3 =	vor.u32 s20, v39;
	v39 =	vor.u32 s23, v12;
	v53 =	vor.u32 v60, v9;
	[tilespmem:v62+s13+$0x0] =	vst.idx.msk $0xffff, v31;
	v62 =	vld [tilespmem:$0x1FFF0]  }
0x1bc: {  	v51 =	vor.u32 v23, v41;
	v26 =	vor.u32 v23, v9;
	[tilespmem:v30+s13+$0x0] =	vst.idx.msk $0xffff, v15;
	v23 =	vld [tilespmem:$0x1FC80]  }
0x1bd: {  	v24 =	vld.idx.msk [tilespmem:v28+s9+$0x0], $0xffff  }
0x1be: {  	v60 =	vor.u32 s21, v29;
	v22 =	vor.u32 v32, v9;
	[tilespmem:v43+s13+$0x0] =	vst.idx.msk $0xffff, v18;
	v18 =	vld [tilespmem:$0x1FCA0]  }
0x1bf: {  	v15 =	vor.u32 s29, v14;
	v20 =	vld.idx.msk [tilespmem:v20+s9+$0x0], $0xffff  }
0x1c0: {  	v42 =	vmov v9;
	v30 =	vld.idx.msk [tilespmem:v53+s9+$0x0], $0xffff;
	[tilespmem:v39+s13+$0x0] =	vst.idx.msk $0xffff, v56;
	v9 =	vor.u32 v62, v41  }
0x1c1: {  	v28 =	vor.u32 s2, v14;
	[tilespmem:v47+s13+$0x0] =	vst.idx.msk $0xffff, v11;
	v11 =	vld [tilespmem:$0x1FBB0]  }
0x1c2: {  	v43 =	vor.u32 s22, v14;
	v44 =	vld.idx.msk [tilespmem:v52+s9+$0x0], $0xffff  }
0x1c3: {  	[tilespmem:v60+s13+$0x0] =	vst.idx.msk $0xffff, v58;
	v31 =	vor.u32 v23, v41;
	v52 =	vor.u32 s19, v36;
	v57 =	vld.idx.msk [tilespmem:v22+s9+$0x0], $0xffff  }
0x1c4: {  	v40 =	vmov v35;
	v39 =	vor.u32 s23, v14;
	v35 =	vor.u32 v62, v42;
	v1 =	vld.idx.msk [tilespmem:v1+s9+$0x0], $0xffff;
	[tilespmem:v15+s13+$0x0] =	vst.idx.msk $0xffff, v20  }
0x1c5: {  	v60 =	vor.u32 s21, v33;
	v50 =	vor.u32 v18, v41;
	v15 =	vor.u32 v18, v42;
	v18 =	vld.idx.msk [tilespmem:v9+s9+$0x0], $0xffff  }
0x1c6: {  	p1 =	slt.u32 s28, $0x3C;
	v62 =	vor.u32 v23, v42;
	[tilespmem:v28+s13+$0x0] =	vst.idx.msk $0xffff, v24;
	v9 =	vld [tilespmem:$0x1FF20]  }
.Ltmp2:
0x1c7: {  	v54 =	vor.u32 s23, v16;
	v45 =	vmov v7;
	v7 =	vor.u32 s20, v25;
	[tilespmem:v43+s13+$0x0] =	vst.idx.msk $0xffff, v30;
	v5 =	vld.idx.msk [tilespmem:v5+s9+$0x0], $0xffff;
	(pc) =	sbr.rel @p1 .LBB2_3-.Ltmp2, $4  }
0x1c8: {  	v38 =	vor.u32 s20, v36;
	v37 =	vor.u32 s20, v29;
	v0 =	vor.u32 s20, v33;
	s20 =	smov.u32 s29;
	v53 =	vmovc v13;
	v22 =	vld.idx.msk [tilespmem:v31+s9+$0x0], $0xffff;
	[tilespmem:v52+s13+$0x0] =	vst.idx.msk $0xffff, v44  }
0x1c9: {  	s21 =	smov.u32 s2;
	v13 =	vor.u32 s19, v29;
	v28 =	vor.u32 s20, v16;
	v30 =	vor.u32 v61, v41;
	v24 =	vld.idx.msk [tilespmem:v35+s9+$0x0], $0xffff;
	[tilespmem:v39+s13+$0x0] =	vst.idx.msk $0xffff, v57  }
0x1ca: {  	v58 =	vmovc v19;
	v43 =	vor.u32 s22, v16;
	v31 =	vor.u32 s21, v16;
	v52 =	vmov v26;
	[tilespmem:v60+s13+$0x0] =	vst.idx.msk $0xffff, v1;
	v11 =	vld.idx.msk [tilespmem:v11+s9+$0x0], $0xffff  }
0x1cb: {  	v26 =	vld.idx.msk [tilespmem:v62+s9+$0x0], $0xffff;
	v20 =	vor.u32 v9, v41;
	v44 =	vor.u32 v9, v42;
	v9 =	vor.u32 v63, v42  }
0x1cc: {  	v63 =	vld [tilespmem:$0x1FC40]  }
0x1cd: {  	v62 =	vld [tilespmem:$0x1FC20]  }
0x1ce: {  	v61 =	vld [tilespmem:$0x1FC00]  }
0x1cf: {  	v60 =	vld [tilespmem:$0x1FC50]  }
0x1d0: {  	v27 =	vld [tilespmem:$0x1FCA0]  }
0x1d1: {  	v23 =	vld [tilespmem:$0x1FFF0]  }
0x1d2: {  	v47 =	vld [tilespmem:$0x1FFE0]  }
0x1d3: {  	v56 =	vld [tilespmem:$0x1FFC0]  }
0x1d4: {  	v16 =	vmov v4;
	v4 =	vld [tilespmem:$0x1FCB0]  }
0x1d5: {  	v32 =	vld [tilespmem:$0x1FFD0];
	[tilespmem:v31+s13+$0x0] =	vst.idx.msk $0xffff, v22  }
0x1d6: {  	[tilespmem:v43+s13+$0x0] =	vst.idx.msk $0xffff, v24  }
0x1d7: {  	[tilespmem:v54+s13+$0x0] =	vst.idx.msk $0xffff, v26  }
0x1d8: {  	v59 =	vld [tilespmem:$0x1FD50];
	[tilespmem:v28+s13+$0x0] =	vst.idx.msk $0xffff, v18  }
0x1d9: {  	v12 =	vmov v6;
	v1 =	vor.u32 v4, v42;
	v6 =	vld [tilespmem:$0x1FBC0];
	_ =	sdelay $0x2  }
0x1da: {  	v22 =	vor.u32 s22, v58;
	v24 =	vld.idx.msk [tilespmem:v44+s9+$0x0], $0xffff  }
0x1db: {  	v31 =	vor.u32 s21, v58;
	v30 =	vld.idx.msk [tilespmem:v30+s9+$0x0], $0xffff;
	v26 =	vor.u32 v59, v42  }
0x1dc: {  	v28 =	vor.u32 s23, v58;
	v1 =	vld.idx.msk [tilespmem:v1+s9+$0x0], $0xffff;
	v18 =	vor.u32 v6, v41;
	_ =	sdelay $0x1  }
0x1dd: {  	v10 =	vor.u32 s20, v58;
	v20 =	vld.idx.msk [tilespmem:v20+s9+$0x0], $0xffff;
	v35 =	vor.u32 v6, v42  }
0x1de: {  	[tilespmem:v22+s13+$0x0] =	vst.idx.msk $0xffff, v24  }
0x1df: {  	[tilespmem:v31+s13+$0x0] =	vst.idx.msk $0xffff, v30;
	v39 =	vor.u32 v59, v41;
	v22 =	vld.idx.msk [tilespmem:v26+s9+$0x0], $0xffff  }
0x1e0: {  	[tilespmem:v28+s13+$0x0] =	vst.idx.msk $0xffff, v1;
	v18 =	vld.idx.msk [tilespmem:v18+s9+$0x0], $0xffff  }
0x1e1: {  	v24 =	vor.u32 s22, v17;
	v59 =	vld [tilespmem:$0x1FFB0]  }
0x1e2: {  	v26 =	vor.u32 s21, v17;
	[tilespmem:v10+s13+$0x0] =	vst.idx.msk $0xffff, v20;
	v28 =	vld.idx.msk [tilespmem:v35+s9+$0x0], $0xffff  }
0x1e3: {  	v14 =	vmov v8;
	v30 =	vor.u32 s23, v17;
	v8 =	vld [tilespmem:$0x1FBF0]  }
0x1e4: {  	v10 =	vor.u32 s20, v17;
	v31 =	vld.idx.msk [tilespmem:v39+s9+$0x0], $0xffff;
	_ =	sdelay $0x1  }
0x1e5: {  	[tilespmem:v24+s13+$0x0] =	vst.idx.msk $0xffff, v22  }
0x1e6: {  	v54 =	vor.u32 v59, v42;
	[tilespmem:v26+s13+$0x0] =	vst.idx.msk $0xffff, v18  }
0x1e7: {  	[tilespmem:v30+s13+$0x0] =	vst.idx.msk $0xffff, v28;
	v20 =	vor.u32 v8, v41  }
0x1e8: {  	[tilespmem:v10+s13+$0x0] =	vst.idx.msk $0xffff, v31  }
0x1e9: {  	v57 =	vmov v2;
	v2 =	vld [tilespmem:$0x1FC10]  }
0x1ea: {  	v35 =	vor.u32 v8, v42  }
0x1eb: {  	v39 =	vor.u32 v59, v41;
	v18 =	vor.u32 s22, v21;
	v1 =	vld.idx.msk [tilespmem:v54+s9+$0x0], $0xffff  }
0x1ec: {  	v22 =	vor.u32 v34, v42;
	v24 =	vor.u32 s21, v21;
	v20 =	vld.idx.msk [tilespmem:v20+s9+$0x0], $0xffff;
	_ =	sdelay $0x1  }
0x1ed: {  	v26 =	vor.u32 v2, v41  }
0x1ee: {  	v30 =	vor.u32 s23, v21;
	v28 =	vld.idx.msk [tilespmem:v35+s9+$0x0], $0xffff  }
0x1ef: {  	v10 =	vor.u32 s20, v21;
	v31 =	vld.idx.msk [tilespmem:v39+s9+$0x0], $0xffff;
	[tilespmem:v18+s13+$0x0] =	vst.idx.msk $0xffff, v1  }
0x1f0: {  	v18 =	vld.idx.msk [tilespmem:v22+s9+$0x0], $0xffff;
	[tilespmem:v24+s13+$0x0] =	vst.idx.msk $0xffff, v20  }
0x1f1: {  	v39 =	vor.u32 s22, v25;
	v35 =	vld [tilespmem:$0x1FF80]  }
0x1f2: {  	v24 =	vor.u32 s21, v25;
	v22 =	vld.idx.msk [tilespmem:v26+s9+$0x0], $0xffff  }
0x1f3: {  	[tilespmem:v30+s13+$0x0] =	vst.idx.msk $0xffff, v28  }
0x1f4: {  	v43 =	vor.u32 v2, v42;
	[tilespmem:v10+s13+$0x0] =	vst.idx.msk $0xffff, v31  }
0x1f5: {  	[tilespmem:v7+s13+$0x0] =	vst.idx.msk $0xffff, v5  }
0x1f6: {  	v54 =	vor.u32 v34, v41;
	[tilespmem:v39+s13+$0x0] =	vst.idx.msk $0xffff, v18  }
0x1f7: {  	v20 =	vor.u32 v35, v42;
	v39 =	vld [tilespmem:$0x1FF00];
	[tilespmem:v24+s13+$0x0] =	vst.idx.msk $0xffff, v22  }
0x1f8: {  	v2 =	vld [tilespmem:$0x1FD60]  }
0x1f9: {  	v28 =	vor.u32 s23, v25;
	v26 =	vld.idx.msk [tilespmem:v43+s9+$0x0], $0xffff  }
0x1fa: {  	v7 =	vld.idx.msk [tilespmem:v55+s9+$0x0], $0xffff  }
0x1fb: {  	v30 =	vor.u32 s20, v25;
	v31 =	vld.idx.msk [tilespmem:v54+s9+$0x0], $0xffff  }
0x1fc: {  	v54 =	vor.u32 v35, v41;
	v10 =	vor.u32 s22, v39;
	v18 =	vld.idx.msk [tilespmem:v20+s9+$0x0], $0xffff  }
0x1fd: {  	v22 =	vld.idx.msk [tilespmem:v49+s9+$0x0], $0xffff;
	v24 =	vor.u32 s21, v39;
	v20 =	vor.u32 v2, v42  }
0x1fe: {  	[tilespmem:v28+s13+$0x0] =	vst.idx.msk $0xffff, v26  }
0x1ff: {  	[tilespmem:v3+s13+$0x0] =	vst.idx.msk $0xffff, v7;
	v26 =	vld.idx.msk [tilespmem:v53+s9+$0x0], $0xffff  }
0x200: {  	[tilespmem:v30+s13+$0x0] =	vst.idx.msk $0xffff, v31;
	v7 =	vld.idx.msk [tilespmem:v48+s9+$0x0], $0xffff;
	v28 =	vor.u32 s23, v39  }
0x201: {  	v30 =	vor.u32 s20, v39;
	v5 =	vld.idx.msk [tilespmem:v54+s9+$0x0], $0xffff;
	[tilespmem:v10+s13+$0x0] =	vst.idx.msk $0xffff, v18  }
0x202: {  	[tilespmem:v24+s13+$0x0] =	vst.idx.msk $0xffff, v22;
	v1 =	vld.idx.msk [tilespmem:v20+s9+$0x0], $0xffff  }
0x203: {  	v18 =	vor.u32 s22, v36;
	v10 =	vld [tilespmem:$0x1FF10]  }
0x204: {  	v43 =	vor.u32 v2, v41;
	v24 =	vor.u32 s21, v36;
	v22 =	vld.idx.msk [tilespmem:v51+s9+$0x0], $0xffff  }
0x205: {  	[tilespmem:v28+s13+$0x0] =	vst.idx.msk $0xffff, v26  }
0x206: {  	v28 =	vor.u32 s23, v36;
	[tilespmem:v30+s13+$0x0] =	vst.idx.msk $0xffff, v5;
	v26 =	vld.idx.msk [tilespmem:v52+s9+$0x0], $0xffff  }
0x207: {  	[tilespmem:v38+s13+$0x0] =	vst.idx.msk $0xffff, v7  }
0x208: {  	[tilespmem:v18+s13+$0x0] =	vst.idx.msk $0xffff, v1  }
0x209: {  	v44 =	vor.u32 s20, v36;
	v3 =	vld.idx.msk [tilespmem:v43+s9+$0x0], $0xffff;
	v20 =	vor.u32 v10, v42;
	[tilespmem:v24+s13+$0x0] =	vst.idx.msk $0xffff, v22  }
0x20a: {  	v30 =	vor.u32 v10, v41;
	v31 =	vld [tilespmem:$0x1FED0]  }
0x20b: {  	v7 =	vld.idx.msk [tilespmem:v46+s9+$0x0], $0xffff;
	[tilespmem:v28+s13+$0x0] =	vst.idx.msk $0xffff, v26  }
0x20c: {  	v49 =	vld [tilespmem:$0x1FCD0]  }
0x20d: {  	v28 =	vor.u32 s23, v29;
	v15 =	vld.idx.msk [tilespmem:v15+s9+$0x0], $0xffff  }
0x20e: {  	v46 =	vor.u32 s22, v29;
	[tilespmem:v44+s13+$0x0] =	vst.idx.msk $0xffff, v3;
	v18 =	vld.idx.msk [tilespmem:v20+s9+$0x0], $0xffff  }
0x20f: {  	v52 =	vor.u32 s20, v29;
	[tilespmem:v13+s13+$0x0] =	vst.idx.msk $0xffff, v11;
	v5 =	vld.idx.msk [tilespmem:v30+s9+$0x0], $0xffff;
	v20 =	vor.u32 v31, v42  }
0x210: {  	v24 =	vor.u32 s21, v29;
	v22 =	vld.idx.msk [tilespmem:v50+s9+$0x0], $0xffff;
	[tilespmem:v37+s13+$0x0] =	vst.idx.msk $0xffff, v7;
	v13 =	vor.u32 v31, v41  }
0x211: {  	v7 =	vld.idx.msk [tilespmem:v45+s9+$0x0], $0xffff;
	v26 =	vor.u32 v49, v41  }
0x212: {  	v53 =	vor.u32 s19, v33;
	v30 =	vld.idx.msk [tilespmem:v40+s9+$0x0], $0xffff;
	[tilespmem:v28+s13+$0x0] =	vst.idx.msk $0xffff, v15  }
0x213: {  	v15 =	vor.u32 s23, v33;
	v9 =	vld.idx.msk [tilespmem:v9+s9+$0x0], $0xffff;
	[tilespmem:v46+s13+$0x0] =	vst.idx.msk $0xffff, v18  }
0x214: {  	v54 =	vor.u32 s22, v33;
	[tilespmem:v52+s13+$0x0] =	vst.idx.msk $0xffff, v5;
	v18 =	vld.idx.msk [tilespmem:v20+s9+$0x0], $0xffff  }
0x215: {  	v55 =	vor.u32 s20, v33;
	[tilespmem:v24+s13+$0x0] =	vst.idx.msk $0xffff, v22;
	v5 =	vld.idx.msk [tilespmem:v13+s9+$0x0], $0xffff  }
0x216: {  	v22 =	vor.u32 s21, v33;
	[tilespmem:v0+s13+$0x0] =	vst.idx.msk $0xffff, v7;
	v20 =	vld.idx.msk [tilespmem:v26+s9+$0x0], $0xffff  }
0x217: {  	s19 =	sadd.s32 s0, s18;
	[tilespmem:v53+s13+$0x0] =	vst.idx.msk $0xffff, v30  }
0x218: {  	s1 =	sshll.u32 s19, $0xB;
	s2 =	sshll.u32 s19, $0x6;
	[tilespmem:v15+s13+$0x0] =	vst.idx.msk $0xffff, v9  }
0x219: {  	s1 =	sand.u32 $0xFF80000, s1;
	s2 =	sand.u32 $0x3F80, s2;
	[tilespmem:v54+s13+$0x0] =	vst.idx.msk $0xffff, v18  }
0x21a: {  	s1 =	sor.u32 s2, s1;
	[tilespmem:v55+s13+$0x0] =	vst.idx.msk $0xffff, v5  }
0x21b: {  	s2 =	sadd.s32 s3, s1;
	[tilespmem:v22+s13+$0x0] =	vst.idx.msk $0xffff, v20  }
0x21c: {  	[hbm4b:s2+s4] =	stream.linear.scatter [tilespmem:s13], [sflag:$0x5], $0x400, $0x38;
	[tilespmem:$0x10400] =	vst v63  }
0x21d: {  	s26 =	rddreg [dreg:$0x6]  }
0x21e: {  	s6 =	simm.s32 $0x8800;
	s28 =	rddreg [dreg:$0x7];
	s2 =	sadd.s32 s1, s26  }
0x21f: {  	[hbm4b:s2+s4] =	stream.linear.scatter [tilespmem:s6], [sflag:$0x5], $0x400, $0x38;
	[tilespmem:$0x10400] =	vst v63  }
0x220: {  	s29 =	simm.s32 $0x8C00;
	s30 =	rddreg [dreg:$0x8];
	s2 =	sadd.s32 s1, s28  }
0x221: {  	[hbm4b:s2+s4] =	stream.linear.scatter [tilespmem:s29], [sflag:$0x5], $0x400, $0x38;
	[tilespmem:$0x10400] =	vst v63  }
0x222: {  	s31 =	simm.s32 $0x9000;
	s8 =	rddreg [dreg:$0x9];
	s2 =	sadd.s32 s1, s30  }
0x223: {  	[hbm4b:s2+s4] =	stream.linear.scatter [tilespmem:s31], [sflag:$0x5], $0x400, $0x38;
	[tilespmem:$0x10400] =	vst v63  }
0x224: {  	s20 =	simm.s32 $0x9400;
	s21 =	rddreg [dreg:$0xa];
	s2 =	sadd.s32 s1, s8  }
0x225: {  	[hbm4b:s2+s4] =	stream.linear.scatter [tilespmem:s20], [sflag:$0x5], $0x400, $0x38;
	[tilespmem:$0x10400] =	vst v63  }
0x226: {  	s22 =	simm.s32 $0x9800;
	s23 =	rddreg [dreg:$0xb];
	s2 =	sadd.s32 s1, s21  }
0x227: {  	[hbm4b:s2+s4] =	stream.linear.scatter [tilespmem:s22], [sflag:$0x5], $0x400, $0x38;
	[tilespmem:$0x10400] =	vst v63  }
0x228: {  	s24 =	simm.s32 $0x9C00;
	s25 =	rddreg [dreg:$0xc];
	s2 =	sadd.s32 s1, s23  }
0x229: {  	[hbm4b:s2+s4] =	stream.linear.scatter [tilespmem:s24], [sflag:$0x5], $0x400, $0x38;
	[tilespmem:$0x10400] =	vst v63  }
0x22a: {  	s26 =	simm.s32 $0xA000;
	s28 =	rddreg [dreg:$0xd];
	s2 =	sadd.s32 s1, s25  }
0x22b: {  	[hbm4b:s2+s4] =	stream.linear.scatter [tilespmem:s26], [sflag:$0x5], $0x400, $0x38;
	[tilespmem:$0x10400] =	vst v63  }
0x22c: {  	s29 =	simm.s32 $0xA400;
	s30 =	rddreg [dreg:$0xe];
	s2 =	sadd.s32 s1, s28  }
0x22d: {  	[hbm4b:s2+s4] =	stream.linear.scatter [tilespmem:s29], [sflag:$0x5], $0x400, $0x38;
	[tilespmem:$0x10400] =	vst v63  }
0x22e: {  	s31 =	simm.s32 $0xA800;
	s8 =	rddreg [dreg:$0xf];
	s2 =	sadd.s32 s1, s30  }
0x22f: {  	[hbm4b:s2+s4] =	stream.linear.scatter [tilespmem:s31], [sflag:$0x5], $0x400, $0x38;
	[tilespmem:$0x10400] =	vst v63  }
0x230: {  	s20 =	simm.s32 $0xAC00;
	s21 =	rddreg [dreg:$0x10];
	s2 =	sadd.s32 s1, s8  }
0x231: {  	[hbm4b:s2+s4] =	stream.linear.scatter [tilespmem:s20], [sflag:$0x5], $0x400, $0x38;
	[tilespmem:$0x10400] =	vst v63  }
0x232: {  	s22 =	simm.s32 $0xB000;
	s23 =	rddreg [dreg:$0x11];
	s2 =	sadd.s32 s1, s21  }
0x233: {  	[hbm4b:s2+s4] =	stream.linear.scatter [tilespmem:s22], [sflag:$0x5], $0x400, $0x38;
	[tilespmem:$0x10400] =	vst v63  }
0x234: {  	s24 =	simm.s32 $0xB400;
	s25 =	rddreg [dreg:$0x12];
	s2 =	sadd.s32 s1, s23  }
0x235: {  	[hbm4b:s2+s4] =	stream.linear.scatter [tilespmem:s24], [sflag:$0x5], $0x400, $0x38;
	[tilespmem:$0x10400] =	vst v63  }
0x236: {  	p1 =	sne.s32 s17, $0x63;
	s26 =	simm.s32 $0xB800;
	s2 =	sadd.s32 s1, s25  }
0x237: {  	[hbm4b:s2+s4] =	stream.linear.scatter [tilespmem:s26], [sflag:$0x5], $0x400, $0x38;
	[tilespmem:$0x10400] =	vst v63  }
.Ltmp3:
0x238: {  	s28 =	rddreg [dreg:$0x13];
	(pc) =	sbr.rel @p1 .LBB2_6-.Ltmp3, $4  }
0x239: {  	s29 =	simm.s32 $0xBC00;
	s30 =	rddreg [dreg:$0x14];
	s2 =	sadd.s32 s1, s28  }
0x23a: {  	[hbm4b:s2+s4] =	stream.linear.scatter [tilespmem:s29], [sflag:$0x5], $0x400, $0x38;
	[tilespmem:$0x10400] =	vst v63  }
0x23b: {  	v48 =	vmov v2;
	v43 =	vmov v17;
	v44 =	vmov v21;
	s31 =	simm.s32 $0xC000;
	s1 =	sadd.s32 s1, s30  }
0x23c: {  	v31 =	vmovc v8;
	v28 =	vmovc v6;
	v55 =	vmov v35;
	v35 =	vmov v39;
	v22 =	vmov v4;
	[hbm4b:s1+s4] =	stream.linear.scatter [tilespmem:s31], [sflag:$0x5], $0x400, $0x38;
	[tilespmem:$0x10400] =	vst v63  }
0x23d: {  	_ =	swait.ge [sflag:s14], $0x4000  }
0x23e: {  	v10 =	vld [tilespmem:$0x1FD20]  }
0x23f: {  	v6 =	vld [tilespmem:$0x1FF70]  }
.Ltmp4:
0x240: {  	v46 =	vmov v16;
	v16 =	vld [tilespmem:$0x1FD40];
	(pc) =	sbr.rel .LBB2_7-.Ltmp4, $4  }
0x241: {  	v36 =	vld [tilespmem:$0x1FF60]  }
0x242: {  	v52 =	vld [tilespmem:$0x1FF20]  }
0x243: {  	[sflag:s14] =	ssyncset.done $0x0;
	v29 =	vld [tilespmem:$0x1FF50]  }
0x244: {  	v33 =	vmovc v32;
	v17 =	vmovc v57;
	v2 =	vmov v12;
	v4 =	vmov v14;
	v21 =	vmov v27;
	v53 =	vld [tilespmem:$0x1FC90];
	[sflag:s14] =	ssyncadd.s32 $0xFFFFC000  }
.LBB2_6:
0x245: {  	s1 =	rddreg [dreg:$0x15]  }
0x246: {  	s1 =	sadd.s32 s18, s1  }
0x247: {  	s1 =	sshll.u32 s1, $0x6  }
0x248: {  	s2 =	rddreg [dreg:$0x0];
	s1 =	sand.u32 $0x1FFFFF80, s1  }
0x249: {  	s31 =	simm.s32 $0x1;
	s1 =	sadd.s32 s2, s1  }
0x24a: {  	[tilespmem:s4], [sflag:$0x1] =	stream.linear.gather [hbm4b:s1+s4], $0x200, $0x38;
	[tilespmem:$0x10400] =	vst v63  }
0x24b: {  	_ =	swait.ge [sflag:s31], $0x200  }
0x24c: {  	[sflag:s31] =	ssyncset.done $0x0  }
0x24d: {  	[sflag:s31] =	ssyncadd.s32 $0xFFFFFE00  }
0x24e: {  	[tilespmem:s9], [sflag:$0x3] =	stream.indirect.gather [hbm4b:s5+s7], $0x20, s4, s7, $0xb8;
	[tilespmem:$0x10400] =	vst v63  }
0x24f: {  	_ =	swait.ge [sflag:s14], $0x4000  }
0x250: {  	v10 =	vld [tilespmem:$0x1FD20]  }
0x251: {  	v6 =	vld [tilespmem:$0x1FF70]  }
.Ltmp5:
0x252: {  	v46 =	vmov v16;
	v16 =	vld [tilespmem:$0x1FD40];
	(pc) =	sbr.rel @p0 .LBB2_8-.Ltmp5, $4  }
0x253: {  	v36 =	vld [tilespmem:$0x1FF60]  }
0x254: {  	v52 =	vld [tilespmem:$0x1FF20]  }
0x255: {  	[sflag:s14] =	ssyncset.done $0x0;
	v29 =	vld [tilespmem:$0x1FF50]  }
0x256: {  	v33 =	vmovc v32;
	v17 =	vmovc v57;
	v2 =	vmov v12;
	v4 =	vmov v14;
	v21 =	vmov v27;
	v53 =	vld [tilespmem:$0x1FC90];
	[sflag:s14] =	ssyncadd.s32 $0xFFFFC000  }
.LBB2_7:
0x257: {  	_ =	swait.ge [sflag:s15], $0x4000  }
0x258: {  	[sflag:s15] =	ssyncset.done $0x0  }
0x259: {  	[sflag:s15] =	ssyncadd.s32 $0xFFFFC000  }
.LBB2_8:
0x25a: {  	s1 =	simm.s32 $0x0;
	v12 =	vld [tilespmem:$0x1FCE0]  }
0x25b: {  	s2 =	simm.s32 $0x0;
	s1 =	sand.u32 $0x60, s1  }
0x25c: {  	v30 =	vld [tilespmem:$0x1FF30];
	s8 =	sor.u32 s1, s2;
	s20 =	sor.u32 $0x10, s1  }
0x25d: {  	v0 =	vmov s8;
	s2 =	sor.u32 s2, s20  }
0x25e: {  	v0 =	vshll.u32 v0, $0x5;
	v1 =	vmov s2  }
0x25f: {  	v8 =	vlaneseq.u32;
	v39 =	vor.u32 v12, v0;
	v0 =	vshll.u32 v1, $0x5  }
0x260: {  	v1 =	vor.u32 v8, v39;
	v38 =	vor.u32 v12, v0  }
0x261: {  	v0 =	vor.u32 v30, v38;
	_ =	sdelay $0x1  }
0x262: {  	s26 =	simm.s32 $0x0;
	v14 =	vld [tilespmem:$0x1FCF0]  }
0x263: {  	v37 =	vld [tilespmem:$0x1FF40];
	s22 =	sor.u32 s1, s26;
	s20 =	sor.u32 s26, s20  }
0x264: {  	v5 =	vor.u32 s22, v17;
	s23 =	sor.u32 $0x800, s20;
	v1 =	vld.idx.msk [tilespmem:v1+s11+$0x0], $0xffff  }
0x265: {  	v9 =	vor.u32 s23, v17;
	v3 =	vor.u32 v30, v39;
	v0 =	vld.idx.msk [tilespmem:v0+s11+$0x0], $0xffff;
	_ =	sdelay $0x3  }
0x266: {  	s21 =	sor.u32 $0x800, s22;
	v11 =	vor.u32 v37, v38;
	[tilespmem:v5+s16+$0x0] =	vst.idx.msk $0xffff, v1  }
0x267: {  	v13 =	vor.u32 s21, v17;
	v7 =	vor.u32 v14, v39;
	v3 =	vld.idx.msk [tilespmem:v3+s11+$0x0], $0xffff;
	[tilespmem:v9+s16+$0x0] =	vst.idx.msk $0xffff, v0  }
0x268: {  	v15 =	vor.u32 v37, v39;
	v27 =	vld [tilespmem:$0x1FD00];
	_ =	sdelay $0x1  }
0x269: {  	v1 =	vor.u32 v8, v38  }
0x26a: {  	v9 =	vld.idx.msk [tilespmem:v11+s11+$0x0], $0xffff;
	v11 =	vor.u32 s23, v46  }
0x26b: {  	v5 =	vld.idx.msk [tilespmem:v7+s11+$0x0], $0xffff;
	v7 =	vor.u32 s22, v46;
	[tilespmem:v13+s16+$0x0] =	vst.idx.msk $0xffff, v3;
	v3 =	vor.u32 v29, v38  }
0x26c: {  	v13 =	vld.idx.msk [tilespmem:v15+s11+$0x0], $0xffff;
	v15 =	vor.u32 s21, v46;
	v0 =	vor.u32 v27, v39  }
0x26d: {  	v18 =	vor.u32 v29, v39  }
0x26e: {  	v20 =	vor.u32 s20, v17;
	v1 =	vld.idx.msk [tilespmem:v1+s11+$0x0], $0xffff  }
0x26f: {  	[tilespmem:v11+s16+$0x0] =	vst.idx.msk $0xffff, v9  }
0x270: {  	[tilespmem:v7+s16+$0x0] =	vst.idx.msk $0xffff, v5;
	v5 =	vor.u32 v14, v38;
	v11 =	vor.u32 s23, v2;
	v3 =	vld.idx.msk [tilespmem:v3+s11+$0x0], $0xffff  }
0x271: {  	v7 =	vor.u32 s22, v2;
	[tilespmem:v15+s16+$0x0] =	vst.idx.msk $0xffff, v13;
	v13 =	vor.u32 v61, v38;
	v0 =	vld.idx.msk [tilespmem:v0+s11+$0x0], $0xffff  }
0x272: {  	v9 =	vor.u32 v33, v39;
	v15 =	vld.idx.msk [tilespmem:v18+s11+$0x0], $0xffff;
	v18 =	vor.u32 s21, v2  }
0x273: {  	[tilespmem:v20+s16+$0x0] =	vst.idx.msk $0xffff, v1;
	v1 =	vor.u32 v61, v39;
	_ =	sdelay $0x1  }
0x274: {  	v20 =	vor.u32 s20, v46;
	v5 =	vld.idx.msk [tilespmem:v5+s11+$0x0], $0xffff;
	[tilespmem:v11+s16+$0x0] =	vst.idx.msk $0xffff, v3  }
0x275: {  	v11 =	vld.idx.msk [tilespmem:v13+s11+$0x0], $0xffff;
	v13 =	vor.u32 s23, v4;
	[tilespmem:v7+s16+$0x0] =	vst.idx.msk $0xffff, v0  }
0x276: {  	[tilespmem:v18+s16+$0x0] =	vst.idx.msk $0xffff, v15;
	v7 =	vld.idx.msk [tilespmem:v9+s11+$0x0], $0xffff;
	v9 =	vor.u32 s22, v4  }
0x277: {  	v18 =	vor.u32 s21, v4;
	v1 =	vld.idx.msk [tilespmem:v1+s11+$0x0], $0xffff;
	_ =	sdelay $0x1  }
0x278: {  	[tilespmem:v20+s16+$0x0] =	vst.idx.msk $0xffff, v5;
	v0 =	vor.u32 v27, v38  }
0x279: {  	[tilespmem:v13+s16+$0x0] =	vst.idx.msk $0xffff, v11  }
0x27a: {  	v3 =	vor.u32 v56, v39;
	[tilespmem:v9+s16+$0x0] =	vst.idx.msk $0xffff, v7  }
0x27b: {  	v15 =	vor.u32 v62, v38;
	v32 =	vld [tilespmem:$0x1FD30];
	[tilespmem:v18+s16+$0x0] =	vst.idx.msk $0xffff, v1  }
0x27c: {  	v5 =	vor.u32 v62, v39;
	v51 =	vld [tilespmem:$0x1FC30]  }
0x27d: {  	v20 =	vor.u32 s20, v2;
	v0 =	vld.idx.msk [tilespmem:v0+s11+$0x0], $0xffff;
	_ =	sdelay $0x1  }
0x27e: {  	v7 =	vor.u32 v33, v38;
	v9 =	vor.u32 s22, v10;
	v3 =	vld.idx.msk [tilespmem:v3+s11+$0x0], $0xffff  }
0x27f: {  	v13 =	vld.idx.msk [tilespmem:v15+s11+$0x0], $0xffff;
	v15 =	vor.u32 s23, v10;
	v11 =	vor.u32 v32, v39  }
0x280: {  	v18 =	vor.u32 s21, v10;
	v5 =	vld.idx.msk [tilespmem:v5+s11+$0x0], $0xffff;
	v1 =	vor.u32 v51, v38  }
0x281: {  	[tilespmem:v20+s16+$0x0] =	vst.idx.msk $0xffff, v0;
	v0 =	vor.u32 v51, v39;
	_ =	sdelay $0x1  }
0x282: {  	v20 =	vor.u32 s20, v4;
	v7 =	vld.idx.msk [tilespmem:v7+s11+$0x0], $0xffff;
	[tilespmem:v9+s16+$0x0] =	vst.idx.msk $0xffff, v3  }
0x283: {  	[tilespmem:v15+s16+$0x0] =	vst.idx.msk $0xffff, v13;
	v9 =	vld.idx.msk [tilespmem:v11+s11+$0x0], $0xffff;
	v11 =	vor.u32 s22, v6  }
0x284: {  	v15 =	vor.u32 s23, v6;
	v3 =	vor.u32 v56, v38;
	[tilespmem:v18+s16+$0x0] =	vst.idx.msk $0xffff, v5;
	v1 =	vld.idx.msk [tilespmem:v1+s11+$0x0], $0xffff  }
0x285: {  	v13 =	vor.u32 v47, v39;
	v18 =	vor.u32 s21, v6;
	v0 =	vld.idx.msk [tilespmem:v0+s11+$0x0], $0xffff;
	_ =	sdelay $0x1  }
0x286: {  	v5 =	vor.u32 v63, v38;
	[tilespmem:v20+s16+$0x0] =	vst.idx.msk $0xffff, v7  }
0x287: {  	[tilespmem:v11+s16+$0x0] =	vst.idx.msk $0xffff, v9  }
0x288: {  	v7 =	vor.u32 v63, v39;
	v3 =	vld.idx.msk [tilespmem:v3+s11+$0x0], $0xffff;
	[tilespmem:v15+s16+$0x0] =	vst.idx.msk $0xffff, v1  }
0x289: {  	v20 =	vor.u32 s20, v10;
	v11 =	vld.idx.msk [tilespmem:v13+s11+$0x0], $0xffff;
	[tilespmem:v18+s16+$0x0] =	vst.idx.msk $0xffff, v0  }
0x28a: {  	v9 =	vor.u32 v32, v38;
	v13 =	vor.u32 s22, v16;
	v57 =	vld [tilespmem:$0x1FC80]  }
0x28b: {  	v15 =	vor.u32 s23, v16;
	v5 =	vld.idx.msk [tilespmem:v5+s11+$0x0], $0xffff;
	_ =	sdelay $0x1  }
0x28c: {  	v18 =	vor.u32 s21, v16;
	v7 =	vld.idx.msk [tilespmem:v7+s11+$0x0], $0xffff  }
0x28d: {  	v1 =	vor.u32 v23, v39;
	[tilespmem:v20+s16+$0x0] =	vst.idx.msk $0xffff, v3  }
0x28e: {  	s31 =	simm.s32 $0x20;
	v9 =	vld.idx.msk [tilespmem:v9+s11+$0x0], $0xffff;
	[tilespmem:v13+s16+$0x0] =	vst.idx.msk $0xffff, v11;
	v11 =	vor.u32 s20, v6;
	v0 =	vor.u32 v57, v38  }
0x28f: {  	s6 =	sand.u32 $0x60, s31;
	s2 =	simm.s32 $0x0;
	[tilespmem:v15+s16+$0x0] =	vst.idx.msk $0xffff, v5;
	v5 =	vor.u32 v47, v38  }
0x290: {  	s24 =	sor.u32 s6, s2;
	v3 =	vor.u32 v57, v39  }
0x291: {  	[tilespmem:v18+s16+$0x0] =	vst.idx.msk $0xffff, v7;
	v18 =	vmov s24  }
0x292: {  	s26 =	sor.u32 $0x10, s6;
	v13 =	vor.u32 s22, v36;
	v1 =	vld.idx.msk [tilespmem:v1+s11+$0x0], $0xffff;
	v15 =	vor.u32 v52, v39;
	v18 =	vshll.u32 v18, $0x5  }
0x293: {  	s1 =	sor.u32 s2, s26;
	v7 =	vor.u32 s23, v36;
	v40 =	vor.u32 v12, v18;
	[tilespmem:v11+s16+$0x0] =	vst.idx.msk $0xffff, v9;
	v0 =	vld.idx.msk [tilespmem:v0+s11+$0x0], $0xffff  }
0x294: {  	v24 =	vmov s1;
	v9 =	vor.u32 v8, v40;
	v11 =	vor.u32 s20, v16;
	v5 =	vld.idx.msk [tilespmem:v5+s11+$0x0], $0xffff  }
0x295: {  	v26 =	vmovc v22;
	v22 =	vor.u32 v22, v38;
	v20 =	vor.u32 s21, v36;
	v18 =	vshll.u32 v24, $0x5;
	v3 =	vld.idx.msk [tilespmem:v3+s11+$0x0], $0xffff  }
0x296: {  	v26 =	vor.u32 v26, v39;
	v41 =	vor.u32 v12, v18  }
0x297: {  	[tilespmem:v13+s16+$0x0] =	vst.idx.msk $0xffff, v1;
	v1 =	vor.u32 v8, v41  }
0x298: {  	v13 =	vld.idx.msk [tilespmem:v15+s11+$0x0], $0xffff;
	v15 =	vor.u32 v30, v40;
	[tilespmem:v7+s16+$0x0] =	vst.idx.msk $0xffff, v0  }
0x299: {  	v24 =	vor.u32 s22, v58;
	v9 =	vld.idx.msk [tilespmem:v9+s11+$0x0], $0xffff;
	[tilespmem:v11+s16+$0x0] =	vst.idx.msk $0xffff, v5;
	v11 =	vor.u32 v23, v38  }
0x29a: {  	s25 =	simm.s32 $0x0;
	v7 =	vor.u32 v30, v41;
	[tilespmem:v20+s16+$0x0] =	vst.idx.msk $0xffff, v3;
	v3 =	vor.u32 s23, v58;
	v0 =	vld.idx.msk [tilespmem:v22+s11+$0x0], $0xffff  }
0x29b: {  	s28 =	sor.u32 s6, s25;
	v20 =	vor.u32 s21, v58;
	v18 =	vld.idx.msk [tilespmem:v26+s11+$0x0], $0xffff;
	v22 =	vor.u32 v28, v38  }
0x29c: {  	v5 =	vor.u32 s28, v17;
	v1 =	vld.idx.msk [tilespmem:v1+s11+$0x0], $0xffff;
	v26 =	vor.u32 v28, v39  }
0x29d: {  	s26 =	sor.u32 s25, s26;
	v15 =	vld.idx.msk [tilespmem:v15+s11+$0x0], $0xffff  }
0x29e: {  	s30 =	sor.u32 $0x800, s28;
	v30 =	vor.u32 s26, v17;
	v28 =	vor.u32 v14, v40;
	[tilespmem:v24+s16+$0x0] =	vst.idx.msk $0xffff, v13;
	v11 =	vld.idx.msk [tilespmem:v11+s11+$0x0], $0xffff  }
0x29f: {  	s29 =	sor.u32 $0x800, s26;
	v13 =	vor.u32 s30, v17;
	[tilespmem:v3+s16+$0x0] =	vst.idx.msk $0xffff, v0;
	v0 =	vld.idx.msk [tilespmem:v7+s11+$0x0], $0xffff  }
0x2a0: {  	v7 =	vor.u32 s29, v17;
	[tilespmem:v20+s16+$0x0] =	vst.idx.msk $0xffff, v18;
	v18 =	vld.idx.msk [tilespmem:v22+s11+$0x0], $0xffff  }
0x2a1: {  	[tilespmem:v5+s16+$0x0] =	vst.idx.msk $0xffff, v9;
	v3 =	vor.u32 v14, v41;
	v22 =	vor.u32 s23, v43;
	v24 =	vld.idx.msk [tilespmem:v26+s11+$0x0], $0xffff  }
0x2a2: {  	v9 =	vor.u32 s21, v43;
	v20 =	vor.u32 v37, v41;
	v26 =	vor.u32 v31, v38;
	v14 =	vld [tilespmem:$0x1FD50]  }
0x2a3: {  	v8 =	vmov v31;
	v31 =	vor.u32 v37, v40;
	[tilespmem:v30+s16+$0x0] =	vst.idx.msk $0xffff, v1;
	v1 =	vld.idx.msk [tilespmem:v28+s11+$0x0], $0xffff;
	v28 =	vor.u32 s20, v36  }
0x2a4: {  	[tilespmem:v13+s16+$0x0] =	vst.idx.msk $0xffff, v15  }
0x2a5: {  	[tilespmem:v7+s16+$0x0] =	vst.idx.msk $0xffff, v0  }
0x2a6: {  	v30 =	vor.u32 s28, v46;
	v3 =	vld.idx.msk [tilespmem:v3+s11+$0x0], $0xffff;
	v0 =	vor.u32 v52, v38;
	[tilespmem:v22+s16+$0x0] =	vst.idx.msk $0xffff, v18  }
0x2a7: {  	v7 =	vor.u32 v27, v40;
	v52 =	vor.u32 s26, v46;
	v20 =	vld.idx.msk [tilespmem:v20+s11+$0x0], $0xffff;
	[tilespmem:v9+s16+$0x0] =	vst.idx.msk $0xffff, v24  }
0x2a8: {  	v13 =	vor.u32 s29, v46;
	v24 =	vld.idx.msk [tilespmem:v31+s11+$0x0], $0xffff;
	[tilespmem:v28+s16+$0x0] =	vst.idx.msk $0xffff, v11  }
0x2a9: {  	v5 =	vor.u32 v14, v39;
	v11 =	vor.u32 s30, v46;
	v12 =	vld [tilespmem:$0x1FC10]  }
0x2aa: {  	v18 =	vor.u32 v27, v41;
	v9 =	vor.u32 s23, v44;
	v15 =	vld.idx.msk [tilespmem:v26+s11+$0x0], $0xffff  }
0x2ab: {  	v22 =	vor.u32 v29, v41;
	v28 =	vor.u32 s20, v58;
	[tilespmem:v30+s16+$0x0] =	vst.idx.msk $0xffff, v1;
	v0 =	vld.idx.msk [tilespmem:v0+s11+$0x0], $0xffff  }
0x2ac: {  	v1 =	vor.u32 v29, v40;
	v7 =	vld.idx.msk [tilespmem:v7+s11+$0x0], $0xffff;
	[tilespmem:v52+s16+$0x0] =	vst.idx.msk $0xffff, v3;
	v3 =	vor.u32 s28, v2  }
0x2ad: {  	v30 =	vor.u32 v14, v38;
	[tilespmem:v13+s16+$0x0] =	vst.idx.msk $0xffff, v20  }
0x2ae: {  	v5 =	vld.idx.msk [tilespmem:v5+s11+$0x0], $0xffff;
	v20 =	vor.u32 s22, v43;
	[tilespmem:v11+s16+$0x0] =	vst.idx.msk $0xffff, v24;
	v26 =	vor.u32 v12, v38  }
0x2af: {  	v13 =	vor.u32 v33, v40;
	v18 =	vld.idx.msk [tilespmem:v18+s11+$0x0], $0xffff;
	[tilespmem:v9+s16+$0x0] =	vst.idx.msk $0xffff, v15;
	v9 =	vor.u32 s26, v2  }
0x2b0: {  	v24 =	vor.u32 s29, v2;
	v15 =	vld.idx.msk [tilespmem:v22+s11+$0x0], $0xffff;
	v22 =	vor.u32 v59, v39;
	[tilespmem:v28+s16+$0x0] =	vst.idx.msk $0xffff, v0  }
0x2b1: {  	v11 =	vor.u32 v33, v41;
	v1 =	vld.idx.msk [tilespmem:v1+s11+$0x0], $0xffff;
	[tilespmem:v3+s16+$0x0] =	vst.idx.msk $0xffff, v7;
	v3 =	vor.u32 s30, v2  }
0x2b2: {  	v31 =	vor.u32 v61, v41;
	v7 =	vld.idx.msk [tilespmem:v30+s11+$0x0], $0xffff;
	v30 =	vor.u32 s20, v43  }
0x2b3: {  	v54 =	vor.u32 v61, v40;
	v0 =	vor.u32 s23, v25;
	[tilespmem:v20+s16+$0x0] =	vst.idx.msk $0xffff, v5;
	v26 =	vld.idx.msk [tilespmem:v26+s11+$0x0], $0xffff  }
0x2b4: {  	v13 =	vld.idx.msk [tilespmem:v13+s11+$0x0], $0xffff;
	v5 =	vor.u32 s28, v4;
	[tilespmem:v9+s16+$0x0] =	vst.idx.msk $0xffff, v18;
	v18 =	vor.u32 v59, v38  }
0x2b5: {  	v28 =	vor.u32 v60, v38;
	v9 =	vld.idx.msk [tilespmem:v22+s11+$0x0], $0xffff;
	[tilespmem:v24+s16+$0x0] =	vst.idx.msk $0xffff, v15;
	v15 =	vor.u32 s22, v44  }
0x2b6: {  	v11 =	vld.idx.msk [tilespmem:v11+s11+$0x0], $0xffff;
	[tilespmem:v3+s16+$0x0] =	vst.idx.msk $0xffff, v1  }
0x2b7: {  	v20 =	vor.u32 v8, v39;
	v24 =	vor.u32 s26, v4;
	v31 =	vld.idx.msk [tilespmem:v31+s11+$0x0], $0xffff;
	[tilespmem:v30+s16+$0x0] =	vst.idx.msk $0xffff, v7  }
0x2b8: {  	v22 =	vor.u32 v56, v40;
	v1 =	vor.u32 s29, v4;
	[tilespmem:v0+s16+$0x0] =	vst.idx.msk $0xffff, v26;
	v26 =	vld.idx.msk [tilespmem:v54+s11+$0x0], $0xffff  }
0x2b9: {  	v50 =	vmov v62;
	[tilespmem:v5+s16+$0x0] =	vst.idx.msk $0xffff, v13;
	v5 =	vor.u32 s30, v4;
	v0 =	vor.u32 v56, v41;
	v18 =	vld.idx.msk [tilespmem:v18+s11+$0x0], $0xffff  }
0x2ba: {  	[tilespmem:v15+s16+$0x0] =	vst.idx.msk $0xffff, v9;
	v15 =	vor.u32 s20, v44;
	v3 =	vld.idx.msk [tilespmem:v28+s11+$0x0], $0xffff;
	v28 =	vor.u32 v50, v41  }
0x2bb: {  	v7 =	vor.u32 s23, v35;
	v13 =	vor.u32 v34, v39  }
0x2bc: {  	v30 =	vor.u32 v50, v40;
	v9 =	vld.idx.msk [tilespmem:v20+s11+$0x0], $0xffff;
	v20 =	vor.u32 s21, v44;
	[tilespmem:v24+s16+$0x0] =	vst.idx.msk $0xffff, v11  }
0x2bd: {  	v22 =	vld.idx.msk [tilespmem:v22+s11+$0x0], $0xffff;
	[tilespmem:v1+s16+$0x0] =	vst.idx.msk $0xffff, v31  }
0x2be: {  	v0 =	vld.idx.msk [tilespmem:v0+s11+$0x0], $0xffff;
	[tilespmem:v5+s16+$0x0] =	vst.idx.msk $0xffff, v26  }
0x2bf: {  	v24 =	vor.u32 s28, v10;
	v1 =	vor.u32 v12, v39;
	[tilespmem:v15+s16+$0x0] =	vst.idx.msk $0xffff, v18;
	v28 =	vld.idx.msk [tilespmem:v28+s11+$0x0], $0xffff  }
0x2c0: {  	v52 =	vor.u32 s26, v10;
	v31 =	vor.u32 v32, v40;
	[tilespmem:v7+s16+$0x0] =	vst.idx.msk $0xffff, v3;
	v7 =	vld.idx.msk [tilespmem:v13+s11+$0x0], $0xffff  }
0x2c1: {  	v5 =	vor.u32 s29, v10;
	[tilespmem:v20+s16+$0x0] =	vst.idx.msk $0xffff, v9;
	v3 =	vor.u32 v32, v41;
	v13 =	vld.idx.msk [tilespmem:v30+s11+$0x0], $0xffff  }
0x2c2: {  	v11 =	vor.u32 v53, v38;
	v30 =	vor.u32 s22, v25;
	v32 =	vld [tilespmem:$0x1FD70]  }
0x2c3: {  	v26 =	vor.u32 v51, v41;
	v15 =	vor.u32 s30, v10  }
0x2c4: {  	v18 =	vor.u32 v55, v39;
	[tilespmem:v24+s16+$0x0] =	vst.idx.msk $0xffff, v22;
	v22 =	vor.u32 s21, v25;
	v1 =	vld.idx.msk [tilespmem:v1+s11+$0x0], $0xffff  }
0x2c5: {  	v54 =	vor.u32 s28, v6;
	v24 =	vor.u32 v34, v38;
	v31 =	vld.idx.msk [tilespmem:v31+s11+$0x0], $0xffff;
	[tilespmem:v52+s16+$0x0] =	vst.idx.msk $0xffff, v0  }
0x2c6: {  	v0 =	vor.u32 v60, v39;
	v3 =	vld.idx.msk [tilespmem:v3+s11+$0x0], $0xffff;
	[tilespmem:v5+s16+$0x0] =	vst.idx.msk $0xffff, v28;
	v28 =	vor.u32 s26, v6  }
0x2c7: {  	v20 =	vor.u32 v51, v40;
	v9 =	vld.idx.msk [tilespmem:v11+s11+$0x0], $0xffff;
	[tilespmem:v30+s16+$0x0] =	vst.idx.msk $0xffff, v7;
	v11 =	vor.u32 s23, v32  }
0x2c8: {  	[tilespmem:v15+s16+$0x0] =	vst.idx.msk $0xffff, v13;
	v13 =	vor.u32 s29, v6;
	v26 =	vld.idx.msk [tilespmem:v26+s11+$0x0], $0xffff  }
0x2c9: {  	v8 =	vmov v43;
	v43 =	vor.u32 s22, v35;
	v5 =	vor.u32 v47, v40;
	v15 =	vld.idx.msk [tilespmem:v18+s11+$0x0], $0xffff;
	[tilespmem:v22+s16+$0x0] =	vst.idx.msk $0xffff, v1  }
0x2ca: {  	v62 =	vmov v44;
	v44 =	vor.u32 s20, v25;
	v7 =	vor.u32 v47, v41;
	v24 =	vld.idx.msk [tilespmem:v24+s11+$0x0], $0xffff;
	[tilespmem:v54+s16+$0x0] =	vst.idx.msk $0xffff, v31  }
0x2cb: {  	v14 =	vmov v47;
	v51 =	vor.u32 s21, v35;
	v30 =	vor.u32 v63, v41;
	v47 =	vld.idx.msk [tilespmem:v0+s11+$0x0], $0xffff;
	[tilespmem:v28+s16+$0x0] =	vst.idx.msk $0xffff, v3  }
0x2cc: {  	v20 =	vld.idx.msk [tilespmem:v20+s11+$0x0], $0xffff;
	v3 =	vor.u32 v53, v39;
	[tilespmem:v11+s16+$0x0] =	vst.idx.msk $0xffff, v9;
	v9 =	vor.u32 s30, v6  }
0x2cd: {  	[tilespmem:v13+s16+$0x0] =	vst.idx.msk $0xffff, v26  }
0x2ce: {  	v52 =	vld.idx.msk [tilespmem:v5+s11+$0x0], $0xffff;
	v11 =	vor.u32 v48, v39;
	[tilespmem:v43+s16+$0x0] =	vst.idx.msk $0xffff, v15  }
0x2cf: {  	v50 =	vor.u32 v55, v38;
	v18 =	vld.idx.msk [tilespmem:v7+s11+$0x0], $0xffff;
	[tilespmem:v44+s16+$0x0] =	vst.idx.msk $0xffff, v24  }
0x2d0: {  	v60 =	vor.u32 s28, v16;
	v31 =	vor.u32 v63, v40;
	v22 =	vld.idx.msk [tilespmem:v30+s11+$0x0], $0xffff;
	[tilespmem:v51+s16+$0x0] =	vst.idx.msk $0xffff, v47  }
0x2d1: {  	v3 =	vld.idx.msk [tilespmem:v3+s11+$0x0], $0xffff;
	[tilespmem:v9+s16+$0x0] =	vst.idx.msk $0xffff, v20  }
0x2d2: {  	v45 =	vor.u32 v21, v39;
	v49 =	vor.u32 v49, v39;
	v42 =	vor.u32 v21, v40;
	v47 =	vld [tilespmem:$0x1FF10]  }
0x2d3: {  	v37 =	vor.u32 s29, v16;
	v27 =	vmovc v48;
	v12 =	vmovc v2;
	v2 =	vmov v46;
	v46 =	vor.u32 s26, v32;
	v11 =	vld.idx.msk [tilespmem:v11+s11+$0x0], $0xffff  }
0x2d4: {  	v1 =	vor.u32 s20, v35;
	v0 =	vor.u32 v27, v38;
	v28 =	vor.u32 v23, v40;
	v9 =	vld.idx.msk [tilespmem:v50+s11+$0x0], $0xffff  }
0x2d5: {  	v48 =	vor.u32 s20, v32;
	v26 =	vor.u32 s26, v16;
	v13 =	vor.u32 v21, v38;
	v20 =	vld.idx.msk [tilespmem:v31+s11+$0x0], $0xffff;
	[tilespmem:v60+s16+$0x0] =	vst.idx.msk $0xffff, v52  }
0x2d6: {  	v15 =	vor.u32 s22, v32;
	v24 =	vor.u32 v57, v40;
	v30 =	vor.u32 v57, v41;
	v57 =	vmovc v17;
	v17 =	vmovc v33;
	v33 =	vld [tilespmem:$0x1FD80]  }
0x2d7: {  	s2 =	simm.s32 $0x4;
	v7 =	vor.u32 s21, v32;
	v21 =	vmovc v56;
	v31 =	vor.u32 s30, v16;
	v56 =	vld [tilespmem:$0x1FEE0];
	v5 =	vor.u32 v47, v39  }
.LBB2_9:
0x2d8: {  	_ = 	snop  }
0x2d9: {  	v28 =	vld.idx.msk [tilespmem:v28+s11+$0x0], $0xffff  }
0x2da: {  	v54 =	vld [tilespmem:$0x1FF20]  }
0x2db: {  	v60 =	vld [tilespmem:$0x1FCD0]  }
0x2dc: {  	v52 =	vld [tilespmem:$0x1FCB0]  }
0x2dd: {  	v53 =	vld [tilespmem:$0x1FF30];
	[tilespmem:v26+s16+$0x0] =	vst.idx.msk $0xffff, v18  }
0x2de: {  	v26 =	vld [tilespmem:$0x1FED0];
	[tilespmem:v31+s16+$0x0] =	vst.idx.msk $0xffff, v20  }
0x2df: {  	[tilespmem:v37+s16+$0x0] =	vst.idx.msk $0xffff, v22;
	v24 =	vld.idx.msk [tilespmem:v24+s11+$0x0], $0xffff  }
0x2e0: {  	s2 =	sadd.s32 $0x4, s2;
	v43 =	vor.u32 s28, v36;
	v13 =	vld.idx.msk [tilespmem:v13+s11+$0x0], $0xffff  }
0x2e1: {  	s31 =	sadd.s32 $0x20, s31;
	v50 =	vor.u32 s30, v36;
	s1 =	sshrl.u32 s2, $0x4;
	[tilespmem:v15+s16+$0x0] =	vst.idx.msk $0xffff, v11;
	v30 =	vld.idx.msk [tilespmem:v30+s11+$0x0], $0xffff  }
0x2e2: {  	s8 =	sand.u32 $0x60, s31;
	s25 =	sshll.u32 s1, $0x7;
	v15 =	vor.u32 s23, v33;
	[tilespmem:v1+s16+$0x0] =	vst.idx.msk $0xffff, v9;
	v5 =	vld.idx.msk [tilespmem:v5+s11+$0x0], $0xffff  }
0x2e3: {  	v20 =	vor.u32 s29, v36;
	v37 =	vor.u32 s23, v56;
	s23 =	sor.u32 s8, s25;
	[tilespmem:v7+s16+$0x0] =	vst.idx.msk $0xffff, v3;
	v44 =	vor.u32 v54, v40;
	v0 =	vld.idx.msk [tilespmem:v0+s11+$0x0], $0xffff  }
0x2e4: {  	v31 =	vor.u32 s22, v33;
	v22 =	vor.u32 v47, v38;
	v19 =	vmov s23;
	v7 =	vld.idx.msk [tilespmem:v45+s11+$0x0], $0xffff  }
0x2e5: {  	v47 =	vor.u32 v60, v38;
	v51 =	vor.u32 v52, v41;
	[tilespmem:v43+s16+$0x0] =	vst.idx.msk $0xffff, v28;
	v1 =	vshll.u32 v19, $0x5;
	v19 =	vld [tilespmem:$0x1FCA0]  }
0x2e6: {  	s1 =	sshll.u32 s1, $0xC;
	s24 =	sor.u32 $0x10, s8;
	v18 =	vor.u32 v26, v39;
	v26 =	vor.u32 v26, v38;
	v38 =	vmov v41;
	v41 =	vld [tilespmem:$0x1FCE0];
	[tilespmem:v50+s16+$0x0] =	vst.idx.msk $0xffff, v24  }
0x2e7: {  	s6 =	sor.u32 s8, s1;
	s1 =	sor.u32 s1, s24;
	v50 =	vld [tilespmem:$0x1FCF0];
	[tilespmem:v15+s16+$0x0] =	vst.idx.msk $0xffff, v13  }
0x2e8: {  	v3 =	vor.u32 s1, v32;
	v39 =	vmov v40;
	v28 =	vld.idx.msk [tilespmem:v44+s11+$0x0], $0xffff;
	[tilespmem:v48+s16+$0x0] =	vst.idx.msk $0xffff, v0  }
0x2e9: {  	v52 =	vor.u32 v52, v39;
	v48 =	vmov v46;
	v46 =	vmov v3;
	[tilespmem:v20+s16+$0x0] =	vst.idx.msk $0xffff, v30;
	v3 =	vld.idx.msk [tilespmem:v22+s11+$0x0], $0xffff  }
0x2ea: {  	s25 =	sor.u32 s25, s24;
	v30 =	vld.idx.msk [tilespmem:v51+s11+$0x0], $0xffff  }
0x2eb: {  	v11 =	vor.u32 s21, v33;
	v9 =	vmov s25;
	v45 =	vlaneseq.u32;
	[tilespmem:v31+s16+$0x0] =	vst.idx.msk $0xffff, v5;
	v51 =	vld [tilespmem:$0x1FF40]  }
0x2ec: {  	v43 =	vor.u32 s28, v58;
	v40 =	vor.u32 v41, v1;
	v1 =	vshll.u32 v9, $0x5;
	v18 =	vld.idx.msk [tilespmem:v18+s11+$0x0], $0xffff  }
0x2ed: {  	v9 =	vor.u32 v45, v40;
	v41 =	vor.u32 v41, v1;
	v1 =	vld.idx.msk [tilespmem:v47+s11+$0x0], $0xffff  }
0x2ee: {  	s23 =	smov.u32 s29;
	v13 =	vor.u32 v53, v40;
	v31 =	vld.idx.msk [tilespmem:v52+s11+$0x0], $0xffff  }
0x2ef: {  	v24 =	vor.u32 s23, v58;
	v0 =	vor.u32 s30, v58;
	v52 =	vld [tilespmem:$0x1FD00]  }
0x2f0: {  	v15 =	vor.u32 v19, v40;
	v47 =	vor.u32 s22, v56;
	[tilespmem:v11+s16+$0x0] =	vst.idx.msk $0xffff, v7;
	v5 =	vor.u32 v53, v41;
	v53 =	vld [tilespmem:$0x1FBC0]  }
0x2f1: {  	v20 =	vor.u32 v45, v41;
	v45 =	vmov v42;
	v42 =	vmov v15;
	[tilespmem:v43+s16+$0x0] =	vst.idx.msk $0xffff, v28;
	v15 =	vld.idx.msk [tilespmem:v49+s11+$0x0], $0xffff  }
0x2f2: {  	v44 =	vor.u32 s20, v33;
	v9 =	vld.idx.msk [tilespmem:v9+s11+$0x0], $0xffff  }
0x2f3: {  	[tilespmem:v37+s16+$0x0] =	vst.idx.msk $0xffff, v1;
	v13 =	vld.idx.msk [tilespmem:v13+s11+$0x0], $0xffff  }
0x2f4: {  	s22 =	smov.u32 s28;
	s28 =	smov.u32 s6;
	v1 =	vor.u32 v50, v40;
	[tilespmem:v0+s16+$0x0] =	vst.idx.msk $0xffff, v31;
	v0 =	vor.u32 v50, v41;
	v50 =	vld [tilespmem:$0x1FBF0]  }
0x2f5: {  	v22 =	vor.u32 s21, v56;
	v7 =	vor.u32 s28, v57;
	[tilespmem:v47+s16+$0x0] =	vst.idx.msk $0xffff, v18;
	v47 =	vld [tilespmem:$0x1FC50]  }
0x2f6: {  	v11 =	vor.u32 v53, v38;
	v43 =	vor.u32 v53, v39;
	v20 =	vld.idx.msk [tilespmem:v20+s11+$0x0], $0xffff;
	[tilespmem:v24+s16+$0x0] =	vst.idx.msk $0xffff, v30  }
0x2f7: {  	v49 =	vor.u32 s20, v56;
	s20 =	smov.u32 s26;
	s26 =	smov.u32 s1;
	v24 =	vor.u32 v51, v40;
	[tilespmem:v44+s16+$0x0] =	vst.idx.msk $0xffff, v3;
	v3 =	vor.u32 v51, v41;
	v51 =	vld [tilespmem:$0x1FD50]  }
0x2f8: {  	s8 =	sor.u32 $0x800, s6;
	v30 =	vor.u32 s26, v57;
	v44 =	vld [tilespmem:$0x1FC10]  }
0x2f9: {  	s21 =	smov.u32 s30;
	s30 =	smov.u32 s8;
	v37 =	vor.u32 v23, v38;
	v5 =	vld.idx.msk [tilespmem:v5+s11+$0x0], $0xffff  }
0x2fa: {  	s29 =	sor.u32 $0x800, s1;
	v28 =	vor.u32 s30, v57;
	[tilespmem:v22+s16+$0x0] =	vst.idx.msk $0xffff, v15;
	v15 =	vld.idx.msk [tilespmem:v26+s11+$0x0], $0xffff  }
0x2fb: {  	v18 =	vor.u32 s29, v57;
	v11 =	vld.idx.msk [tilespmem:v11+s11+$0x0], $0xffff  }
0x2fc: {  	[tilespmem:v7+s16+$0x0] =	vst.idx.msk $0xffff, v9;
	v7 =	vld.idx.msk [tilespmem:v43+s11+$0x0], $0xffff  }
0x2fd: {  	v31 =	vor.u32 s23, v8;
	[tilespmem:v30+s16+$0x0] =	vst.idx.msk $0xffff, v20;
	v1 =	vld.idx.msk [tilespmem:v1+s11+$0x0], $0xffff  }
0x2fe: {  	v22 =	vor.u32 s21, v8;
	v20 =	vor.u32 v51, v39;
	v26 =	vld.idx.msk [tilespmem:v37+s11+$0x0], $0xffff  }
0x2ff: {  	v9 =	vor.u32 v50, v38;
	[tilespmem:v28+s16+$0x0] =	vst.idx.msk $0xffff, v13;
	v28 =	vor.u32 s28, v2;
	v0 =	vld.idx.msk [tilespmem:v0+s11+$0x0], $0xffff  }
0x300: {  	v13 =	vor.u32 s20, v36;
	[tilespmem:v18+s16+$0x0] =	vst.idx.msk $0xffff, v5;
	v5 =	vor.u32 v54, v38;
	v54 =	vld [tilespmem:$0x1FC20]  }
0x301: {  	v30 =	vor.u32 s26, v2;
	[tilespmem:v49+s16+$0x0] =	vst.idx.msk $0xffff, v15;
	v49 =	vor.u32 v60, v39;
	v60 =	vld [tilespmem:$0x1FD30]  }
0x302: {  	v18 =	vor.u32 v52, v40;
	v3 =	vld.idx.msk [tilespmem:v3+s11+$0x0], $0xffff;
	[tilespmem:v31+s16+$0x0] =	vst.idx.msk $0xffff, v11  }
0x303: {  	v15 =	vor.u32 v52, v41;
	v11 =	vor.u32 s29, v2;
	v20 =	vld.idx.msk [tilespmem:v20+s11+$0x0], $0xffff;
	[tilespmem:v22+s16+$0x0] =	vst.idx.msk $0xffff, v7  }
0x304: {  	v7 =	vor.u32 s23, v62;
	[tilespmem:v28+s16+$0x0] =	vst.idx.msk $0xffff, v1;
	v9 =	vld.idx.msk [tilespmem:v9+s11+$0x0], $0xffff  }
0x305: {  	v1 =	vor.u32 s30, v2;
	v22 =	vld.idx.msk [tilespmem:v24+s11+$0x0], $0xffff;
	v24 =	vor.u32 v29, v41;
	[tilespmem:v13+s16+$0x0] =	vst.idx.msk $0xffff, v26  }
0x306: {  	v26 =	vor.u32 v29, v40;
	v5 =	vld.idx.msk [tilespmem:v5+s11+$0x0], $0xffff;
	[tilespmem:v30+s16+$0x0] =	vst.idx.msk $0xffff, v0;
	v0 =	vor.u32 s20, v58  }
0x307: {  	v13 =	vor.u32 v44, v38;
	v18 =	vld.idx.msk [tilespmem:v18+s11+$0x0], $0xffff  }
0x308: {  	v28 =	vor.u32 s28, v12;
	v15 =	vld.idx.msk [tilespmem:v15+s11+$0x0], $0xffff;
	[tilespmem:v11+s16+$0x0] =	vst.idx.msk $0xffff, v3;
	v3 =	vor.u32 v51, v38  }
0x309: {  	v30 =	vor.u32 s22, v8;
	v11 =	vor.u32 v17, v40;
	v51 =	vld [tilespmem:$0x1FC30];
	[tilespmem:v7+s16+$0x0] =	vst.idx.msk $0xffff, v9  }
0x30a: {  	v7 =	vor.u32 s26, v12;
	[tilespmem:v1+s16+$0x0] =	vst.idx.msk $0xffff, v22;
	v9 =	vld.idx.msk [tilespmem:v24+s11+$0x0], $0xffff;
	v24 =	vor.u32 v59, v39  }
0x30b: {  	v1 =	vor.u32 v17, v41;
	v26 =	vld.idx.msk [tilespmem:v26+s11+$0x0], $0xffff;
	[tilespmem:v0+s16+$0x0] =	vst.idx.msk $0xffff, v5;
	v5 =	vor.u32 s30, v12  }
0x30c: {  	v53 =	vor.u32 v61, v40;
	v22 =	vor.u32 s29, v12;
	v13 =	vld.idx.msk [tilespmem:v13+s11+$0x0], $0xffff  }
0x30d: {  	[tilespmem:v28+s16+$0x0] =	vst.idx.msk $0xffff, v18;
	v3 =	vld.idx.msk [tilespmem:v3+s11+$0x0], $0xffff  }
0x30e: {  	v31 =	vor.u32 v61, v41;
	v0 =	vor.u32 s23, v25;
	v11 =	vld.idx.msk [tilespmem:v11+s11+$0x0], $0xffff;
	[tilespmem:v30+s16+$0x0] =	vst.idx.msk $0xffff, v20  }
0x30f: {  	v18 =	vor.u32 s20, v8;
	v28 =	vor.u32 v47, v38;
	[tilespmem:v7+s16+$0x0] =	vst.idx.msk $0xffff, v15;
	v7 =	vld.idx.msk [tilespmem:v24+s11+$0x0], $0xffff  }
0x310: {  	v30 =	vor.u32 s28, v4;
	v15 =	vor.u32 v59, v38;
	v1 =	vld.idx.msk [tilespmem:v1+s11+$0x0], $0xffff;
	[tilespmem:v5+s16+$0x0] =	vst.idx.msk $0xffff, v26  }
0x311: {  	v20 =	vor.u32 v50, v39;
	[tilespmem:v22+s16+$0x0] =	vst.idx.msk $0xffff, v9;
	v9 =	vor.u32 s22, v62;
	v26 =	vld.idx.msk [tilespmem:v53+s11+$0x0], $0xffff  }
0x312: {  	v22 =	vor.u32 v21, v40;
	v24 =	vor.u32 s26, v4;
	v53 =	vld [tilespmem:$0x1FC90]  }
0x313: {  	v5 =	vor.u32 s29, v4;
	v31 =	vld.idx.msk [tilespmem:v31+s11+$0x0], $0xffff;
	[tilespmem:v0+s16+$0x0] =	vst.idx.msk $0xffff, v13;
	v0 =	vor.u32 v21, v41  }
0x314: {  	v13 =	vld.idx.msk [tilespmem:v28+s11+$0x0], $0xffff;
	v28 =	vor.u32 v54, v41;
	[tilespmem:v18+s16+$0x0] =	vst.idx.msk $0xffff, v3;
	v3 =	vor.u32 s23, v35  }
0x315: {  	[tilespmem:v30+s16+$0x0] =	vst.idx.msk $0xffff, v11;
	v11 =	vor.u32 s30, v4;
	v18 =	vor.u32 v34, v39;
	v15 =	vld.idx.msk [tilespmem:v15+s11+$0x0], $0xffff  }
0x316: {  	v30 =	vor.u32 v54, v40;
	[tilespmem:v9+s16+$0x0] =	vst.idx.msk $0xffff, v7;
	v7 =	vld.idx.msk [tilespmem:v20+s11+$0x0], $0xffff;
	v20 =	vor.u32 s20, v62  }
0x317: {  	v9 =	vor.u32 s21, v62;
	[tilespmem:v24+s16+$0x0] =	vst.idx.msk $0xffff, v1;
	v22 =	vld.idx.msk [tilespmem:v22+s11+$0x0], $0xffff;
	v1 =	vor.u32 v53, v38  }
0x318: {  	v24 =	vor.u32 s28, v10;
	v0 =	vld.idx.msk [tilespmem:v0+s11+$0x0], $0xffff;
	[tilespmem:v5+s16+$0x0] =	vst.idx.msk $0xffff, v31;
	v5 =	vor.u32 v44, v39  }
0x319: {  	v50 =	vor.u32 s26, v10;
	v31 =	vor.u32 v60, v40;
	v28 =	vld.idx.msk [tilespmem:v28+s11+$0x0], $0xffff;
	[tilespmem:v3+s16+$0x0] =	vst.idx.msk $0xffff, v13  }
0x31a: {  	[tilespmem:v11+s16+$0x0] =	vst.idx.msk $0xffff, v26;
	v3 =	vor.u32 v60, v41;
	v11 =	vor.u32 s29, v10;
	v13 =	vld.idx.msk [tilespmem:v18+s11+$0x0], $0xffff  }
0x31b: {  	v26 =	vor.u32 v51, v41;
	v18 =	vld.idx.msk [tilespmem:v30+s11+$0x0], $0xffff;
	v30 =	vor.u32 s22, v25;
	[tilespmem:v20+s16+$0x0] =	vst.idx.msk $0xffff, v15  }
0x31c: {  	v15 =	vor.u32 s30, v10;
	v20 =	vor.u32 v55, v39;
	[tilespmem:v9+s16+$0x0] =	vst.idx.msk $0xffff, v7;
	v1 =	vld.idx.msk [tilespmem:v1+s11+$0x0], $0xffff  }
0x31d: {  	v7 =	vor.u32 s23, v32;
	v9 =	vor.u32 v51, v40;
	[tilespmem:v24+s16+$0x0] =	vst.idx.msk $0xffff, v22;
	v5 =	vld.idx.msk [tilespmem:v5+s11+$0x0], $0xffff  }
0x31e: {  	v52 =	vor.u32 s21, v25;
	v22 =	vor.u32 v34, v38;
	[tilespmem:v50+s16+$0x0] =	vst.idx.msk $0xffff, v0;
	v24 =	vld.idx.msk [tilespmem:v31+s11+$0x0], $0xffff  }
0x31f: {  	v54 =	vor.u32 s28, v6;
	v0 =	vor.u32 v47, v39;
	v3 =	vld.idx.msk [tilespmem:v3+s11+$0x0], $0xffff;
	[tilespmem:v11+s16+$0x0] =	vst.idx.msk $0xffff, v28  }
0x320: {  	v11 =	vor.u32 v14, v40;
	v28 =	vor.u32 s26, v6;
	v26 =	vld.idx.msk [tilespmem:v26+s11+$0x0], $0xffff;
	[tilespmem:v30+s16+$0x0] =	vst.idx.msk $0xffff, v13  }
0x321: {  	v13 =	vor.u32 v14, v41;
	[tilespmem:v15+s16+$0x0] =	vst.idx.msk $0xffff, v18;
	v15 =	vor.u32 s29, v6;
	v20 =	vld.idx.msk [tilespmem:v20+s11+$0x0], $0xffff  }
0x322: {  	v47 =	vor.u32 s22, v35;
	v9 =	vld.idx.msk [tilespmem:v9+s11+$0x0], $0xffff;
	[tilespmem:v7+s16+$0x0] =	vst.idx.msk $0xffff, v1  }
0x323: {  	v7 =	vor.u32 s30, v6;
	[tilespmem:v52+s16+$0x0] =	vst.idx.msk $0xffff, v5;
	v5 =	vld.idx.msk [tilespmem:v22+s11+$0x0], $0xffff  }
0x324: {  	v30 =	vor.u32 v63, v41;
	[tilespmem:v54+s16+$0x0] =	vst.idx.msk $0xffff, v24;
	v43 =	vld.idx.msk [tilespmem:v0+s11+$0x0], $0xffff  }
0x325: {  	v50 =	vor.u32 v27, v39;
	v31 =	vor.u32 s20, v25;
	v52 =	vld.idx.msk [tilespmem:v11+s11+$0x0], $0xffff;
	[tilespmem:v28+s16+$0x0] =	vst.idx.msk $0xffff, v3  }
0x326: {  	v51 =	vor.u32 s21, v35;
	v24 =	vor.u32 v63, v40;
	v18 =	vld.idx.msk [tilespmem:v13+s11+$0x0], $0xffff;
	[tilespmem:v15+s16+$0x0] =	vst.idx.msk $0xffff, v26  }
0x327: {  	v44 =	vor.u32 v55, v38;
	v60 =	vor.u32 s28, v16;
	[tilespmem:v47+s16+$0x0] =	vst.idx.msk $0xffff, v20;
	v47 =	vld [tilespmem:$0x1FF10]  }
0x328: {  	p0 =	slt.u32 s2, $0x3C;
	v3 =	vor.u32 v53, v39;
	[tilespmem:v7+s16+$0x0] =	vst.idx.msk $0xffff, v9;
	v7 =	vld [tilespmem:$0x1FC80]  }
.Ltmp6:
0x329: {  	v37 =	vor.u32 s29, v16;
	v22 =	vld.idx.msk [tilespmem:v30+s11+$0x0], $0xffff;
	(pc) =	sbr.rel @p0 .LBB2_9-.Ltmp6, $4  }
0x32a: {  	v0 =	vor.u32 v27, v38;
	v28 =	vor.u32 v23, v40;
	v11 =	vld.idx.msk [tilespmem:v50+s11+$0x0], $0xffff;
	[tilespmem:v31+s16+$0x0] =	vst.idx.msk $0xffff, v5  }
0x32b: {  	v1 =	vor.u32 s20, v35;
	v13 =	vor.u32 v19, v38;
	v26 =	vor.u32 s26, v16;
	v20 =	vld.idx.msk [tilespmem:v24+s11+$0x0], $0xffff;
	[tilespmem:v51+s16+$0x0] =	vst.idx.msk $0xffff, v43  }
0x32c: {  	v15 =	vor.u32 s22, v32;
	v31 =	vor.u32 s30, v16;
	v9 =	vld.idx.msk [tilespmem:v44+s11+$0x0], $0xffff;
	[tilespmem:v60+s16+$0x0] =	vst.idx.msk $0xffff, v52;
	v5 =	vor.u32 v47, v39  }
0x32d: {  	v3 =	vld.idx.msk [tilespmem:v3+s11+$0x0], $0xffff;
	v30 =	vor.u32 v7, v41;
	v24 =	vor.u32 v7, v40;
	v7 =	vor.u32 s21, v32  }
0x32e: {  	_ =	sdelay $0x3  }
0x32f: {  	[tilespmem:v37+s16+$0x0] =	vst.idx.msk $0xffff, v22;
	v28 =	vld.idx.msk [tilespmem:v28+s11+$0x0], $0xffff  }
0x330: {  	v54 =	vor.u32 s28, v36;
	v22 =	vld.idx.msk [tilespmem:v30+s11+$0x0], $0xffff;
	[tilespmem:v31+s16+$0x0] =	vst.idx.msk $0xffff, v20  }
0x331: {  	v51 =	vmov v14;
	v53 =	vor.u32 s29, v36;
	v14 =	vld [tilespmem:$0x1FCB0]  }
0x332: {  	v60 =	vor.u32 s30, v36;
	[tilespmem:v26+s16+$0x0] =	vst.idx.msk $0xffff, v18;
	v24 =	vld.idx.msk [tilespmem:v24+s11+$0x0], $0xffff  }
0x333: {  	v47 =	vld [tilespmem:$0x1FF20]  }
0x334: {  	v52 =	vor.u32 v23, v41  }
0x335: {  	[tilespmem:v54+s16+$0x0] =	vst.idx.msk $0xffff, v28  }
0x336: {  	[tilespmem:v53+s16+$0x0] =	vst.idx.msk $0xffff, v22;
	v20 =	vor.u32 v14, v41  }
0x337: {  	v61 =	vor.u32 v14, v40;
	[tilespmem:v60+s16+$0x0] =	vst.idx.msk $0xffff, v24  }
0x338: {  	v18 =	vor.u32 v47, v40;
	v14 =	vld [tilespmem:$0x1FBC0]  }
0x339: {  	v12 =	vmov v32;
	v32 =	vld.idx.msk [tilespmem:v52+s11+$0x0], $0xffff  }
0x33a: {  	v10 =	vmovc v21;
	v21 =	vmovc v4;
	v4 =	vmov v2;
	v2 =	vmov v17;
	v63 =	vor.u32 s26, v36;
	v17 =	vld [tilespmem:$0x1FD50]  }
0x33b: {  	v22 =	vor.u32 s29, v58;
	v20 =	vld.idx.msk [tilespmem:v20+s11+$0x0], $0xffff  }
0x33c: {  	v53 =	vor.u32 s30, v58;
	v43 =	vor.u32 v47, v41;
	v26 =	vld.idx.msk [tilespmem:v61+s11+$0x0], $0xffff  }
0x33d: {  	v50 =	vor.u32 s28, v58;
	v18 =	vld.idx.msk [tilespmem:v18+s11+$0x0], $0xffff;
	v52 =	vor.u32 v14, v41  }
0x33e: {  	v60 =	vor.u32 v14, v40  }
0x33f: {  	[tilespmem:v63+s16+$0x0] =	vst.idx.msk $0xffff, v32  }
0x340: {  	v54 =	vor.u32 v17, v40;
	[tilespmem:v22+s16+$0x0] =	vst.idx.msk $0xffff, v20  }
0x341: {  	v44 =	vmov v33;
	v33 =	vld.idx.msk [tilespmem:v43+s11+$0x0], $0xffff;
	[tilespmem:v53+s16+$0x0] =	vst.idx.msk $0xffff, v26  }
0x342: {  	v34 =	vor.u32 s26, v58;
	[tilespmem:v50+s16+$0x0] =	vst.idx.msk $0xffff, v18;
	v18 =	vld.idx.msk [tilespmem:v52+s11+$0x0], $0xffff  }
0x343: {  	v61 =	vor.u32 v17, v41;
	v20 =	vor.u32 s29, v8;
	v43 =	vld.idx.msk [tilespmem:v60+s11+$0x0], $0xffff  }
0x344: {  	v52 =	vor.u32 s30, v8;
	v14 =	vld [tilespmem:$0x1FBF0]  }
0x345: {  	v63 =	vor.u32 s28, v8;
	v24 =	vld.idx.msk [tilespmem:v54+s11+$0x0], $0xffff;
	_ =	sdelay $0x1  }
0x346: {  	[tilespmem:v34+s16+$0x0] =	vst.idx.msk $0xffff, v33  }
0x347: {  	v53 =	vor.u32 v59, v40;
	v60 =	vor.u32 s26, v8;
	v54 =	vld.idx.msk [tilespmem:v61+s11+$0x0], $0xffff;
	[tilespmem:v20+s16+$0x0] =	vst.idx.msk $0xffff, v18  }
0x348: {  	[tilespmem:v52+s16+$0x0] =	vst.idx.msk $0xffff, v43  }
0x349: {  	v22 =	vor.u32 v14, v41;
	[tilespmem:v63+s16+$0x0] =	vst.idx.msk $0xffff, v24  }
0x34a: {  	v63 =	vld [tilespmem:$0x1FC10]  }
0x34b: {  	v61 =	vor.u32 v14, v40  }
0x34c: {  	v35 =	vor.u32 v59, v41;
	v24 =	vld.idx.msk [tilespmem:v53+s11+$0x0], $0xffff;
	[tilespmem:v60+s16+$0x0] =	vst.idx.msk $0xffff, v54  }
0x34d: {  	v52 =	vld [tilespmem:$0x1FEF0]  }
0x34e: {  	v20 =	vor.u32 s29, v62;
	v18 =	vld.idx.msk [tilespmem:v22+s11+$0x0], $0xffff  }
0x34f: {  	v43 =	vor.u32 s28, v62;
	v33 =	vld [tilespmem:$0x1FEF0];
	v22 =	vor.u32 v63, v41  }
0x350: {  	v54 =	vor.u32 s30, v62;
	v30 =	vld.idx.msk [tilespmem:v61+s11+$0x0], $0xffff  }
0x351: {  	[tilespmem:v15+s16+$0x0] =	vst.idx.msk $0xffff, v11;
	v11 =	vld.idx.msk [tilespmem:v35+s11+$0x0], $0xffff;
	v15 =	vor.u32 s26, v62  }
0x352: {  	v29 =	vld [tilespmem:$0x1FF00];
	[tilespmem:v1+s16+$0x0] =	vst.idx.msk $0xffff, v9  }
0x353: {  	v14 =	vmov v25;
	v9 =	vld.idx.msk [tilespmem:v13+s11+$0x0], $0xffff;
	v13 =	vor.u32 s23, v44;
	v53 =	vor.u32 v52, v40;
	[tilespmem:v20+s16+$0x0] =	vst.idx.msk $0xffff, v18  }
0x354: {  	v50 =	vmov v59;
	v59 =	vor.u32 v63, v40;
	[tilespmem:v43+s16+$0x0] =	vst.idx.msk $0xffff, v24;
	v20 =	vor.u32 s29, v14;
	v18 =	vld.idx.msk [tilespmem:v22+s11+$0x0], $0xffff  }
0x355: {  	v16 =	vmov v23;
	v23 =	vmov v14;
	v14 =	vld [tilespmem:$0x1FC50];
	[tilespmem:v54+s16+$0x0] =	vst.idx.msk $0xffff, v30  }
0x356: {  	v1 =	vor.u32 v33, v41;
	[tilespmem:v15+s16+$0x0] =	vst.idx.msk $0xffff, v11  }
0x357: {  	v5 =	vld.idx.msk [tilespmem:v5+s11+$0x0], $0xffff;
	[tilespmem:v7+s16+$0x0] =	vst.idx.msk $0xffff, v3  }
0x358: {  	v60 =	vor.u32 s28, v23;
	[tilespmem:v13+s16+$0x0] =	vst.idx.msk $0xffff, v9;
	v24 =	vld.idx.msk [tilespmem:v53+s11+$0x0], $0xffff  }
0x359: {  	v15 =	vld.idx.msk [tilespmem:v59+s11+$0x0], $0xffff;
	[tilespmem:v20+s16+$0x0] =	vst.idx.msk $0xffff, v18  }
0x35a: {  	v61 =	vor.u32 s30, v23;
	v22 =	vor.u32 v14, v41;
	v63 =	vld [tilespmem:$0x1FCD0]  }
0x35b: {  	v11 =	vor.u32 v55, v40;
	v7 =	vor.u32 s26, v23;
	v1 =	vld.idx.msk [tilespmem:v1+s11+$0x0], $0xffff  }
0x35c: {  	v62 =	vor.u32 s22, v44;
	v0 =	vld.idx.msk [tilespmem:v0+s11+$0x0], $0xffff;
	v9 =	vor.u32 v55, v41  }
0x35d: {  	v45 =	vld.idx.msk [tilespmem:v45+s11+$0x0], $0xffff;
	v3 =	vor.u32 v14, v40;
	[tilespmem:v60+s16+$0x0] =	vst.idx.msk $0xffff, v24  }
0x35e: {  	v14 =	vld [tilespmem:$0x1FC90]  }
0x35f: {  	v20 =	vor.u32 s29, v29;
	[tilespmem:v61+s16+$0x0] =	vst.idx.msk $0xffff, v15;
	v18 =	vld.idx.msk [tilespmem:v22+s11+$0x0], $0xffff;
	v13 =	vor.u32 v63, v38  }
0x360: {  	v37 =	vor.u32 s28, v29;
	v11 =	vld.idx.msk [tilespmem:v11+s11+$0x0], $0xffff;
	[tilespmem:v7+s16+$0x0] =	vst.idx.msk $0xffff, v1  }
0x361: {  	v15 =	vor.u32 v27, v40;
	[tilespmem:v62+s16+$0x0] =	vst.idx.msk $0xffff, v5;
	v7 =	vld.idx.msk [tilespmem:v9+s11+$0x0], $0xffff  }
0x362: {  	[tilespmem:v48+s16+$0x0] =	vst.idx.msk $0xffff, v0;
	v3 =	vld.idx.msk [tilespmem:v3+s11+$0x0], $0xffff  }
0x363: {  	v43 =	vor.u32 s30, v29;
	v22 =	vor.u32 v14, v41;
	v1 =	vor.u32 v14, v40;
	v14 =	vld [tilespmem:$0x1FED0]  }
0x364: {  	[tilespmem:v20+s16+$0x0] =	vst.idx.msk $0xffff, v18;
	v13 =	vld.idx.msk [tilespmem:v13+s11+$0x0], $0xffff  }
0x365: {  	v18 =	vld [tilespmem:$0x1FF10];
	[tilespmem:v37+s16+$0x0] =	vst.idx.msk $0xffff, v11  }
0x366: {  	v11 =	vld.idx.msk [tilespmem:v15+s11+$0x0], $0xffff  }
0x367: {  	v5 =	vor.u32 s26, v29;
	v15 =	vld [tilespmem:$0x1FCA0]  }
0x368: {  	v9 =	vor.u32 s21, v44;
	v20 =	vld.idx.msk [tilespmem:v22+s11+$0x0], $0xffff;
	[tilespmem:v43+s16+$0x0] =	vst.idx.msk $0xffff, v3  }
0x369: {  	v52 =	vor.u32 s23, v56;
	v0 =	vor.u32 v27, v41;
	v3 =	vld [tilespmem:$0x1FF10]  }
0x36a: {  	v53 =	vor.u32 v14, v39;
	v22 =	vor.u32 s29, v12;
	v59 =	vld [tilespmem:$0x1FF10]  }
0x36b: {  	v54 =	vor.u32 s28, v12;
	v18 =	vor.u32 v18, v38  }
0x36c: {  	v55 =	vor.u32 s30, v12;
	v1 =	vld.idx.msk [tilespmem:v1+s11+$0x0], $0xffff;
	[tilespmem:v5+s16+$0x0] =	vst.idx.msk $0xffff, v7;
	v15 =	vor.u32 v15, v41  }
0x36d: {  	[tilespmem:v9+s16+$0x0] =	vst.idx.msk $0xffff, v45  }
0x36e: {  	v0 =	vld.idx.msk [tilespmem:v0+s11+$0x0], $0xffff;
	[tilespmem:v52+s16+$0x0] =	vst.idx.msk $0xffff, v13;
	v3 =	vor.u32 v3, v40  }
0x36f: {  	v5 =	vor.u32 s22, v56;
	v7 =	vld.idx.msk [tilespmem:v53+s11+$0x0], $0xffff;
	[tilespmem:v22+s16+$0x0] =	vst.idx.msk $0xffff, v20;
	v9 =	vor.u32 v59, v41  }
0x370: {  	v13 =	vor.u32 s20, v44;
	[tilespmem:v54+s16+$0x0] =	vst.idx.msk $0xffff, v11;
	v18 =	vld.idx.msk [tilespmem:v18+s11+$0x0], $0xffff  }
0x371: {  	v20 =	vor.u32 v14, v38;
	v11 =	vor.u32 s29, v44;
	[tilespmem:v55+s16+$0x0] =	vst.idx.msk $0xffff, v1;
	v15 =	vld.idx.msk [tilespmem:v15+s11+$0x0], $0xffff  }
0x372: {  	v61 =	vor.u32 s30, v44;
	v60 =	vor.u32 v63, v41;
	v62 =	vld.idx.msk [tilespmem:v42+s11+$0x0], $0xffff  }
0x373: {  	v22 =	vor.u32 s28, v44;
	[tilespmem:v46+s16+$0x0] =	vst.idx.msk $0xffff, v0;
	v0 =	vor.u32 v63, v40;
	v3 =	vld.idx.msk [tilespmem:v3+s11+$0x0], $0xffff  }
0x374: {  	v1 =	vor.u32 v14, v40;
	[tilespmem:v5+s16+$0x0] =	vst.idx.msk $0xffff, v7;
	v5 =	vor.u32 s26, v44;
	v7 =	vld.idx.msk [tilespmem:v9+s11+$0x0], $0xffff  }
0x375: {  	v63 =	vld.idx.msk [tilespmem:v49+s11+$0x0], $0xffff;
	v9 =	vor.u32 s21, v56;
	[tilespmem:v13+s16+$0x0] =	vst.idx.msk $0xffff, v18;
	v13 =	vor.u32 v14, v41  }
0x376: {  	v18 =	vor.u32 s20, v56;
	v20 =	vld.idx.msk [tilespmem:v20+s11+$0x0], $0xffff;
	[tilespmem:v11+s16+$0x0] =	vst.idx.msk $0xffff, v15  }
0x377: {  	[tilespmem:v61+s16+$0x0] =	vst.idx.msk $0xffff, v62;
	v11 =	vor.u32 s29, v56;
	v15 =	vld.idx.msk [tilespmem:v60+s11+$0x0], $0xffff  }
0x378: {  	v0 =	vld.idx.msk [tilespmem:v0+s11+$0x0], $0xffff;
	[tilespmem:v22+s16+$0x0] =	vst.idx.msk $0xffff, v3;
	v22 =	vor.u32 s30, v56  }
0x379: {  	v3 =	vor.u32 s28, v56;
	[tilespmem:v5+s16+$0x0] =	vst.idx.msk $0xffff, v7;
	v1 =	vld.idx.msk [tilespmem:v1+s11+$0x0], $0xffff  }
0x37a: {  	[tilespmem:v9+s16+$0x0] =	vst.idx.msk $0xffff, v63;
	v5 =	vor.u32 s26, v56;
	v7 =	vld.idx.msk [tilespmem:v13+s11+$0x0], $0xffff  }
0x37b: {  	[tilespmem:v18+s16+$0x0] =	vst.idx.msk $0xffff, v20  }
0x37c: {  	[tilespmem:v11+s16+$0x0] =	vst.idx.msk $0xffff, v15  }
0x37d: {  	[tilespmem:v22+s16+$0x0] =	vst.idx.msk $0xffff, v0  }
0x37e: {  	s1 =	sshll.u32 s19, $0xE;
	s2 =	sshll.u32 s19, $0x9;
	[tilespmem:v3+s16+$0x0] =	vst.idx.msk $0xffff, v1  }
0x37f: {  	s6 =	sand.u32 $0x7FC00000, s1;
	s2 =	sand.u32 $0x1FC00, s2;
	[tilespmem:v5+s16+$0x0] =	vst.idx.msk $0xffff, v7  }
0x380: {  	s6 =	sor.u32 s2, s6;
	s8 =	rddreg [dreg:$0x17]  }
0x381: {  	s31 =	simm.s32 $0xD000;
	s6 =	sshrl.u32 s6, $0x3;
	s25 =	rddreg [dreg:$0x18]  }
0x382: {  	s24 =	simm.s32 $0xDC00;
	s28 =	rddreg [dreg:$0x19];
	s8 =	sadd.s32 s6, s8  }
0x383: {  	[hbm4b:s8+s4] =	stream.linear.scatter [tilespmem:s16], [sflag:$0x6], $0x400, $0x38;
	[tilespmem:$0x10400] =	vst v63  }
0x384: {  	s26 =	simm.s32 $0xC800;
	s30 =	rddreg [dreg:$0x1a];
	s8 =	sadd.s32 s6, s25  }
0x385: {  	[hbm4b:s8+s4] =	stream.linear.scatter [tilespmem:s26], [sflag:$0x6], $0x400, $0x38;
	[tilespmem:$0x10400] =	vst v63  }
0x386: {  	s29 =	simm.s32 $0xCC00;
	s19 =	rddreg [dreg:$0x1b];
	s8 =	sadd.s32 s6, s28  }
0x387: {  	[hbm4b:s8+s4] =	stream.linear.scatter [tilespmem:s29], [sflag:$0x6], $0x400, $0x38;
	[tilespmem:$0x10400] =	vst v63  }
0x388: {  	s1 =	sand.u32 $0xFFF80000, s1;
	s21 =	rddreg [dreg:$0x1c];
	s8 =	sadd.s32 s6, s30  }
0x389: {  	[hbm4b:s8+s4] =	stream.linear.scatter [tilespmem:s31], [sflag:$0x6], $0x400, $0x38;
	[tilespmem:$0x10400] =	vst v63  }
0x38a: {  	s20 =	simm.s32 $0xD400;
	s23 =	rddreg [dreg:$0x1d];
	s8 =	sadd.s32 s6, s19  }
0x38b: {  	[hbm4b:s8+s4] =	stream.linear.scatter [tilespmem:s20], [sflag:$0x6], $0x400, $0x38;
	[tilespmem:$0x10400] =	vst v63  }
0x38c: {  	s22 =	simm.s32 $0xD800;
	s25 =	rddreg [dreg:$0x1e];
	s8 =	sadd.s32 s6, s21  }
0x38d: {  	[hbm4b:s8+s4] =	stream.linear.scatter [tilespmem:s22], [sflag:$0x6], $0x400, $0x38;
	[tilespmem:$0x10400] =	vst v63  }
0x38e: {  	s1 =	sor.u32 s2, s1;
	s28 =	rddreg [dreg:$0x1f];
	s8 =	sadd.s32 s6, s23  }
0x38f: {  	[hbm4b:s8+s4] =	stream.linear.scatter [tilespmem:s24], [sflag:$0x6], $0x400, $0x38;
	[tilespmem:$0x10400] =	vst v63  }
0x390: {  	s26 =	simm.s32 $0xE000;
	s30 =	sld [smem:$0x7FA];
	s8 =	sadd.s32 s6, s25  }
0x391: {  	[hbm4b:s8+s4] =	stream.linear.scatter [tilespmem:s26], [sflag:$0x6], $0x400, $0x38;
	[tilespmem:$0x10400] =	vst v63  }
0x392: {  	s29 =	simm.s32 $0xE400;
	s20 =	sld [smem:$0x7FB];
	s8 =	sadd.s32 s6, s28  }
0x393: {  	[hbm4b:s8+s4] =	stream.linear.scatter [tilespmem:s29], [sflag:$0x6], $0x400, $0x38;
	[tilespmem:$0x10400] =	vst v63  }
0x394: {  	s31 =	simm.s32 $0xE800;
	s22 =	sld [smem:$0x7FC];
	s8 =	sadd.s32 s6, s30  }
0x395: {  	[hbm4b:s8+s4] =	stream.linear.scatter [tilespmem:s31], [sflag:$0x6], $0x400, $0x38;
	[tilespmem:$0x10400] =	vst v63  }
0x396: {  	s1 =	sshrl.u32 s1, $0x3;
	s21 =	simm.s32 $0xEC00;
	s8 =	sadd.s32 s6, s20  }
0x397: {  	[hbm4b:s8+s4] =	stream.linear.scatter [tilespmem:s21], [sflag:$0x6], $0x400, $0x38;
	[tilespmem:$0x10400] =	vst v63  }
0x398: {  	s23 =	simm.s32 $0xF000;
	s24 =	sor.u32 $0x70000, s1;
	s6 =	sadd.s32 s6, s22  }
0x399: {  	[hbm4b:s6+s4] =	stream.linear.scatter [tilespmem:s23], [sflag:$0x6], $0x400, $0x38;
	[tilespmem:$0x10400] =	vst v63  }
0x39a: {  	s25 =	simm.s32 $0xF400;
	s2 =	sadd.s32 s3, s24;
	s26 =	sor.u32 $0x74000, s1  }
0x39b: {  	[hbm4b:s2+s4] =	stream.linear.scatter [tilespmem:s25], [sflag:$0x6], $0x400, $0x38;
	[tilespmem:$0x10400] =	vst v63  }
0x39c: {  	p0 =	seq.s32 s17, $0x63;
	s28 =	simm.s32 $0xF800;
	s2 =	sadd.s32 s3, s26  }
0x39d: {  	[hbm4b:s2+s4] =	stream.linear.scatter [tilespmem:s28], [sflag:$0x6], $0x400, $0x38;
	[tilespmem:$0x10400] =	vst v63  }
.Ltmp7:
0x39e: {  	s29 =	sor.u32 $0x78000, s1;
	(pc) =	sbr.rel @p0 .LBB2_12-.Ltmp7, $4  }
0x39f: {  	s30 =	simm.s32 $0xFC00;
	s1 =	sor.u32 $0x7C000, s1;
	s2 =	sadd.s32 s3, s29  }
0x3a0: {  	[hbm4b:s2+s4] =	stream.linear.scatter [tilespmem:s30], [sflag:$0x6], $0x400, $0x38;
	[tilespmem:$0x10400] =	vst v63  }
0x3a1: {  	s1 =	sadd.s32 s3, s1;
	s31 =	simm.s32 $0x10000  }
0x3a2: {  	v43 =	vmov v47;
	v14 =	vmov v36;
	[hbm4b:s1+s4] =	stream.linear.scatter [tilespmem:s31], [sflag:$0x6], $0x400, $0x38;
	[tilespmem:$0x10400] =	vst v63  }
0x3a3: {  	s1 =	sld [smem:$0x7FD];
	_ =	sdelay $0x2  }
.Ltmp8:
0x3a4: {  	s1 =	sadd.s32 s18, s1;
	(pc) =	sbr.rel .LBB2_2-.Ltmp8, $4  }
0x3a5: {  	s1 =	sshll.u32 s1, $0x6  }
0x3a6: {  	s2 =	rddreg [dreg:$0x0];
	v46 =	vld [tilespmem:$0x1FF30];
	s1 =	sand.u32 $0x1FFFFFC0, s1  }
0x3a7: {  	s17 =	sadd.s32 $0x1, s17;
	v23 =	vld [tilespmem:$0x1FF40];
	s1 =	sadd.s32 s2, s1  }
0x3a8: {  	v17 =	vmov v8;
	v42 =	vmov v14;
	v36 =	vld [tilespmem:$0x1FF50];
	v27 =	vmov v6;
	[tilespmem:s7], [sflag:$0x2] =	stream.linear.gather [hbm4b:s1+s4], $0x200, $0x38  }
.LBB2_13:
0x3a9: {  	_ =	sfence.sel $0x180000  }
0x3aa: {  	[bflag:$0x0] =	sbarrier.arrive $0xFFFF  }
0x3ab: {  	_ =	strace $0x90000047  }
0x3ac: {  	s0 =	stileid.u32;
	[bflag:$0x2] =	sbarrier.arrive $0xFFFF  }
0x3ad: {  	p0 =	sne.s32 s0, $0x0;
	s0 =	rddreg [dreg:$0x3]  }
0x3ae: {  	s0 =	sadd.s32 @!p0 $0x100000, s0  }
0x3af: {  	[sflag:s0] =	ssyncadd.tile.s32 @!p0 $0x1;
	_ =	shalt  }
.Lfunc_end2:
_tile_overlayer_lowered:
.L_overlay_start_2:
0x3b0: {  	(tag) =	ssettag $0x2  }
0x3b1: {  	s0 =	rddreg [dreg:$0x0];
	s2 =	stileid.u32  }
0x3b2: {  	s1 =	rddreg [dreg:$0x1];
	p0 =	sne.s32 s2, $0x0  }
0x3b3: {  	s3 =	rddreg [dreg:$0x2];
	[bflag:$0x3] =	sbarrier.arrive $0xFFFF;
	s2 =	simm.s32 @!p0 $0x1C07  }
0x3b4: {  	[timem:s3], [sflag:s2] =	dma.local @!p0 [hbm:s0], s1  }
0x3b5: {  	s0 =	simm.s32 @!p0 $0x7  }
0x3b6: {  	_ =	swait.ge @!p0 [sflag:s0], s1  }
0x3b7: {  	s1 =	ssub.s32 @!p0 $0x0, s1;
	[sflag:s0] =	ssyncset.done @!p0 $0x0  }
0x3b8: {  	[sflag:s0] =	ssyncadd.s32 @!p0 s1  }
0x3b9: {  	[bflag:$0x3] =	sbarrier.arrive $0xFFFF  }
0x3ba: {  	_ =	shalt  }

</sc_bundles>
